<compile_context>
chip_gen: v7x
topology: tpu7x:2x2x1
jax: 0.10.2.dev20260603
libtpu: 0.0.44.dev20260713+nightly
codegen_flags: <defaults>
</compile_context>

<pallas_src>
import functools

import jax
import jax.numpy as jnp
from jax import lax
from jax.experimental import pallas as pl
from jax.experimental.pallas import tpu as pltpu
from jax.experimental.pallas import tpu_sc as plsc

DIST_D = 128
BIN_SIZE = 500
K = 8
NBINS = 16


def _elu(x):
    return jnp.where(x > 0, x, jnp.exp(jnp.minimum(x, 0.0)) - 1.0)


def _stage1_body(x_ref, We1_ref, be1_ref, We2_ref, be2_ref, cb8_ref,
                 Wd1a_ref, Wd1b_ref, bd1_ref,
                 emb_ref, bin_ref, p1_ref, p2_ref):
    x = x_ref[...]
    h = _elu(x @ We1_ref[...] + be1_ref[...])
    emb = h @ We2_ref[...] + be2_ref[...]
    emb_ref[...] = emb
    mul = emb @ cb8_ref[...]
    cmul = jnp.concatenate([mul, -mul], axis=1)
    mx = jnp.max(cmul, axis=1, keepdims=True)
    iota = jax.lax.broadcasted_iota(jnp.int32, cmul.shape, 1)
    bin_ref[0, 0, :] = jnp.min(jnp.where(cmul == mx, iota, NBINS), axis=1)
    p1_ref[...] = x @ Wd1a_ref[...] + bd1_ref[...]
    p2_ref[...] = x @ Wd1b_ref[...]


def _stage3_body(parts_ref, vals_ref, idx_ref):
    pt = parts_ref[0, 0]
    s = jax.lax.dot_general(pt, pt, (((1,), (1,)), ((), ())))
    dm = jax.nn.sigmoid(s)
    iota = jax.lax.broadcasted_iota(jnp.int32, dm.shape, 1)
    for j in range(K):
        mx = jnp.max(dm, axis=1, keepdims=True)
        am = jnp.min(jnp.where(dm == mx, iota, BIN_SIZE), axis=1)
        vals_ref[0, 0, j, :] = mx[:, 0]
        idx_ref[0, 0, j, :] = am
        dm = jnp.where(iota == am[:, None], -jnp.inf, dm)


def _stage5_body(g_ref, p1_ref, vals_ref, w512_ref, Wd2_ref, bd2_ref, out_ref):
    rows = p1_ref.shape[0]
    g = g_ref[...].reshape(rows, K, DIST_D)
    z = g + p1_ref[...][:, None, :]
    z = z.reshape(rows * K, DIST_D)
    z = z + vals_ref[0, 0, :][:, None] * w512_ref[...]
    h = _elu(z)
    y = h @ Wd2_ref[...] + bd2_ref[0, 0]
    out_ref[0, 0, :] = jax.nn.sigmoid(y)[:, 0]


def _sc4_body(idxT, valsT, bins, p2, edst3, sidx3,
              packed_out, gout,
              idx_v, vals_v, bins_v, cols_v, packed_v, edst_v, sidx_v, g_v,
              sem, sem_s, sem_cv):
    wid = lax.axis_index("s") * 2 + lax.axis_index("c")
    b = wid // NBINS
    bn = wid % NBINS
    pw = bn * BIN_SIZE
    pltpu.sync_copy(idxT.at[wid], idx_v)
    pltpu.sync_copy(valsT.at[wid], vals_v)
    pltpu.sync_copy(bins.at[b], bins_v)
    pltpu.sync_copy(edst3.at[wid], edst_v)
    pltpu.sync_copy(sidx3.at[wid], sidx_v)

    lane = lax.iota(jnp.int32, 16)
    j8 = lane & 7
    r2 = lane >> 3
    hi = r2 * 65536

    def body(t, carry):
        rowsel = 2 * t + r2
        loc = plsc.load_gather(idx_v, [j8 * BIN_SIZE + rowsel])
        val = plsc.load_gather(vals_v, [j8 * BIN_SIZE + rowsel])
        col = plsc.load_gather(bins_v, [pw + loc])
        ksort, vsort = plsc.sort_key_val(col + hi, val)
        cols_sorted = ksort - hi
        cols_v[pl.ds(16 * t, 16)] = b * 8000 + cols_sorted
        plsc.store_scatter(packed_v, [rowsel, j8], cols_sorted)
        plsc.store_scatter(packed_v, [rowsel, j8 + 8],
                           plsc.bitcast(vsort, jnp.int32))
        return carry

    lax.fori_loop(0, BIN_SIZE // 2, body, 0)

    pending = []
    for c in range(4):
        pending.append(pltpu.async_copy(packed_v.at[pl.ds(c * 125, 125)],
                                        packed_out.at[sidx_v.at[c]], sem_cv))
    scat = {}
    NBUF = 4
    for c in range(50):
        sl = pl.ds(c * 80, 80)
        if c >= NBUF:
            scat[c - NBUF].wait()
        buf = g_v.at[c % NBUF]
        pltpu.async_copy(p2.at[cols_v.at[sl]], buf, sem).wait()
        scat[c] = pltpu.async_copy(buf, gout.at[edst_v.at[c]], sem_s)
    for d in pending + [scat[c] for c in range(50 - NBUF, 50)]:
        d.wait()


def kernel(inputs, We1, be1, We2, be2, Wd1, bd1, Wd2, bd2, cb):
    B, N, F = inputs.shape
    n_bins = N // BIN_SIZE
    BN = B * N
    BLK = 1000
    nblk = BN // BLK

    cb8 = cb[:, : n_bins // 2]
    Wd1a = Wd1[:F]
    Wd1b = Wd1[F:2 * F]
    w512 = Wd1[2 * F:2 * F + 1]

    x2 = inputs.reshape(BN, F)

    full = lambda shape: pl.BlockSpec(shape, lambda i: (0,) * len(shape))
    emb2, bins3, p1_2, p2_2 = pl.pallas_call(
        _stage1_body,
        grid=(nblk,),
        in_specs=[
            pl.BlockSpec((BLK, F), lambda i: (i, 0)),
            full((F, 128)), full((128,)), full((128, DIST_D)), full((DIST_D,)),
            full((DIST_D, n_bins // 2)),
            full((F, 128)), full((F, 128)), full((128,)),
        ],
        out_specs=[
            pl.BlockSpec((BLK, DIST_D), lambda i: (i, 0)),
            pl.BlockSpec((1, 1, BLK), lambda i: (i, 0, 0)),
            pl.BlockSpec((BLK, 128), lambda i: (i, 0)),
            pl.BlockSpec((BLK, 128), lambda i: (i, 0)),
        ],
        out_shape=[
            jax.ShapeDtypeStruct((BN, DIST_D), jnp.float32),
            jax.ShapeDtypeStruct((nblk, 1, BLK), jnp.int32),
            jax.ShapeDtypeStruct((BN, 128), jnp.float32),
            jax.ShapeDtypeStruct((BN, 128), jnp.float32),
        ],
    )(x2, We1, be1, We2, be2, cb8, Wd1a, Wd1b, bd1)

    emb = emb2.reshape(B, N, DIST_D)
    bin_idx = bins3.reshape(B, N)
    p1 = p1_2.reshape(B, N, 128)
    p2 = p2_2.reshape(B, N, 128)

    bins_split = jnp.argsort(bin_idx, axis=1).astype(jnp.int32)
    parts = jnp.take_along_axis(emb, bins_split[:, :, None], axis=1)
    parts = parts.reshape(B, n_bins, BIN_SIZE, DIST_D)

    valsT, idxT = pl.pallas_call(
        _stage3_body,
        grid=(B, n_bins),
        in_specs=[pl.BlockSpec((1, 1, BIN_SIZE, DIST_D), lambda b, c: (b, c, 0, 0))],
        out_specs=[
            pl.BlockSpec((1, 1, K, BIN_SIZE), lambda b, c: (b, c, 0, 0)),
            pl.BlockSpec((1, 1, K, BIN_SIZE), lambda b, c: (b, c, 0, 0)),
        ],
        out_shape=[
            jax.ShapeDtypeStruct((B, n_bins, K, BIN_SIZE), jnp.float32),
            jax.ShapeDtypeStruct((B, n_bins, K, BIN_SIZE), jnp.int32),
        ],
    )(parts)

    E = B * N * K
    boff = (jnp.arange(B, dtype=jnp.int32) * N)[:, None]
    edst3 = ((bins_split + boff)[:, :, None] * K +
             jnp.arange(K, dtype=jnp.int32)).reshape(B * n_bins, 50, 80)
    sidx3 = (bins_split + boff).reshape(B * n_bins, 4, 125)
    sc4 = pl.kernel(
        _sc4_body,
        mesh=plsc.VectorSubcoreMesh(core_axis_name="c", subcore_axis_name="s"),
        compiler_params=pltpu.CompilerParams(needs_layout_passes=False, use_tc_tiling_on_sc=False),
        out_type=[
            jax.ShapeDtypeStruct((BN, 2 * K), jnp.int32),
            jax.ShapeDtypeStruct((E, 128), jnp.float32),
        ],
        scratch_types=[
            pltpu.VMEM((K * BIN_SIZE,), jnp.int32),
            pltpu.VMEM((K * BIN_SIZE,), jnp.float32),
            pltpu.VMEM((N,), jnp.int32),
            pltpu.VMEM((K * BIN_SIZE,), jnp.int32),
            pltpu.VMEM((BIN_SIZE, 2 * K), jnp.int32),
            pltpu.VMEM((50, 80), jnp.int32),
            pltpu.VMEM((4, 125), jnp.int32),
            pltpu.VMEM((4, 80, 128), jnp.float32),
            pltpu.SemaphoreType.DMA,
            pltpu.SemaphoreType.DMA,
            pltpu.SemaphoreType.DMA,
        ],
    )
    packed, g2 = sc4(idxT.reshape(B * n_bins, K * BIN_SIZE),
                     valsT.reshape(B * n_bins, K * BIN_SIZE),
                     bins_split, p2_2, edst3, sidx3)
    cols_s = packed[:, :K].reshape(B, N, K)
    vals_e = jax.lax.bitcast_convert_type(packed[:, K:], jnp.float32).reshape(E)

    EB = BLK * K
    vals_flat = vals_e.reshape(nblk, 1, EB)
    edge_vals = pl.pallas_call(
        _stage5_body,
        grid=(nblk,),
        in_specs=[
            pl.BlockSpec((EB, 128), lambda i: (i, 0)),
            pl.BlockSpec((BLK, 128), lambda i: (i, 0)),
            pl.BlockSpec((1, 1, EB), lambda i: (i, 0, 0)),
            full((1, 128)), full((128, 1)),
            pl.BlockSpec((1, 1), lambda i: (0, 0)),
        ],
        out_specs=pl.BlockSpec((1, 1, EB), lambda i: (i, 0, 0)),
        out_shape=jax.ShapeDtypeStruct((nblk, 1, EB), jnp.float32),
    )(g2, p1_2, vals_flat, w512, Wd2, bd2.reshape(1, 1))
    edge_vals = edge_vals.reshape(E)

    batch_col = jnp.repeat(jnp.arange(B, dtype=jnp.int32), N * K)
    row_col = jnp.tile(jnp.repeat(jnp.arange(N, dtype=jnp.int32), K), B)
    indices = jnp.stack([batch_col, row_col, cols_s.reshape(E)], axis=1)
    return indices, edge_vals

# --- scband reference (transcript-rebuilt; emitter-appended) ---
"""Pipeline reference for scband-sparse-hashed-nndistance-52613349376207 (READ-ONLY COPY).

The authoritative reference and input builder live on the scoring server;
editing this copy changes nothing except your own understanding.
"""

import jax, jax.numpy as jnp
import numpy as np

DISTANCE_DIM = 128
BIN_SIZE = 500
NUM_NEIGHBORS = 8
MAX_NUM_BINS = 200
B, N, F = 2, 8000, 256


def setup_inputs(seed: int = 0):
    key = jax.random.key(seed)
    ks = jax.random.split(key, 8)
    inputs = jax.random.normal(ks[0], (B, N, F), dtype=jnp.float32)
    We1 = jax.random.normal(ks[1], (F, 128), dtype=jnp.float32) / np.sqrt(F)
    be1 = jnp.zeros((128,), jnp.float32)
    We2 = jax.random.normal(ks[2], (128, DISTANCE_DIM), dtype=jnp.float32) / np.sqrt(128)
    be2 = jnp.zeros((DISTANCE_DIM,), jnp.float32)
    Wd1 = jax.random.normal(ks[3], (2 * F + 1, 128), dtype=jnp.float32) / np.sqrt(2 * F + 1)
    bd1 = jnp.zeros((128,), jnp.float32)
    Wd2 = jax.random.normal(ks[4], (128, 1), dtype=jnp.float32) / np.sqrt(128)
    bd2 = jnp.zeros((1,), jnp.float32)
    cb = jax.random.normal(ks[5], (DISTANCE_DIM, MAX_NUM_BINS // 2), dtype=jnp.float32) * 0.05
    return {"inputs": inputs, "We1": We1, "be1": be1, "We2": We2, "be2": be2,
            "Wd1": Wd1, "bd1": bd1, "Wd2": Wd2, "bd2": bd2, "cb": cb}


def reference(inputs, We1, be1, We2, be2, Wd1, bd1, Wd2, bd2, cb):
    B_, N_, F_ = inputs.shape
    n_bins = N_ // BIN_SIZE
    k = NUM_NEIGHBORS
    # layer_encoding: Dense(128, elu) -> Dense(distance_dim)
    emb = jax.nn.elu(inputs @ We1 + be1) @ We2 + be2  # [B, N, D]

    def per_batch(pts):
        # LSH bin assignment (construct_sparse_dm_batch)
        mul = pts @ cb[:, :n_bins // 2]
        cmul = jnp.concatenate([mul, -mul], axis=-1)  # [N, n_bins]
        bin_idx = jnp.argmax(cmul, axis=-1)
        bins_split = jnp.argsort(bin_idx).reshape(n_bins, BIN_SIZE)
        parts = pts[bins_split]  # [n_bins, bin_size, D]
        # pairwise_sigmoid_dist within each bin
        dm = jax.nn.sigmoid(jnp.einsum('bid,bjd->bij', parts, parts))
        vals, idx = jax.lax.top_k(dm, k)  # [n_bins, bin_size, k]
        # map local bin indices back to global point indices
        dst = bins_split[jnp.arange(n_bins)[:, None, None], idx]  # [n_bins, bin_size, k]
        src = bins_split.reshape(-1)  # [N]
        # TF iterates neighbors in the outer map_fn -> neighbor-major flattening
        dst_flat = jnp.transpose(dst.reshape(N_, k)).reshape(-1)  # [k*N]
        vals_flat = jnp.transpose(vals.reshape(N_, k)).reshape(-1)  # [k*N]
        inds = jnp.stack([jnp.tile(src, k), dst_flat], axis=1)  # [k*N, 2]
        return inds, vals_flat

    inds_b, vals_b = jax.vmap(per_batch)(emb)  # [B, k*N, 2], [B, k*N]
    kN = k * N_
    batch_col = jnp.repeat(jnp.arange(B_), kN)
    indices = jnp.concatenate([batch_col[:, None], inds_b.reshape(B_ * kN, 2)], axis=1)
    values = vals_b.reshape(-1)
    # tf.sparse.reorder -> lexicographic sort over (batch, row, col); keys are unique
    sort_key = (indices[:, 0] * N_ + indices[:, 1]) * N_ + indices[:, 2]
    perm = jnp.argsort(sort_key)
    indices = indices[perm]
    values = values[perm]
    # gather endpoint raw features and run edge network
    x1 = inputs[indices[:, 0], indices[:, 1]]
    x2 = inputs[indices[:, 0], indices[:, 2]]
    edge_in = jnp.concatenate([x1, x2, values[:, None]], axis=-1)
    edge_vals = jax.nn.sigmoid(jax.nn.elu(edge_in @ Wd1 + bd1) @ Wd2 + bd2)[:, 0]
    return indices, edge_vals

if __name__ == "__main__":
    import jax
    _d = setup_inputs()
    print(jax.jit(kernel)(*tuple(_d.values())))

</pallas_src>

<mosaic_0001>
#map = affine_map<(d0, d1) -> (0, 0)>
#map1 = affine_map<(d0, d1) -> (0, 0, 0)>
module attributes {stable_mosaic.version = 14 : i64} {
  func.func @_sc4_body(%arg0: i32, %arg1: i32, %arg2: memref<32x4000xi32, #tpu.memory_space<hbm>>, %arg3: memref<32x4000xf32, #tpu.memory_space<hbm>>, %arg4: memref<2x8000xi32, #tpu.memory_space<hbm>>, %arg5: memref<16000x128xf32, #tpu.memory_space<hbm>>, %arg6: memref<32x50x80xi32, #tpu.memory_space<hbm>>, %arg7: memref<32x4x125xi32, #tpu.memory_space<hbm>>, %arg8: memref<16000x16xi32, #tpu.memory_space<hbm>>, %arg9: memref<128000x128xf32, #tpu.memory_space<hbm>>, %arg10: memref<4000xi32, #tpu.memory_space<vmem>>, %arg11: memref<4000xf32, #tpu.memory_space<vmem>>, %arg12: memref<8000xi32, #tpu.memory_space<vmem>>, %arg13: memref<4000xi32, #tpu.memory_space<vmem>>, %arg14: memref<500x16xi32, #tpu.memory_space<vmem>>, %arg15: memref<50x80xi32, #tpu.memory_space<vmem>>, %arg16: memref<4x125xi32, #tpu.memory_space<vmem>>, %arg17: memref<4x80x128xf32, #tpu.memory_space<vmem>>, %arg18: memref<!tpu.dma_semaphore, #tpu.memory_space<semaphore_mem>>, %arg19: memref<!tpu.dma_semaphore, #tpu.memory_space<semaphore_mem>>, %arg20: memref<!tpu.dma_semaphore, #tpu.memory_space<semaphore_mem>>) attributes {dimension_semantics = [#tpu.dimension_semantics<core_parallel>, #tpu.dimension_semantics<subcore_parallel>], iteration_bounds = array<i64: 2, 16>, scalar_prefetch = 0 : i64, scratch_operands = 11 : i64, tpu.core_type = #tpu.core_type<sc_vector_subcore>, window_params = [{transform_indices = #map}, {transform_indices = #map}, {transform_indices = #map}, {transform_indices = #map}, {transform_indices = #map1}, {transform_indices = #map1}, {transform_indices = #map}, {transform_indices = #map}]} {
    %mul3A = arith.constant 2 : i32
    %mul3A_0 = arith.muli %arg1, %mul3A : i32
    %add3A = arith.addi %mul3A_0, %arg0 : i32
    %jit3A = arith.constant 16 : i32
    %div3A = arith.divsi %add3A, %jit3A : i32
    %sign3A = arith.constant 0 : i32
    %sign3A_1 = arith.cmpi sgt, %add3A, %sign3A : i32
    %sign3A_2 = arith.extui %sign3A_1 : i1 to i32
    %sign3A_3 = arith.constant 0 : i32
    %sign3A_4 = arith.cmpi slt, %add3A, %sign3A_3 : i32
    %sign3A_5 = arith.extui %sign3A_4 : i1 to i32
    %sign3A_6 = arith.subi %sign3A_2, %sign3A_5 : i32
    %sign3A_7 = arith.constant 0 : i32
    %sign3A_8 = arith.cmpi sgt, %jit3A, %sign3A_7 : i32
    %sign3A_9 = arith.extui %sign3A_8 : i1 to i32
    %sign3A_10 = arith.constant 0 : i32
    %sign3A_11 = arith.cmpi slt, %jit3A, %sign3A_10 : i32
    %sign3A_12 = arith.extui %sign3A_11 : i1 to i32
    %sign3A_13 = arith.subi %sign3A_9, %sign3A_12 : i32
    %ne3A = arith.cmpi ne, %sign3A_6, %sign3A_13 : i32
    %rem3A = arith.remsi %add3A, %jit3A : i32
    %ne3A_14 = arith.constant 0 : i32
    %ne3A_15 = arith.cmpi ne, %rem3A, %ne3A_14 : i32
    %and3A = arith.andi %ne3A, %ne3A_15 : i1
    %sub3A = arith.constant 1 : i32
    %sub3A_16 = arith.subi %div3A, %sub3A : i32
    %select_n3A = arith.select %and3A, %sub3A_16, %div3A : i32
    %jit3A_17 = arith.constant 16 : i32
    %eq3A = arith.constant 0 : i32
    %eq3A_18 = arith.cmpi eq, %jit3A_17, %eq3A : i32
    %jit3A_19 = arith.constant 1 : i32
    %select_n3A_20 = arith.select %eq3A_18, %jit3A_19, %jit3A_17 : i32
    %rem3A_21 = arith.remsi %add3A, %select_n3A_20 : i32
    %ne3A_22 = arith.constant 0 : i32
    %ne3A_23 = arith.cmpi ne, %rem3A_21, %ne3A_22 : i32
    %lt3A = arith.constant 0 : i32
    %lt3A_24 = arith.cmpi slt, %rem3A_21, %lt3A : i32
    %lt3A_25 = arith.constant 0 : i32
    %lt3A_26 = arith.cmpi slt, %select_n3A_20, %lt3A_25 : i32
    %ne3A_27 = arith.xori %lt3A_24, %lt3A_26 : i1
    %and3A_28 = arith.andi %ne3A_27, %ne3A_23 : i1
    %add3A_29 = arith.addi %rem3A_21, %select_n3A_20 : i32
    %select_n3A_30 = arith.select %and3A_28, %add3A_29, %rem3A_21 : i32
    %mul3A_31 = arith.constant 500 : i32
    %mul3A_32 = arith.muli %select_n3A_30, %mul3A_31 : i32
    "tpu.region"() ({
      %run_scoped3A = tpu.sem_alloc : memref<!tpu.dma_semaphore, #tpu.memory_space<semaphore_mem>>
      %dma_start3A_2324 = arith.constant 0 : i32
      %dma_start3A_2325 = tpu.memref_slice %arg2[%add3A, %dma_start3A_2324] : memref<32x4000xi32, #tpu.memory_space<hbm>> -> memref<1x4000xi32, #tpu.memory_space<hbm>>
      %dma_start3A_2326 = tpu.memref_squeeze %dma_start3A_2325 : memref<1x4000xi32, #tpu.memory_space<hbm>> -> memref<4000xi32, #tpu.memory_space<hbm>>
      %dma_start3A_2327 = arith.constant 0 : i32
      %dma_start3A_2328 = tpu.memref_slice %arg2[%add3A, %dma_start3A_2327] : memref<32x4000xi32, #tpu.memory_space<hbm>> -> memref<1x4000xi32, #tpu.memory_space<hbm>>
      %dma_start3A_2329 = tpu.memref_squeeze %dma_start3A_2328 : memref<1x4000xi32, #tpu.memory_space<hbm>> -> memref<4000xi32, #tpu.memory_space<hbm>>
      tpu.enqueue_dma source(%dma_start3A_2329 : memref<4000xi32, #tpu.memory_space<hbm>>) target(%arg10 : memref<4000xi32, #tpu.memory_space<vmem>>) target_semaphore(%run_scoped3A : memref<!tpu.dma_semaphore, #tpu.memory_space<semaphore_mem>>)
      %dma_wait3A_2330 = arith.constant 0 : i32
      %dma_wait3A_2331 = tpu.memref_slice %arg2[%add3A, %dma_wait3A_2330] : memref<32x4000xi32, #tpu.memory_space<hbm>> -> memref<1x4000xi32, #tpu.memory_space<hbm>>
      %dma_wait3A_2332 = tpu.memref_squeeze %dma_wait3A_2331 : memref<1x4000xi32, #tpu.memory_space<hbm>> -> memref<4000xi32, #tpu.memory_space<hbm>>
      %dma_wait3A_2333 = arith.constant 0 : i32
      %dma_wait3A_2334 = tpu.memref_slice %arg2[%add3A, %dma_wait3A_2333] : memref<32x4000xi32, #tpu.memory_space<hbm>> -> memref<1x4000xi32, #tpu.memory_space<hbm>>
      %dma_wait3A_2335 = tpu.memref_squeeze %dma_wait3A_2334 : memref<1x4000xi32, #tpu.memory_space<hbm>> -> memref<4000xi32, #tpu.memory_space<hbm>>
      tpu.wait_dma2 semaphore(%run_scoped3A : memref<!tpu.dma_semaphore, #tpu.memory_space<semaphore_mem>>) src(%dma_wait3A_2335 : memref<4000xi32, #tpu.memory_space<hbm>>) dst(%arg10 : memref<4000xi32, #tpu.memory_space<vmem>>)
      tpu.yield
    }) : () -> ()
    "tpu.region"() ({
      %run_scoped3A = tpu.sem_alloc : memref<!tpu.dma_semaphore, #tpu.memory_space<semaphore_mem>>
      %dma_start3A_2324 = arith.constant 0 : i32
      %dma_start3A_2325 = tpu.memref_slice %arg3[%add3A, %dma_start3A_2324] : memref<32x4000xf32, #tpu.memory_space<hbm>> -> memref<1x4000xf32, #tpu.memory_space<hbm>>
      %dma_start3A_2326 = tpu.memref_squeeze %dma_start3A_2325 : memref<1x4000xf32, #tpu.memory_space<hbm>> -> memref<4000xf32, #tpu.memory_space<hbm>>
      %dma_start3A_2327 = arith.constant 0 : i32
      %dma_start3A_2328 = tpu.memref_slice %arg3[%add3A, %dma_start3A_2327] : memref<32x4000xf32, #tpu.memory_space<hbm>> -> memref<1x4000xf32, #tpu.memory_space<hbm>>
      %dma_start3A_2329 = tpu.memref_squeeze %dma_start3A_2328 : memref<1x4000xf32, #tpu.memory_space<hbm>> -> memref<4000xf32, #tpu.memory_space<hbm>>
      tpu.enqueue_dma source(%dma_start3A_2329 : memref<4000xf32, #tpu.memory_space<hbm>>) target(%arg11 : memref<4000xf32, #tpu.memory_space<vmem>>) target_semaphore(%run_scoped3A : memref<!tpu.dma_semaphore, #tpu.memory_space<semaphore_mem>>)
      %dma_wait3A_2330 = arith.constant 0 : i32
      %dma_wait3A_2331 = tpu.memref_slice %arg3[%add3A, %dma_wait3A_2330] : memref<32x4000xf32, #tpu.memory_space<hbm>> -> memref<1x4000xf32, #tpu.memory_space<hbm>>
      %dma_wait3A_2332 = tpu.memref_squeeze %dma_wait3A_2331 : memref<1x4000xf32, #tpu.memory_space<hbm>> -> memref<4000xf32, #tpu.memory_space<hbm>>
      %dma_wait3A_2333 = arith.constant 0 : i32
      %dma_wait3A_2334 = tpu.memref_slice %arg3[%add3A, %dma_wait3A_2333] : memref<32x4000xf32, #tpu.memory_space<hbm>> -> memref<1x4000xf32, #tpu.memory_space<hbm>>
      %dma_wait3A_2335 = tpu.memref_squeeze %dma_wait3A_2334 : memref<1x4000xf32, #tpu.memory_space<hbm>> -> memref<4000xf32, #tpu.memory_space<hbm>>
      tpu.wait_dma2 semaphore(%run_scoped3A : memref<!tpu.dma_semaphore, #tpu.memory_space<semaphore_mem>>) src(%dma_wait3A_2335 : memref<4000xf32, #tpu.memory_space<hbm>>) dst(%arg11 : memref<4000xf32, #tpu.memory_space<vmem>>)
      tpu.yield
    }) : () -> ()
    "tpu.region"() ({
      %run_scoped3A = tpu.sem_alloc : memref<!tpu.dma_semaphore, #tpu.memory_space<semaphore_mem>>
      %dma_start3A_2324 = arith.constant 0 : i32
      %dma_start3A_2325 = tpu.memref_slice %arg4[%select_n3A, %dma_start3A_2324] : memref<2x8000xi32, #tpu.memory_space<hbm>> -> memref<1x8000xi32, #tpu.memory_space<hbm>>
      %dma_start3A_2326 = tpu.memref_squeeze %dma_start3A_2325 : memref<1x8000xi32, #tpu.memory_space<hbm>> -> memref<8000xi32, #tpu.memory_space<hbm>>
      %dma_start3A_2327 = arith.constant 0 : i32
      %dma_start3A_2328 = tpu.memref_slice %arg4[%select_n3A, %dma_start3A_2327] : memref<2x8000xi32, #tpu.memory_space<hbm>> -> memref<1x8000xi32, #tpu.memory_space<hbm>>
      %dma_start3A_2329 = tpu.memref_squeeze %dma_start3A_2328 : memref<1x8000xi32, #tpu.memory_space<hbm>> -> memref<8000xi32, #tpu.memory_space<hbm>>
      tpu.enqueue_dma source(%dma_start3A_2329 : memref<8000xi32, #tpu.memory_space<hbm>>) target(%arg12 : memref<8000xi32, #tpu.memory_space<vmem>>) target_semaphore(%run_scoped3A : memref<!tpu.dma_semaphore, #tpu.memory_space<semaphore_mem>>)
      %dma_wait3A_2330 = arith.constant 0 : i32
      %dma_wait3A_2331 = tpu.memref_slice %arg4[%select_n3A, %dma_wait3A_2330] : memref<2x8000xi32, #tpu.memory_space<hbm>> -> memref<1x8000xi32, #tpu.memory_space<hbm>>
      %dma_wait3A_2332 = tpu.memref_squeeze %dma_wait3A_2331 : memref<1x8000xi32, #tpu.memory_space<hbm>> -> memref<8000xi32, #tpu.memory_space<hbm>>
      %dma_wait3A_2333 = arith.constant 0 : i32
      %dma_wait3A_2334 = tpu.memref_slice %arg4[%select_n3A, %dma_wait3A_2333] : memref<2x8000xi32, #tpu.memory_space<hbm>> -> memref<1x8000xi32, #tpu.memory_space<hbm>>
      %dma_wait3A_2335 = tpu.memref_squeeze %dma_wait3A_2334 : memref<1x8000xi32, #tpu.memory_space<hbm>> -> memref<8000xi32, #tpu.memory_space<hbm>>
      tpu.wait_dma2 semaphore(%run_scoped3A : memref<!tpu.dma_semaphore, #tpu.memory_space<semaphore_mem>>) src(%dma_wait3A_2335 : memref<8000xi32, #tpu.memory_space<hbm>>) dst(%arg12 : memref<8000xi32, #tpu.memory_space<vmem>>)
      tpu.yield
    }) : () -> ()
    "tpu.region"() ({
      %run_scoped3A = tpu.sem_alloc : memref<!tpu.dma_semaphore, #tpu.memory_space<semaphore_mem>>
      %dma_start3A_2324 = arith.constant 0 : i32
      %dma_start3A_2325 = arith.constant 0 : i32
      %dma_start3A_2326 = tpu.memref_slice %arg6[%add3A, %dma_start3A_2324, %dma_start3A_2325] : memref<32x50x80xi32, #tpu.memory_space<hbm>> -> memref<1x50x80xi32, #tpu.memory_space<hbm>>
      %dma_start3A_2327 = tpu.memref_squeeze %dma_start3A_2326 : memref<1x50x80xi32, #tpu.memory_space<hbm>> -> memref<50x80xi32, #tpu.memory_space<hbm>>
      %dma_start3A_2328 = arith.constant 0 : i32
      %dma_start3A_2329 = arith.constant 0 : i32
      %dma_start3A_2330 = tpu.memref_slice %arg6[%add3A, %dma_start3A_2328, %dma_start3A_2329] : memref<32x50x80xi32, #tpu.memory_space<hbm>> -> memref<1x50x80xi32, #tpu.memory_space<hbm>>
      %dma_start3A_2331 = tpu.memref_squeeze %dma_start3A_2330 : memref<1x50x80xi32, #tpu.memory_space<hbm>> -> memref<50x80xi32, #tpu.memory_space<hbm>>
      tpu.enqueue_dma source(%dma_start3A_2331 : memref<50x80xi32, #tpu.memory_space<hbm>>) target(%arg15 : memref<50x80xi32, #tpu.memory_space<vmem>>) target_semaphore(%run_scoped3A : memref<!tpu.dma_semaphore, #tpu.memory_space<semaphore_mem>>)
      %dma_wait3A_2332 = arith.constant 0 : i32
      %dma_wait3A_2333 = arith.constant 0 : i32
      %dma_wait3A_2334 = tpu.memref_slice %arg6[%add3A, %dma_wait3A_2332, %dma_wait3A_2333] : memref<32x50x80xi32, #tpu.memory_space<hbm>> -> memref<1x50x80xi32, #tpu.memory_space<hbm>>
      %dma_wait3A_2335 = tpu.memref_squeeze %dma_wait3A_2334 : memref<1x50x80xi32, #tpu.memory_space<hbm>> -> memref<50x80xi32, #tpu.memory_space<hbm>>
      %dma_wait3A_2336 = arith.constant 0 : i32
      %dma_wait3A_2337 = arith.constant 0 : i32
      %dma_wait3A_2338 = tpu.memref_slice %arg6[%add3A, %dma_wait3A_2336, %dma_wait3A_2337] : memref<32x50x80xi32, #tpu.memory_space<hbm>> -> memref<1x50x80xi32, #tpu.memory_space<hbm>>
      %dma_wait3A_2339 = tpu.memref_squeeze %dma_wait3A_2338 : memref<1x50x80xi32, #tpu.memory_space<hbm>> -> memref<50x80xi32, #tpu.memory_space<hbm>>
      tpu.wait_dma2 semaphore(%run_scoped3A : memref<!tpu.dma_semaphore, #tpu.memory_space<semaphore_mem>>) src(%dma_wait3A_2339 : memref<50x80xi32, #tpu.memory_space<hbm>>) dst(%arg15 : memref<50x80xi32, #tpu.memory_space<vmem>>)
      tpu.yield
    }) : () -> ()
    "tpu.region"() ({
      %run_scoped3A = tpu.sem_alloc : memref<!tpu.dma_semaphore, #tpu.memory_space<semaphore_mem>>
      %dma_start3A_2324 = arith.constant 0 : i32
      %dma_start3A_2325 = arith.constant 0 : i32
      %dma_start3A_2326 = tpu.memref_slice %arg7[%add3A, %dma_start3A_2324, %dma_start3A_2325] : memref<32x4x125xi32, #tpu.memory_space<hbm>> -> memref<1x4x125xi32, #tpu.memory_space<hbm>>
      %dma_start3A_2327 = tpu.memref_squeeze %dma_start3A_2326 : memref<1x4x125xi32, #tpu.memory_space<hbm>> -> memref<4x125xi32, #tpu.memory_space<hbm>>
      %dma_start3A_2328 = arith.constant 0 : i32
      %dma_start3A_2329 = arith.constant 0 : i32
      %dma_start3A_2330 = tpu.memref_slice %arg7[%add3A, %dma_start3A_2328, %dma_start3A_2329] : memref<32x4x125xi32, #tpu.memory_space<hbm>> -> memref<1x4x125xi32, #tpu.memory_space<hbm>>
      %dma_start3A_2331 = tpu.memref_squeeze %dma_start3A_2330 : memref<1x4x125xi32, #tpu.memory_space<hbm>> -> memref<4x125xi32, #tpu.memory_space<hbm>>
      tpu.enqueue_dma source(%dma_start3A_2331 : memref<4x125xi32, #tpu.memory_space<hbm>>) target(%arg16 : memref<4x125xi32, #tpu.memory_space<vmem>>) target_semaphore(%run_scoped3A : memref<!tpu.dma_semaphore, #tpu.memory_space<semaphore_mem>>)
      %dma_wait3A_2332 = arith.constant 0 : i32
      %dma_wait3A_2333 = arith.constant 0 : i32
      %dma_wait3A_2334 = tpu.memref_slice %arg7[%add3A, %dma_wait3A_2332, %dma_wait3A_2333] : memref<32x4x125xi32, #tpu.memory_space<hbm>> -> memref<1x4x125xi32, #tpu.memory_space<hbm>>
      %dma_wait3A_2335 = tpu.memref_squeeze %dma_wait3A_2334 : memref<1x4x125xi32, #tpu.memory_space<hbm>> -> memref<4x125xi32, #tpu.memory_space<hbm>>
      %dma_wait3A_2336 = arith.constant 0 : i32
      %dma_wait3A_2337 = arith.constant 0 : i32
      %dma_wait3A_2338 = tpu.memref_slice %arg7[%add3A, %dma_wait3A_2336, %dma_wait3A_2337] : memref<32x4x125xi32, #tpu.memory_space<hbm>> -> memref<1x4x125xi32, #tpu.memory_space<hbm>>
      %dma_wait3A_2339 = tpu.memref_squeeze %dma_wait3A_2338 : memref<1x4x125xi32, #tpu.memory_space<hbm>> -> memref<4x125xi32, #tpu.memory_space<hbm>>
      tpu.wait_dma2 semaphore(%run_scoped3A : memref<!tpu.dma_semaphore, #tpu.memory_space<semaphore_mem>>) src(%dma_wait3A_2339 : memref<4x125xi32, #tpu.memory_space<hbm>>) dst(%arg16 : memref<4x125xi32, #tpu.memory_space<vmem>>)
      tpu.yield
    }) : () -> ()
    %iota3A = tpu.iota {dimensions = array<i32: 0>} : vector<16xi32>
    %and3A_33 = arith.constant 7 : i32
    %and3A_34 = vector.broadcast %and3A_33 : i32 to vector<16xi32>
    %and3A_35 = arith.andi %iota3A, %and3A_34 : vector<16xi32>
    %shift_right_arithmetic3A = arith.constant 3 : i32
    %shift_right_arithmetic3A_36 = vector.broadcast %shift_right_arithmetic3A : i32 to vector<16xi32>
    %shift_right_arithmetic3A_37 = arith.shrsi %iota3A, %shift_right_arithmetic3A_36 : vector<16xi32>
    %mul3A_38 = arith.constant 65536 : i32
    %mul3A_39 = vector.broadcast %mul3A_38 : i32 to vector<16xi32>
    %mul3A_40 = arith.muli %shift_right_arithmetic3A_37, %mul3A_39 : vector<16xi32>
    %scan3A = arith.constant 0 : i32
    %scan3A_41 = arith.constant 0 : i32
    %scan3A_42 = arith.constant 250 : i32
    %scan3A_43 = arith.addi %scan3A_41, %scan3A_42 : i32
    %scan3A_44 = arith.constant 1 : i32
    scf.for %scan3A_2324 = %scan3A_41 to %scan3A_43 step %scan3A_44  : i32 {
      %mul3A_2325 = arith.constant 2 : i32
      %mul3A_2326 = arith.muli %mul3A_2325, %scan3A_2324 : i32
      %add3A_2327 = vector.broadcast %mul3A_2326 : i32 to vector<16xi32>
      %add3A_2328 = arith.addi %add3A_2327, %shift_right_arithmetic3A_37 : vector<16xi32>
      %mul3A_2329 = arith.constant 500 : i32
      %mul3A_2330 = vector.broadcast %mul3A_2329 : i32 to vector<16xi32>
      %mul3A_2331 = arith.muli %and3A_35, %mul3A_2330 : vector<16xi32>
      %add3A_2332 = arith.addi %mul3A_2331, %add3A_2328 : vector<16xi32>
      %gather3A = tpu.vector_load_idx %arg10[%add3A_2332] : memref<4000xi32, #tpu.memory_space<vmem>>[vector<16xi32>], vector<16xi32>,
      %mul3A_2333 = arith.constant 500 : i32
      %mul3A_2334 = vector.broadcast %mul3A_2333 : i32 to vector<16xi32>
      %mul3A_2335 = arith.muli %and3A_35, %mul3A_2334 : vector<16xi32>
      %add3A_2336 = arith.addi %mul3A_2335, %add3A_2328 : vector<16xi32>
      %gather3A_2337 = tpu.vector_load_idx %arg11[%add3A_2336] : memref<4000xf32, #tpu.memory_space<vmem>>[vector<16xi32>], vector<16xf32>,
      %add3A_2338 = vector.broadcast %mul3A_32 : i32 to vector<16xi32>
      %add3A_2339 = arith.addi %add3A_2338, %gather3A : vector<16xi32>
      %gather3A_2340 = tpu.vector_load_idx %arg12[%add3A_2339] : memref<8000xi32, #tpu.memory_space<vmem>>[vector<16xi32>], vector<16xi32>,
      %add3A_2341 = arith.addi %gather3A_2340, %mul3A_40 : vector<16xi32>
      %masked_sort3A = arith.constant dense<true> : vector<16xi1>
      %masked_sort3A_2342 = arith.constant -2147483648 : i32
      %masked_sort3A_2343 = vector.broadcast %masked_sort3A_2342 : i32 to vector<16xi32>
      %masked_sort3A_2344 = arith.xori %add3A_2341, %masked_sort3A_2343 : vector<16xi32>
      %masked_sort3A_2345, %masked_sort3A_2346, %masked_sort3A_2347 = tpu.sort %masked_sort3A_2344, %gather3A_2337 masked %masked_sort3A : (vector<16xi32>, vector<16xf32>, vector<16xi1>) -> (vector<16xi1>, vector<16xi32>, vector<16xf32>)
      %masked_sort3A_2348 = arith.xori %masked_sort3A_2346, %masked_sort3A_2343 : vector<16xi32>
      %sub3A_2349 = arith.subi %masked_sort3A_2348, %mul3A_40 : vector<16xi32>
      %mul3A_2350 = arith.constant 8000 : i32
      %mul3A_2351 = arith.muli %select_n3A, %mul3A_2350 : i32
      %add3A_2352 = vector.broadcast %mul3A_2351 : i32 to vector<16xi32>
      %add3A_2353 = arith.addi %add3A_2352, %sub3A_2349 : vector<16xi32>
      %mul3A_2354 = arith.constant 16 : i32
      %mul3A_2355 = arith.muli %mul3A_2354, %scan3A_2324 : i32
      %swap3A = arith.index_cast %mul3A_2355 : i32 to index
      %swap3A_2356 = tpu.vector_load %arg13[%swap3A] {strides = array<i32>} : memref<4000xi32, #tpu.memory_space<vmem>>, vector<16xi32>,
      tpu.vector_store %arg13[%swap3A], %add3A_2353 {strides = array<i32>} : memref<4000xi32, #tpu.memory_space<vmem>>, vector<16xi32>,
      tpu.vector_store_idx %arg14[%add3A_2328, %and3A_35], %sub3A_2349 : memref<500x16xi32, #tpu.memory_space<vmem>>[vector<16xi32>, vector<16xi32>], vector<16xi32>,
      %add3A_2357 = arith.constant 8 : i32
      %add3A_2358 = vector.broadcast %add3A_2357 : i32 to vector<16xi32>
      %add3A_2359 = arith.addi %and3A_35, %add3A_2358 : vector<16xi32>
      %bitcast3A = vector.bitcast %masked_sort3A_2347 : vector<16xf32> to vector<16xi32>
      tpu.vector_store_idx %arg14[%add3A_2328, %add3A_2359], %bitcast3A : memref<500x16xi32, #tpu.memory_space<vmem>>[vector<16xi32>, vector<16xi32>], vector<16xi32>,
    }
    %scan3A_45 = arith.constant 250 : i32
    %dma_start3A = arith.constant 0 : i32
    %dma_start3A_46 = arith.constant 0 : i32
    %dma_start3A_47 = arith.constant 0 : i32
    %dma_start3A_48 = tpu.memref_slice %arg14[%dma_start3A_46, %dma_start3A_47] : memref<500x16xi32, #tpu.memory_space<vmem>> -> memref<125x16xi32, #tpu.memory_space<vmem>>
    %dma_start3A_49 = arith.constant 0 : i32
    %dma_start3A_50 = tpu.memref_slice %arg16[%dma_start3A, %dma_start3A_49] : memref<4x125xi32, #tpu.memory_space<vmem>> -> memref<1x125xi32, #tpu.memory_space<vmem>>
    %dma_start3A_51 = tpu.memref_squeeze %dma_start3A_50 : memref<1x125xi32, #tpu.memory_space<vmem>> -> memref<125xi32, #tpu.memory_space<vmem>>
    %dma_start3A_52 = arith.constant 0 : i32
    %dma_start3A_53 = arith.constant 0 : i32
    %dma_start3A_54 = tpu.memref_slice %arg8[%dma_start3A_52, %dma_start3A_53] : memref<16000x16xi32, #tpu.memory_space<hbm>> -> memref<16000x16xi32, #tpu.memory_space<hbm>>
    tpu.enqueue_indirect_dma source(%dma_start3A_48 : memref<125x16xi32, #tpu.memory_space<vmem>>) target(%dma_start3A_54 : memref<16000x16xi32, #tpu.memory_space<hbm>>) offsets(%dma_start3A_51 : memref<125xi32, #tpu.memory_space<vmem>>) semaphore(%arg20 : memref<!tpu.dma_semaphore, #tpu.memory_space<semaphore_mem>>)
    %dma_start3A_55 = arith.constant 1 : i32
    %dma_start3A_56 = arith.constant 125 : i32
    %dma_start3A_57 = arith.constant 0 : i32
    %dma_start3A_58 = tpu.memref_slice %arg14[%dma_start3A_56, %dma_start3A_57] : memref<500x16xi32, #tpu.memory_space<vmem>> -> memref<125x16xi32, #tpu.memory_space<vmem>>
    %dma_start3A_59 = arith.constant 0 : i32
    %dma_start3A_60 = tpu.memref_slice %arg16[%dma_start3A_55, %dma_start3A_59] : memref<4x125xi32, #tpu.memory_space<vmem>> -> memref<1x125xi32, #tpu.memory_space<vmem>>
    %dma_start3A_61 = tpu.memref_squeeze %dma_start3A_60 : memref<1x125xi32, #tpu.memory_space<vmem>> -> memref<125xi32, #tpu.memory_space<vmem>>
    %dma_start3A_62 = arith.constant 0 : i32
    %dma_start3A_63 = arith.constant 0 : i32
    %dma_start3A_64 = tpu.memref_slice %arg8[%dma_start3A_62, %dma_start3A_63] : memref<16000x16xi32, #tpu.memory_space<hbm>> -> memref<16000x16xi32, #tpu.memory_space<hbm>>
    tpu.enqueue_indirect_dma source(%dma_start3A_58 : memref<125x16xi32, #tpu.memory_space<vmem>>) target(%dma_start3A_64 : memref<16000x16xi32, #tpu.memory_space<hbm>>) offsets(%dma_start3A_61 : memref<125xi32, #tpu.memory_space<vmem>>) semaphore(%arg20 : memref<!tpu.dma_semaphore, #tpu.memory_space<semaphore_mem>>)
    %dma_start3A_65 = arith.constant 2 : i32
    %dma_start3A_66 = arith.constant 250 : i32
    %dma_start3A_67 = arith.constant 0 : i32
    %dma_start3A_68 = tpu.memref_slice %arg14[%dma_start3A_66, %dma_start3A_67] : memref<500x16xi32, #tpu.memory_space<vmem>> -> memref<125x16xi32, #tpu.memory_space<vmem>>
    %dma_start3A_69 = arith.constant 0 : i32
    %dma_start3A_70 = tpu.memref_slice %arg16[%dma_start3A_65, %dma_start3A_69] : memref<4x125xi32, #tpu.memory_space<vmem>> -> memref<1x125xi32, #tpu.memory_space<vmem>>
    %dma_start3A_71 = tpu.memref_squeeze %dma_start3A_70 : memref<1x125xi32, #tpu.memory_space<vmem>> -> memref<125xi32, #tpu.memory_space<vmem>>
    %dma_start3A_72 = arith.constant 0 : i32
    %dma_start3A_73 = arith.constant 0 : i32
    %dma_start3A_74 = tpu.memref_slice %arg8[%dma_start3A_72, %dma_start3A_73] : memref<16000x16xi32, #tpu.memory_space<hbm>> -> memref<16000x16xi32, #tpu.memory_space<hbm>>
    tpu.enqueue_indirect_dma source(%dma_start3A_68 : memref<125x16xi32, #tpu.memory_space<vmem>>) target(%dma_start3A_74 : memref<16000x16xi32, #tpu.memory_space<hbm>>) offsets(%dma_start3A_71 : memref<125xi32, #tpu.memory_space<vmem>>) semaphore(%arg20 : memref<!tpu.dma_semaphore, #tpu.memory_space<semaphore_mem>>)
    %dma_start3A_75 = arith.constant 3 : i32
    %dma_start3A_76 = arith.constant 375 : i32
    %dma_start3A_77 = arith.constant 0 : i32
    %dma_start3A_78 = tpu.memref_slice %arg14[%dma_start3A_76, %dma_start3A_77] : memref<500x16xi32, #tpu.memory_space<vmem>> -> memref<125x16xi32, #tpu.memory_space<vmem>>
    %dma_start3A_79 = arith.constant 0 : i32
    %dma_start3A_80 = tpu.memref_slice %arg16[%dma_start3A_75, %dma_start3A_79] : memref<4x125xi32, #tpu.memory_space<vmem>> -> memref<1x125xi32, #tpu.memory_space<vmem>>
    %dma_start3A_81 = tpu.memref_squeeze %dma_start3A_80 : memref<1x125xi32, #tpu.memory_space<vmem>> -> memref<125xi32, #tpu.memory_space<vmem>>
    %dma_start3A_82 = arith.constant 0 : i32
    %dma_start3A_83 = arith.constant 0 : i32
    %dma_start3A_84 = tpu.memref_slice %arg8[%dma_start3A_82, %dma_start3A_83] : memref<16000x16xi32, #tpu.memory_space<hbm>> -> memref<16000x16xi32, #tpu.memory_space<hbm>>
    tpu.enqueue_indirect_dma source(%dma_start3A_78 : memref<125x16xi32, #tpu.memory_space<vmem>>) target(%dma_start3A_84 : memref<16000x16xi32, #tpu.memory_space<hbm>>) offsets(%dma_start3A_81 : memref<125xi32, #tpu.memory_space<vmem>>) semaphore(%arg20 : memref<!tpu.dma_semaphore, #tpu.memory_space<semaphore_mem>>)
    %dma_start3A_85 = arith.constant 0 : i32
    %dma_start3A_86 = arith.constant 0 : i32
    %dma_start3A_87 = arith.constant 0 : i32
    %dma_start3A_88 = tpu.memref_slice %arg17[%dma_start3A_85, %dma_start3A_86, %dma_start3A_87] : memref<4x80x128xf32, #tpu.memory_space<vmem>> -> memref<1x80x128xf32, #tpu.memory_space<vmem>>
    %dma_start3A_89 = tpu.memref_squeeze %dma_start3A_88 : memref<1x80x128xf32, #tpu.memory_space<vmem>> -> memref<80x128xf32, #tpu.memory_space<vmem>>
    %dma_start3A_90 = arith.constant 0 : i32
    %dma_start3A_91 = tpu.memref_slice %arg13[%dma_start3A_90] : memref<4000xi32, #tpu.memory_space<vmem>> -> memref<80xi32, #tpu.memory_space<vmem>>
    %dma_start3A_92 = arith.constant 0 : i32
    %dma_start3A_93 = arith.constant 0 : i32
    %dma_start3A_94 = tpu.memref_slice %arg5[%dma_start3A_92, %dma_start3A_93] : memref<16000x128xf32, #tpu.memory_space<hbm>> -> memref<16000x128xf32, #tpu.memory_space<hbm>>
    tpu.enqueue_indirect_dma source(%dma_start3A_94 : memref<16000x128xf32, #tpu.memory_space<hbm>>) target(%dma_start3A_89 : memref<80x128xf32, #tpu.memory_space<vmem>>) offsets(%dma_start3A_91 : memref<80xi32, #tpu.memory_space<vmem>>) semaphore(%arg18 : memref<!tpu.dma_semaphore, #tpu.memory_space<semaphore_mem>>)
    %dma_wait3A = arith.constant 0 : i32
    %dma_wait3A_95 = arith.constant 0 : i32
    %dma_wait3A_96 = arith.constant 0 : i32
    %dma_wait3A_97 = tpu.memref_slice %arg17[%dma_wait3A, %dma_wait3A_95, %dma_wait3A_96] : memref<4x80x128xf32, #tpu.memory_space<vmem>> -> memref<1x80x128xf32, #tpu.memory_space<vmem>>
    %dma_wait3A_98 = tpu.memref_squeeze %dma_wait3A_97 : memref<1x80x128xf32, #tpu.memory_space<vmem>> -> memref<80x128xf32, #tpu.memory_space<vmem>>
    %dma_wait3A_99 = arith.constant 0 : i32
    %dma_wait3A_100 = tpu.memref_slice %arg13[%dma_wait3A_99] : memref<4000xi32, #tpu.memory_space<vmem>> -> memref<80xi32, #tpu.memory_space<vmem>>
    %dma_wait3A_101 = arith.constant 0 : i32
    %dma_wait3A_102 = arith.constant 0 : i32
    %dma_wait3A_103 = tpu.memref_slice %arg5[%dma_wait3A_101, %dma_wait3A_102] : memref<16000x128xf32, #tpu.memory_space<hbm>> -> memref<16000x128xf32, #tpu.memory_space<hbm>>
    tpu.wait_indirect_dma semaphore(%arg18 : memref<!tpu.dma_semaphore, #tpu.memory_space<semaphore_mem>>) src(%dma_wait3A_103 : memref<16000x128xf32, #tpu.memory_space<hbm>>) dst(%dma_wait3A_98 : memref<80x128xf32, #tpu.memory_space<vmem>>)
    %dma_start3A_104 = arith.constant 0 : i32
    %dma_start3A_105 = arith.constant 0 : i32
    %dma_start3A_106 = arith.constant 0 : i32
    %dma_start3A_107 = arith.constant 0 : i32
    %dma_start3A_108 = tpu.memref_slice %arg17[%dma_start3A_104, %dma_start3A_106, %dma_start3A_107] : memref<4x80x128xf32, #tpu.memory_space<vmem>> -> memref<1x80x128xf32, #tpu.memory_space<vmem>>
    %dma_start3A_109 = tpu.memref_squeeze %dma_start3A_108 : memref<1x80x128xf32, #tpu.memory_space<vmem>> -> memref<80x128xf32, #tpu.memory_space<vmem>>
    %dma_start3A_110 = arith.constant 0 : i32
    %dma_start3A_111 = tpu.memref_slice %arg15[%dma_start3A_105, %dma_start3A_110] : memref<50x80xi32, #tpu.memory_space<vmem>> -> memref<1x80xi32, #tpu.memory_space<vmem>>
    %dma_start3A_112 = tpu.memref_squeeze %dma_start3A_111 : memref<1x80xi32, #tpu.memory_space<vmem>> -> memref<80xi32, #tpu.memory_space<vmem>>
    %dma_start3A_113 = arith.constant 0 : i32
    %dma_start3A_114 = arith.constant 0 : i32
    %dma_start3A_115 = tpu.memref_slice %arg9[%dma_start3A_113, %dma_start3A_114] : memref<128000x128xf32, #tpu.memory_space<hbm>> -> memref<128000x128xf32, #tpu.memory_space<hbm>>
    tpu.enqueue_indirect_dma source(%dma_start3A_109 : memref<80x128xf32, #tpu.memory_space<vmem>>) target(%dma_start3A_115 : memref<128000x128xf32, #tpu.memory_space<hbm>>) offsets(%dma_start3A_112 : memref<80xi32, #tpu.memory_space<vmem>>) semaphore(%arg19 : memref<!tpu.dma_semaphore, #tpu.memory_space<semaphore_mem>>)
    %dma_start3A_116 = arith.constant 1 : i32
    %dma_start3A_117 = arith.constant 0 : i32
    %dma_start3A_118 = arith.constant 0 : i32
    %dma_start3A_119 = tpu.memref_slice %arg17[%dma_start3A_116, %dma_start3A_117, %dma_start3A_118] : memref<4x80x128xf32, #tpu.memory_space<vmem>> -> memref<1x80x128xf32, #tpu.memory_space<vmem>>
    %dma_start3A_120 = tpu.memref_squeeze %dma_start3A_119 : memref<1x80x128xf32, #tpu.memory_space<vmem>> -> memref<80x128xf32, #tpu.memory_space<vmem>>
    %dma_start3A_121 = arith.constant 80 : i32
    %dma_start3A_122 = tpu.memref_slice %arg13[%dma_start3A_121] : memref<4000xi32, #tpu.memory_space<vmem>> -> memref<80xi32, #tpu.memory_space<vmem>>
    %dma_start3A_123 = arith.constant 0 : i32
    %dma_start3A_124 = arith.constant 0 : i32
    %dma_start3A_125 = tpu.memref_slice %arg5[%dma_start3A_123, %dma_start3A_124] : memref<16000x128xf32, #tpu.memory_space<hbm>> -> memref<16000x128xf32, #tpu.memory_space<hbm>>
    tpu.enqueue_indirect_dma source(%dma_start3A_125 : memref<16000x128xf32, #tpu.memory_space<hbm>>) target(%dma_start3A_120 : memref<80x128xf32, #tpu.memory_space<vmem>>) offsets(%dma_start3A_122 : memref<80xi32, #tpu.memory_space<vmem>>) semaphore(%arg18 : memref<!tpu.dma_semaphore, #tpu.memory_space<semaphore_mem>>)
    %dma_wait3A_126 = arith.constant 1 : i32
    %dma_wait3A_127 = arith.constant 0 : i32
    %dma_wait3A_128 = arith.constant 0 : i32
    %dma_wait3A_129 = tpu.memref_slice %arg17[%dma_wait3A_126, %dma_wait3A_127, %dma_wait3A_128] : memref<4x80x128xf32, #tpu.memory_space<vmem>> -> memref<1x80x128xf32, #tpu.memory_space<vmem>>
    %dma_wait3A_130 = tpu.memref_squeeze %dma_wait3A_129 : memref<1x80x128xf32, #tpu.memory_space<vmem>> -> memref<80x128xf32, #tpu.memory_space<vmem>>
    %dma_wait3A_131 = arith.constant 80 : i32
    %dma_wait3A_132 = tpu.memref_slice %arg13[%dma_wait3A_131] : memref<4000xi32, #tpu.memory_space<vmem>> -> memref<80xi32, #tpu.memory_space<vmem>>
    %dma_wait3A_133 = arith.constant 0 : i32
    %dma_wait3A_134 = arith.constant 0 : i32
    %dma_wait3A_135 = tpu.memref_slice %arg5[%dma_wait3A_133, %dma_wait3A_134] : memref<16000x128xf32, #tpu.memory_space<hbm>> -> memref<16000x128xf32, #tpu.memory_space<hbm>>
    tpu.wait_indirect_dma semaphore(%arg18 : memref<!tpu.dma_semaphore, #tpu.memory_space<semaphore_mem>>) src(%dma_wait3A_135 : memref<16000x128xf32, #tpu.memory_space<hbm>>) dst(%dma_wait3A_130 : memref<80x128xf32, #tpu.memory_space<vmem>>)
    %dma_start3A_136 = arith.constant 1 : i32
    %dma_start3A_137 = arith.constant 1 : i32
    %dma_start3A_138 = arith.constant 0 : i32
    %dma_start3A_139 = arith.constant 0 : i32
    %dma_start3A_140 = tpu.memref_slice %arg17[%dma_start3A_136, %dma_start3A_138, %dma_start3A_139] : memref<4x80x128xf32, #tpu.memory_space<vmem>> -> memref<1x80x128xf32, #tpu.memory_space<vmem>>
    %dma_start3A_141 = tpu.memref_squeeze %dma_start3A_140 : memref<1x80x128xf32, #tpu.memory_space<vmem>> -> memref<80x128xf32, #tpu.memory_space<vmem>>
    %dma_start3A_142 = arith.constant 0 : i32
    %dma_start3A_143 = tpu.memref_slice %arg15[%dma_start3A_137, %dma_start3A_142] : memref<50x80xi32, #tpu.memory_space<vmem>> -> memref<1x80xi32, #tpu.memory_space<vmem>>
    %dma_start3A_144 = tpu.memref_squeeze %dma_start3A_143 : memref<1x80xi32, #tpu.memory_space<vmem>> -> memref<80xi32, #tpu.memory_space<vmem>>
    %dma_start3A_145 = arith.constant 0 : i32
    %dma_start3A_146 = arith.constant 0 : i32
    %dma_start3A_147 = tpu.memref_slice %arg9[%dma_start3A_145, %dma_start3A_146] : memref<128000x128xf32, #tpu.memory_space<hbm>> -> memref<128000x128xf32, #tpu.memory_space<hbm>>
    tpu.enqueue_indirect_dma source(%dma_start3A_141 : memref<80x128xf32, #tpu.memory_space<vmem>>) target(%dma_start3A_147 : memref<128000x128xf32, #tpu.memory_space<hbm>>) offsets(%dma_start3A_144 : memref<80xi32, #tpu.memory_space<vmem>>) semaphore(%arg19 : memref<!tpu.dma_semaphore, #tpu.memory_space<semaphore_mem>>)
    %dma_start3A_148 = arith.constant 2 : i32
    %dma_start3A_149 = arith.constant 0 : i32
    %dma_start3A_150 = arith.constant 0 : i32
    %dma_start3A_151 = tpu.memref_slice %arg17[%dma_start3A_148, %dma_start3A_149, %dma_start3A_150] : memref<4x80x128xf32, #tpu.memory_space<vmem>> -> memref<1x80x128xf32, #tpu.memory_space<vmem>>
    %dma_start3A_152 = tpu.memref_squeeze %dma_start3A_151 : memref<1x80x128xf32, #tpu.memory_space<vmem>> -> memref<80x128xf32, #tpu.memory_space<vmem>>
    %dma_start3A_153 = arith.constant 160 : i32
    %dma_start3A_154 = tpu.memref_slice %arg13[%dma_start3A_153] : memref<4000xi32, #tpu.memory_space<vmem>> -> memref<80xi32, #tpu.memory_space<vmem>>
    %dma_start3A_155 = arith.constant 0 : i32
    %dma_start3A_156 = arith.constant 0 : i32
    %dma_start3A_157 = tpu.memref_slice %arg5[%dma_start3A_155, %dma_start3A_156] : memref<16000x128xf32, #tpu.memory_space<hbm>> -> memref<16000x128xf32, #tpu.memory_space<hbm>>
    tpu.enqueue_indirect_dma source(%dma_start3A_157 : memref<16000x128xf32, #tpu.memory_space<hbm>>) target(%dma_start3A_152 : memref<80x128xf32, #tpu.memory_space<vmem>>) offsets(%dma_start3A_154 : memref<80xi32, #tpu.memory_space<vmem>>) semaphore(%arg18 : memref<!tpu.dma_semaphore, #tpu.memory_space<semaphore_mem>>)
    %dma_wait3A_158 = arith.constant 2 : i32
    %dma_wait3A_159 = arith.constant 0 : i32
    %dma_wait3A_160 = arith.constant 0 : i32
    %dma_wait3A_161 = tpu.memref_slice %arg17[%dma_wait3A_158, %dma_wait3A_159, %dma_wait3A_160] : memref<4x80x128xf32, #tpu.memory_space<vmem>> -> memref<1x80x128xf32, #tpu.memory_space<vmem>>
    %dma_wait3A_162 = tpu.memref_squeeze %dma_wait3A_161 : memref<1x80x128xf32, #tpu.memory_space<vmem>> -> memref<80x128xf32, #tpu.memory_space<vmem>>
    %dma_wait3A_163 = arith.constant 160 : i32
    %dma_wait3A_164 = tpu.memref_slice %arg13[%dma_wait3A_163] : memref<4000xi32, #tpu.memory_space<vmem>> -> memref<80xi32, #tpu.memory_space<vmem>>
    %dma_wait3A_165 = arith.constant 0 : i32
    %dma_wait3A_166 = arith.constant 0 : i32
    %dma_wait3A_167 = tpu.memref_slice %arg5[%dma_wait3A_165, %dma_wait3A_166] : memref<16000x128xf32, #tpu.memory_space<hbm>> -> memref<16000x128xf32, #tpu.memory_space<hbm>>
    tpu.wait_indirect_dma semaphore(%arg18 : memref<!tpu.dma_semaphore, #tpu.memory_space<semaphore_mem>>) src(%dma_wait3A_167 : memref<16000x128xf32, #tpu.memory_space<hbm>>) dst(%dma_wait3A_162 : memref<80x128xf32, #tpu.memory_space<vmem>>)
    %dma_start3A_168 = arith.constant 2 : i32
    %dma_start3A_169 = arith.constant 2 : i32
    %dma_start3A_170 = arith.constant 0 : i32
    %dma_start3A_171 = arith.constant 0 : i32
    %dma_start3A_172 = tpu.memref_slice %arg17[%dma_start3A_168, %dma_start3A_170, %dma_start3A_171] : memref<4x80x128xf32, #tpu.memory_space<vmem>> -> memref<1x80x128xf32, #tpu.memory_space<vmem>>
    %dma_start3A_173 = tpu.memref_squeeze %dma_start3A_172 : memref<1x80x128xf32, #tpu.memory_space<vmem>> -> memref<80x128xf32, #tpu.memory_space<vmem>>
    %dma_start3A_174 = arith.constant 0 : i32
    %dma_start3A_175 = tpu.memref_slice %arg15[%dma_start3A_169, %dma_start3A_174] : memref<50x80xi32, #tpu.memory_space<vmem>> -> memref<1x80xi32, #tpu.memory_space<vmem>>
    %dma_start3A_176 = tpu.memref_squeeze %dma_start3A_175 : memref<1x80xi32, #tpu.memory_space<vmem>> -> memref<80xi32, #tpu.memory_space<vmem>>
    %dma_start3A_177 = arith.constant 0 : i32
    %dma_start3A_178 = arith.constant 0 : i32
    %dma_start3A_179 = tpu.memref_slice %arg9[%dma_start3A_177, %dma_start3A_178] : memref<128000x128xf32, #tpu.memory_space<hbm>> -> memref<128000x128xf32, #tpu.memory_space<hbm>>
    tpu.enqueue_indirect_dma source(%dma_start3A_173 : memref<80x128xf32, #tpu.memory_space<vmem>>) target(%dma_start3A_179 : memref<128000x128xf32, #tpu.memory_space<hbm>>) offsets(%dma_start3A_176 : memref<80xi32, #tpu.memory_space<vmem>>) semaphore(%arg19 : memref<!tpu.dma_semaphore, #tpu.memory_space<semaphore_mem>>)
    %dma_start3A_180 = arith.constant 3 : i32
    %dma_start3A_181 = arith.constant 0 : i32
    %dma_start3A_182 = arith.constant 0 : i32
    %dma_start3A_183 = tpu.memref_slice %arg17[%dma_start3A_180, %dma_start3A_181, %dma_start3A_182] : memref<4x80x128xf32, #tpu.memory_space<vmem>> -> memref<1x80x128xf32, #tpu.memory_space<vmem>>
    %dma_start3A_184 = tpu.memref_squeeze %dma_start3A_183 : memref<1x80x128xf32, #tpu.memory_space<vmem>> -> memref<80x128xf32, #tpu.memory_space<vmem>>
    %dma_start3A_185 = arith.constant 240 : i32
    %dma_start3A_186 = tpu.memref_slice %arg13[%dma_start3A_185] : memref<4000xi32, #tpu.memory_space<vmem>> -> memref<80xi32, #tpu.memory_space<vmem>>
    %dma_start3A_187 = arith.constant 0 : i32
    %dma_start3A_188 = arith.constant 0 : i32
    %dma_start3A_189 = tpu.memref_slice %arg5[%dma_start3A_187, %dma_start3A_188] : memref<16000x128xf32, #tpu.memory_space<hbm>> -> memref<16000x128xf32, #tpu.memory_space<hbm>>
    tpu.enqueue_indirect_dma source(%dma_start3A_189 : memref<16000x128xf32, #tpu.memory_space<hbm>>) target(%dma_start3A_184 : memref<80x128xf32, #tpu.memory_space<vmem>>) offsets(%dma_start3A_186 : memref<80xi32, #tpu.memory_space<vmem>>) semaphore(%arg18 : memref<!tpu.dma_semaphore, #tpu.memory_space<semaphore_mem>>)
    %dma_wait3A_190 = arith.constant 3 : i32
    %dma_wait3A_191 = arith.constant 0 : i32
    %dma_wait3A_192 = arith.constant 0 : i32
    %dma_wait3A_193 = tpu.memref_slice %arg17[%dma_wait3A_190, %dma_wait3A_191, %dma_wait3A_192] : memref<4x80x128xf32, #tpu.memory_space<vmem>> -> memref<1x80x128xf32, #tpu.memory_space<vmem>>
    %dma_wait3A_194 = tpu.memref_squeeze %dma_wait3A_193 : memref<1x80x128xf32, #tpu.memory_space<vmem>> -> memref<80x128xf32, #tpu.memory_space<vmem>>
    %dma_wait3A_195 = arith.constant 240 : i32
    %dma_wait3A_196 = tpu.memref_slice %arg13[%dma_wait3A_195] : memref<4000xi32, #tpu.memory_space<vmem>> -> memref<80xi32, #tpu.memory_space<vmem>>
    %dma_wait3A_197 = arith.constant 0 : i32
    %dma_wait3A_198 = arith.constant 0 : i32
    %dma_wait3A_199 = tpu.memref_slice %arg5[%dma_wait3A_197, %dma_wait3A_198] : memref<16000x128xf32, #tpu.memory_space<hbm>> -> memref<16000x128xf32, #tpu.memory_space<hbm>>
    tpu.wait_indirect_dma semaphore(%arg18 : memref<!tpu.dma_semaphore, #tpu.memory_space<semaphore_mem>>) src(%dma_wait3A_199 : memref<16000x128xf32, #tpu.memory_space<hbm>>) dst(%dma_wait3A_194 : memref<80x128xf32, #tpu.memory_space<vmem>>)
    %dma_start3A_200 = arith.constant 3 : i32
    %dma_start3A_201 = arith.constant 3 : i32
    %dma_start3A_202 = arith.constant 0 : i32
    %dma_start3A_203 = arith.constant 0 : i32
    %dma_start3A_204 = tpu.memref_slice %arg17[%dma_start3A_200, %dma_start3A_202, %dma_start3A_203] : memref<4x80x128xf32, #tpu.memory_space<vmem>> -> memref<1x80x128xf32, #tpu.memory_space<vmem>>
    %dma_start3A_205 = tpu.memref_squeeze %dma_start3A_204 : memref<1x80x128xf32, #tpu.memory_space<vmem>> -> memref<80x128xf32, #tpu.memory_space<vmem>>
    %dma_start3A_206 = arith.constant 0 : i32
    %dma_start3A_207 = tpu.memref_slice %arg15[%dma_start3A_201, %dma_start3A_206] : memref<50x80xi32, #tpu.memory_space<vmem>> -> memref<1x80xi32, #tpu.memory_space<vmem>>
    %dma_start3A_208 = tpu.memref_squeeze %dma_start3A_207 : memref<1x80xi32, #tpu.memory_space<vmem>> -> memref<80xi32, #tpu.memory_space<vmem>>
    %dma_start3A_209 = arith.constant 0 : i32
    %dma_start3A_210 = arith.constant 0 : i32
    %dma_start3A_211 = tpu.memref_slice %arg9[%dma_start3A_209, %dma_start3A_210] : memref<128000x128xf32, #tpu.memory_space<hbm>> -> memref<128000x128xf32, #tpu.memory_space<hbm>>
    tpu.enqueue_indirect_dma source(%dma_start3A_205 : memref<80x128xf32, #tpu.memory_space<vmem>>) target(%dma_start3A_211 : memref<128000x128xf32, #tpu.memory_space<hbm>>) offsets(%dma_start3A_208 : memref<80xi32, #tpu.memory_space<vmem>>) semaphore(%arg19 : memref<!tpu.dma_semaphore, #tpu.memory_space<semaphore_mem>>)
    %dma_wait3A_212 = arith.constant 0 : i32
    %dma_wait3A_213 = arith.constant 0 : i32
    %dma_wait3A_214 = arith.constant 0 : i32
    %dma_wait3A_215 = arith.constant 0 : i32
    %dma_wait3A_216 = tpu.memref_slice %arg17[%dma_wait3A_212, %dma_wait3A_214, %dma_wait3A_215] : memref<4x80x128xf32, #tpu.memory_space<vmem>> -> memref<1x80x128xf32, #tpu.memory_space<vmem>>
    %dma_wait3A_217 = tpu.memref_squeeze %dma_wait3A_216 : memref<1x80x128xf32, #tpu.memory_space<vmem>> -> memref<80x128xf32, #tpu.memory_space<vmem>>
    %dma_wait3A_218 = arith.constant 0 : i32
    %dma_wait3A_219 = tpu.memref_slice %arg15[%dma_wait3A_213, %dma_wait3A_218] : memref<50x80xi32, #tpu.memory_space<vmem>> -> memref<1x80xi32, #tpu.memory_space<vmem>>
    %dma_wait3A_220 = tpu.memref_squeeze %dma_wait3A_219 : memref<1x80xi32, #tpu.memory_space<vmem>> -> memref<80xi32, #tpu.memory_space<vmem>>
    %dma_wait3A_221 = arith.constant 0 : i32
    %dma_wait3A_222 = arith.constant 0 : i32
    %dma_wait3A_223 = tpu.memref_slice %arg9[%dma_wait3A_221, %dma_wait3A_222] : memref<128000x128xf32, #tpu.memory_space<hbm>> -> memref<128000x128xf32, #tpu.memory_space<hbm>>
    tpu.wait_indirect_dma semaphore(%arg19 : memref<!tpu.dma_semaphore, #tpu.memory_space<semaphore_mem>>) src(%dma_wait3A_217 : memref<80x128xf32, #tpu.memory_space<vmem>>) dst(%dma_wait3A_223 : memref<128000x128xf32, #tpu.memory_space<hbm>>)
    %dma_start3A_224 = arith.constant 0 : i32
    %dma_start3A_225 = arith.constant 0 : i32
    %dma_start3A_226 = arith.constant 0 : i32
    %dma_start3A_227 = tpu.memref_slice %arg17[%dma_start3A_224, %dma_start3A_225, %dma_start3A_226] : memref<4x80x128xf32, #tpu.memory_space<vmem>> -> memref<1x80x128xf32, #tpu.memory_space<vmem>>
    %dma_start3A_228 = tpu.memref_squeeze %dma_start3A_227 : memref<1x80x128xf32, #tpu.memory_space<vmem>> -> memref<80x128xf32, #tpu.memory_space<vmem>>
    %dma_start3A_229 = arith.constant 320 : i32
    %dma_start3A_230 = tpu.memref_slice %arg13[%dma_start3A_229] : memref<4000xi32, #tpu.memory_space<vmem>> -> memref<80xi32, #tpu.memory_space<vmem>>
    %dma_start3A_231 = arith.constant 0 : i32
    %dma_start3A_232 = arith.constant 0 : i32
    %dma_start3A_233 = tpu.memref_slice %arg5[%dma_start3A_231, %dma_start3A_232] : memref<16000x128xf32, #tpu.memory_space<hbm>> -> memref<16000x128xf32, #tpu.memory_space<hbm>>
    tpu.enqueue_indirect_dma source(%dma_start3A_233 : memref<16000x128xf32, #tpu.memory_space<hbm>>) target(%dma_start3A_228 : memref<80x128xf32, #tpu.memory_space<vmem>>) offsets(%dma_start3A_230 : memref<80xi32, #tpu.memory_space<vmem>>) semaphore(%arg18 : memref<!tpu.dma_semaphore, #tpu.memory_space<semaphore_mem>>)
    %dma_wait3A_234 = arith.constant 0 : i32
    %dma_wait3A_235 = arith.constant 0 : i32
    %dma_wait3A_236 = arith.constant 0 : i32
    %dma_wait3A_237 = tpu.memref_slice %arg17[%dma_wait3A_234, %dma_wait3A_235, %dma_wait3A_236] : memref<4x80x128xf32, #tpu.memory_space<vmem>> -> memref<1x80x128xf32, #tpu.memory_space<vmem>>
    %dma_wait3A_238 = tpu.memref_squeeze %dma_wait3A_237 : memref<1x80x128xf32, #tpu.memory_space<vmem>> -> memref<80x128xf32, #tpu.memory_space<vmem>>
    %dma_wait3A_239 = arith.constant 320 : i32
    %dma_wait3A_240 = tpu.memref_slice %arg13[%dma_wait3A_239] : memref<4000xi32, #tpu.memory_space<vmem>> -> memref<80xi32, #tpu.memory_space<vmem>>
    %dma_wait3A_241 = arith.constant 0 : i32
    %dma_wait3A_242 = arith.constant 0 : i32
    %dma_wait3A_243 = tpu.memref_slice %arg5[%dma_wait3A_241, %dma_wait3A_242] : memref<16000x128xf32, #tpu.memory_space<hbm>> -> memref<16000x128xf32, #tpu.memory_space<hbm>>
    tpu.wait_indirect_dma semaphore(%arg18 : memref<!tpu.dma_semaphore, #tpu.memory_space<semaphore_mem>>) src(%dma_wait3A_243 : memref<16000x128xf32, #tpu.memory_space<hbm>>) dst(%dma_wait3A_238 : memref<80x128xf32, #tpu.memory_space<vmem>>)
    %dma_start3A_244 = arith.constant 0 : i32
    %dma_start3A_245 = arith.constant 4 : i32
    %dma_start3A_246 = arith.constant 0 : i32
    %dma_start3A_247 = arith.constant 0 : i32
    %dma_start3A_248 = tpu.memref_slice %arg17[%dma_start3A_244, %dma_start3A_246, %dma_start3A_247] : memref<4x80x128xf32, #tpu.memory_space<vmem>> -> memref<1x80x128xf32, #tpu.memory_space<vmem>>
    %dma_start3A_249 = tpu.memref_squeeze %dma_start3A_248 : memref<1x80x128xf32, #tpu.memory_space<vmem>> -> memref<80x128xf32, #tpu.memory_space<vmem>>
    %dma_start3A_250 = arith.constant 0 : i32
    %dma_start3A_251 = tpu.memref_slice %arg15[%dma_start3A_245, %dma_start3A_250] : memref<50x80xi32, #tpu.memory_space<vmem>> -> memref<1x80xi32, #tpu.memory_space<vmem>>
    %dma_start3A_252 = tpu.memref_squeeze %dma_start3A_251 : memref<1x80xi32, #tpu.memory_space<vmem>> -> memref<80xi32, #tpu.memory_space<vmem>>
    %dma_start3A_253 = arith.constant 0 : i32
    %dma_start3A_254 = arith.constant 0 : i32
    %dma_start3A_255 = tpu.memref_slice %arg9[%dma_start3A_253, %dma_start3A_254] : memref<128000x128xf32, #tpu.memory_space<hbm>> -> memref<128000x128xf32, #tpu.memory_space<hbm>>
    tpu.enqueue_indirect_dma source(%dma_start3A_249 : memref<80x128xf32, #tpu.memory_space<vmem>>) target(%dma_start3A_255 : memref<128000x128xf32, #tpu.memory_space<hbm>>) offsets(%dma_start3A_252 : memref<80xi32, #tpu.memory_space<vmem>>) semaphore(%arg19 : memref<!tpu.dma_semaphore, #tpu.memory_space<semaphore_mem>>)
    %dma_wait3A_256 = arith.constant 1 : i32
    %dma_wait3A_257 = arith.constant 1 : i32
    %dma_wait3A_258 = arith.constant 0 : i32
    %dma_wait3A_259 = arith.constant 0 : i32
    %dma_wait3A_260 = tpu.memref_slice %arg17[%dma_wait3A_256, %dma_wait3A_258, %dma_wait3A_259] : memref<4x80x128xf32, #tpu.memory_space<vmem>> -> memref<1x80x128xf32, #tpu.memory_space<vmem>>
    %dma_wait3A_261 = tpu.memref_squeeze %dma_wait3A_260 : memref<1x80x128xf32, #tpu.memory_space<vmem>> -> memref<80x128xf32, #tpu.memory_space<vmem>>
    %dma_wait3A_262 = arith.constant 0 : i32
    %dma_wait3A_263 = tpu.memref_slice %arg15[%dma_wait3A_257, %dma_wait3A_262] : memref<50x80xi32, #tpu.memory_space<vmem>> -> memref<1x80xi32, #tpu.memory_space<vmem>>
    %dma_wait3A_264 = tpu.memref_squeeze %dma_wait3A_263 : memref<1x80xi32, #tpu.memory_space<vmem>> -> memref<80xi32, #tpu.memory_space<vmem>>
    %dma_wait3A_265 = arith.constant 0 : i32
    %dma_wait3A_266 = arith.constant 0 : i32
    %dma_wait3A_267 = tpu.memref_slice %arg9[%dma_wait3A_265, %dma_wait3A_266] : memref<128000x128xf32, #tpu.memory_space<hbm>> -> memref<128000x128xf32, #tpu.memory_space<hbm>>
    tpu.wait_indirect_dma semaphore(%arg19 : memref<!tpu.dma_semaphore, #tpu.memory_space<semaphore_mem>>) src(%dma_wait3A_261 : memref<80x128xf32, #tpu.memory_space<vmem>>) dst(%dma_wait3A_267 : memref<128000x128xf32, #tpu.memory_space<hbm>>)
    %dma_start3A_268 = arith.constant 1 : i32
    %dma_start3A_269 = arith.constant 0 : i32
    %dma_start3A_270 = arith.constant 0 : i32
    %dma_start3A_271 = tpu.memref_slice %arg17[%dma_start3A_268, %dma_start3A_269, %dma_start3A_270] : memref<4x80x128xf32, #tpu.memory_space<vmem>> -> memref<1x80x128xf32, #tpu.memory_space<vmem>>
    %dma_start3A_272 = tpu.memref_squeeze %dma_start3A_271 : memref<1x80x128xf32, #tpu.memory_space<vmem>> -> memref<80x128xf32, #tpu.memory_space<vmem>>
    %dma_start3A_273 = arith.constant 400 : i32
    %dma_start3A_274 = tpu.memref_slice %arg13[%dma_start3A_273] : memref<4000xi32, #tpu.memory_space<vmem>> -> memref<80xi32, #tpu.memory_space<vmem>>
    %dma_start3A_275 = arith.constant 0 : i32
    %dma_start3A_276 = arith.constant 0 : i32
    %dma_start3A_277 = tpu.memref_slice %arg5[%dma_start3A_275, %dma_start3A_276] : memref<16000x128xf32, #tpu.memory_space<hbm>> -> memref<16000x128xf32, #tpu.memory_space<hbm>>
    tpu.enqueue_indirect_dma source(%dma_start3A_277 : memref<16000x128xf32, #tpu.memory_space<hbm>>) target(%dma_start3A_272 : memref<80x128xf32, #tpu.memory_space<vmem>>) offsets(%dma_start3A_274 : memref<80xi32, #tpu.memory_space<vmem>>) semaphore(%arg18 : memref<!tpu.dma_semaphore, #tpu.memory_space<semaphore_mem>>)
    %dma_wait3A_278 = arith.constant 1 : i32
    %dma_wait3A_279 = arith.constant 0 : i32
    %dma_wait3A_280 = arith.constant 0 : i32
    %dma_wait3A_281 = tpu.memref_slice %arg17[%dma_wait3A_278, %dma_wait3A_279, %dma_wait3A_280] : memref<4x80x128xf32, #tpu.memory_space<vmem>> -> memref<1x80x128xf32, #tpu.memory_space<vmem>>
    %dma_wait3A_282 = tpu.memref_squeeze %dma_wait3A_281 : memref<1x80x128xf32, #tpu.memory_space<vmem>> -> memref<80x128xf32, #tpu.memory_space<vmem>>
    %dma_wait3A_283 = arith.constant 400 : i32
    %dma_wait3A_284 = tpu.memref_slice %arg13[%dma_wait3A_283] : memref<4000xi32, #tpu.memory_space<vmem>> -> memref<80xi32, #tpu.memory_space<vmem>>
    %dma_wait3A_285 = arith.constant 0 : i32
    %dma_wait3A_286 = arith.constant 0 : i32
    %dma_wait3A_287 = tpu.memref_slice %arg5[%dma_wait3A_285, %dma_wait3A_286] : memref<16000x128xf32, #tpu.memory_space<hbm>> -> memref<16000x128xf32, #tpu.memory_space<hbm>>
    tpu.wait_indirect_dma semaphore(%arg18 : memref<!tpu.dma_semaphore, #tpu.memory_space<semaphore_mem>>) src(%dma_wait3A_287 : memref<16000x128xf32, #tpu.memory_space<hbm>>) dst(%dma_wait3A_282 : memref<80x128xf32, #tpu.memory_space<vmem>>)
    %dma_start3A_288 = arith.constant 1 : i32
    %dma_start3A_289 = arith.constant 5 : i32
    %dma_start3A_290 = arith.constant 0 : i32
    %dma_start3A_291 = arith.constant 0 : i32
    %dma_start3A_292 = tpu.memref_slice %arg17[%dma_start3A_288, %dma_start3A_290, %dma_start3A_291] : memref<4x80x128xf32, #tpu.memory_space<vmem>> -> memref<1x80x128xf32, #tpu.memory_space<vmem>>
    %dma_start3A_293 = tpu.memref_squeeze %dma_start3A_292 : memref<1x80x128xf32, #tpu.memory_space<vmem>> -> memref<80x128xf32, #tpu.memory_space<vmem>>
    %dma_start3A_294 = arith.constant 0 : i32
    %dma_start3A_295 = tpu.memref_slice %arg15[%dma_start3A_289, %dma_start3A_294] : memref<50x80xi32, #tpu.memory_space<vmem>> -> memref<1x80xi32, #tpu.memory_space<vmem>>
    %dma_start3A_296 = tpu.memref_squeeze %dma_start3A_295 : memref<1x80xi32, #tpu.memory_space<vmem>> -> memref<80xi32, #tpu.memory_space<vmem>>
    %dma_start3A_297 = arith.constant 0 : i32
    %dma_start3A_298 = arith.constant 0 : i32
    %dma_start3A_299 = tpu.memref_slice %arg9[%dma_start3A_297, %dma_start3A_298] : memref<128000x128xf32, #tpu.memory_space<hbm>> -> memref<128000x128xf32, #tpu.memory_space<hbm>>
    tpu.enqueue_indirect_dma source(%dma_start3A_293 : memref<80x128xf32, #tpu.memory_space<vmem>>) target(%dma_start3A_299 : memref<128000x128xf32, #tpu.memory_space<hbm>>) offsets(%dma_start3A_296 : memref<80xi32, #tpu.memory_space<vmem>>) semaphore(%arg19 : memref<!tpu.dma_semaphore, #tpu.memory_space<semaphore_mem>>)
    %dma_wait3A_300 = arith.constant 2 : i32
    %dma_wait3A_301 = arith.constant 2 : i32
    %dma_wait3A_302 = arith.constant 0 : i32
    %dma_wait3A_303 = arith.constant 0 : i32
    %dma_wait3A_304 = tpu.memref_slice %arg17[%dma_wait3A_300, %dma_wait3A_302, %dma_wait3A_303] : memref<4x80x128xf32, #tpu.memory_space<vmem>> -> memref<1x80x128xf32, #tpu.memory_space<vmem>>
    %dma_wait3A_305 = tpu.memref_squeeze %dma_wait3A_304 : memref<1x80x128xf32, #tpu.memory_space<vmem>> -> memref<80x128xf32, #tpu.memory_space<vmem>>
    %dma_wait3A_306 = arith.constant 0 : i32
    %dma_wait3A_307 = tpu.memref_slice %arg15[%dma_wait3A_301, %dma_wait3A_306] : memref<50x80xi32, #tpu.memory_space<vmem>> -> memref<1x80xi32, #tpu.memory_space<vmem>>
    %dma_wait3A_308 = tpu.memref_squeeze %dma_wait3A_307 : memref<1x80xi32, #tpu.memory_space<vmem>> -> memref<80xi32, #tpu.memory_space<vmem>>
    %dma_wait3A_309 = arith.constant 0 : i32
    %dma_wait3A_310 = arith.constant 0 : i32
    %dma_wait3A_311 = tpu.memref_slice %arg9[%dma_wait3A_309, %dma_wait3A_310] : memref<128000x128xf32, #tpu.memory_space<hbm>> -> memref<128000x128xf32, #tpu.memory_space<hbm>>
    tpu.wait_indirect_dma semaphore(%arg19 : memref<!tpu.dma_semaphore, #tpu.memory_space<semaphore_mem>>) src(%dma_wait3A_305 : memref<80x128xf32, #tpu.memory_space<vmem>>) dst(%dma_wait3A_311 : memref<128000x128xf32, #tpu.memory_space<hbm>>)
    %dma_start3A_312 = arith.constant 2 : i32
    %dma_start3A_313 = arith.constant 0 : i32
    %dma_start3A_314 = arith.constant 0 : i32
    %dma_start3A_315 = tpu.memref_slice %arg17[%dma_start3A_312, %dma_start3A_313, %dma_start3A_314] : memref<4x80x128xf32, #tpu.memory_space<vmem>> -> memref<1x80x128xf32, #tpu.memory_space<vmem>>
    %dma_start3A_316 = tpu.memref_squeeze %dma_start3A_315 : memref<1x80x128xf32, #tpu.memory_space<vmem>> -> memref<80x128xf32, #tpu.memory_space<vmem>>
    %dma_start3A_317 = arith.constant 480 : i32
    %dma_start3A_318 = tpu.memref_slice %arg13[%dma_start3A_317] : memref<4000xi32, #tpu.memory_space<vmem>> -> memref<80xi32, #tpu.memory_space<vmem>>
    %dma_start3A_319 = arith.constant 0 : i32
    %dma_start3A_320 = arith.constant 0 : i32
    %dma_start3A_321 = tpu.memref_slice %arg5[%dma_start3A_319, %dma_start3A_320] : memref<16000x128xf32, #tpu.memory_space<hbm>> -> memref<16000x128xf32, #tpu.memory_space<hbm>>
    tpu.enqueue_indirect_dma source(%dma_start3A_321 : memref<16000x128xf32, #tpu.memory_space<hbm>>) target(%dma_start3A_316 : memref<80x128xf32, #tpu.memory_space<vmem>>) offsets(%dma_start3A_318 : memref<80xi32, #tpu.memory_space<vmem>>) semaphore(%arg18 : memref<!tpu.dma_semaphore, #tpu.memory_space<semaphore_mem>>)
    %dma_wait3A_322 = arith.constant 2 : i32
    %dma_wait3A_323 = arith.constant 0 : i32
    %dma_wait3A_324 = arith.constant 0 : i32
    %dma_wait3A_325 = tpu.memref_slice %arg17[%dma_wait3A_322, %dma_wait3A_323, %dma_wait3A_324] : memref<4x80x128xf32, #tpu.memory_space<vmem>> -> memref<1x80x128xf32, #tpu.memory_space<vmem>>
    %dma_wait3A_326 = tpu.memref_squeeze %dma_wait3A_325 : memref<1x80x128xf32, #tpu.memory_space<vmem>> -> memref<80x128xf32, #tpu.memory_space<vmem>>
    %dma_wait3A_327 = arith.constant 480 : i32
    %dma_wait3A_328 = tpu.memref_slice %arg13[%dma_wait3A_327] : memref<4000xi32, #tpu.memory_space<vmem>> -> memref<80xi32, #tpu.memory_space<vmem>>
    %dma_wait3A_329 = arith.constant 0 : i32
    %dma_wait3A_330 = arith.constant 0 : i32
    %dma_wait3A_331 = tpu.memref_slice %arg5[%dma_wait3A_329, %dma_wait3A_330] : memref<16000x128xf32, #tpu.memory_space<hbm>> -> memref<16000x128xf32, #tpu.memory_space<hbm>>
    tpu.wait_indirect_dma semaphore(%arg18 : memref<!tpu.dma_semaphore, #tpu.memory_space<semaphore_mem>>) src(%dma_wait3A_331 : memref<16000x128xf32, #tpu.memory_space<hbm>>) dst(%dma_wait3A_326 : memref<80x128xf32, #tpu.memory_space<vmem>>)
    %dma_start3A_332 = arith.constant 2 : i32
    %dma_start3A_333 = arith.constant 6 : i32
    %dma_start3A_334 = arith.constant 0 : i32
    %dma_start3A_335 = arith.constant 0 : i32
    %dma_start3A_336 = tpu.memref_slice %arg17[%dma_start3A_332, %dma_start3A_334, %dma_start3A_335] : memref<4x80x128xf32, #tpu.memory_space<vmem>> -> memref<1x80x128xf32, #tpu.memory_space<vmem>>
    %dma_start3A_337 = tpu.memref_squeeze %dma_start3A_336 : memref<1x80x128xf32, #tpu.memory_space<vmem>> -> memref<80x128xf32, #tpu.memory_space<vmem>>
    %dma_start3A_338 = arith.constant 0 : i32
    %dma_start3A_339 = tpu.memref_slice %arg15[%dma_start3A_333, %dma_start3A_338] : memref<50x80xi32, #tpu.memory_space<vmem>> -> memref<1x80xi32, #tpu.memory_space<vmem>>
    %dma_start3A_340 = tpu.memref_squeeze %dma_start3A_339 : memref<1x80xi32, #tpu.memory_space<vmem>> -> memref<80xi32, #tpu.memory_space<vmem>>
    %dma_start3A_341 = arith.constant 0 : i32
    %dma_start3A_342 = arith.constant 0 : i32
    %dma_start3A_343 = tpu.memref_slice %arg9[%dma_start3A_341, %dma_start3A_342] : memref<128000x128xf32, #tpu.memory_space<hbm>> -> memref<128000x128xf32, #tpu.memory_space<hbm>>
    tpu.enqueue_indirect_dma source(%dma_start3A_337 : memref<80x128xf32, #tpu.memory_space<vmem>>) target(%dma_start3A_343 : memref<128000x128xf32, #tpu.memory_space<hbm>>) offsets(%dma_start3A_340 : memref<80xi32, #tpu.memory_space<vmem>>) semaphore(%arg19 : memref<!tpu.dma_semaphore, #tpu.memory_space<semaphore_mem>>)
    %dma_wait3A_344 = arith.constant 3 : i32
    %dma_wait3A_345 = arith.constant 3 : i32
    %dma_wait3A_346 = arith.constant 0 : i32
    %dma_wait3A_347 = arith.constant 0 : i32
    %dma_wait3A_348 = tpu.memref_slice %arg17[%dma_wait3A_344, %dma_wait3A_346, %dma_wait3A_347] : memref<4x80x128xf32, #tpu.memory_space<vmem>> -> memref<1x80x128xf32, #tpu.memory_space<vmem>>
    %dma_wait3A_349 = tpu.memref_squeeze %dma_wait3A_348 : memref<1x80x128xf32, #tpu.memory_space<vmem>> -> memref<80x128xf32, #tpu.memory_space<vmem>>
    %dma_wait3A_350 = arith.constant 0 : i32
    %dma_wait3A_351 = tpu.memref_slice %arg15[%dma_wait3A_345, %dma_wait3A_350] : memref<50x80xi32, #tpu.memory_space<vmem>> -> memref<1x80xi32, #tpu.memory_space<vmem>>
    %dma_wait3A_352 = tpu.memref_squeeze %dma_wait3A_351 : memref<1x80xi32, #tpu.memory_space<vmem>> -> memref<80xi32, #tpu.memory_space<vmem>>
    %dma_wait3A_353 = arith.constant 0 : i32
    %dma_wait3A_354 = arith.constant 0 : i32
    %dma_wait3A_355 = tpu.memref_slice %arg9[%dma_wait3A_353, %dma_wait3A_354] : memref<128000x128xf32, #tpu.memory_space<hbm>> -> memref<128000x128xf32, #tpu.memory_space<hbm>>
    tpu.wait_indirect_dma semaphore(%arg19 : memref<!tpu.dma_semaphore, #tpu.memory_space<semaphore_mem>>) src(%dma_wait3A_349 : memref<80x128xf32, #tpu.memory_space<vmem>>) dst(%dma_wait3A_355 : memref<128000x128xf32, #tpu.memory_space<hbm>>)
    %dma_start3A_356 = arith.constant 3 : i32
    %dma_start3A_357 = arith.constant 0 : i32
    %dma_start3A_358 = arith.constant 0 : i32
    %dma_start3A_359 = tpu.memref_slice %arg17[%dma_start3A_356, %dma_start3A_357, %dma_start3A_358] : memref<4x80x128xf32, #tpu.memory_space<vmem>> -> memref<1x80x128xf32, #tpu.memory_space<vmem>>
    %dma_start3A_360 = tpu.memref_squeeze %dma_start3A_359 : memref<1x80x128xf32, #tpu.memory_space<vmem>> -> memref<80x128xf32, #tpu.memory_space<vmem>>
    %dma_start3A_361 = arith.constant 560 : i32
    %dma_start3A_362 = tpu.memref_slice %arg13[%dma_start3A_361] : memref<4000xi32, #tpu.memory_space<vmem>> -> memref<80xi32, #tpu.memory_space<vmem>>
    %dma_start3A_363 = arith.constant 0 : i32
    %dma_start3A_364 = arith.constant 0 : i32
    %dma_start3A_365 = tpu.memref_slice %arg5[%dma_start3A_363, %dma_start3A_364] : memref<16000x128xf32, #tpu.memory_space<hbm>> -> memref<16000x128xf32, #tpu.memory_space<hbm>>
    tpu.enqueue_indirect_dma source(%dma_start3A_365 : memref<16000x128xf32, #tpu.memory_space<hbm>>) target(%dma_start3A_360 : memref<80x128xf32, #tpu.memory_space<vmem>>) offsets(%dma_start3A_362 : memref<80xi32, #tpu.memory_space<vmem>>) semaphore(%arg18 : memref<!tpu.dma_semaphore, #tpu.memory_space<semaphore_mem>>)
    %dma_wait3A_366 = arith.constant 3 : i32
    %dma_wait3A_367 = arith.constant 0 : i32
    %dma_wait3A_368 = arith.constant 0 : i32
    %dma_wait3A_369 = tpu.memref_slice %arg17[%dma_wait3A_366, %dma_wait3A_367, %dma_wait3A_368] : memref<4x80x128xf32, #tpu.memory_space<vmem>> -> memref<1x80x128xf32, #tpu.memory_space<vmem>>
    %dma_wait3A_370 = tpu.memref_squeeze %dma_wait3A_369 : memref<1x80x128xf32, #tpu.memory_space<vmem>> -> memref<80x128xf32, #tpu.memory_space<vmem>>
    %dma_wait3A_371 = arith.constant 560 : i32
    %dma_wait3A_372 = tpu.memref_slice %arg13[%dma_wait3A_371] : memref<4000xi32, #tpu.memory_space<vmem>> -> memref<80xi32, #tpu.memory_space<vmem>>
    %dma_wait3A_373 = arith.constant 0 : i32
    %dma_wait3A_374 = arith.constant 0 : i32
    %dma_wait3A_375 = tpu.memref_slice %arg5[%dma_wait3A_373, %dma_wait3A_374] : memref<16000x128xf32, #tpu.memory_space<hbm>> -> memref<16000x128xf32, #tpu.memory_space<hbm>>
    tpu.wait_indirect_dma semaphore(%arg18 : memref<!tpu.dma_semaphore, #tpu.memory_space<semaphore_mem>>) src(%dma_wait3A_375 : memref<16000x128xf32, #tpu.memory_space<hbm>>) dst(%dma_wait3A_370 : memref<80x128xf32, #tpu.memory_space<vmem>>)
    %dma_start3A_376 = arith.constant 3 : i32
    %dma_start3A_377 = arith.constant 7 : i32
    %dma_start3A_378 = arith.constant 0 : i32
    %dma_start3A_379 = arith.constant 0 : i32
    %dma_start3A_380 = tpu.memref_slice %arg17[%dma_start3A_376, %dma_start3A_378, %dma_start3A_379] : memref<4x80x128xf32, #tpu.memory_space<vmem>> -> memref<1x80x128xf32, #tpu.memory_space<vmem>>
    %dma_start3A_381 = tpu.memref_squeeze %dma_start3A_380 : memref<1x80x128xf32, #tpu.memory_space<vmem>> -> memref<80x128xf32, #tpu.memory_space<vmem>>
    %dma_start3A_382 = arith.constant 0 : i32
    %dma_start3A_383 = tpu.memref_slice %arg15[%dma_start3A_377, %dma_start3A_382] : memref<50x80xi32, #tpu.memory_space<vmem>> -> memref<1x80xi32, #tpu.memory_space<vmem>>
    %dma_start3A_384 = tpu.memref_squeeze %dma_start3A_383 : memref<1x80xi32, #tpu.memory_space<vmem>> -> memref<80xi32, #tpu.memory_space<vmem>>
    %dma_start3A_385 = arith.constant 0 : i32
    %dma_start3A_386 = arith.constant 0 : i32
    %dma_start3A_387 = tpu.memref_slice %arg9[%dma_start3A_385, %dma_start3A_386] : memref<128000x128xf32, #tpu.memory_space<hbm>> -> memref<128000x128xf32, #tpu.memory_space<hbm>>
    tpu.enqueue_indirect_dma source(%dma_start3A_381 : memref<80x128xf32, #tpu.memory_space<vmem>>) target(%dma_start3A_387 : memref<128000x128xf32, #tpu.memory_space<hbm>>) offsets(%dma_start3A_384 : memref<80xi32, #tpu.memory_space<vmem>>) semaphore(%arg19 : memref<!tpu.dma_semaphore, #tpu.memory_space<semaphore_mem>>)
    %dma_wait3A_388 = arith.constant 0 : i32
    %dma_wait3A_389 = arith.constant 4 : i32
    %dma_wait3A_390 = arith.constant 0 : i32
    %dma_wait3A_391 = arith.constant 0 : i32
    %dma_wait3A_392 = tpu.memref_slice %arg17[%dma_wait3A_388, %dma_wait3A_390, %dma_wait3A_391] : memref<4x80x128xf32, #tpu.memory_space<vmem>> -> memref<1x80x128xf32, #tpu.memory_space<vmem>>
    %dma_wait3A_393 = tpu.memref_squeeze %dma_wait3A_392 : memref<1x80x128xf32, #tpu.memory_space<vmem>> -> memref<80x128xf32, #tpu.memory_space<vmem>>
    %dma_wait3A_394 = arith.constant 0 : i32
    %dma_wait3A_395 = tpu.memref_slice %arg15[%dma_wait3A_389, %dma_wait3A_394] : memref<50x80xi32, #tpu.memory_space<vmem>> -> memref<1x80xi32, #tpu.memory_space<vmem>>
    %dma_wait3A_396 = tpu.memref_squeeze %dma_wait3A_395 : memref<1x80xi32, #tpu.memory_space<vmem>> -> memref<80xi32, #tpu.memory_space<vmem>>
    %dma_wait3A_397 = arith.constant 0 : i32
    %dma_wait3A_398 = arith.constant 0 : i32
    %dma_wait3A_399 = tpu.memref_slice %arg9[%dma_wait3A_397, %dma_wait3A_398] : memref<128000x128xf32, #tpu.memory_space<hbm>> -> memref<128000x128xf32, #tpu.memory_space<hbm>>
    tpu.wait_indirect_dma semaphore(%arg19 : memref<!tpu.dma_semaphore, #tpu.memory_space<semaphore_mem>>) src(%dma_wait3A_393 : memref<80x128xf32, #tpu.memory_space<vmem>>) dst(%dma_wait3A_399 : memref<128000x128xf32, #tpu.memory_space<hbm>>)
    %dma_start3A_400 = arith.constant 0 : i32
    %dma_start3A_401 = arith.constant 0 : i32
    %dma_start3A_402 = arith.constant 0 : i32
    %dma_start3A_403 = tpu.memref_slice %arg17[%dma_start3A_400, %dma_start3A_401, %dma_start3A_402] : memref<4x80x128xf32, #tpu.memory_space<vmem>> -> memref<1x80x128xf32, #tpu.memory_space<vmem>>
    %dma_start3A_404 = tpu.memref_squeeze %dma_start3A_403 : memref<1x80x128xf32, #tpu.memory_space<vmem>> -> memref<80x128xf32, #tpu.memory_space<vmem>>
    %dma_start3A_405 = arith.constant 640 : i32
    %dma_start3A_406 = tpu.memref_slice %arg13[%dma_start3A_405] : memref<4000xi32, #tpu.memory_space<vmem>> -> memref<80xi32, #tpu.memory_space<vmem>>
    %dma_start3A_407 = arith.constant 0 : i32
    %dma_start3A_408 = arith.constant 0 : i32
    %dma_start3A_409 = tpu.memref_slice %arg5[%dma_start3A_407, %dma_start3A_408] : memref<16000x128xf32, #tpu.memory_space<hbm>> -> memref<16000x128xf32, #tpu.memory_space<hbm>>
    tpu.enqueue_indirect_dma source(%dma_start3A_409 : memref<16000x128xf32, #tpu.memory_space<hbm>>) target(%dma_start3A_404 : memref<80x128xf32, #tpu.memory_space<vmem>>) offsets(%dma_start3A_406 : memref<80xi32, #tpu.memory_space<vmem>>) semaphore(%arg18 : memref<!tpu.dma_semaphore, #tpu.memory_space<semaphore_mem>>)
    %dma_wait3A_410 = arith.constant 0 : i32
    %dma_wait3A_411 = arith.constant 0 : i32
    %dma_wait3A_412 = arith.constant 0 : i32
    %dma_wait3A_413 = tpu.memref_slice %arg17[%dma_wait3A_410, %dma_wait3A_411, %dma_wait3A_412] : memref<4x80x128xf32, #tpu.memory_space<vmem>> -> memref<1x80x128xf32, #tpu.memory_space<vmem>>
    %dma_wait3A_414 = tpu.memref_squeeze %dma_wait3A_413 : memref<1x80x128xf32, #tpu.memory_space<vmem>> -> memref<80x128xf32, #tpu.memory_space<vmem>>
    %dma_wait3A_415 = arith.constant 640 : i32
    %dma_wait3A_416 = tpu.memref_slice %arg13[%dma_wait3A_415] : memref<4000xi32, #tpu.memory_space<vmem>> -> memref<80xi32, #tpu.memory_space<vmem>>
    %dma_wait3A_417 = arith.constant 0 : i32
    %dma_wait3A_418 = arith.constant 0 : i32
    %dma_wait3A_419 = tpu.memref_slice %arg5[%dma_wait3A_417, %dma_wait3A_418] : memref<16000x128xf32, #tpu.memory_space<hbm>> -> memref<16000x128xf32, #tpu.memory_space<hbm>>
    tpu.wait_indirect_dma semaphore(%arg18 : memref<!tpu.dma_semaphore, #tpu.memory_space<semaphore_mem>>) src(%dma_wait3A_419 : memref<16000x128xf32, #tpu.memory_space<hbm>>) dst(%dma_wait3A_414 : memref<80x128xf32, #tpu.memory_space<vmem>>)
    %dma_start3A_420 = arith.constant 0 : i32
    %dma_start3A_421 = arith.constant 8 : i32
    %dma_start3A_422 = arith.constant 0 : i32
    %dma_start3A_423 = arith.constant 0 : i32
    %dma_start3A_424 = tpu.memref_slice %arg17[%dma_start3A_420, %dma_start3A_422, %dma_start3A_423] : memref<4x80x128xf32, #tpu.memory_space<vmem>> -> memref<1x80x128xf32, #tpu.memory_space<vmem>>
    %dma_start3A_425 = tpu.memref_squeeze %dma_start3A_424 : memref<1x80x128xf32, #tpu.memory_space<vmem>> -> memref<80x128xf32, #tpu.memory_space<vmem>>
    %dma_start3A_426 = arith.constant 0 : i32
    %dma_start3A_427 = tpu.memref_slice %arg15[%dma_start3A_421, %dma_start3A_426] : memref<50x80xi32, #tpu.memory_space<vmem>> -> memref<1x80xi32, #tpu.memory_space<vmem>>
    %dma_start3A_428 = tpu.memref_squeeze %dma_start3A_427 : memref<1x80xi32, #tpu.memory_space<vmem>> -> memref<80xi32, #tpu.memory_space<vmem>>
    %dma_start3A_429 = arith.constant 0 : i32
    %dma_start3A_430 = arith.constant 0 : i32
    %dma_start3A_431 = tpu.memref_slice %arg9[%dma_start3A_429, %dma_start3A_430] : memref<128000x128xf32, #tpu.memory_space<hbm>> -> memref<128000x128xf32, #tpu.memory_space<hbm>>
    tpu.enqueue_indirect_dma source(%dma_start3A_425 : memref<80x128xf32, #tpu.memory_space<vmem>>) target(%dma_start3A_431 : memref<128000x128xf32, #tpu.memory_space<hbm>>) offsets(%dma_start3A_428 : memref<80xi32, #tpu.memory_space<vmem>>) semaphore(%arg19 : memref<!tpu.dma_semaphore, #tpu.memory_space<semaphore_mem>>)
    %dma_wait3A_432 = arith.constant 1 : i32
    %dma_wait3A_433 = arith.constant 5 : i32
    %dma_wait3A_434 = arith.constant 0 : i32
    %dma_wait3A_435 = arith.constant 0 : i32
    %dma_wait3A_436 = tpu.memref_slice %arg17[%dma_wait3A_432, %dma_wait3A_434, %dma_wait3A_435] : memref<4x80x128xf32, #tpu.memory_space<vmem>> -> memref<1x80x128xf32, #tpu.memory_space<vmem>>
    %dma_wait3A_437 = tpu.memref_squeeze %dma_wait3A_436 : memref<1x80x128xf32, #tpu.memory_space<vmem>> -> memref<80x128xf32, #tpu.memory_space<vmem>>
    %dma_wait3A_438 = arith.constant 0 : i32
    %dma_wait3A_439 = tpu.memref_slice %arg15[%dma_wait3A_433, %dma_wait3A_438] : memref<50x80xi32, #tpu.memory_space<vmem>> -> memref<1x80xi32, #tpu.memory_space<vmem>>
    %dma_wait3A_440 = tpu.memref_squeeze %dma_wait3A_439 : memref<1x80xi32, #tpu.memory_space<vmem>> -> memref<80xi32, #tpu.memory_space<vmem>>
    %dma_wait3A_441 = arith.constant 0 : i32
    %dma_wait3A_442 = arith.constant 0 : i32
    %dma_wait3A_443 = tpu.memref_slice %arg9[%dma_wait3A_441, %dma_wait3A_442] : memref<128000x128xf32, #tpu.memory_space<hbm>> -> memref<128000x128xf32, #tpu.memory_space<hbm>>
    tpu.wait_indirect_dma semaphore(%arg19 : memref<!tpu.dma_semaphore, #tpu.memory_space<semaphore_mem>>) src(%dma_wait3A_437 : memref<80x128xf32, #tpu.memory_space<vmem>>) dst(%dma_wait3A_443 : memref<128000x128xf32, #tpu.memory_space<hbm>>)
    %dma_start3A_444 = arith.constant 1 : i32
    %dma_start3A_445 = arith.constant 0 : i32
    %dma_start3A_446 = arith.constant 0 : i32
    %dma_start3A_447 = tpu.memref_slice %arg17[%dma_start3A_444, %dma_start3A_445, %dma_start3A_446] : memref<4x80x128xf32, #tpu.memory_space<vmem>> -> memref<1x80x128xf32, #tpu.memory_space<vmem>>
    %dma_start3A_448 = tpu.memref_squeeze %dma_start3A_447 : memref<1x80x128xf32, #tpu.memory_space<vmem>> -> memref<80x128xf32, #tpu.memory_space<vmem>>
    %dma_start3A_449 = arith.constant 720 : i32
    %dma_start3A_450 = tpu.memref_slice %arg13[%dma_start3A_449] : memref<4000xi32, #tpu.memory_space<vmem>> -> memref<80xi32, #tpu.memory_space<vmem>>
    %dma_start3A_451 = arith.constant 0 : i32
    %dma_start3A_452 = arith.constant 0 : i32
    %dma_start3A_453 = tpu.memref_slice %arg5[%dma_start3A_451, %dma_start3A_452] : memref<16000x128xf32, #tpu.memory_space<hbm>> -> memref<16000x128xf32, #tpu.memory_space<hbm>>
    tpu.enqueue_indirect_dma source(%dma_start3A_453 : memref<16000x128xf32, #tpu.memory_space<hbm>>) target(%dma_start3A_448 : memref<80x128xf32, #tpu.memory_space<vmem>>) offsets(%dma_start3A_450 : memref<80xi32, #tpu.memory_space<vmem>>) semaphore(%arg18 : memref<!tpu.dma_semaphore, #tpu.memory_space<semaphore_mem>>)
    %dma_wait3A_454 = arith.constant 1 : i32
    %dma_wait3A_455 = arith.constant 0 : i32
    %dma_wait3A_456 = arith.constant 0 : i32
    %dma_wait3A_457 = tpu.memref_slice %arg17[%dma_wait3A_454, %dma_wait3A_455, %dma_wait3A_456] : memref<4x80x128xf32, #tpu.memory_space<vmem>> -> memref<1x80x128xf32, #tpu.memory_space<vmem>>
    %dma_wait3A_458 = tpu.memref_squeeze %dma_wait3A_457 : memref<1x80x128xf32, #tpu.memory_space<vmem>> -> memref<80x128xf32, #tpu.memory_space<vmem>>
    %dma_wait3A_459 = arith.constant 720 : i32
    %dma_wait3A_460 = tpu.memref_slice %arg13[%dma_wait3A_459] : memref<4000xi32, #tpu.memory_space<vmem>> -> memref<80xi32, #tpu.memory_space<vmem>>
    %dma_wait3A_461 = arith.constant 0 : i32
    %dma_wait3A_462 = arith.constant 0 : i32
    %dma_wait3A_463 = tpu.memref_slice %arg5[%dma_wait3A_461, %dma_wait3A_462] : memref<16000x128xf32, #tpu.memory_space<hbm>> -> memref<16000x128xf32, #tpu.memory_space<hbm>>
    tpu.wait_indirect_dma semaphore(%arg18 : memref<!tpu.dma_semaphore, #tpu.memory_space<semaphore_mem>>) src(%dma_wait3A_463 : memref<16000x128xf32, #tpu.memory_space<hbm>>) dst(%dma_wait3A_458 : memref<80x128xf32, #tpu.memory_space<vmem>>)
    %dma_start3A_464 = arith.constant 1 : i32
    %dma_start3A_465 = arith.constant 9 : i32
    %dma_start3A_466 = arith.constant 0 : i32
    %dma_start3A_467 = arith.constant 0 : i32
    %dma_start3A_468 = tpu.memref_slice %arg17[%dma_start3A_464, %dma_start3A_466, %dma_start3A_467] : memref<4x80x128xf32, #tpu.memory_space<vmem>> -> memref<1x80x128xf32, #tpu.memory_space<vmem>>
    %dma_start3A_469 = tpu.memref_squeeze %dma_start3A_468 : memref<1x80x128xf32, #tpu.memory_space<vmem>> -> memref<80x128xf32, #tpu.memory_space<vmem>>
    %dma_start3A_470 = arith.constant 0 : i32
    %dma_start3A_471 = tpu.memref_slice %arg15[%dma_start3A_465, %dma_start3A_470] : memref<50x80xi32, #tpu.memory_space<vmem>> -> memref<1x80xi32, #tpu.memory_space<vmem>>
    %dma_start3A_472 = tpu.memref_squeeze %dma_start3A_471 : memref<1x80xi32, #tpu.memory_space<vmem>> -> memref<80xi32, #tpu.memory_space<vmem>>
    %dma_start3A_473 = arith.constant 0 : i32
    %dma_start3A_474 = arith.constant 0 : i32
    %dma_start3A_475 = tpu.memref_slice %arg9[%dma_start3A_473, %dma_start3A_474] : memref<128000x128xf32, #tpu.memory_space<hbm>> -> memref<128000x128xf32, #tpu.memory_space<hbm>>
    tpu.enqueue_indirect_dma source(%dma_start3A_469 : memref<80x128xf32, #tpu.memory_space<vmem>>) target(%dma_start3A_475 : memref<128000x128xf32, #tpu.memory_space<hbm>>) offsets(%dma_start3A_472 : memref<80xi32, #tpu.memory_space<vmem>>) semaphore(%arg19 : memref<!tpu.dma_semaphore, #tpu.memory_space<semaphore_mem>>)
    %dma_wait3A_476 = arith.constant 2 : i32
    %dma_wait3A_477 = arith.constant 6 : i32
    %dma_wait3A_478 = arith.constant 0 : i32
    %dma_wait3A_479 = arith.constant 0 : i32
    %dma_wait3A_480 = tpu.memref_slice %arg17[%dma_wait3A_476, %dma_wait3A_478, %dma_wait3A_479] : memref<4x80x128xf32, #tpu.memory_space<vmem>> -> memref<1x80x128xf32, #tpu.memory_space<vmem>>
    %dma_wait3A_481 = tpu.memref_squeeze %dma_wait3A_480 : memref<1x80x128xf32, #tpu.memory_space<vmem>> -> memref<80x128xf32, #tpu.memory_space<vmem>>
    %dma_wait3A_482 = arith.constant 0 : i32
    %dma_wait3A_483 = tpu.memref_slice %arg15[%dma_wait3A_477, %dma_wait3A_482] : memref<50x80xi32, #tpu.memory_space<vmem>> -> memref<1x80xi32, #tpu.memory_space<vmem>>
    %dma_wait3A_484 = tpu.memref_squeeze %dma_wait3A_483 : memref<1x80xi32, #tpu.memory_space<vmem>> -> memref<80xi32, #tpu.memory_space<vmem>>
    %dma_wait3A_485 = arith.constant 0 : i32
    %dma_wait3A_486 = arith.constant 0 : i32
    %dma_wait3A_487 = tpu.memref_slice %arg9[%dma_wait3A_485, %dma_wait3A_486] : memref<128000x128xf32, #tpu.memory_space<hbm>> -> memref<128000x128xf32, #tpu.memory_space<hbm>>
    tpu.wait_indirect_dma semaphore(%arg19 : memref<!tpu.dma_semaphore, #tpu.memory_space<semaphore_mem>>) src(%dma_wait3A_481 : memref<80x128xf32, #tpu.memory_space<vmem>>) dst(%dma_wait3A_487 : memref<128000x128xf32, #tpu.memory_space<hbm>>)
    %dma_start3A_488 = arith.constant 2 : i32
    %dma_start3A_489 = arith.constant 0 : i32
    %dma_start3A_490 = arith.constant 0 : i32
    %dma_start3A_491 = tpu.memref_slice %arg17[%dma_start3A_488, %dma_start3A_489, %dma_start3A_490] : memref<4x80x128xf32, #tpu.memory_space<vmem>> -> memref<1x80x128xf32, #tpu.memory_space<vmem>>
    %dma_start3A_492 = tpu.memref_squeeze %dma_start3A_491 : memref<1x80x128xf32, #tpu.memory_space<vmem>> -> memref<80x128xf32, #tpu.memory_space<vmem>>
    %dma_start3A_493 = arith.constant 800 : i32
    %dma_start3A_494 = tpu.memref_slice %arg13[%dma_start3A_493] : memref<4000xi32, #tpu.memory_space<vmem>> -> memref<80xi32, #tpu.memory_space<vmem>>
    %dma_start3A_495 = arith.constant 0 : i32
    %dma_start3A_496 = arith.constant 0 : i32
    %dma_start3A_497 = tpu.memref_slice %arg5[%dma_start3A_495, %dma_start3A_496] : memref<16000x128xf32, #tpu.memory_space<hbm>> -> memref<16000x128xf32, #tpu.memory_space<hbm>>
    tpu.enqueue_indirect_dma source(%dma_start3A_497 : memref<16000x128xf32, #tpu.memory_space<hbm>>) target(%dma_start3A_492 : memref<80x128xf32, #tpu.memory_space<vmem>>) offsets(%dma_start3A_494 : memref<80xi32, #tpu.memory_space<vmem>>) semaphore(%arg18 : memref<!tpu.dma_semaphore, #tpu.memory_space<semaphore_mem>>)
    %dma_wait3A_498 = arith.constant 2 : i32
    %dma_wait3A_499 = arith.constant 0 : i32
    %dma_wait3A_500 = arith.constant 0 : i32
    %dma_wait3A_501 = tpu.memref_slice %arg17[%dma_wait3A_498, %dma_wait3A_499, %dma_wait3A_500] : memref<4x80x128xf32, #tpu.memory_space<vmem>> -> memref<1x80x128xf32, #tpu.memory_space<vmem>>
    %dma_wait3A_502 = tpu.memref_squeeze %dma_wait3A_501 : memref<1x80x128xf32, #tpu.memory_space<vmem>> -> memref<80x128xf32, #tpu.memory_space<vmem>>
    %dma_wait3A_503 = arith.constant 800 : i32
    %dma_wait3A_504 = tpu.memref_slice %arg13[%dma_wait3A_503] : memref<4000xi32, #tpu.memory_space<vmem>> -> memref<80xi32, #tpu.memory_space<vmem>>
    %dma_wait3A_505 = arith.constant 0 : i32
    %dma_wait3A_506 = arith.constant 0 : i32
    %dma_wait3A_507 = tpu.memref_slice %arg5[%dma_wait3A_505, %dma_wait3A_506] : memref<16000x128xf32, #tpu.memory_space<hbm>> -> memref<16000x128xf32, #tpu.memory_space<hbm>>
    tpu.wait_indirect_dma semaphore(%arg18 : memref<!tpu.dma_semaphore, #tpu.memory_space<semaphore_mem>>) src(%dma_wait3A_507 : memref<16000x128xf32, #tpu.memory_space<hbm>>) dst(%dma_wait3A_502 : memref<80x128xf32, #tpu.memory_space<vmem>>)
    %dma_start3A_508 = arith.constant 2 : i32
    %dma_start3A_509 = arith.constant 10 : i32
    %dma_start3A_510 = arith.constant 0 : i32
    %dma_start3A_511 = arith.constant 0 : i32
    %dma_start3A_512 = tpu.memref_slice %arg17[%dma_start3A_508, %dma_start3A_510, %dma_start3A_511] : memref<4x80x128xf32, #tpu.memory_space<vmem>> -> memref<1x80x128xf32, #tpu.memory_space<vmem>>
    %dma_start3A_513 = tpu.memref_squeeze %dma_start3A_512 : memref<1x80x128xf32, #tpu.memory_space<vmem>> -> memref<80x128xf32, #tpu.memory_space<vmem>>
    %dma_start3A_514 = arith.constant 0 : i32
    %dma_start3A_515 = tpu.memref_slice %arg15[%dma_start3A_509, %dma_start3A_514] : memref<50x80xi32, #tpu.memory_space<vmem>> -> memref<1x80xi32, #tpu.memory_space<vmem>>
    %dma_start3A_516 = tpu.memref_squeeze %dma_start3A_515 : memref<1x80xi32, #tpu.memory_space<vmem>> -> memref<80xi32, #tpu.memory_space<vmem>>
    %dma_start3A_517 = arith.constant 0 : i32
    %dma_start3A_518 = arith.constant 0 : i32
    %dma_start3A_519 = tpu.memref_slice %arg9[%dma_start3A_517, %dma_start3A_518] : memref<128000x128xf32, #tpu.memory_space<hbm>> -> memref<128000x128xf32, #tpu.memory_space<hbm>>
    tpu.enqueue_indirect_dma source(%dma_start3A_513 : memref<80x128xf32, #tpu.memory_space<vmem>>) target(%dma_start3A_519 : memref<128000x128xf32, #tpu.memory_space<hbm>>) offsets(%dma_start3A_516 : memref<80xi32, #tpu.memory_space<vmem>>) semaphore(%arg19 : memref<!tpu.dma_semaphore, #tpu.memory_space<semaphore_mem>>)
    %dma_wait3A_520 = arith.constant 3 : i32
    %dma_wait3A_521 = arith.constant 7 : i32
    %dma_wait3A_522 = arith.constant 0 : i32
    %dma_wait3A_523 = arith.constant 0 : i32
    %dma_wait3A_524 = tpu.memref_slice %arg17[%dma_wait3A_520, %dma_wait3A_522, %dma_wait3A_523] : memref<4x80x128xf32, #tpu.memory_space<vmem>> -> memref<1x80x128xf32, #tpu.memory_space<vmem>>
    %dma_wait3A_525 = tpu.memref_squeeze %dma_wait3A_524 : memref<1x80x128xf32, #tpu.memory_space<vmem>> -> memref<80x128xf32, #tpu.memory_space<vmem>>
    %dma_wait3A_526 = arith.constant 0 : i32
    %dma_wait3A_527 = tpu.memref_slice %arg15[%dma_wait3A_521, %dma_wait3A_526] : memref<50x80xi32, #tpu.memory_space<vmem>> -> memref<1x80xi32, #tpu.memory_space<vmem>>
    %dma_wait3A_528 = tpu.memref_squeeze %dma_wait3A_527 : memref<1x80xi32, #tpu.memory_space<vmem>> -> memref<80xi32, #tpu.memory_space<vmem>>
    %dma_wait3A_529 = arith.constant 0 : i32
    %dma_wait3A_530 = arith.constant 0 : i32
    %dma_wait3A_531 = tpu.memref_slice %arg9[%dma_wait3A_529, %dma_wait3A_530] : memref<128000x128xf32, #tpu.memory_space<hbm>> -> memref<128000x128xf32, #tpu.memory_space<hbm>>
    tpu.wait_indirect_dma semaphore(%arg19 : memref<!tpu.dma_semaphore, #tpu.memory_space<semaphore_mem>>) src(%dma_wait3A_525 : memref<80x128xf32, #tpu.memory_space<vmem>>) dst(%dma_wait3A_531 : memref<128000x128xf32, #tpu.memory_space<hbm>>)
    %dma_start3A_532 = arith.constant 3 : i32
    %dma_start3A_533 = arith.constant 0 : i32
    %dma_start3A_534 = arith.constant 0 : i32
    %dma_start3A_535 = tpu.memref_slice %arg17[%dma_start3A_532, %dma_start3A_533, %dma_start3A_534] : memref<4x80x128xf32, #tpu.memory_space<vmem>> -> memref<1x80x128xf32, #tpu.memory_space<vmem>>
    %dma_start3A_536 = tpu.memref_squeeze %dma_start3A_535 : memref<1x80x128xf32, #tpu.memory_space<vmem>> -> memref<80x128xf32, #tpu.memory_space<vmem>>
    %dma_start3A_537 = arith.constant 880 : i32
    %dma_start3A_538 = tpu.memref_slice %arg13[%dma_start3A_537] : memref<4000xi32, #tpu.memory_space<vmem>> -> memref<80xi32, #tpu.memory_space<vmem>>
    %dma_start3A_539 = arith.constant 0 : i32
    %dma_start3A_540 = arith.constant 0 : i32
    %dma_start3A_541 = tpu.memref_slice %arg5[%dma_start3A_539, %dma_start3A_540] : memref<16000x128xf32, #tpu.memory_space<hbm>> -> memref<16000x128xf32, #tpu.memory_space<hbm>>
    tpu.enqueue_indirect_dma source(%dma_start3A_541 : memref<16000x128xf32, #tpu.memory_space<hbm>>) target(%dma_start3A_536 : memref<80x128xf32, #tpu.memory_space<vmem>>) offsets(%dma_start3A_538 : memref<80xi32, #tpu.memory_space<vmem>>) semaphore(%arg18 : memref<!tpu.dma_semaphore, #tpu.memory_space<semaphore_mem>>)
    %dma_wait3A_542 = arith.constant 3 : i32
    %dma_wait3A_543 = arith.constant 0 : i32
    %dma_wait3A_544 = arith.constant 0 : i32
    %dma_wait3A_545 = tpu.memref_slice %arg17[%dma_wait3A_542, %dma_wait3A_543, %dma_wait3A_544] : memref<4x80x128xf32, #tpu.memory_space<vmem>> -> memref<1x80x128xf32, #tpu.memory_space<vmem>>
    %dma_wait3A_546 = tpu.memref_squeeze %dma_wait3A_545 : memref<1x80x128xf32, #tpu.memory_space<vmem>> -> memref<80x128xf32, #tpu.memory_space<vmem>>
    %dma_wait3A_547 = arith.constant 880 : i32
    %dma_wait3A_548 = tpu.memref_slice %arg13[%dma_wait3A_547] : memref<4000xi32, #tpu.memory_space<vmem>> -> memref<80xi32, #tpu.memory_space<vmem>>
    %dma_wait3A_549 = arith.constant 0 : i32
    %dma_wait3A_550 = arith.constant 0 : i32
    %dma_wait3A_551 = tpu.memref_slice %arg5[%dma_wait3A_549, %dma_wait3A_550] : memref<16000x128xf32, #tpu.memory_space<hbm>> -> memref<16000x128xf32, #tpu.memory_space<hbm>>
    tpu.wait_indirect_dma semaphore(%arg18 : memref<!tpu.dma_semaphore, #tpu.memory_space<semaphore_mem>>) src(%dma_wait3A_551 : memref<16000x128xf32, #tpu.memory_space<hbm>>) dst(%dma_wait3A_546 : memref<80x128xf32, #tpu.memory_space<vmem>>)
    %dma_start3A_552 = arith.constant 3 : i32
    %dma_start3A_553 = arith.constant 11 : i32
    %dma_start3A_554 = arith.constant 0 : i32
    %dma_start3A_555 = arith.constant 0 : i32
    %dma_start3A_556 = tpu.memref_slice %arg17[%dma_start3A_552, %dma_start3A_554, %dma_start3A_555] : memref<4x80x128xf32, #tpu.memory_space<vmem>> -> memref<1x80x128xf32, #tpu.memory_space<vmem>>
    %dma_start3A_557 = tpu.memref_squeeze %dma_start3A_556 : memref<1x80x128xf32, #tpu.memory_space<vmem>> -> memref<80x128xf32, #tpu.memory_space<vmem>>
    %dma_start3A_558 = arith.constant 0 : i32
    %dma_start3A_559 = tpu.memref_slice %arg15[%dma_start3A_553, %dma_start3A_558] : memref<50x80xi32, #tpu.memory_space<vmem>> -> memref<1x80xi32, #tpu.memory_space<vmem>>
    %dma_start3A_560 = tpu.memref_squeeze %dma_start3A_559 : memref<1x80xi32, #tpu.memory_space<vmem>> -> memref<80xi32, #tpu.memory_space<vmem>>
    %dma_start3A_561 = arith.constant 0 : i32
    %dma_start3A_562 = arith.constant 0 : i32
    %dma_start3A_563 = tpu.memref_slice %arg9[%dma_start3A_561, %dma_start3A_562] : memref<128000x128xf32, #tpu.memory_space<hbm>> -> memref<128000x128xf32, #tpu.memory_space<hbm>>
    tpu.enqueue_indirect_dma source(%dma_start3A_557 : memref<80x128xf32, #tpu.memory_space<vmem>>) target(%dma_start3A_563 : memref<128000x128xf32, #tpu.memory_space<hbm>>) offsets(%dma_start3A_560 : memref<80xi32, #tpu.memory_space<vmem>>) semaphore(%arg19 : memref<!tpu.dma_semaphore, #tpu.memory_space<semaphore_mem>>)
    %dma_wait3A_564 = arith.constant 0 : i32
    %dma_wait3A_565 = arith.constant 8 : i32
    %dma_wait3A_566 = arith.constant 0 : i32
    %dma_wait3A_567 = arith.constant 0 : i32
    %dma_wait3A_568 = tpu.memref_slice %arg17[%dma_wait3A_564, %dma_wait3A_566, %dma_wait3A_567] : memref<4x80x128xf32, #tpu.memory_space<vmem>> -> memref<1x80x128xf32, #tpu.memory_space<vmem>>
    %dma_wait3A_569 = tpu.memref_squeeze %dma_wait3A_568 : memref<1x80x128xf32, #tpu.memory_space<vmem>> -> memref<80x128xf32, #tpu.memory_space<vmem>>
    %dma_wait3A_570 = arith.constant 0 : i32
    %dma_wait3A_571 = tpu.memref_slice %arg15[%dma_wait3A_565, %dma_wait3A_570] : memref<50x80xi32, #tpu.memory_space<vmem>> -> memref<1x80xi32, #tpu.memory_space<vmem>>
    %dma_wait3A_572 = tpu.memref_squeeze %dma_wait3A_571 : memref<1x80xi32, #tpu.memory_space<vmem>> -> memref<80xi32, #tpu.memory_space<vmem>>
    %dma_wait3A_573 = arith.constant 0 : i32
    %dma_wait3A_574 = arith.constant 0 : i32
    %dma_wait3A_575 = tpu.memref_slice %arg9[%dma_wait3A_573, %dma_wait3A_574] : memref<128000x128xf32, #tpu.memory_space<hbm>> -> memref<128000x128xf32, #tpu.memory_space<hbm>>
    tpu.wait_indirect_dma semaphore(%arg19 : memref<!tpu.dma_semaphore, #tpu.memory_space<semaphore_mem>>) src(%dma_wait3A_569 : memref<80x128xf32, #tpu.memory_space<vmem>>) dst(%dma_wait3A_575 : memref<128000x128xf32, #tpu.memory_space<hbm>>)
    %dma_start3A_576 = arith.constant 0 : i32
    %dma_start3A_577 = arith.constant 0 : i32
    %dma_start3A_578 = arith.constant 0 : i32
    %dma_start3A_579 = tpu.memref_slice %arg17[%dma_start3A_576, %dma_start3A_577, %dma_start3A_578] : memref<4x80x128xf32, #tpu.memory_space<vmem>> -> memref<1x80x128xf32, #tpu.memory_space<vmem>>
    %dma_start3A_580 = tpu.memref_squeeze %dma_start3A_579 : memref<1x80x128xf32, #tpu.memory_space<vmem>> -> memref<80x128xf32, #tpu.memory_space<vmem>>
    %dma_start3A_581 = arith.constant 960 : i32
    %dma_start3A_582 = tpu.memref_slice %arg13[%dma_start3A_581] : memref<4000xi32, #tpu.memory_space<vmem>> -> memref<80xi32, #tpu.memory_space<vmem>>
    %dma_start3A_583 = arith.constant 0 : i32
    %dma_start3A_584 = arith.constant 0 : i32
    %dma_start3A_585 = tpu.memref_slice %arg5[%dma_start3A_583, %dma_start3A_584] : memref<16000x128xf32, #tpu.memory_space<hbm>> -> memref<16000x128xf32, #tpu.memory_space<hbm>>
    tpu.enqueue_indirect_dma source(%dma_start3A_585 : memref<16000x128xf32, #tpu.memory_space<hbm>>) target(%dma_start3A_580 : memref<80x128xf32, #tpu.memory_space<vmem>>) offsets(%dma_start3A_582 : memref<80xi32, #tpu.memory_space<vmem>>) semaphore(%arg18 : memref<!tpu.dma_semaphore, #tpu.memory_space<semaphore_mem>>)
    %dma_wait3A_586 = arith.constant 0 : i32
    %dma_wait3A_587 = arith.constant 0 : i32
    %dma_wait3A_588 = arith.constant 0 : i32
    %dma_wait3A_589 = tpu.memref_slice %arg17[%dma_wait3A_586, %dma_wait3A_587, %dma_wait3A_588] : memref<4x80x128xf32, #tpu.memory_space<vmem>> -> memref<1x80x128xf32, #tpu.memory_space<vmem>>
    %dma_wait3A_590 = tpu.memref_squeeze %dma_wait3A_589 : memref<1x80x128xf32, #tpu.memory_space<vmem>> -> memref<80x128xf32, #tpu.memory_space<vmem>>
    %dma_wait3A_591 = arith.constant 960 : i32
    %dma_wait3A_592 = tpu.memref_slice %arg13[%dma_wait3A_591] : memref<4000xi32, #tpu.memory_space<vmem>> -> memref<80xi32, #tpu.memory_space<vmem>>
    %dma_wait3A_593 = arith.constant 0 : i32
    %dma_wait3A_594 = arith.constant 0 : i32
    %dma_wait3A_595 = tpu.memref_slice %arg5[%dma_wait3A_593, %dma_wait3A_594] : memref<16000x128xf32, #tpu.memory_space<hbm>> -> memref<16000x128xf32, #tpu.memory_space<hbm>>
    tpu.wait_indirect_dma semaphore(%arg18 : memref<!tpu.dma_semaphore, #tpu.memory_space<semaphore_mem>>) src(%dma_wait3A_595 : memref<16000x128xf32, #tpu.memory_space<hbm>>) dst(%dma_wait3A_590 : memref<80x128xf32, #tpu.memory_space<vmem>>)
    %dma_start3A_596 = arith.constant 0 : i32
    %dma_start3A_597 = arith.constant 12 : i32
    %dma_start3A_598 = arith.constant 0 : i32
    %dma_start3A_599 = arith.constant 0 : i32
    %dma_start3A_600 = tpu.memref_slice %arg17[%dma_start3A_596, %dma_start3A_598, %dma_start3A_599] : memref<4x80x128xf32, #tpu.memory_space<vmem>> -> memref<1x80x128xf32, #tpu.memory_space<vmem>>
    %dma_start3A_601 = tpu.memref_squeeze %dma_start3A_600 : memref<1x80x128xf32, #tpu.memory_space<vmem>> -> memref<80x128xf32, #tpu.memory_space<vmem>>
    %dma_start3A_602 = arith.constant 0 : i32
    %dma_start3A_603 = tpu.memref_slice %arg15[%dma_start3A_597, %dma_start3A_602] : memref<50x80xi32, #tpu.memory_space<vmem>> -> memref<1x80xi32, #tpu.memory_space<vmem>>
    %dma_start3A_604 = tpu.memref_squeeze %dma_start3A_603 : memref<1x80xi32, #tpu.memory_space<vmem>> -> memref<80xi32, #tpu.memory_space<vmem>>
    %dma_start3A_605 = arith.constant 0 : i32
    %dma_start3A_606 = arith.constant 0 : i32
    %dma_start3A_607 = tpu.memref_slice %arg9[%dma_start3A_605, %dma_start3A_606] : memref<128000x128xf32, #tpu.memory_space<hbm>> -> memref<128000x128xf32, #tpu.memory_space<hbm>>
    tpu.enqueue_indirect_dma source(%dma_start3A_601 : memref<80x128xf32, #tpu.memory_space<vmem>>) target(%dma_start3A_607 : memref<128000x128xf32, #tpu.memory_space<hbm>>) offsets(%dma_start3A_604 : memref<80xi32, #tpu.memory_space<vmem>>) semaphore(%arg19 : memref<!tpu.dma_semaphore, #tpu.memory_space<semaphore_mem>>)
    %dma_wait3A_608 = arith.constant 1 : i32
    %dma_wait3A_609 = arith.constant 9 : i32
    %dma_wait3A_610 = arith.constant 0 : i32
    %dma_wait3A_611 = arith.constant 0 : i32
    %dma_wait3A_612 = tpu.memref_slice %arg17[%dma_wait3A_608, %dma_wait3A_610, %dma_wait3A_611] : memref<4x80x128xf32, #tpu.memory_space<vmem>> -> memref<1x80x128xf32, #tpu.memory_space<vmem>>
    %dma_wait3A_613 = tpu.memref_squeeze %dma_wait3A_612 : memref<1x80x128xf32, #tpu.memory_space<vmem>> -> memref<80x128xf32, #tpu.memory_space<vmem>>
    %dma_wait3A_614 = arith.constant 0 : i32
    %dma_wait3A_615 = tpu.memref_slice %arg15[%dma_wait3A_609, %dma_wait3A_614] : memref<50x80xi32, #tpu.memory_space<vmem>> -> memref<1x80xi32, #tpu.memory_space<vmem>>
    %dma_wait3A_616 = tpu.memref_squeeze %dma_wait3A_615 : memref<1x80xi32, #tpu.memory_space<vmem>> -> memref<80xi32, #tpu.memory_space<vmem>>
    %dma_wait3A_617 = arith.constant 0 : i32
    %dma_wait3A_618 = arith.constant 0 : i32
    %dma_wait3A_619 = tpu.memref_slice %arg9[%dma_wait3A_617, %dma_wait3A_618] : memref<128000x128xf32, #tpu.memory_space<hbm>> -> memref<128000x128xf32, #tpu.memory_space<hbm>>
    tpu.wait_indirect_dma semaphore(%arg19 : memref<!tpu.dma_semaphore, #tpu.memory_space<semaphore_mem>>) src(%dma_wait3A_613 : memref<80x128xf32, #tpu.memory_space<vmem>>) dst(%dma_wait3A_619 : memref<128000x128xf32, #tpu.memory_space<hbm>>)
    %dma_start3A_620 = arith.constant 1 : i32
    %dma_start3A_621 = arith.constant 0 : i32
    %dma_start3A_622 = arith.constant 0 : i32
    %dma_start3A_623 = tpu.memref_slice %arg17[%dma_start3A_620, %dma_start3A_621, %dma_start3A_622] : memref<4x80x128xf32, #tpu.memory_space<vmem>> -> memref<1x80x128xf32, #tpu.memory_space<vmem>>
    %dma_start3A_624 = tpu.memref_squeeze %dma_start3A_623 : memref<1x80x128xf32, #tpu.memory_space<vmem>> -> memref<80x128xf32, #tpu.memory_space<vmem>>
    %dma_start3A_625 = arith.constant 1040 : i32
    %dma_start3A_626 = tpu.memref_slice %arg13[%dma_start3A_625] : memref<4000xi32, #tpu.memory_space<vmem>> -> memref<80xi32, #tpu.memory_space<vmem>>
    %dma_start3A_627 = arith.constant 0 : i32
    %dma_start3A_628 = arith.constant 0 : i32
    %dma_start3A_629 = tpu.memref_slice %arg5[%dma_start3A_627, %dma_start3A_628] : memref<16000x128xf32, #tpu.memory_space<hbm>> -> memref<16000x128xf32, #tpu.memory_space<hbm>>
    tpu.enqueue_indirect_dma source(%dma_start3A_629 : memref<16000x128xf32, #tpu.memory_space<hbm>>) target(%dma_start3A_624 : memref<80x128xf32, #tpu.memory_space<vmem>>) offsets(%dma_start3A_626 : memref<80xi32, #tpu.memory_space<vmem>>) semaphore(%arg18 : memref<!tpu.dma_semaphore, #tpu.memory_space<semaphore_mem>>)
    %dma_wait3A_630 = arith.constant 1 : i32
    %dma_wait3A_631 = arith.constant 0 : i32
    %dma_wait3A_632 = arith.constant 0 : i32
    %dma_wait3A_633 = tpu.memref_slice %arg17[%dma_wait3A_630, %dma_wait3A_631, %dma_wait3A_632] : memref<4x80x128xf32, #tpu.memory_space<vmem>> -> memref<1x80x128xf32, #tpu.memory_space<vmem>>
    %dma_wait3A_634 = tpu.memref_squeeze %dma_wait3A_633 : memref<1x80x128xf32, #tpu.memory_space<vmem>> -> memref<80x128xf32, #tpu.memory_space<vmem>>
    %dma_wait3A_635 = arith.constant 1040 : i32
    %dma_wait3A_636 = tpu.memref_slice %arg13[%dma_wait3A_635] : memref<4000xi32, #tpu.memory_space<vmem>> -> memref<80xi32, #tpu.memory_space<vmem>>
    %dma_wait3A_637 = arith.constant 0 : i32
    %dma_wait3A_638 = arith.constant 0 : i32
    %dma_wait3A_639 = tpu.memref_slice %arg5[%dma_wait3A_637, %dma_wait3A_638] : memref<16000x128xf32, #tpu.memory_space<hbm>> -> memref<16000x128xf32, #tpu.memory_space<hbm>>
    tpu.wait_indirect_dma semaphore(%arg18 : memref<!tpu.dma_semaphore, #tpu.memory_space<semaphore_mem>>) src(%dma_wait3A_639 : memref<16000x128xf32, #tpu.memory_space<hbm>>) dst(%dma_wait3A_634 : memref<80x128xf32, #tpu.memory_space<vmem>>)
    %dma_start3A_640 = arith.constant 1 : i32
    %dma_start3A_641 = arith.constant 13 : i32
    %dma_start3A_642 = arith.constant 0 : i32
    %dma_start3A_643 = arith.constant 0 : i32
    %dma_start3A_644 = tpu.memref_slice %arg17[%dma_start3A_640, %dma_start3A_642, %dma_start3A_643] : memref<4x80x128xf32, #tpu.memory_space<vmem>> -> memref<1x80x128xf32, #tpu.memory_space<vmem>>
    %dma_start3A_645 = tpu.memref_squeeze %dma_start3A_644 : memref<1x80x128xf32, #tpu.memory_space<vmem>> -> memref<80x128xf32, #tpu.memory_space<vmem>>
    %dma_start3A_646 = arith.constant 0 : i32
    %dma_start3A_647 = tpu.memref_slice %arg15[%dma_start3A_641, %dma_start3A_646] : memref<50x80xi32, #tpu.memory_space<vmem>> -> memref<1x80xi32, #tpu.memory_space<vmem>>
    %dma_start3A_648 = tpu.memref_squeeze %dma_start3A_647 : memref<1x80xi32, #tpu.memory_space<vmem>> -> memref<80xi32, #tpu.memory_space<vmem>>
    %dma_start3A_649 = arith.constant 0 : i32
    %dma_start3A_650 = arith.constant 0 : i32
    %dma_start3A_651 = tpu.memref_slice %arg9[%dma_start3A_649, %dma_start3A_650] : memref<128000x128xf32, #tpu.memory_space<hbm>> -> memref<128000x128xf32, #tpu.memory_space<hbm>>
    tpu.enqueue_indirect_dma source(%dma_start3A_645 : memref<80x128xf32, #tpu.memory_space<vmem>>) target(%dma_start3A_651 : memref<128000x128xf32, #tpu.memory_space<hbm>>) offsets(%dma_start3A_648 : memref<80xi32, #tpu.memory_space<vmem>>) semaphore(%arg19 : memref<!tpu.dma_semaphore, #tpu.memory_space<semaphore_mem>>)
    %dma_wait3A_652 = arith.constant 2 : i32
    %dma_wait3A_653 = arith.constant 10 : i32
    %dma_wait3A_654 = arith.constant 0 : i32
    %dma_wait3A_655 = arith.constant 0 : i32
    %dma_wait3A_656 = tpu.memref_slice %arg17[%dma_wait3A_652, %dma_wait3A_654, %dma_wait3A_655] : memref<4x80x128xf32, #tpu.memory_space<vmem>> -> memref<1x80x128xf32, #tpu.memory_space<vmem>>
    %dma_wait3A_657 = tpu.memref_squeeze %dma_wait3A_656 : memref<1x80x128xf32, #tpu.memory_space<vmem>> -> memref<80x128xf32, #tpu.memory_space<vmem>>
    %dma_wait3A_658 = arith.constant 0 : i32
    %dma_wait3A_659 = tpu.memref_slice %arg15[%dma_wait3A_653, %dma_wait3A_658] : memref<50x80xi32, #tpu.memory_space<vmem>> -> memref<1x80xi32, #tpu.memory_space<vmem>>
    %dma_wait3A_660 = tpu.memref_squeeze %dma_wait3A_659 : memref<1x80xi32, #tpu.memory_space<vmem>> -> memref<80xi32, #tpu.memory_space<vmem>>
    %dma_wait3A_661 = arith.constant 0 : i32
    %dma_wait3A_662 = arith.constant 0 : i32
    %dma_wait3A_663 = tpu.memref_slice %arg9[%dma_wait3A_661, %dma_wait3A_662] : memref<128000x128xf32, #tpu.memory_space<hbm>> -> memref<128000x128xf32, #tpu.memory_space<hbm>>
    tpu.wait_indirect_dma semaphore(%arg19 : memref<!tpu.dma_semaphore, #tpu.memory_space<semaphore_mem>>) src(%dma_wait3A_657 : memref<80x128xf32, #tpu.memory_space<vmem>>) dst(%dma_wait3A_663 : memref<128000x128xf32, #tpu.memory_space<hbm>>)
    %dma_start3A_664 = arith.constant 2 : i32
    %dma_start3A_665 = arith.constant 0 : i32
    %dma_start3A_666 = arith.constant 0 : i32
    %dma_start3A_667 = tpu.memref_slice %arg17[%dma_start3A_664, %dma_start3A_665, %dma_start3A_666] : memref<4x80x128xf32, #tpu.memory_space<vmem>> -> memref<1x80x128xf32, #tpu.memory_space<vmem>>
    %dma_start3A_668 = tpu.memref_squeeze %dma_start3A_667 : memref<1x80x128xf32, #tpu.memory_space<vmem>> -> memref<80x128xf32, #tpu.memory_space<vmem>>
    %dma_start3A_669 = arith.constant 1120 : i32
    %dma_start3A_670 = tpu.memref_slice %arg13[%dma_start3A_669] : memref<4000xi32, #tpu.memory_space<vmem>> -> memref<80xi32, #tpu.memory_space<vmem>>
    %dma_start3A_671 = arith.constant 0 : i32
    %dma_start3A_672 = arith.constant 0 : i32
    %dma_start3A_673 = tpu.memref_slice %arg5[%dma_start3A_671, %dma_start3A_672] : memref<16000x128xf32, #tpu.memory_space<hbm>> -> memref<16000x128xf32, #tpu.memory_space<hbm>>
    tpu.enqueue_indirect_dma source(%dma_start3A_673 : memref<16000x128xf32, #tpu.memory_space<hbm>>) target(%dma_start3A_668 : memref<80x128xf32, #tpu.memory_space<vmem>>) offsets(%dma_start3A_670 : memref<80xi32, #tpu.memory_space<vmem>>) semaphore(%arg18 : memref<!tpu.dma_semaphore, #tpu.memory_space<semaphore_mem>>)
    %dma_wait3A_674 = arith.constant 2 : i32
    %dma_wait3A_675 = arith.constant 0 : i32
    %dma_wait3A_676 = arith.constant 0 : i32
    %dma_wait3A_677 = tpu.memref_slice %arg17[%dma_wait3A_674, %dma_wait3A_675, %dma_wait3A_676] : memref<4x80x128xf32, #tpu.memory_space<vmem>> -> memref<1x80x128xf32, #tpu.memory_space<vmem>>
    %dma_wait3A_678 = tpu.memref_squeeze %dma_wait3A_677 : memref<1x80x128xf32, #tpu.memory_space<vmem>> -> memref<80x128xf32, #tpu.memory_space<vmem>>
    %dma_wait3A_679 = arith.constant 1120 : i32
    %dma_wait3A_680 = tpu.memref_slice %arg13[%dma_wait3A_679] : memref<4000xi32, #tpu.memory_space<vmem>> -> memref<80xi32, #tpu.memory_space<vmem>>
    %dma_wait3A_681 = arith.constant 0 : i32
    %dma_wait3A_682 = arith.constant 0 : i32
    %dma_wait3A_683 = tpu.memref_slice %arg5[%dma_wait3A_681, %dma_wait3A_682] : memref<16000x128xf32, #tpu.memory_space<hbm>> -> memref<16000x128xf32, #tpu.memory_space<hbm>>
    tpu.wait_indirect_dma semaphore(%arg18 : memref<!tpu.dma_semaphore, #tpu.memory_space<semaphore_mem>>) src(%dma_wait3A_683 : memref<16000x128xf32, #tpu.memory_space<hbm>>) dst(%dma_wait3A_678 : memref<80x128xf32, #tpu.memory_space<vmem>>)
    %dma_start3A_684 = arith.constant 2 : i32
    %dma_start3A_685 = arith.constant 14 : i32
    %dma_start3A_686 = arith.constant 0 : i32
    %dma_start3A_687 = arith.constant 0 : i32
    %dma_start3A_688 = tpu.memref_slice %arg17[%dma_start3A_684, %dma_start3A_686, %dma_start3A_687] : memref<4x80x128xf32, #tpu.memory_space<vmem>> -> memref<1x80x128xf32, #tpu.memory_space<vmem>>
    %dma_start3A_689 = tpu.memref_squeeze %dma_start3A_688 : memref<1x80x128xf32, #tpu.memory_space<vmem>> -> memref<80x128xf32, #tpu.memory_space<vmem>>
    %dma_start3A_690 = arith.constant 0 : i32
    %dma_start3A_691 = tpu.memref_slice %arg15[%dma_start3A_685, %dma_start3A_690] : memref<50x80xi32, #tpu.memory_space<vmem>> -> memref<1x80xi32, #tpu.memory_space<vmem>>
    %dma_start3A_692 = tpu.memref_squeeze %dma_start3A_691 : memref<1x80xi32, #tpu.memory_space<vmem>> -> memref<80xi32, #tpu.memory_space<vmem>>
    %dma_start3A_693 = arith.constant 0 : i32
    %dma_start3A_694 = arith.constant 0 : i32
    %dma_start3A_695 = tpu.memref_slice %arg9[%dma_start3A_693, %dma_start3A_694] : memref<128000x128xf32, #tpu.memory_space<hbm>> -> memref<128000x128xf32, #tpu.memory_space<hbm>>
    tpu.enqueue_indirect_dma source(%dma_start3A_689 : memref<80x128xf32, #tpu.memory_space<vmem>>) target(%dma_start3A_695 : memref<128000x128xf32, #tpu.memory_space<hbm>>) offsets(%dma_start3A_692 : memref<80xi32, #tpu.memory_space<vmem>>) semaphore(%arg19 : memref<!tpu.dma_semaphore, #tpu.memory_space<semaphore_mem>>)
    %dma_wait3A_696 = arith.constant 3 : i32
    %dma_wait3A_697 = arith.constant 11 : i32
    %dma_wait3A_698 = arith.constant 0 : i32
    %dma_wait3A_699 = arith.constant 0 : i32
    %dma_wait3A_700 = tpu.memref_slice %arg17[%dma_wait3A_696, %dma_wait3A_698, %dma_wait3A_699] : memref<4x80x128xf32, #tpu.memory_space<vmem>> -> memref<1x80x128xf32, #tpu.memory_space<vmem>>
    %dma_wait3A_701 = tpu.memref_squeeze %dma_wait3A_700 : memref<1x80x128xf32, #tpu.memory_space<vmem>> -> memref<80x128xf32, #tpu.memory_space<vmem>>
    %dma_wait3A_702 = arith.constant 0 : i32
    %dma_wait3A_703 = tpu.memref_slice %arg15[%dma_wait3A_697, %dma_wait3A_702] : memref<50x80xi32, #tpu.memory_space<vmem>> -> memref<1x80xi32, #tpu.memory_space<vmem>>
    %dma_wait3A_704 = tpu.memref_squeeze %dma_wait3A_703 : memref<1x80xi32, #tpu.memory_space<vmem>> -> memref<80xi32, #tpu.memory_space<vmem>>
    %dma_wait3A_705 = arith.constant 0 : i32
    %dma_wait3A_706 = arith.constant 0 : i32
    %dma_wait3A_707 = tpu.memref_slice %arg9[%dma_wait3A_705, %dma_wait3A_706] : memref<128000x128xf32, #tpu.memory_space<hbm>> -> memref<128000x128xf32, #tpu.memory_space<hbm>>
    tpu.wait_indirect_dma semaphore(%arg19 : memref<!tpu.dma_semaphore, #tpu.memory_space<semaphore_mem>>) src(%dma_wait3A_701 : memref<80x128xf32, #tpu.memory_space<vmem>>) dst(%dma_wait3A_707 : memref<128000x128xf32, #tpu.memory_space<hbm>>)
    %dma_start3A_708 = arith.constant 3 : i32
    %dma_start3A_709 = arith.constant 0 : i32
    %dma_start3A_710 = arith.constant 0 : i32
    %dma_start3A_711 = tpu.memref_slice %arg17[%dma_start3A_708, %dma_start3A_709, %dma_start3A_710] : memref<4x80x128xf32, #tpu.memory_space<vmem>> -> memref<1x80x128xf32, #tpu.memory_space<vmem>>
    %dma_start3A_712 = tpu.memref_squeeze %dma_start3A_711 : memref<1x80x128xf32, #tpu.memory_space<vmem>> -> memref<80x128xf32, #tpu.memory_space<vmem>>
    %dma_start3A_713 = arith.constant 1200 : i32
    %dma_start3A_714 = tpu.memref_slice %arg13[%dma_start3A_713] : memref<4000xi32, #tpu.memory_space<vmem>> -> memref<80xi32, #tpu.memory_space<vmem>>
    %dma_start3A_715 = arith.constant 0 : i32
    %dma_start3A_716 = arith.constant 0 : i32
    %dma_start3A_717 = tpu.memref_slice %arg5[%dma_start3A_715, %dma_start3A_716] : memref<16000x128xf32, #tpu.memory_space<hbm>> -> memref<16000x128xf32, #tpu.memory_space<hbm>>
    tpu.enqueue_indirect_dma source(%dma_start3A_717 : memref<16000x128xf32, #tpu.memory_space<hbm>>) target(%dma_start3A_712 : memref<80x128xf32, #tpu.memory_space<vmem>>) offsets(%dma_start3A_714 : memref<80xi32, #tpu.memory_space<vmem>>) semaphore(%arg18 : memref<!tpu.dma_semaphore, #tpu.memory_space<semaphore_mem>>)
    %dma_wait3A_718 = arith.constant 3 : i32
    %dma_wait3A_719 = arith.constant 0 : i32
    %dma_wait3A_720 = arith.constant 0 : i32
    %dma_wait3A_721 = tpu.memref_slice %arg17[%dma_wait3A_718, %dma_wait3A_719, %dma_wait3A_720] : memref<4x80x128xf32, #tpu.memory_space<vmem>> -> memref<1x80x128xf32, #tpu.memory_space<vmem>>
    %dma_wait3A_722 = tpu.memref_squeeze %dma_wait3A_721 : memref<1x80x128xf32, #tpu.memory_space<vmem>> -> memref<80x128xf32, #tpu.memory_space<vmem>>
    %dma_wait3A_723 = arith.constant 1200 : i32
    %dma_wait3A_724 = tpu.memref_slice %arg13[%dma_wait3A_723] : memref<4000xi32, #tpu.memory_space<vmem>> -> memref<80xi32, #tpu.memory_space<vmem>>
    %dma_wait3A_725 = arith.constant 0 : i32
    %dma_wait3A_726 = arith.constant 0 : i32
    %dma_wait3A_727 = tpu.memref_slice %arg5[%dma_wait3A_725, %dma_wait3A_726] : memref<16000x128xf32, #tpu.memory_space<hbm>> -> memref<16000x128xf32, #tpu.memory_space<hbm>>
    tpu.wait_indirect_dma semaphore(%arg18 : memref<!tpu.dma_semaphore, #tpu.memory_space<semaphore_mem>>) src(%dma_wait3A_727 : memref<16000x128xf32, #tpu.memory_space<hbm>>) dst(%dma_wait3A_722 : memref<80x128xf32, #tpu.memory_space<vmem>>)
    %dma_start3A_728 = arith.constant 3 : i32
    %dma_start3A_729 = arith.constant 15 : i32
    %dma_start3A_730 = arith.constant 0 : i32
    %dma_start3A_731 = arith.constant 0 : i32
    %dma_start3A_732 = tpu.memref_slice %arg17[%dma_start3A_728, %dma_start3A_730, %dma_start3A_731] : memref<4x80x128xf32, #tpu.memory_space<vmem>> -> memref<1x80x128xf32, #tpu.memory_space<vmem>>
    %dma_start3A_733 = tpu.memref_squeeze %dma_start3A_732 : memref<1x80x128xf32, #tpu.memory_space<vmem>> -> memref<80x128xf32, #tpu.memory_space<vmem>>
    %dma_start3A_734 = arith.constant 0 : i32
    %dma_start3A_735 = tpu.memref_slice %arg15[%dma_start3A_729, %dma_start3A_734] : memref<50x80xi32, #tpu.memory_space<vmem>> -> memref<1x80xi32, #tpu.memory_space<vmem>>
    %dma_start3A_736 = tpu.memref_squeeze %dma_start3A_735 : memref<1x80xi32, #tpu.memory_space<vmem>> -> memref<80xi32, #tpu.memory_space<vmem>>
    %dma_start3A_737 = arith.constant 0 : i32
    %dma_start3A_738 = arith.constant 0 : i32
    %dma_start3A_739 = tpu.memref_slice %arg9[%dma_start3A_737, %dma_start3A_738] : memref<128000x128xf32, #tpu.memory_space<hbm>> -> memref<128000x128xf32, #tpu.memory_space<hbm>>
    tpu.enqueue_indirect_dma source(%dma_start3A_733 : memref<80x128xf32, #tpu.memory_space<vmem>>) target(%dma_start3A_739 : memref<128000x128xf32, #tpu.memory_space<hbm>>) offsets(%dma_start3A_736 : memref<80xi32, #tpu.memory_space<vmem>>) semaphore(%arg19 : memref<!tpu.dma_semaphore, #tpu.memory_space<semaphore_mem>>)
    %dma_wait3A_740 = arith.constant 0 : i32
    %dma_wait3A_741 = arith.constant 12 : i32
    %dma_wait3A_742 = arith.constant 0 : i32
    %dma_wait3A_743 = arith.constant 0 : i32
    %dma_wait3A_744 = tpu.memref_slice %arg17[%dma_wait3A_740, %dma_wait3A_742, %dma_wait3A_743] : memref<4x80x128xf32, #tpu.memory_space<vmem>> -> memref<1x80x128xf32, #tpu.memory_space<vmem>>
    %dma_wait3A_745 = tpu.memref_squeeze %dma_wait3A_744 : memref<1x80x128xf32, #tpu.memory_space<vmem>> -> memref<80x128xf32, #tpu.memory_space<vmem>>
    %dma_wait3A_746 = arith.constant 0 : i32
    %dma_wait3A_747 = tpu.memref_slice %arg15[%dma_wait3A_741, %dma_wait3A_746] : memref<50x80xi32, #tpu.memory_space<vmem>> -> memref<1x80xi32, #tpu.memory_space<vmem>>
    %dma_wait3A_748 = tpu.memref_squeeze %dma_wait3A_747 : memref<1x80xi32, #tpu.memory_space<vmem>> -> memref<80xi32, #tpu.memory_space<vmem>>
    %dma_wait3A_749 = arith.constant 0 : i32
    %dma_wait3A_750 = arith.constant 0 : i32
    %dma_wait3A_751 = tpu.memref_slice %arg9[%dma_wait3A_749, %dma_wait3A_750] : memref<128000x128xf32, #tpu.memory_space<hbm>> -> memref<128000x128xf32, #tpu.memory_space<hbm>>
    tpu.wait_indirect_dma semaphore(%arg19 : memref<!tpu.dma_semaphore, #tpu.memory_space<semaphore_mem>>) src(%dma_wait3A_745 : memref<80x128xf32, #tpu.memory_space<vmem>>) dst(%dma_wait3A_751 : memref<128000x128xf32, #tpu.memory_space<hbm>>)
    %dma_start3A_752 = arith.constant 0 : i32
    %dma_start3A_753 = arith.constant 0 : i32
    %dma_start3A_754 = arith.constant 0 : i32
    %dma_start3A_755 = tpu.memref_slice %arg17[%dma_start3A_752, %dma_start3A_753, %dma_start3A_754] : memref<4x80x128xf32, #tpu.memory_space<vmem>> -> memref<1x80x128xf32, #tpu.memory_space<vmem>>
    %dma_start3A_756 = tpu.memref_squeeze %dma_start3A_755 : memref<1x80x128xf32, #tpu.memory_space<vmem>> -> memref<80x128xf32, #tpu.memory_space<vmem>>
    %dma_start3A_757 = arith.constant 1280 : i32
    %dma_start3A_758 = tpu.memref_slice %arg13[%dma_start3A_757] : memref<4000xi32, #tpu.memory_space<vmem>> -> memref<80xi32, #tpu.memory_space<vmem>>
    %dma_start3A_759 = arith.constant 0 : i32
    %dma_start3A_760 = arith.constant 0 : i32
    %dma_start3A_761 = tpu.memref_slice %arg5[%dma_start3A_759, %dma_start3A_760] : memref<16000x128xf32, #tpu.memory_space<hbm>> -> memref<16000x128xf32, #tpu.memory_space<hbm>>
    tpu.enqueue_indirect_dma source(%dma_start3A_761 : memref<16000x128xf32, #tpu.memory_space<hbm>>) target(%dma_start3A_756 : memref<80x128xf32, #tpu.memory_space<vmem>>) offsets(%dma_start3A_758 : memref<80xi32, #tpu.memory_space<vmem>>) semaphore(%arg18 : memref<!tpu.dma_semaphore, #tpu.memory_space<semaphore_mem>>)
    %dma_wait3A_762 = arith.constant 0 : i32
    %dma_wait3A_763 = arith.constant 0 : i32
    %dma_wait3A_764 = arith.constant 0 : i32
    %dma_wait3A_765 = tpu.memref_slice %arg17[%dma_wait3A_762, %dma_wait3A_763, %dma_wait3A_764] : memref<4x80x128xf32, #tpu.memory_space<vmem>> -> memref<1x80x128xf32, #tpu.memory_space<vmem>>
    %dma_wait3A_766 = tpu.memref_squeeze %dma_wait3A_765 : memref<1x80x128xf32, #tpu.memory_space<vmem>> -> memref<80x128xf32, #tpu.memory_space<vmem>>
    %dma_wait3A_767 = arith.constant 1280 : i32
    %dma_wait3A_768 = tpu.memref_slice %arg13[%dma_wait3A_767] : memref<4000xi32, #tpu.memory_space<vmem>> -> memref<80xi32, #tpu.memory_space<vmem>>
    %dma_wait3A_769 = arith.constant 0 : i32
    %dma_wait3A_770 = arith.constant 0 : i32
    %dma_wait3A_771 = tpu.memref_slice %arg5[%dma_wait3A_769, %dma_wait3A_770] : memref<16000x128xf32, #tpu.memory_space<hbm>> -> memref<16000x128xf32, #tpu.memory_space<hbm>>
    tpu.wait_indirect_dma semaphore(%arg18 : memref<!tpu.dma_semaphore, #tpu.memory_space<semaphore_mem>>) src(%dma_wait3A_771 : memref<16000x128xf32, #tpu.memory_space<hbm>>) dst(%dma_wait3A_766 : memref<80x128xf32, #tpu.memory_space<vmem>>)
    %dma_start3A_772 = arith.constant 0 : i32
    %dma_start3A_773 = arith.constant 16 : i32
    %dma_start3A_774 = arith.constant 0 : i32
    %dma_start3A_775 = arith.constant 0 : i32
    %dma_start3A_776 = tpu.memref_slice %arg17[%dma_start3A_772, %dma_start3A_774, %dma_start3A_775] : memref<4x80x128xf32, #tpu.memory_space<vmem>> -> memref<1x80x128xf32, #tpu.memory_space<vmem>>
    %dma_start3A_777 = tpu.memref_squeeze %dma_start3A_776 : memref<1x80x128xf32, #tpu.memory_space<vmem>> -> memref<80x128xf32, #tpu.memory_space<vmem>>
    %dma_start3A_778 = arith.constant 0 : i32
    %dma_start3A_779 = tpu.memref_slice %arg15[%dma_start3A_773, %dma_start3A_778] : memref<50x80xi32, #tpu.memory_space<vmem>> -> memref<1x80xi32, #tpu.memory_space<vmem>>
    %dma_start3A_780 = tpu.memref_squeeze %dma_start3A_779 : memref<1x80xi32, #tpu.memory_space<vmem>> -> memref<80xi32, #tpu.memory_space<vmem>>
    %dma_start3A_781 = arith.constant 0 : i32
    %dma_start3A_782 = arith.constant 0 : i32
    %dma_start3A_783 = tpu.memref_slice %arg9[%dma_start3A_781, %dma_start3A_782] : memref<128000x128xf32, #tpu.memory_space<hbm>> -> memref<128000x128xf32, #tpu.memory_space<hbm>>
    tpu.enqueue_indirect_dma source(%dma_start3A_777 : memref<80x128xf32, #tpu.memory_space<vmem>>) target(%dma_start3A_783 : memref<128000x128xf32, #tpu.memory_space<hbm>>) offsets(%dma_start3A_780 : memref<80xi32, #tpu.memory_space<vmem>>) semaphore(%arg19 : memref<!tpu.dma_semaphore, #tpu.memory_space<semaphore_mem>>)
    %dma_wait3A_784 = arith.constant 1 : i32
    %dma_wait3A_785 = arith.constant 13 : i32
    %dma_wait3A_786 = arith.constant 0 : i32
    %dma_wait3A_787 = arith.constant 0 : i32
    %dma_wait3A_788 = tpu.memref_slice %arg17[%dma_wait3A_784, %dma_wait3A_786, %dma_wait3A_787] : memref<4x80x128xf32, #tpu.memory_space<vmem>> -> memref<1x80x128xf32, #tpu.memory_space<vmem>>
    %dma_wait3A_789 = tpu.memref_squeeze %dma_wait3A_788 : memref<1x80x128xf32, #tpu.memory_space<vmem>> -> memref<80x128xf32, #tpu.memory_space<vmem>>
    %dma_wait3A_790 = arith.constant 0 : i32
    %dma_wait3A_791 = tpu.memref_slice %arg15[%dma_wait3A_785, %dma_wait3A_790] : memref<50x80xi32, #tpu.memory_space<vmem>> -> memref<1x80xi32, #tpu.memory_space<vmem>>
    %dma_wait3A_792 = tpu.memref_squeeze %dma_wait3A_791 : memref<1x80xi32, #tpu.memory_space<vmem>> -> memref<80xi32, #tpu.memory_space<vmem>>
    %dma_wait3A_793 = arith.constant 0 : i32
    %dma_wait3A_794 = arith.constant 0 : i32
    %dma_wait3A_795 = tpu.memref_slice %arg9[%dma_wait3A_793, %dma_wait3A_794] : memref<128000x128xf32, #tpu.memory_space<hbm>> -> memref<128000x128xf32, #tpu.memory_space<hbm>>
    tpu.wait_indirect_dma semaphore(%arg19 : memref<!tpu.dma_semaphore, #tpu.memory_space<semaphore_mem>>) src(%dma_wait3A_789 : memref<80x128xf32, #tpu.memory_space<vmem>>) dst(%dma_wait3A_795 : memref<128000x128xf32, #tpu.memory_space<hbm>>)
    %dma_start3A_796 = arith.constant 1 : i32
    %dma_start3A_797 = arith.constant 0 : i32
    %dma_start3A_798 = arith.constant 0 : i32
    %dma_start3A_799 = tpu.memref_slice %arg17[%dma_start3A_796, %dma_start3A_797, %dma_start3A_798] : memref<4x80x128xf32, #tpu.memory_space<vmem>> -> memref<1x80x128xf32, #tpu.memory_space<vmem>>
    %dma_start3A_800 = tpu.memref_squeeze %dma_start3A_799 : memref<1x80x128xf32, #tpu.memory_space<vmem>> -> memref<80x128xf32, #tpu.memory_space<vmem>>
    %dma_start3A_801 = arith.constant 1360 : i32
    %dma_start3A_802 = tpu.memref_slice %arg13[%dma_start3A_801] : memref<4000xi32, #tpu.memory_space<vmem>> -> memref<80xi32, #tpu.memory_space<vmem>>
    %dma_start3A_803 = arith.constant 0 : i32
    %dma_start3A_804 = arith.constant 0 : i32
    %dma_start3A_805 = tpu.memref_slice %arg5[%dma_start3A_803, %dma_start3A_804] : memref<16000x128xf32, #tpu.memory_space<hbm>> -> memref<16000x128xf32, #tpu.memory_space<hbm>>
    tpu.enqueue_indirect_dma source(%dma_start3A_805 : memref<16000x128xf32, #tpu.memory_space<hbm>>) target(%dma_start3A_800 : memref<80x128xf32, #tpu.memory_space<vmem>>) offsets(%dma_start3A_802 : memref<80xi32, #tpu.memory_space<vmem>>) semaphore(%arg18 : memref<!tpu.dma_semaphore, #tpu.memory_space<semaphore_mem>>)
    %dma_wait3A_806 = arith.constant 1 : i32
    %dma_wait3A_807 = arith.constant 0 : i32
    %dma_wait3A_808 = arith.constant 0 : i32
    %dma_wait3A_809 = tpu.memref_slice %arg17[%dma_wait3A_806, %dma_wait3A_807, %dma_wait3A_808] : memref<4x80x128xf32, #tpu.memory_space<vmem>> -> memref<1x80x128xf32, #tpu.memory_space<vmem>>
    %dma_wait3A_810 = tpu.memref_squeeze %dma_wait3A_809 : memref<1x80x128xf32, #tpu.memory_space<vmem>> -> memref<80x128xf32, #tpu.memory_space<vmem>>
    %dma_wait3A_811 = arith.constant 1360 : i32
    %dma_wait3A_812 = tpu.memref_slice %arg13[%dma_wait3A_811] : memref<4000xi32, #tpu.memory_space<vmem>> -> memref<80xi32, #tpu.memory_space<vmem>>
    %dma_wait3A_813 = arith.constant 0 : i32
    %dma_wait3A_814 = arith.constant 0 : i32
    %dma_wait3A_815 = tpu.memref_slice %arg5[%dma_wait3A_813, %dma_wait3A_814] : memref<16000x128xf32, #tpu.memory_space<hbm>> -> memref<16000x128xf32, #tpu.memory_space<hbm>>
    tpu.wait_indirect_dma semaphore(%arg18 : memref<!tpu.dma_semaphore, #tpu.memory_space<semaphore_mem>>) src(%dma_wait3A_815 : memref<16000x128xf32, #tpu.memory_space<hbm>>) dst(%dma_wait3A_810 : memref<80x128xf32, #tpu.memory_space<vmem>>)
    %dma_start3A_816 = arith.constant 1 : i32
    %dma_start3A_817 = arith.constant 17 : i32
    %dma_start3A_818 = arith.constant 0 : i32
    %dma_start3A_819 = arith.constant 0 : i32
    %dma_start3A_820 = tpu.memref_slice %arg17[%dma_start3A_816, %dma_start3A_818, %dma_start3A_819] : memref<4x80x128xf32, #tpu.memory_space<vmem>> -> memref<1x80x128xf32, #tpu.memory_space<vmem>>
    %dma_start3A_821 = tpu.memref_squeeze %dma_start3A_820 : memref<1x80x128xf32, #tpu.memory_space<vmem>> -> memref<80x128xf32, #tpu.memory_space<vmem>>
    %dma_start3A_822 = arith.constant 0 : i32
    %dma_start3A_823 = tpu.memref_slice %arg15[%dma_start3A_817, %dma_start3A_822] : memref<50x80xi32, #tpu.memory_space<vmem>> -> memref<1x80xi32, #tpu.memory_space<vmem>>
    %dma_start3A_824 = tpu.memref_squeeze %dma_start3A_823 : memref<1x80xi32, #tpu.memory_space<vmem>> -> memref<80xi32, #tpu.memory_space<vmem>>
    %dma_start3A_825 = arith.constant 0 : i32
    %dma_start3A_826 = arith.constant 0 : i32
    %dma_start3A_827 = tpu.memref_slice %arg9[%dma_start3A_825, %dma_start3A_826] : memref<128000x128xf32, #tpu.memory_space<hbm>> -> memref<128000x128xf32, #tpu.memory_space<hbm>>
    tpu.enqueue_indirect_dma source(%dma_start3A_821 : memref<80x128xf32, #tpu.memory_space<vmem>>) target(%dma_start3A_827 : memref<128000x128xf32, #tpu.memory_space<hbm>>) offsets(%dma_start3A_824 : memref<80xi32, #tpu.memory_space<vmem>>) semaphore(%arg19 : memref<!tpu.dma_semaphore, #tpu.memory_space<semaphore_mem>>)
    %dma_wait3A_828 = arith.constant 2 : i32
    %dma_wait3A_829 = arith.constant 14 : i32
    %dma_wait3A_830 = arith.constant 0 : i32
    %dma_wait3A_831 = arith.constant 0 : i32
    %dma_wait3A_832 = tpu.memref_slice %arg17[%dma_wait3A_828, %dma_wait3A_830, %dma_wait3A_831] : memref<4x80x128xf32, #tpu.memory_space<vmem>> -> memref<1x80x128xf32, #tpu.memory_space<vmem>>
    %dma_wait3A_833 = tpu.memref_squeeze %dma_wait3A_832 : memref<1x80x128xf32, #tpu.memory_space<vmem>> -> memref<80x128xf32, #tpu.memory_space<vmem>>
    %dma_wait3A_834 = arith.constant 0 : i32
    %dma_wait3A_835 = tpu.memref_slice %arg15[%dma_wait3A_829, %dma_wait3A_834] : memref<50x80xi32, #tpu.memory_space<vmem>> -> memref<1x80xi32, #tpu.memory_space<vmem>>
    %dma_wait3A_836 = tpu.memref_squeeze %dma_wait3A_835 : memref<1x80xi32, #tpu.memory_space<vmem>> -> memref<80xi32, #tpu.memory_space<vmem>>
    %dma_wait3A_837 = arith.constant 0 : i32
    %dma_wait3A_838 = arith.constant 0 : i32
    %dma_wait3A_839 = tpu.memref_slice %arg9[%dma_wait3A_837, %dma_wait3A_838] : memref<128000x128xf32, #tpu.memory_space<hbm>> -> memref<128000x128xf32, #tpu.memory_space<hbm>>
    tpu.wait_indirect_dma semaphore(%arg19 : memref<!tpu.dma_semaphore, #tpu.memory_space<semaphore_mem>>) src(%dma_wait3A_833 : memref<80x128xf32, #tpu.memory_space<vmem>>) dst(%dma_wait3A_839 : memref<128000x128xf32, #tpu.memory_space<hbm>>)
    %dma_start3A_840 = arith.constant 2 : i32
    %dma_start3A_841 = arith.constant 0 : i32
    %dma_start3A_842 = arith.constant 0 : i32
    %dma_start3A_843 = tpu.memref_slice %arg17[%dma_start3A_840, %dma_start3A_841, %dma_start3A_842] : memref<4x80x128xf32, #tpu.memory_space<vmem>> -> memref<1x80x128xf32, #tpu.memory_space<vmem>>
    %dma_start3A_844 = tpu.memref_squeeze %dma_start3A_843 : memref<1x80x128xf32, #tpu.memory_space<vmem>> -> memref<80x128xf32, #tpu.memory_space<vmem>>
    %dma_start3A_845 = arith.constant 1440 : i32
    %dma_start3A_846 = tpu.memref_slice %arg13[%dma_start3A_845] : memref<4000xi32, #tpu.memory_space<vmem>> -> memref<80xi32, #tpu.memory_space<vmem>>
    %dma_start3A_847 = arith.constant 0 : i32
    %dma_start3A_848 = arith.constant 0 : i32
    %dma_start3A_849 = tpu.memref_slice %arg5[%dma_start3A_847, %dma_start3A_848] : memref<16000x128xf32, #tpu.memory_space<hbm>> -> memref<16000x128xf32, #tpu.memory_space<hbm>>
    tpu.enqueue_indirect_dma source(%dma_start3A_849 : memref<16000x128xf32, #tpu.memory_space<hbm>>) target(%dma_start3A_844 : memref<80x128xf32, #tpu.memory_space<vmem>>) offsets(%dma_start3A_846 : memref<80xi32, #tpu.memory_space<vmem>>) semaphore(%arg18 : memref<!tpu.dma_semaphore, #tpu.memory_space<semaphore_mem>>)
    %dma_wait3A_850 = arith.constant 2 : i32
    %dma_wait3A_851 = arith.constant 0 : i32
    %dma_wait3A_852 = arith.constant 0 : i32
    %dma_wait3A_853 = tpu.memref_slice %arg17[%dma_wait3A_850, %dma_wait3A_851, %dma_wait3A_852] : memref<4x80x128xf32, #tpu.memory_space<vmem>> -> memref<1x80x128xf32, #tpu.memory_space<vmem>>
    %dma_wait3A_854 = tpu.memref_squeeze %dma_wait3A_853 : memref<1x80x128xf32, #tpu.memory_space<vmem>> -> memref<80x128xf32, #tpu.memory_space<vmem>>
    %dma_wait3A_855 = arith.constant 1440 : i32
    %dma_wait3A_856 = tpu.memref_slice %arg13[%dma_wait3A_855] : memref<4000xi32, #tpu.memory_space<vmem>> -> memref<80xi32, #tpu.memory_space<vmem>>
    %dma_wait3A_857 = arith.constant 0 : i32
    %dma_wait3A_858 = arith.constant 0 : i32
    %dma_wait3A_859 = tpu.memref_slice %arg5[%dma_wait3A_857, %dma_wait3A_858] : memref<16000x128xf32, #tpu.memory_space<hbm>> -> memref<16000x128xf32, #tpu.memory_space<hbm>>
    tpu.wait_indirect_dma semaphore(%arg18 : memref<!tpu.dma_semaphore, #tpu.memory_space<semaphore_mem>>) src(%dma_wait3A_859 : memref<16000x128xf32, #tpu.memory_space<hbm>>) dst(%dma_wait3A_854 : memref<80x128xf32, #tpu.memory_space<vmem>>)
    %dma_start3A_860 = arith.constant 2 : i32
    %dma_start3A_861 = arith.constant 18 : i32
    %dma_start3A_862 = arith.constant 0 : i32
    %dma_start3A_863 = arith.constant 0 : i32
    %dma_start3A_864 = tpu.memref_slice %arg17[%dma_start3A_860, %dma_start3A_862, %dma_start3A_863] : memref<4x80x128xf32, #tpu.memory_space<vmem>> -> memref<1x80x128xf32, #tpu.memory_space<vmem>>
    %dma_start3A_865 = tpu.memref_squeeze %dma_start3A_864 : memref<1x80x128xf32, #tpu.memory_space<vmem>> -> memref<80x128xf32, #tpu.memory_space<vmem>>
    %dma_start3A_866 = arith.constant 0 : i32
    %dma_start3A_867 = tpu.memref_slice %arg15[%dma_start3A_861, %dma_start3A_866] : memref<50x80xi32, #tpu.memory_space<vmem>> -> memref<1x80xi32, #tpu.memory_space<vmem>>
    %dma_start3A_868 = tpu.memref_squeeze %dma_start3A_867 : memref<1x80xi32, #tpu.memory_space<vmem>> -> memref<80xi32, #tpu.memory_space<vmem>>
    %dma_start3A_869 = arith.constant 0 : i32
    %dma_start3A_870 = arith.constant 0 : i32
    %dma_start3A_871 = tpu.memref_slice %arg9[%dma_start3A_869, %dma_start3A_870] : memref<128000x128xf32, #tpu.memory_space<hbm>> -> memref<128000x128xf32, #tpu.memory_space<hbm>>
    tpu.enqueue_indirect_dma source(%dma_start3A_865 : memref<80x128xf32, #tpu.memory_space<vmem>>) target(%dma_start3A_871 : memref<128000x128xf32, #tpu.memory_space<hbm>>) offsets(%dma_start3A_868 : memref<80xi32, #tpu.memory_space<vmem>>) semaphore(%arg19 : memref<!tpu.dma_semaphore, #tpu.memory_space<semaphore_mem>>)
    %dma_wait3A_872 = arith.constant 3 : i32
    %dma_wait3A_873 = arith.constant 15 : i32
    %dma_wait3A_874 = arith.constant 0 : i32
    %dma_wait3A_875 = arith.constant 0 : i32
    %dma_wait3A_876 = tpu.memref_slice %arg17[%dma_wait3A_872, %dma_wait3A_874, %dma_wait3A_875] : memref<4x80x128xf32, #tpu.memory_space<vmem>> -> memref<1x80x128xf32, #tpu.memory_space<vmem>>
    %dma_wait3A_877 = tpu.memref_squeeze %dma_wait3A_876 : memref<1x80x128xf32, #tpu.memory_space<vmem>> -> memref<80x128xf32, #tpu.memory_space<vmem>>
    %dma_wait3A_878 = arith.constant 0 : i32
    %dma_wait3A_879 = tpu.memref_slice %arg15[%dma_wait3A_873, %dma_wait3A_878] : memref<50x80xi32, #tpu.memory_space<vmem>> -> memref<1x80xi32, #tpu.memory_space<vmem>>
    %dma_wait3A_880 = tpu.memref_squeeze %dma_wait3A_879 : memref<1x80xi32, #tpu.memory_space<vmem>> -> memref<80xi32, #tpu.memory_space<vmem>>
    %dma_wait3A_881 = arith.constant 0 : i32
    %dma_wait3A_882 = arith.constant 0 : i32
    %dma_wait3A_883 = tpu.memref_slice %arg9[%dma_wait3A_881, %dma_wait3A_882] : memref<128000x128xf32, #tpu.memory_space<hbm>> -> memref<128000x128xf32, #tpu.memory_space<hbm>>
    tpu.wait_indirect_dma semaphore(%arg19 : memref<!tpu.dma_semaphore, #tpu.memory_space<semaphore_mem>>) src(%dma_wait3A_877 : memref<80x128xf32, #tpu.memory_space<vmem>>) dst(%dma_wait3A_883 : memref<128000x128xf32, #tpu.memory_space<hbm>>)
    %dma_start3A_884 = arith.constant 3 : i32
    %dma_start3A_885 = arith.constant 0 : i32
    %dma_start3A_886 = arith.constant 0 : i32
    %dma_start3A_887 = tpu.memref_slice %arg17[%dma_start3A_884, %dma_start3A_885, %dma_start3A_886] : memref<4x80x128xf32, #tpu.memory_space<vmem>> -> memref<1x80x128xf32, #tpu.memory_space<vmem>>
    %dma_start3A_888 = tpu.memref_squeeze %dma_start3A_887 : memref<1x80x128xf32, #tpu.memory_space<vmem>> -> memref<80x128xf32, #tpu.memory_space<vmem>>
    %dma_start3A_889 = arith.constant 1520 : i32
    %dma_start3A_890 = tpu.memref_slice %arg13[%dma_start3A_889] : memref<4000xi32, #tpu.memory_space<vmem>> -> memref<80xi32, #tpu.memory_space<vmem>>
    %dma_start3A_891 = arith.constant 0 : i32
    %dma_start3A_892 = arith.constant 0 : i32
    %dma_start3A_893 = tpu.memref_slice %arg5[%dma_start3A_891, %dma_start3A_892] : memref<16000x128xf32, #tpu.memory_space<hbm>> -> memref<16000x128xf32, #tpu.memory_space<hbm>>
    tpu.enqueue_indirect_dma source(%dma_start3A_893 : memref<16000x128xf32, #tpu.memory_space<hbm>>) target(%dma_start3A_888 : memref<80x128xf32, #tpu.memory_space<vmem>>) offsets(%dma_start3A_890 : memref<80xi32, #tpu.memory_space<vmem>>) semaphore(%arg18 : memref<!tpu.dma_semaphore, #tpu.memory_space<semaphore_mem>>)
    %dma_wait3A_894 = arith.constant 3 : i32
    %dma_wait3A_895 = arith.constant 0 : i32
    %dma_wait3A_896 = arith.constant 0 : i32
    %dma_wait3A_897 = tpu.memref_slice %arg17[%dma_wait3A_894, %dma_wait3A_895, %dma_wait3A_896] : memref<4x80x128xf32, #tpu.memory_space<vmem>> -> memref<1x80x128xf32, #tpu.memory_space<vmem>>
    %dma_wait3A_898 = tpu.memref_squeeze %dma_wait3A_897 : memref<1x80x128xf32, #tpu.memory_space<vmem>> -> memref<80x128xf32, #tpu.memory_space<vmem>>
    %dma_wait3A_899 = arith.constant 1520 : i32
    %dma_wait3A_900 = tpu.memref_slice %arg13[%dma_wait3A_899] : memref<4000xi32, #tpu.memory_space<vmem>> -> memref<80xi32, #tpu.memory_space<vmem>>
    %dma_wait3A_901 = arith.constant 0 : i32
    %dma_wait3A_902 = arith.constant 0 : i32
    %dma_wait3A_903 = tpu.memref_slice %arg5[%dma_wait3A_901, %dma_wait3A_902] : memref<16000x128xf32, #tpu.memory_space<hbm>> -> memref<16000x128xf32, #tpu.memory_space<hbm>>
    tpu.wait_indirect_dma semaphore(%arg18 : memref<!tpu.dma_semaphore, #tpu.memory_space<semaphore_mem>>) src(%dma_wait3A_903 : memref<16000x128xf32, #tpu.memory_space<hbm>>) dst(%dma_wait3A_898 : memref<80x128xf32, #tpu.memory_space<vmem>>)
    %dma_start3A_904 = arith.constant 3 : i32
    %dma_start3A_905 = arith.constant 19 : i32
    %dma_start3A_906 = arith.constant 0 : i32
    %dma_start3A_907 = arith.constant 0 : i32
    %dma_start3A_908 = tpu.memref_slice %arg17[%dma_start3A_904, %dma_start3A_906, %dma_start3A_907] : memref<4x80x128xf32, #tpu.memory_space<vmem>> -> memref<1x80x128xf32, #tpu.memory_space<vmem>>
    %dma_start3A_909 = tpu.memref_squeeze %dma_start3A_908 : memref<1x80x128xf32, #tpu.memory_space<vmem>> -> memref<80x128xf32, #tpu.memory_space<vmem>>
    %dma_start3A_910 = arith.constant 0 : i32
    %dma_start3A_911 = tpu.memref_slice %arg15[%dma_start3A_905, %dma_start3A_910] : memref<50x80xi32, #tpu.memory_space<vmem>> -> memref<1x80xi32, #tpu.memory_space<vmem>>
    %dma_start3A_912 = tpu.memref_squeeze %dma_start3A_911 : memref<1x80xi32, #tpu.memory_space<vmem>> -> memref<80xi32, #tpu.memory_space<vmem>>
    %dma_start3A_913 = arith.constant 0 : i32
    %dma_start3A_914 = arith.constant 0 : i32
    %dma_start3A_915 = tpu.memref_slice %arg9[%dma_start3A_913, %dma_start3A_914] : memref<128000x128xf32, #tpu.memory_space<hbm>> -> memref<128000x128xf32, #tpu.memory_space<hbm>>
    tpu.enqueue_indirect_dma source(%dma_start3A_909 : memref<80x128xf32, #tpu.memory_space<vmem>>) target(%dma_start3A_915 : memref<128000x128xf32, #tpu.memory_space<hbm>>) offsets(%dma_start3A_912 : memref<80xi32, #tpu.memory_space<vmem>>) semaphore(%arg19 : memref<!tpu.dma_semaphore, #tpu.memory_space<semaphore_mem>>)
    %dma_wait3A_916 = arith.constant 0 : i32
    %dma_wait3A_917 = arith.constant 16 : i32
    %dma_wait3A_918 = arith.constant 0 : i32
    %dma_wait3A_919 = arith.constant 0 : i32
    %dma_wait3A_920 = tpu.memref_slice %arg17[%dma_wait3A_916, %dma_wait3A_918, %dma_wait3A_919] : memref<4x80x128xf32, #tpu.memory_space<vmem>> -> memref<1x80x128xf32, #tpu.memory_space<vmem>>
    %dma_wait3A_921 = tpu.memref_squeeze %dma_wait3A_920 : memref<1x80x128xf32, #tpu.memory_space<vmem>> -> memref<80x128xf32, #tpu.memory_space<vmem>>
    %dma_wait3A_922 = arith.constant 0 : i32
    %dma_wait3A_923 = tpu.memref_slice %arg15[%dma_wait3A_917, %dma_wait3A_922] : memref<50x80xi32, #tpu.memory_space<vmem>> -> memref<1x80xi32, #tpu.memory_space<vmem>>
    %dma_wait3A_924 = tpu.memref_squeeze %dma_wait3A_923 : memref<1x80xi32, #tpu.memory_space<vmem>> -> memref<80xi32, #tpu.memory_space<vmem>>
    %dma_wait3A_925 = arith.constant 0 : i32
    %dma_wait3A_926 = arith.constant 0 : i32
    %dma_wait3A_927 = tpu.memref_slice %arg9[%dma_wait3A_925, %dma_wait3A_926] : memref<128000x128xf32, #tpu.memory_space<hbm>> -> memref<128000x128xf32, #tpu.memory_space<hbm>>
    tpu.wait_indirect_dma semaphore(%arg19 : memref<!tpu.dma_semaphore, #tpu.memory_space<semaphore_mem>>) src(%dma_wait3A_921 : memref<80x128xf32, #tpu.memory_space<vmem>>) dst(%dma_wait3A_927 : memref<128000x128xf32, #tpu.memory_space<hbm>>)
    %dma_start3A_928 = arith.constant 0 : i32
    %dma_start3A_929 = arith.constant 0 : i32
    %dma_start3A_930 = arith.constant 0 : i32
    %dma_start3A_931 = tpu.memref_slice %arg17[%dma_start3A_928, %dma_start3A_929, %dma_start3A_930] : memref<4x80x128xf32, #tpu.memory_space<vmem>> -> memref<1x80x128xf32, #tpu.memory_space<vmem>>
    %dma_start3A_932 = tpu.memref_squeeze %dma_start3A_931 : memref<1x80x128xf32, #tpu.memory_space<vmem>> -> memref<80x128xf32, #tpu.memory_space<vmem>>
    %dma_start3A_933 = arith.constant 1600 : i32
    %dma_start3A_934 = tpu.memref_slice %arg13[%dma_start3A_933] : memref<4000xi32, #tpu.memory_space<vmem>> -> memref<80xi32, #tpu.memory_space<vmem>>
    %dma_start3A_935 = arith.constant 0 : i32
    %dma_start3A_936 = arith.constant 0 : i32
    %dma_start3A_937 = tpu.memref_slice %arg5[%dma_start3A_935, %dma_start3A_936] : memref<16000x128xf32, #tpu.memory_space<hbm>> -> memref<16000x128xf32, #tpu.memory_space<hbm>>
    tpu.enqueue_indirect_dma source(%dma_start3A_937 : memref<16000x128xf32, #tpu.memory_space<hbm>>) target(%dma_start3A_932 : memref<80x128xf32, #tpu.memory_space<vmem>>) offsets(%dma_start3A_934 : memref<80xi32, #tpu.memory_space<vmem>>) semaphore(%arg18 : memref<!tpu.dma_semaphore, #tpu.memory_space<semaphore_mem>>)
    %dma_wait3A_938 = arith.constant 0 : i32
    %dma_wait3A_939 = arith.constant 0 : i32
    %dma_wait3A_940 = arith.constant 0 : i32
    %dma_wait3A_941 = tpu.memref_slice %arg17[%dma_wait3A_938, %dma_wait3A_939, %dma_wait3A_940] : memref<4x80x128xf32, #tpu.memory_space<vmem>> -> memref<1x80x128xf32, #tpu.memory_space<vmem>>
    %dma_wait3A_942 = tpu.memref_squeeze %dma_wait3A_941 : memref<1x80x128xf32, #tpu.memory_space<vmem>> -> memref<80x128xf32, #tpu.memory_space<vmem>>
    %dma_wait3A_943 = arith.constant 1600 : i32
    %dma_wait3A_944 = tpu.memref_slice %arg13[%dma_wait3A_943] : memref<4000xi32, #tpu.memory_space<vmem>> -> memref<80xi32, #tpu.memory_space<vmem>>
    %dma_wait3A_945 = arith.constant 0 : i32
    %dma_wait3A_946 = arith.constant 0 : i32
    %dma_wait3A_947 = tpu.memref_slice %arg5[%dma_wait3A_945, %dma_wait3A_946] : memref<16000x128xf32, #tpu.memory_space<hbm>> -> memref<16000x128xf32, #tpu.memory_space<hbm>>
    tpu.wait_indirect_dma semaphore(%arg18 : memref<!tpu.dma_semaphore, #tpu.memory_space<semaphore_mem>>) src(%dma_wait3A_947 : memref<16000x128xf32, #tpu.memory_space<hbm>>) dst(%dma_wait3A_942 : memref<80x128xf32, #tpu.memory_space<vmem>>)
    %dma_start3A_948 = arith.constant 0 : i32
    %dma_start3A_949 = arith.constant 20 : i32
    %dma_start3A_950 = arith.constant 0 : i32
    %dma_start3A_951 = arith.constant 0 : i32
    %dma_start3A_952 = tpu.memref_slice %arg17[%dma_start3A_948, %dma_start3A_950, %dma_start3A_951] : memref<4x80x128xf32, #tpu.memory_space<vmem>> -> memref<1x80x128xf32, #tpu.memory_space<vmem>>
    %dma_start3A_953 = tpu.memref_squeeze %dma_start3A_952 : memref<1x80x128xf32, #tpu.memory_space<vmem>> -> memref<80x128xf32, #tpu.memory_space<vmem>>
    %dma_start3A_954 = arith.constant 0 : i32
    %dma_start3A_955 = tpu.memref_slice %arg15[%dma_start3A_949, %dma_start3A_954] : memref<50x80xi32, #tpu.memory_space<vmem>> -> memref<1x80xi32, #tpu.memory_space<vmem>>
    %dma_start3A_956 = tpu.memref_squeeze %dma_start3A_955 : memref<1x80xi32, #tpu.memory_space<vmem>> -> memref<80xi32, #tpu.memory_space<vmem>>
    %dma_start3A_957 = arith.constant 0 : i32
    %dma_start3A_958 = arith.constant 0 : i32
    %dma_start3A_959 = tpu.memref_slice %arg9[%dma_start3A_957, %dma_start3A_958] : memref<128000x128xf32, #tpu.memory_space<hbm>> -> memref<128000x128xf32, #tpu.memory_space<hbm>>
    tpu.enqueue_indirect_dma source(%dma_start3A_953 : memref<80x128xf32, #tpu.memory_space<vmem>>) target(%dma_start3A_959 : memref<128000x128xf32, #tpu.memory_space<hbm>>) offsets(%dma_start3A_956 : memref<80xi32, #tpu.memory_space<vmem>>) semaphore(%arg19 : memref<!tpu.dma_semaphore, #tpu.memory_space<semaphore_mem>>)
    %dma_wait3A_960 = arith.constant 1 : i32
    %dma_wait3A_961 = arith.constant 17 : i32
    %dma_wait3A_962 = arith.constant 0 : i32
    %dma_wait3A_963 = arith.constant 0 : i32
    %dma_wait3A_964 = tpu.memref_slice %arg17[%dma_wait3A_960, %dma_wait3A_962, %dma_wait3A_963] : memref<4x80x128xf32, #tpu.memory_space<vmem>> -> memref<1x80x128xf32, #tpu.memory_space<vmem>>
    %dma_wait3A_965 = tpu.memref_squeeze %dma_wait3A_964 : memref<1x80x128xf32, #tpu.memory_space<vmem>> -> memref<80x128xf32, #tpu.memory_space<vmem>>
    %dma_wait3A_966 = arith.constant 0 : i32
    %dma_wait3A_967 = tpu.memref_slice %arg15[%dma_wait3A_961, %dma_wait3A_966] : memref<50x80xi32, #tpu.memory_space<vmem>> -> memref<1x80xi32, #tpu.memory_space<vmem>>
    %dma_wait3A_968 = tpu.memref_squeeze %dma_wait3A_967 : memref<1x80xi32, #tpu.memory_space<vmem>> -> memref<80xi32, #tpu.memory_space<vmem>>
    %dma_wait3A_969 = arith.constant 0 : i32
    %dma_wait3A_970 = arith.constant 0 : i32
    %dma_wait3A_971 = tpu.memref_slice %arg9[%dma_wait3A_969, %dma_wait3A_970] : memref<128000x128xf32, #tpu.memory_space<hbm>> -> memref<128000x128xf32, #tpu.memory_space<hbm>>
    tpu.wait_indirect_dma semaphore(%arg19 : memref<!tpu.dma_semaphore, #tpu.memory_space<semaphore_mem>>) src(%dma_wait3A_965 : memref<80x128xf32, #tpu.memory_space<vmem>>) dst(%dma_wait3A_971 : memref<128000x128xf32, #tpu.memory_space<hbm>>)
    %dma_start3A_972 = arith.constant 1 : i32
    %dma_start3A_973 = arith.constant 0 : i32
    %dma_start3A_974 = arith.constant 0 : i32
    %dma_start3A_975 = tpu.memref_slice %arg17[%dma_start3A_972, %dma_start3A_973, %dma_start3A_974] : memref<4x80x128xf32, #tpu.memory_space<vmem>> -> memref<1x80x128xf32, #tpu.memory_space<vmem>>
    %dma_start3A_976 = tpu.memref_squeeze %dma_start3A_975 : memref<1x80x128xf32, #tpu.memory_space<vmem>> -> memref<80x128xf32, #tpu.memory_space<vmem>>
    %dma_start3A_977 = arith.constant 1680 : i32
    %dma_start3A_978 = tpu.memref_slice %arg13[%dma_start3A_977] : memref<4000xi32, #tpu.memory_space<vmem>> -> memref<80xi32, #tpu.memory_space<vmem>>
    %dma_start3A_979 = arith.constant 0 : i32
    %dma_start3A_980 = arith.constant 0 : i32
    %dma_start3A_981 = tpu.memref_slice %arg5[%dma_start3A_979, %dma_start3A_980] : memref<16000x128xf32, #tpu.memory_space<hbm>> -> memref<16000x128xf32, #tpu.memory_space<hbm>>
    tpu.enqueue_indirect_dma source(%dma_start3A_981 : memref<16000x128xf32, #tpu.memory_space<hbm>>) target(%dma_start3A_976 : memref<80x128xf32, #tpu.memory_space<vmem>>) offsets(%dma_start3A_978 : memref<80xi32, #tpu.memory_space<vmem>>) semaphore(%arg18 : memref<!tpu.dma_semaphore, #tpu.memory_space<semaphore_mem>>)
    %dma_wait3A_982 = arith.constant 1 : i32
    %dma_wait3A_983 = arith.constant 0 : i32
    %dma_wait3A_984 = arith.constant 0 : i32
    %dma_wait3A_985 = tpu.memref_slice %arg17[%dma_wait3A_982, %dma_wait3A_983, %dma_wait3A_984] : memref<4x80x128xf32, #tpu.memory_space<vmem>> -> memref<1x80x128xf32, #tpu.memory_space<vmem>>
    %dma_wait3A_986 = tpu.memref_squeeze %dma_wait3A_985 : memref<1x80x128xf32, #tpu.memory_space<vmem>> -> memref<80x128xf32, #tpu.memory_space<vmem>>
    %dma_wait3A_987 = arith.constant 1680 : i32
    %dma_wait3A_988 = tpu.memref_slice %arg13[%dma_wait3A_987] : memref<4000xi32, #tpu.memory_space<vmem>> -> memref<80xi32, #tpu.memory_space<vmem>>
    %dma_wait3A_989 = arith.constant 0 : i32
    %dma_wait3A_990 = arith.constant 0 : i32
    %dma_wait3A_991 = tpu.memref_slice %arg5[%dma_wait3A_989, %dma_wait3A_990] : memref<16000x128xf32, #tpu.memory_space<hbm>> -> memref<16000x128xf32, #tpu.memory_space<hbm>>
    tpu.wait_indirect_dma semaphore(%arg18 : memref<!tpu.dma_semaphore, #tpu.memory_space<semaphore_mem>>) src(%dma_wait3A_991 : memref<16000x128xf32, #tpu.memory_space<hbm>>) dst(%dma_wait3A_986 : memref<80x128xf32, #tpu.memory_space<vmem>>)
    %dma_start3A_992 = arith.constant 1 : i32
    %dma_start3A_993 = arith.constant 21 : i32
    %dma_start3A_994 = arith.constant 0 : i32
    %dma_start3A_995 = arith.constant 0 : i32
    %dma_start3A_996 = tpu.memref_slice %arg17[%dma_start3A_992, %dma_start3A_994, %dma_start3A_995] : memref<4x80x128xf32, #tpu.memory_space<vmem>> -> memref<1x80x128xf32, #tpu.memory_space<vmem>>
    %dma_start3A_997 = tpu.memref_squeeze %dma_start3A_996 : memref<1x80x128xf32, #tpu.memory_space<vmem>> -> memref<80x128xf32, #tpu.memory_space<vmem>>
    %dma_start3A_998 = arith.constant 0 : i32
    %dma_start3A_999 = tpu.memref_slice %arg15[%dma_start3A_993, %dma_start3A_998] : memref<50x80xi32, #tpu.memory_space<vmem>> -> memref<1x80xi32, #tpu.memory_space<vmem>>
    %dma_start3A_1000 = tpu.memref_squeeze %dma_start3A_999 : memref<1x80xi32, #tpu.memory_space<vmem>> -> memref<80xi32, #tpu.memory_space<vmem>>
    %dma_start3A_1001 = arith.constant 0 : i32
    %dma_start3A_1002 = arith.constant 0 : i32
    %dma_start3A_1003 = tpu.memref_slice %arg9[%dma_start3A_1001, %dma_start3A_1002] : memref<128000x128xf32, #tpu.memory_space<hbm>> -> memref<128000x128xf32, #tpu.memory_space<hbm>>
    tpu.enqueue_indirect_dma source(%dma_start3A_997 : memref<80x128xf32, #tpu.memory_space<vmem>>) target(%dma_start3A_1003 : memref<128000x128xf32, #tpu.memory_space<hbm>>) offsets(%dma_start3A_1000 : memref<80xi32, #tpu.memory_space<vmem>>) semaphore(%arg19 : memref<!tpu.dma_semaphore, #tpu.memory_space<semaphore_mem>>)
    %dma_wait3A_1004 = arith.constant 2 : i32
    %dma_wait3A_1005 = arith.constant 18 : i32
    %dma_wait3A_1006 = arith.constant 0 : i32
    %dma_wait3A_1007 = arith.constant 0 : i32
    %dma_wait3A_1008 = tpu.memref_slice %arg17[%dma_wait3A_1004, %dma_wait3A_1006, %dma_wait3A_1007] : memref<4x80x128xf32, #tpu.memory_space<vmem>> -> memref<1x80x128xf32, #tpu.memory_space<vmem>>
    %dma_wait3A_1009 = tpu.memref_squeeze %dma_wait3A_1008 : memref<1x80x128xf32, #tpu.memory_space<vmem>> -> memref<80x128xf32, #tpu.memory_space<vmem>>
    %dma_wait3A_1010 = arith.constant 0 : i32
    %dma_wait3A_1011 = tpu.memref_slice %arg15[%dma_wait3A_1005, %dma_wait3A_1010] : memref<50x80xi32, #tpu.memory_space<vmem>> -> memref<1x80xi32, #tpu.memory_space<vmem>>
    %dma_wait3A_1012 = tpu.memref_squeeze %dma_wait3A_1011 : memref<1x80xi32, #tpu.memory_space<vmem>> -> memref<80xi32, #tpu.memory_space<vmem>>
    %dma_wait3A_1013 = arith.constant 0 : i32
    %dma_wait3A_1014 = arith.constant 0 : i32
    %dma_wait3A_1015 = tpu.memref_slice %arg9[%dma_wait3A_1013, %dma_wait3A_1014] : memref<128000x128xf32, #tpu.memory_space<hbm>> -> memref<128000x128xf32, #tpu.memory_space<hbm>>
    tpu.wait_indirect_dma semaphore(%arg19 : memref<!tpu.dma_semaphore, #tpu.memory_space<semaphore_mem>>) src(%dma_wait3A_1009 : memref<80x128xf32, #tpu.memory_space<vmem>>) dst(%dma_wait3A_1015 : memref<128000x128xf32, #tpu.memory_space<hbm>>)
    %dma_start3A_1016 = arith.constant 2 : i32
    %dma_start3A_1017 = arith.constant 0 : i32
    %dma_start3A_1018 = arith.constant 0 : i32
    %dma_start3A_1019 = tpu.memref_slice %arg17[%dma_start3A_1016, %dma_start3A_1017, %dma_start3A_1018] : memref<4x80x128xf32, #tpu.memory_space<vmem>> -> memref<1x80x128xf32, #tpu.memory_space<vmem>>
    %dma_start3A_1020 = tpu.memref_squeeze %dma_start3A_1019 : memref<1x80x128xf32, #tpu.memory_space<vmem>> -> memref<80x128xf32, #tpu.memory_space<vmem>>
    %dma_start3A_1021 = arith.constant 1760 : i32
    %dma_start3A_1022 = tpu.memref_slice %arg13[%dma_start3A_1021] : memref<4000xi32, #tpu.memory_space<vmem>> -> memref<80xi32, #tpu.memory_space<vmem>>
    %dma_start3A_1023 = arith.constant 0 : i32
    %dma_start3A_1024 = arith.constant 0 : i32
    %dma_start3A_1025 = tpu.memref_slice %arg5[%dma_start3A_1023, %dma_start3A_1024] : memref<16000x128xf32, #tpu.memory_space<hbm>> -> memref<16000x128xf32, #tpu.memory_space<hbm>>
    tpu.enqueue_indirect_dma source(%dma_start3A_1025 : memref<16000x128xf32, #tpu.memory_space<hbm>>) target(%dma_start3A_1020 : memref<80x128xf32, #tpu.memory_space<vmem>>) offsets(%dma_start3A_1022 : memref<80xi32, #tpu.memory_space<vmem>>) semaphore(%arg18 : memref<!tpu.dma_semaphore, #tpu.memory_space<semaphore_mem>>)
    %dma_wait3A_1026 = arith.constant 2 : i32
    %dma_wait3A_1027 = arith.constant 0 : i32
    %dma_wait3A_1028 = arith.constant 0 : i32
    %dma_wait3A_1029 = tpu.memref_slice %arg17[%dma_wait3A_1026, %dma_wait3A_1027, %dma_wait3A_1028] : memref<4x80x128xf32, #tpu.memory_space<vmem>> -> memref<1x80x128xf32, #tpu.memory_space<vmem>>
    %dma_wait3A_1030 = tpu.memref_squeeze %dma_wait3A_1029 : memref<1x80x128xf32, #tpu.memory_space<vmem>> -> memref<80x128xf32, #tpu.memory_space<vmem>>
    %dma_wait3A_1031 = arith.constant 1760 : i32
    %dma_wait3A_1032 = tpu.memref_slice %arg13[%dma_wait3A_1031] : memref<4000xi32, #tpu.memory_space<vmem>> -> memref<80xi32, #tpu.memory_space<vmem>>
    %dma_wait3A_1033 = arith.constant 0 : i32
    %dma_wait3A_1034 = arith.constant 0 : i32
    %dma_wait3A_1035 = tpu.memref_slice %arg5[%dma_wait3A_1033, %dma_wait3A_1034] : memref<16000x128xf32, #tpu.memory_space<hbm>> -> memref<16000x128xf32, #tpu.memory_space<hbm>>
    tpu.wait_indirect_dma semaphore(%arg18 : memref<!tpu.dma_semaphore, #tpu.memory_space<semaphore_mem>>) src(%dma_wait3A_1035 : memref<16000x128xf32, #tpu.memory_space<hbm>>) dst(%dma_wait3A_1030 : memref<80x128xf32, #tpu.memory_space<vmem>>)
    %dma_start3A_1036 = arith.constant 2 : i32
    %dma_start3A_1037 = arith.constant 22 : i32
    %dma_start3A_1038 = arith.constant 0 : i32
    %dma_start3A_1039 = arith.constant 0 : i32
    %dma_start3A_1040 = tpu.memref_slice %arg17[%dma_start3A_1036, %dma_start3A_1038, %dma_start3A_1039] : memref<4x80x128xf32, #tpu.memory_space<vmem>> -> memref<1x80x128xf32, #tpu.memory_space<vmem>>
    %dma_start3A_1041 = tpu.memref_squeeze %dma_start3A_1040 : memref<1x80x128xf32, #tpu.memory_space<vmem>> -> memref<80x128xf32, #tpu.memory_space<vmem>>
    %dma_start3A_1042 = arith.constant 0 : i32
    %dma_start3A_1043 = tpu.memref_slice %arg15[%dma_start3A_1037, %dma_start3A_1042] : memref<50x80xi32, #tpu.memory_space<vmem>> -> memref<1x80xi32, #tpu.memory_space<vmem>>
    %dma_start3A_1044 = tpu.memref_squeeze %dma_start3A_1043 : memref<1x80xi32, #tpu.memory_space<vmem>> -> memref<80xi32, #tpu.memory_space<vmem>>
    %dma_start3A_1045 = arith.constant 0 : i32
    %dma_start3A_1046 = arith.constant 0 : i32
    %dma_start3A_1047 = tpu.memref_slice %arg9[%dma_start3A_1045, %dma_start3A_1046] : memref<128000x128xf32, #tpu.memory_space<hbm>> -> memref<128000x128xf32, #tpu.memory_space<hbm>>
    tpu.enqueue_indirect_dma source(%dma_start3A_1041 : memref<80x128xf32, #tpu.memory_space<vmem>>) target(%dma_start3A_1047 : memref<128000x128xf32, #tpu.memory_space<hbm>>) offsets(%dma_start3A_1044 : memref<80xi32, #tpu.memory_space<vmem>>) semaphore(%arg19 : memref<!tpu.dma_semaphore, #tpu.memory_space<semaphore_mem>>)
    %dma_wait3A_1048 = arith.constant 3 : i32
    %dma_wait3A_1049 = arith.constant 19 : i32
    %dma_wait3A_1050 = arith.constant 0 : i32
    %dma_wait3A_1051 = arith.constant 0 : i32
    %dma_wait3A_1052 = tpu.memref_slice %arg17[%dma_wait3A_1048, %dma_wait3A_1050, %dma_wait3A_1051] : memref<4x80x128xf32, #tpu.memory_space<vmem>> -> memref<1x80x128xf32, #tpu.memory_space<vmem>>
    %dma_wait3A_1053 = tpu.memref_squeeze %dma_wait3A_1052 : memref<1x80x128xf32, #tpu.memory_space<vmem>> -> memref<80x128xf32, #tpu.memory_space<vmem>>
    %dma_wait3A_1054 = arith.constant 0 : i32
    %dma_wait3A_1055 = tpu.memref_slice %arg15[%dma_wait3A_1049, %dma_wait3A_1054] : memref<50x80xi32, #tpu.memory_space<vmem>> -> memref<1x80xi32, #tpu.memory_space<vmem>>
    %dma_wait3A_1056 = tpu.memref_squeeze %dma_wait3A_1055 : memref<1x80xi32, #tpu.memory_space<vmem>> -> memref<80xi32, #tpu.memory_space<vmem>>
    %dma_wait3A_1057 = arith.constant 0 : i32
    %dma_wait3A_1058 = arith.constant 0 : i32
    %dma_wait3A_1059 = tpu.memref_slice %arg9[%dma_wait3A_1057, %dma_wait3A_1058] : memref<128000x128xf32, #tpu.memory_space<hbm>> -> memref<128000x128xf32, #tpu.memory_space<hbm>>
    tpu.wait_indirect_dma semaphore(%arg19 : memref<!tpu.dma_semaphore, #tpu.memory_space<semaphore_mem>>) src(%dma_wait3A_1053 : memref<80x128xf32, #tpu.memory_space<vmem>>) dst(%dma_wait3A_1059 : memref<128000x128xf32, #tpu.memory_space<hbm>>)
    %dma_start3A_1060 = arith.constant 3 : i32
    %dma_start3A_1061 = arith.constant 0 : i32
    %dma_start3A_1062 = arith.constant 0 : i32
    %dma_start3A_1063 = tpu.memref_slice %arg17[%dma_start3A_1060, %dma_start3A_1061, %dma_start3A_1062] : memref<4x80x128xf32, #tpu.memory_space<vmem>> -> memref<1x80x128xf32, #tpu.memory_space<vmem>>
    %dma_start3A_1064 = tpu.memref_squeeze %dma_start3A_1063 : memref<1x80x128xf32, #tpu.memory_space<vmem>> -> memref<80x128xf32, #tpu.memory_space<vmem>>
    %dma_start3A_1065 = arith.constant 1840 : i32
    %dma_start3A_1066 = tpu.memref_slice %arg13[%dma_start3A_1065] : memref<4000xi32, #tpu.memory_space<vmem>> -> memref<80xi32, #tpu.memory_space<vmem>>
    %dma_start3A_1067 = arith.constant 0 : i32
    %dma_start3A_1068 = arith.constant 0 : i32
    %dma_start3A_1069 = tpu.memref_slice %arg5[%dma_start3A_1067, %dma_start3A_1068] : memref<16000x128xf32, #tpu.memory_space<hbm>> -> memref<16000x128xf32, #tpu.memory_space<hbm>>
    tpu.enqueue_indirect_dma source(%dma_start3A_1069 : memref<16000x128xf32, #tpu.memory_space<hbm>>) target(%dma_start3A_1064 : memref<80x128xf32, #tpu.memory_space<vmem>>) offsets(%dma_start3A_1066 : memref<80xi32, #tpu.memory_space<vmem>>) semaphore(%arg18 : memref<!tpu.dma_semaphore, #tpu.memory_space<semaphore_mem>>)
    %dma_wait3A_1070 = arith.constant 3 : i32
    %dma_wait3A_1071 = arith.constant 0 : i32
    %dma_wait3A_1072 = arith.constant 0 : i32
    %dma_wait3A_1073 = tpu.memref_slice %arg17[%dma_wait3A_1070, %dma_wait3A_1071, %dma_wait3A_1072] : memref<4x80x128xf32, #tpu.memory_space<vmem>> -> memref<1x80x128xf32, #tpu.memory_space<vmem>>
    %dma_wait3A_1074 = tpu.memref_squeeze %dma_wait3A_1073 : memref<1x80x128xf32, #tpu.memory_space<vmem>> -> memref<80x128xf32, #tpu.memory_space<vmem>>
    %dma_wait3A_1075 = arith.constant 1840 : i32
    %dma_wait3A_1076 = tpu.memref_slice %arg13[%dma_wait3A_1075] : memref<4000xi32, #tpu.memory_space<vmem>> -> memref<80xi32, #tpu.memory_space<vmem>>
    %dma_wait3A_1077 = arith.constant 0 : i32
    %dma_wait3A_1078 = arith.constant 0 : i32
    %dma_wait3A_1079 = tpu.memref_slice %arg5[%dma_wait3A_1077, %dma_wait3A_1078] : memref<16000x128xf32, #tpu.memory_space<hbm>> -> memref<16000x128xf32, #tpu.memory_space<hbm>>
    tpu.wait_indirect_dma semaphore(%arg18 : memref<!tpu.dma_semaphore, #tpu.memory_space<semaphore_mem>>) src(%dma_wait3A_1079 : memref<16000x128xf32, #tpu.memory_space<hbm>>) dst(%dma_wait3A_1074 : memref<80x128xf32, #tpu.memory_space<vmem>>)
    %dma_start3A_1080 = arith.constant 3 : i32
    %dma_start3A_1081 = arith.constant 23 : i32
    %dma_start3A_1082 = arith.constant 0 : i32
    %dma_start3A_1083 = arith.constant 0 : i32
    %dma_start3A_1084 = tpu.memref_slice %arg17[%dma_start3A_1080, %dma_start3A_1082, %dma_start3A_1083] : memref<4x80x128xf32, #tpu.memory_space<vmem>> -> memref<1x80x128xf32, #tpu.memory_space<vmem>>
    %dma_start3A_1085 = tpu.memref_squeeze %dma_start3A_1084 : memref<1x80x128xf32, #tpu.memory_space<vmem>> -> memref<80x128xf32, #tpu.memory_space<vmem>>
    %dma_start3A_1086 = arith.constant 0 : i32
    %dma_start3A_1087 = tpu.memref_slice %arg15[%dma_start3A_1081, %dma_start3A_1086] : memref<50x80xi32, #tpu.memory_space<vmem>> -> memref<1x80xi32, #tpu.memory_space<vmem>>
    %dma_start3A_1088 = tpu.memref_squeeze %dma_start3A_1087 : memref<1x80xi32, #tpu.memory_space<vmem>> -> memref<80xi32, #tpu.memory_space<vmem>>
    %dma_start3A_1089 = arith.constant 0 : i32
    %dma_start3A_1090 = arith.constant 0 : i32
    %dma_start3A_1091 = tpu.memref_slice %arg9[%dma_start3A_1089, %dma_start3A_1090] : memref<128000x128xf32, #tpu.memory_space<hbm>> -> memref<128000x128xf32, #tpu.memory_space<hbm>>
    tpu.enqueue_indirect_dma source(%dma_start3A_1085 : memref<80x128xf32, #tpu.memory_space<vmem>>) target(%dma_start3A_1091 : memref<128000x128xf32, #tpu.memory_space<hbm>>) offsets(%dma_start3A_1088 : memref<80xi32, #tpu.memory_space<vmem>>) semaphore(%arg19 : memref<!tpu.dma_semaphore, #tpu.memory_space<semaphore_mem>>)
    %dma_wait3A_1092 = arith.constant 0 : i32
    %dma_wait3A_1093 = arith.constant 20 : i32
    %dma_wait3A_1094 = arith.constant 0 : i32
    %dma_wait3A_1095 = arith.constant 0 : i32
    %dma_wait3A_1096 = tpu.memref_slice %arg17[%dma_wait3A_1092, %dma_wait3A_1094, %dma_wait3A_1095] : memref<4x80x128xf32, #tpu.memory_space<vmem>> -> memref<1x80x128xf32, #tpu.memory_space<vmem>>
    %dma_wait3A_1097 = tpu.memref_squeeze %dma_wait3A_1096 : memref<1x80x128xf32, #tpu.memory_space<vmem>> -> memref<80x128xf32, #tpu.memory_space<vmem>>
    %dma_wait3A_1098 = arith.constant 0 : i32
    %dma_wait3A_1099 = tpu.memref_slice %arg15[%dma_wait3A_1093, %dma_wait3A_1098] : memref<50x80xi32, #tpu.memory_space<vmem>> -> memref<1x80xi32, #tpu.memory_space<vmem>>
    %dma_wait3A_1100 = tpu.memref_squeeze %dma_wait3A_1099 : memref<1x80xi32, #tpu.memory_space<vmem>> -> memref<80xi32, #tpu.memory_space<vmem>>
    %dma_wait3A_1101 = arith.constant 0 : i32
    %dma_wait3A_1102 = arith.constant 0 : i32
    %dma_wait3A_1103 = tpu.memref_slice %arg9[%dma_wait3A_1101, %dma_wait3A_1102] : memref<128000x128xf32, #tpu.memory_space<hbm>> -> memref<128000x128xf32, #tpu.memory_space<hbm>>
    tpu.wait_indirect_dma semaphore(%arg19 : memref<!tpu.dma_semaphore, #tpu.memory_space<semaphore_mem>>) src(%dma_wait3A_1097 : memref<80x128xf32, #tpu.memory_space<vmem>>) dst(%dma_wait3A_1103 : memref<128000x128xf32, #tpu.memory_space<hbm>>)
    %dma_start3A_1104 = arith.constant 0 : i32
    %dma_start3A_1105 = arith.constant 0 : i32
    %dma_start3A_1106 = arith.constant 0 : i32
    %dma_start3A_1107 = tpu.memref_slice %arg17[%dma_start3A_1104, %dma_start3A_1105, %dma_start3A_1106] : memref<4x80x128xf32, #tpu.memory_space<vmem>> -> memref<1x80x128xf32, #tpu.memory_space<vmem>>
    %dma_start3A_1108 = tpu.memref_squeeze %dma_start3A_1107 : memref<1x80x128xf32, #tpu.memory_space<vmem>> -> memref<80x128xf32, #tpu.memory_space<vmem>>
    %dma_start3A_1109 = arith.constant 1920 : i32
    %dma_start3A_1110 = tpu.memref_slice %arg13[%dma_start3A_1109] : memref<4000xi32, #tpu.memory_space<vmem>> -> memref<80xi32, #tpu.memory_space<vmem>>
    %dma_start3A_1111 = arith.constant 0 : i32
    %dma_start3A_1112 = arith.constant 0 : i32
    %dma_start3A_1113 = tpu.memref_slice %arg5[%dma_start3A_1111, %dma_start3A_1112] : memref<16000x128xf32, #tpu.memory_space<hbm>> -> memref<16000x128xf32, #tpu.memory_space<hbm>>
    tpu.enqueue_indirect_dma source(%dma_start3A_1113 : memref<16000x128xf32, #tpu.memory_space<hbm>>) target(%dma_start3A_1108 : memref<80x128xf32, #tpu.memory_space<vmem>>) offsets(%dma_start3A_1110 : memref<80xi32, #tpu.memory_space<vmem>>) semaphore(%arg18 : memref<!tpu.dma_semaphore, #tpu.memory_space<semaphore_mem>>)
    %dma_wait3A_1114 = arith.constant 0 : i32
    %dma_wait3A_1115 = arith.constant 0 : i32
    %dma_wait3A_1116 = arith.constant 0 : i32
    %dma_wait3A_1117 = tpu.memref_slice %arg17[%dma_wait3A_1114, %dma_wait3A_1115, %dma_wait3A_1116] : memref<4x80x128xf32, #tpu.memory_space<vmem>> -> memref<1x80x128xf32, #tpu.memory_space<vmem>>
    %dma_wait3A_1118 = tpu.memref_squeeze %dma_wait3A_1117 : memref<1x80x128xf32, #tpu.memory_space<vmem>> -> memref<80x128xf32, #tpu.memory_space<vmem>>
    %dma_wait3A_1119 = arith.constant 1920 : i32
    %dma_wait3A_1120 = tpu.memref_slice %arg13[%dma_wait3A_1119] : memref<4000xi32, #tpu.memory_space<vmem>> -> memref<80xi32, #tpu.memory_space<vmem>>
    %dma_wait3A_1121 = arith.constant 0 : i32
    %dma_wait3A_1122 = arith.constant 0 : i32
    %dma_wait3A_1123 = tpu.memref_slice %arg5[%dma_wait3A_1121, %dma_wait3A_1122] : memref<16000x128xf32, #tpu.memory_space<hbm>> -> memref<16000x128xf32, #tpu.memory_space<hbm>>
    tpu.wait_indirect_dma semaphore(%arg18 : memref<!tpu.dma_semaphore, #tpu.memory_space<semaphore_mem>>) src(%dma_wait3A_1123 : memref<16000x128xf32, #tpu.memory_space<hbm>>) dst(%dma_wait3A_1118 : memref<80x128xf32, #tpu.memory_space<vmem>>)
    %dma_start3A_1124 = arith.constant 0 : i32
    %dma_start3A_1125 = arith.constant 24 : i32
    %dma_start3A_1126 = arith.constant 0 : i32
    %dma_start3A_1127 = arith.constant 0 : i32
    %dma_start3A_1128 = tpu.memref_slice %arg17[%dma_start3A_1124, %dma_start3A_1126, %dma_start3A_1127] : memref<4x80x128xf32, #tpu.memory_space<vmem>> -> memref<1x80x128xf32, #tpu.memory_space<vmem>>
    %dma_start3A_1129 = tpu.memref_squeeze %dma_start3A_1128 : memref<1x80x128xf32, #tpu.memory_space<vmem>> -> memref<80x128xf32, #tpu.memory_space<vmem>>
    %dma_start3A_1130 = arith.constant 0 : i32
    %dma_start3A_1131 = tpu.memref_slice %arg15[%dma_start3A_1125, %dma_start3A_1130] : memref<50x80xi32, #tpu.memory_space<vmem>> -> memref<1x80xi32, #tpu.memory_space<vmem>>
    %dma_start3A_1132 = tpu.memref_squeeze %dma_start3A_1131 : memref<1x80xi32, #tpu.memory_space<vmem>> -> memref<80xi32, #tpu.memory_space<vmem>>
    %dma_start3A_1133 = arith.constant 0 : i32
    %dma_start3A_1134 = arith.constant 0 : i32
    %dma_start3A_1135 = tpu.memref_slice %arg9[%dma_start3A_1133, %dma_start3A_1134] : memref<128000x128xf32, #tpu.memory_space<hbm>> -> memref<128000x128xf32, #tpu.memory_space<hbm>>
    tpu.enqueue_indirect_dma source(%dma_start3A_1129 : memref<80x128xf32, #tpu.memory_space<vmem>>) target(%dma_start3A_1135 : memref<128000x128xf32, #tpu.memory_space<hbm>>) offsets(%dma_start3A_1132 : memref<80xi32, #tpu.memory_space<vmem>>) semaphore(%arg19 : memref<!tpu.dma_semaphore, #tpu.memory_space<semaphore_mem>>)
    %dma_wait3A_1136 = arith.constant 1 : i32
    %dma_wait3A_1137 = arith.constant 21 : i32
    %dma_wait3A_1138 = arith.constant 0 : i32
    %dma_wait3A_1139 = arith.constant 0 : i32
    %dma_wait3A_1140 = tpu.memref_slice %arg17[%dma_wait3A_1136, %dma_wait3A_1138, %dma_wait3A_1139] : memref<4x80x128xf32, #tpu.memory_space<vmem>> -> memref<1x80x128xf32, #tpu.memory_space<vmem>>
    %dma_wait3A_1141 = tpu.memref_squeeze %dma_wait3A_1140 : memref<1x80x128xf32, #tpu.memory_space<vmem>> -> memref<80x128xf32, #tpu.memory_space<vmem>>
    %dma_wait3A_1142 = arith.constant 0 : i32
    %dma_wait3A_1143 = tpu.memref_slice %arg15[%dma_wait3A_1137, %dma_wait3A_1142] : memref<50x80xi32, #tpu.memory_space<vmem>> -> memref<1x80xi32, #tpu.memory_space<vmem>>
    %dma_wait3A_1144 = tpu.memref_squeeze %dma_wait3A_1143 : memref<1x80xi32, #tpu.memory_space<vmem>> -> memref<80xi32, #tpu.memory_space<vmem>>
    %dma_wait3A_1145 = arith.constant 0 : i32
    %dma_wait3A_1146 = arith.constant 0 : i32
    %dma_wait3A_1147 = tpu.memref_slice %arg9[%dma_wait3A_1145, %dma_wait3A_1146] : memref<128000x128xf32, #tpu.memory_space<hbm>> -> memref<128000x128xf32, #tpu.memory_space<hbm>>
    tpu.wait_indirect_dma semaphore(%arg19 : memref<!tpu.dma_semaphore, #tpu.memory_space<semaphore_mem>>) src(%dma_wait3A_1141 : memref<80x128xf32, #tpu.memory_space<vmem>>) dst(%dma_wait3A_1147 : memref<128000x128xf32, #tpu.memory_space<hbm>>)
    %dma_start3A_1148 = arith.constant 1 : i32
    %dma_start3A_1149 = arith.constant 0 : i32
    %dma_start3A_1150 = arith.constant 0 : i32
    %dma_start3A_1151 = tpu.memref_slice %arg17[%dma_start3A_1148, %dma_start3A_1149, %dma_start3A_1150] : memref<4x80x128xf32, #tpu.memory_space<vmem>> -> memref<1x80x128xf32, #tpu.memory_space<vmem>>
    %dma_start3A_1152 = tpu.memref_squeeze %dma_start3A_1151 : memref<1x80x128xf32, #tpu.memory_space<vmem>> -> memref<80x128xf32, #tpu.memory_space<vmem>>
    %dma_start3A_1153 = arith.constant 2000 : i32
    %dma_start3A_1154 = tpu.memref_slice %arg13[%dma_start3A_1153] : memref<4000xi32, #tpu.memory_space<vmem>> -> memref<80xi32, #tpu.memory_space<vmem>>
    %dma_start3A_1155 = arith.constant 0 : i32
    %dma_start3A_1156 = arith.constant 0 : i32
    %dma_start3A_1157 = tpu.memref_slice %arg5[%dma_start3A_1155, %dma_start3A_1156] : memref<16000x128xf32, #tpu.memory_space<hbm>> -> memref<16000x128xf32, #tpu.memory_space<hbm>>
    tpu.enqueue_indirect_dma source(%dma_start3A_1157 : memref<16000x128xf32, #tpu.memory_space<hbm>>) target(%dma_start3A_1152 : memref<80x128xf32, #tpu.memory_space<vmem>>) offsets(%dma_start3A_1154 : memref<80xi32, #tpu.memory_space<vmem>>) semaphore(%arg18 : memref<!tpu.dma_semaphore, #tpu.memory_space<semaphore_mem>>)
    %dma_wait3A_1158 = arith.constant 1 : i32
    %dma_wait3A_1159 = arith.constant 0 : i32
    %dma_wait3A_1160 = arith.constant 0 : i32
    %dma_wait3A_1161 = tpu.memref_slice %arg17[%dma_wait3A_1158, %dma_wait3A_1159, %dma_wait3A_1160] : memref<4x80x128xf32, #tpu.memory_space<vmem>> -> memref<1x80x128xf32, #tpu.memory_space<vmem>>
    %dma_wait3A_1162 = tpu.memref_squeeze %dma_wait3A_1161 : memref<1x80x128xf32, #tpu.memory_space<vmem>> -> memref<80x128xf32, #tpu.memory_space<vmem>>
    %dma_wait3A_1163 = arith.constant 2000 : i32
    %dma_wait3A_1164 = tpu.memref_slice %arg13[%dma_wait3A_1163] : memref<4000xi32, #tpu.memory_space<vmem>> -> memref<80xi32, #tpu.memory_space<vmem>>
    %dma_wait3A_1165 = arith.constant 0 : i32
    %dma_wait3A_1166 = arith.constant 0 : i32
    %dma_wait3A_1167 = tpu.memref_slice %arg5[%dma_wait3A_1165, %dma_wait3A_1166] : memref<16000x128xf32, #tpu.memory_space<hbm>> -> memref<16000x128xf32, #tpu.memory_space<hbm>>
    tpu.wait_indirect_dma semaphore(%arg18 : memref<!tpu.dma_semaphore, #tpu.memory_space<semaphore_mem>>) src(%dma_wait3A_1167 : memref<16000x128xf32, #tpu.memory_space<hbm>>) dst(%dma_wait3A_1162 : memref<80x128xf32, #tpu.memory_space<vmem>>)
    %dma_start3A_1168 = arith.constant 1 : i32
    %dma_start3A_1169 = arith.constant 25 : i32
    %dma_start3A_1170 = arith.constant 0 : i32
    %dma_start3A_1171 = arith.constant 0 : i32
    %dma_start3A_1172 = tpu.memref_slice %arg17[%dma_start3A_1168, %dma_start3A_1170, %dma_start3A_1171] : memref<4x80x128xf32, #tpu.memory_space<vmem>> -> memref<1x80x128xf32, #tpu.memory_space<vmem>>
    %dma_start3A_1173 = tpu.memref_squeeze %dma_start3A_1172 : memref<1x80x128xf32, #tpu.memory_space<vmem>> -> memref<80x128xf32, #tpu.memory_space<vmem>>
    %dma_start3A_1174 = arith.constant 0 : i32
    %dma_start3A_1175 = tpu.memref_slice %arg15[%dma_start3A_1169, %dma_start3A_1174] : memref<50x80xi32, #tpu.memory_space<vmem>> -> memref<1x80xi32, #tpu.memory_space<vmem>>
    %dma_start3A_1176 = tpu.memref_squeeze %dma_start3A_1175 : memref<1x80xi32, #tpu.memory_space<vmem>> -> memref<80xi32, #tpu.memory_space<vmem>>
    %dma_start3A_1177 = arith.constant 0 : i32
    %dma_start3A_1178 = arith.constant 0 : i32
    %dma_start3A_1179 = tpu.memref_slice %arg9[%dma_start3A_1177, %dma_start3A_1178] : memref<128000x128xf32, #tpu.memory_space<hbm>> -> memref<128000x128xf32, #tpu.memory_space<hbm>>
    tpu.enqueue_indirect_dma source(%dma_start3A_1173 : memref<80x128xf32, #tpu.memory_space<vmem>>) target(%dma_start3A_1179 : memref<128000x128xf32, #tpu.memory_space<hbm>>) offsets(%dma_start3A_1176 : memref<80xi32, #tpu.memory_space<vmem>>) semaphore(%arg19 : memref<!tpu.dma_semaphore, #tpu.memory_space<semaphore_mem>>)
    %dma_wait3A_1180 = arith.constant 2 : i32
    %dma_wait3A_1181 = arith.constant 22 : i32
    %dma_wait3A_1182 = arith.constant 0 : i32
    %dma_wait3A_1183 = arith.constant 0 : i32
    %dma_wait3A_1184 = tpu.memref_slice %arg17[%dma_wait3A_1180, %dma_wait3A_1182, %dma_wait3A_1183] : memref<4x80x128xf32, #tpu.memory_space<vmem>> -> memref<1x80x128xf32, #tpu.memory_space<vmem>>
    %dma_wait3A_1185 = tpu.memref_squeeze %dma_wait3A_1184 : memref<1x80x128xf32, #tpu.memory_space<vmem>> -> memref<80x128xf32, #tpu.memory_space<vmem>>
    %dma_wait3A_1186 = arith.constant 0 : i32
    %dma_wait3A_1187 = tpu.memref_slice %arg15[%dma_wait3A_1181, %dma_wait3A_1186] : memref<50x80xi32, #tpu.memory_space<vmem>> -> memref<1x80xi32, #tpu.memory_space<vmem>>
    %dma_wait3A_1188 = tpu.memref_squeeze %dma_wait3A_1187 : memref<1x80xi32, #tpu.memory_space<vmem>> -> memref<80xi32, #tpu.memory_space<vmem>>
    %dma_wait3A_1189 = arith.constant 0 : i32
    %dma_wait3A_1190 = arith.constant 0 : i32
    %dma_wait3A_1191 = tpu.memref_slice %arg9[%dma_wait3A_1189, %dma_wait3A_1190] : memref<128000x128xf32, #tpu.memory_space<hbm>> -> memref<128000x128xf32, #tpu.memory_space<hbm>>
    tpu.wait_indirect_dma semaphore(%arg19 : memref<!tpu.dma_semaphore, #tpu.memory_space<semaphore_mem>>) src(%dma_wait3A_1185 : memref<80x128xf32, #tpu.memory_space<vmem>>) dst(%dma_wait3A_1191 : memref<128000x128xf32, #tpu.memory_space<hbm>>)
    %dma_start3A_1192 = arith.constant 2 : i32
    %dma_start3A_1193 = arith.constant 0 : i32
    %dma_start3A_1194 = arith.constant 0 : i32
    %dma_start3A_1195 = tpu.memref_slice %arg17[%dma_start3A_1192, %dma_start3A_1193, %dma_start3A_1194] : memref<4x80x128xf32, #tpu.memory_space<vmem>> -> memref<1x80x128xf32, #tpu.memory_space<vmem>>
    %dma_start3A_1196 = tpu.memref_squeeze %dma_start3A_1195 : memref<1x80x128xf32, #tpu.memory_space<vmem>> -> memref<80x128xf32, #tpu.memory_space<vmem>>
    %dma_start3A_1197 = arith.constant 2080 : i32
    %dma_start3A_1198 = tpu.memref_slice %arg13[%dma_start3A_1197] : memref<4000xi32, #tpu.memory_space<vmem>> -> memref<80xi32, #tpu.memory_space<vmem>>
    %dma_start3A_1199 = arith.constant 0 : i32
    %dma_start3A_1200 = arith.constant 0 : i32
    %dma_start3A_1201 = tpu.memref_slice %arg5[%dma_start3A_1199, %dma_start3A_1200] : memref<16000x128xf32, #tpu.memory_space<hbm>> -> memref<16000x128xf32, #tpu.memory_space<hbm>>
    tpu.enqueue_indirect_dma source(%dma_start3A_1201 : memref<16000x128xf32, #tpu.memory_space<hbm>>) target(%dma_start3A_1196 : memref<80x128xf32, #tpu.memory_space<vmem>>) offsets(%dma_start3A_1198 : memref<80xi32, #tpu.memory_space<vmem>>) semaphore(%arg18 : memref<!tpu.dma_semaphore, #tpu.memory_space<semaphore_mem>>)
    %dma_wait3A_1202 = arith.constant 2 : i32
    %dma_wait3A_1203 = arith.constant 0 : i32
    %dma_wait3A_1204 = arith.constant 0 : i32
    %dma_wait3A_1205 = tpu.memref_slice %arg17[%dma_wait3A_1202, %dma_wait3A_1203, %dma_wait3A_1204] : memref<4x80x128xf32, #tpu.memory_space<vmem>> -> memref<1x80x128xf32, #tpu.memory_space<vmem>>
    %dma_wait3A_1206 = tpu.memref_squeeze %dma_wait3A_1205 : memref<1x80x128xf32, #tpu.memory_space<vmem>> -> memref<80x128xf32, #tpu.memory_space<vmem>>
    %dma_wait3A_1207 = arith.constant 2080 : i32
    %dma_wait3A_1208 = tpu.memref_slice %arg13[%dma_wait3A_1207] : memref<4000xi32, #tpu.memory_space<vmem>> -> memref<80xi32, #tpu.memory_space<vmem>>
    %dma_wait3A_1209 = arith.constant 0 : i32
    %dma_wait3A_1210 = arith.constant 0 : i32
    %dma_wait3A_1211 = tpu.memref_slice %arg5[%dma_wait3A_1209, %dma_wait3A_1210] : memref<16000x128xf32, #tpu.memory_space<hbm>> -> memref<16000x128xf32, #tpu.memory_space<hbm>>
    tpu.wait_indirect_dma semaphore(%arg18 : memref<!tpu.dma_semaphore, #tpu.memory_space<semaphore_mem>>) src(%dma_wait3A_1211 : memref<16000x128xf32, #tpu.memory_space<hbm>>) dst(%dma_wait3A_1206 : memref<80x128xf32, #tpu.memory_space<vmem>>)
    %dma_start3A_1212 = arith.constant 2 : i32
    %dma_start3A_1213 = arith.constant 26 : i32
    %dma_start3A_1214 = arith.constant 0 : i32
    %dma_start3A_1215 = arith.constant 0 : i32
    %dma_start3A_1216 = tpu.memref_slice %arg17[%dma_start3A_1212, %dma_start3A_1214, %dma_start3A_1215] : memref<4x80x128xf32, #tpu.memory_space<vmem>> -> memref<1x80x128xf32, #tpu.memory_space<vmem>>
    %dma_start3A_1217 = tpu.memref_squeeze %dma_start3A_1216 : memref<1x80x128xf32, #tpu.memory_space<vmem>> -> memref<80x128xf32, #tpu.memory_space<vmem>>
    %dma_start3A_1218 = arith.constant 0 : i32
    %dma_start3A_1219 = tpu.memref_slice %arg15[%dma_start3A_1213, %dma_start3A_1218] : memref<50x80xi32, #tpu.memory_space<vmem>> -> memref<1x80xi32, #tpu.memory_space<vmem>>
    %dma_start3A_1220 = tpu.memref_squeeze %dma_start3A_1219 : memref<1x80xi32, #tpu.memory_space<vmem>> -> memref<80xi32, #tpu.memory_space<vmem>>
    %dma_start3A_1221 = arith.constant 0 : i32
    %dma_start3A_1222 = arith.constant 0 : i32
    %dma_start3A_1223 = tpu.memref_slice %arg9[%dma_start3A_1221, %dma_start3A_1222] : memref<128000x128xf32, #tpu.memory_space<hbm>> -> memref<128000x128xf32, #tpu.memory_space<hbm>>
    tpu.enqueue_indirect_dma source(%dma_start3A_1217 : memref<80x128xf32, #tpu.memory_space<vmem>>) target(%dma_start3A_1223 : memref<128000x128xf32, #tpu.memory_space<hbm>>) offsets(%dma_start3A_1220 : memref<80xi32, #tpu.memory_space<vmem>>) semaphore(%arg19 : memref<!tpu.dma_semaphore, #tpu.memory_space<semaphore_mem>>)
    %dma_wait3A_1224 = arith.constant 3 : i32
    %dma_wait3A_1225 = arith.constant 23 : i32
    %dma_wait3A_1226 = arith.constant 0 : i32
    %dma_wait3A_1227 = arith.constant 0 : i32
    %dma_wait3A_1228 = tpu.memref_slice %arg17[%dma_wait3A_1224, %dma_wait3A_1226, %dma_wait3A_1227] : memref<4x80x128xf32, #tpu.memory_space<vmem>> -> memref<1x80x128xf32, #tpu.memory_space<vmem>>
    %dma_wait3A_1229 = tpu.memref_squeeze %dma_wait3A_1228 : memref<1x80x128xf32, #tpu.memory_space<vmem>> -> memref<80x128xf32, #tpu.memory_space<vmem>>
    %dma_wait3A_1230 = arith.constant 0 : i32
    %dma_wait3A_1231 = tpu.memref_slice %arg15[%dma_wait3A_1225, %dma_wait3A_1230] : memref<50x80xi32, #tpu.memory_space<vmem>> -> memref<1x80xi32, #tpu.memory_space<vmem>>
    %dma_wait3A_1232 = tpu.memref_squeeze %dma_wait3A_1231 : memref<1x80xi32, #tpu.memory_space<vmem>> -> memref<80xi32, #tpu.memory_space<vmem>>
    %dma_wait3A_1233 = arith.constant 0 : i32
    %dma_wait3A_1234 = arith.constant 0 : i32
    %dma_wait3A_1235 = tpu.memref_slice %arg9[%dma_wait3A_1233, %dma_wait3A_1234] : memref<128000x128xf32, #tpu.memory_space<hbm>> -> memref<128000x128xf32, #tpu.memory_space<hbm>>
    tpu.wait_indirect_dma semaphore(%arg19 : memref<!tpu.dma_semaphore, #tpu.memory_space<semaphore_mem>>) src(%dma_wait3A_1229 : memref<80x128xf32, #tpu.memory_space<vmem>>) dst(%dma_wait3A_1235 : memref<128000x128xf32, #tpu.memory_space<hbm>>)
    %dma_start3A_1236 = arith.constant 3 : i32
    %dma_start3A_1237 = arith.constant 0 : i32
    %dma_start3A_1238 = arith.constant 0 : i32
    %dma_start3A_1239 = tpu.memref_slice %arg17[%dma_start3A_1236, %dma_start3A_1237, %dma_start3A_1238] : memref<4x80x128xf32, #tpu.memory_space<vmem>> -> memref<1x80x128xf32, #tpu.memory_space<vmem>>
    %dma_start3A_1240 = tpu.memref_squeeze %dma_start3A_1239 : memref<1x80x128xf32, #tpu.memory_space<vmem>> -> memref<80x128xf32, #tpu.memory_space<vmem>>
    %dma_start3A_1241 = arith.constant 2160 : i32
    %dma_start3A_1242 = tpu.memref_slice %arg13[%dma_start3A_1241] : memref<4000xi32, #tpu.memory_space<vmem>> -> memref<80xi32, #tpu.memory_space<vmem>>
    %dma_start3A_1243 = arith.constant 0 : i32
    %dma_start3A_1244 = arith.constant 0 : i32
    %dma_start3A_1245 = tpu.memref_slice %arg5[%dma_start3A_1243, %dma_start3A_1244] : memref<16000x128xf32, #tpu.memory_space<hbm>> -> memref<16000x128xf32, #tpu.memory_space<hbm>>
    tpu.enqueue_indirect_dma source(%dma_start3A_1245 : memref<16000x128xf32, #tpu.memory_space<hbm>>) target(%dma_start3A_1240 : memref<80x128xf32, #tpu.memory_space<vmem>>) offsets(%dma_start3A_1242 : memref<80xi32, #tpu.memory_space<vmem>>) semaphore(%arg18 : memref<!tpu.dma_semaphore, #tpu.memory_space<semaphore_mem>>)
    %dma_wait3A_1246 = arith.constant 3 : i32
    %dma_wait3A_1247 = arith.constant 0 : i32
    %dma_wait3A_1248 = arith.constant 0 : i32
    %dma_wait3A_1249 = tpu.memref_slice %arg17[%dma_wait3A_1246, %dma_wait3A_1247, %dma_wait3A_1248] : memref<4x80x128xf32, #tpu.memory_space<vmem>> -> memref<1x80x128xf32, #tpu.memory_space<vmem>>
    %dma_wait3A_1250 = tpu.memref_squeeze %dma_wait3A_1249 : memref<1x80x128xf32, #tpu.memory_space<vmem>> -> memref<80x128xf32, #tpu.memory_space<vmem>>
    %dma_wait3A_1251 = arith.constant 2160 : i32
    %dma_wait3A_1252 = tpu.memref_slice %arg13[%dma_wait3A_1251] : memref<4000xi32, #tpu.memory_space<vmem>> -> memref<80xi32, #tpu.memory_space<vmem>>
    %dma_wait3A_1253 = arith.constant 0 : i32
    %dma_wait3A_1254 = arith.constant 0 : i32
    %dma_wait3A_1255 = tpu.memref_slice %arg5[%dma_wait3A_1253, %dma_wait3A_1254] : memref<16000x128xf32, #tpu.memory_space<hbm>> -> memref<16000x128xf32, #tpu.memory_space<hbm>>
    tpu.wait_indirect_dma semaphore(%arg18 : memref<!tpu.dma_semaphore, #tpu.memory_space<semaphore_mem>>) src(%dma_wait3A_1255 : memref<16000x128xf32, #tpu.memory_space<hbm>>) dst(%dma_wait3A_1250 : memref<80x128xf32, #tpu.memory_space<vmem>>)
    %dma_start3A_1256 = arith.constant 3 : i32
    %dma_start3A_1257 = arith.constant 27 : i32
    %dma_start3A_1258 = arith.constant 0 : i32
    %dma_start3A_1259 = arith.constant 0 : i32
    %dma_start3A_1260 = tpu.memref_slice %arg17[%dma_start3A_1256, %dma_start3A_1258, %dma_start3A_1259] : memref<4x80x128xf32, #tpu.memory_space<vmem>> -> memref<1x80x128xf32, #tpu.memory_space<vmem>>
    %dma_start3A_1261 = tpu.memref_squeeze %dma_start3A_1260 : memref<1x80x128xf32, #tpu.memory_space<vmem>> -> memref<80x128xf32, #tpu.memory_space<vmem>>
    %dma_start3A_1262 = arith.constant 0 : i32
    %dma_start3A_1263 = tpu.memref_slice %arg15[%dma_start3A_1257, %dma_start3A_1262] : memref<50x80xi32, #tpu.memory_space<vmem>> -> memref<1x80xi32, #tpu.memory_space<vmem>>
    %dma_start3A_1264 = tpu.memref_squeeze %dma_start3A_1263 : memref<1x80xi32, #tpu.memory_space<vmem>> -> memref<80xi32, #tpu.memory_space<vmem>>
    %dma_start3A_1265 = arith.constant 0 : i32
    %dma_start3A_1266 = arith.constant 0 : i32
    %dma_start3A_1267 = tpu.memref_slice %arg9[%dma_start3A_1265, %dma_start3A_1266] : memref<128000x128xf32, #tpu.memory_space<hbm>> -> memref<128000x128xf32, #tpu.memory_space<hbm>>
    tpu.enqueue_indirect_dma source(%dma_start3A_1261 : memref<80x128xf32, #tpu.memory_space<vmem>>) target(%dma_start3A_1267 : memref<128000x128xf32, #tpu.memory_space<hbm>>) offsets(%dma_start3A_1264 : memref<80xi32, #tpu.memory_space<vmem>>) semaphore(%arg19 : memref<!tpu.dma_semaphore, #tpu.memory_space<semaphore_mem>>)
    %dma_wait3A_1268 = arith.constant 0 : i32
    %dma_wait3A_1269 = arith.constant 24 : i32
    %dma_wait3A_1270 = arith.constant 0 : i32
    %dma_wait3A_1271 = arith.constant 0 : i32
    %dma_wait3A_1272 = tpu.memref_slice %arg17[%dma_wait3A_1268, %dma_wait3A_1270, %dma_wait3A_1271] : memref<4x80x128xf32, #tpu.memory_space<vmem>> -> memref<1x80x128xf32, #tpu.memory_space<vmem>>
    %dma_wait3A_1273 = tpu.memref_squeeze %dma_wait3A_1272 : memref<1x80x128xf32, #tpu.memory_space<vmem>> -> memref<80x128xf32, #tpu.memory_space<vmem>>
    %dma_wait3A_1274 = arith.constant 0 : i32
    %dma_wait3A_1275 = tpu.memref_slice %arg15[%dma_wait3A_1269, %dma_wait3A_1274] : memref<50x80xi32, #tpu.memory_space<vmem>> -> memref<1x80xi32, #tpu.memory_space<vmem>>
    %dma_wait3A_1276 = tpu.memref_squeeze %dma_wait3A_1275 : memref<1x80xi32, #tpu.memory_space<vmem>> -> memref<80xi32, #tpu.memory_space<vmem>>
    %dma_wait3A_1277 = arith.constant 0 : i32
    %dma_wait3A_1278 = arith.constant 0 : i32
    %dma_wait3A_1279 = tpu.memref_slice %arg9[%dma_wait3A_1277, %dma_wait3A_1278] : memref<128000x128xf32, #tpu.memory_space<hbm>> -> memref<128000x128xf32, #tpu.memory_space<hbm>>
    tpu.wait_indirect_dma semaphore(%arg19 : memref<!tpu.dma_semaphore, #tpu.memory_space<semaphore_mem>>) src(%dma_wait3A_1273 : memref<80x128xf32, #tpu.memory_space<vmem>>) dst(%dma_wait3A_1279 : memref<128000x128xf32, #tpu.memory_space<hbm>>)
    %dma_start3A_1280 = arith.constant 0 : i32
    %dma_start3A_1281 = arith.constant 0 : i32
    %dma_start3A_1282 = arith.constant 0 : i32
    %dma_start3A_1283 = tpu.memref_slice %arg17[%dma_start3A_1280, %dma_start3A_1281, %dma_start3A_1282] : memref<4x80x128xf32, #tpu.memory_space<vmem>> -> memref<1x80x128xf32, #tpu.memory_space<vmem>>
    %dma_start3A_1284 = tpu.memref_squeeze %dma_start3A_1283 : memref<1x80x128xf32, #tpu.memory_space<vmem>> -> memref<80x128xf32, #tpu.memory_space<vmem>>
    %dma_start3A_1285 = arith.constant 2240 : i32
    %dma_start3A_1286 = tpu.memref_slice %arg13[%dma_start3A_1285] : memref<4000xi32, #tpu.memory_space<vmem>> -> memref<80xi32, #tpu.memory_space<vmem>>
    %dma_start3A_1287 = arith.constant 0 : i32
    %dma_start3A_1288 = arith.constant 0 : i32
    %dma_start3A_1289 = tpu.memref_slice %arg5[%dma_start3A_1287, %dma_start3A_1288] : memref<16000x128xf32, #tpu.memory_space<hbm>> -> memref<16000x128xf32, #tpu.memory_space<hbm>>
    tpu.enqueue_indirect_dma source(%dma_start3A_1289 : memref<16000x128xf32, #tpu.memory_space<hbm>>) target(%dma_start3A_1284 : memref<80x128xf32, #tpu.memory_space<vmem>>) offsets(%dma_start3A_1286 : memref<80xi32, #tpu.memory_space<vmem>>) semaphore(%arg18 : memref<!tpu.dma_semaphore, #tpu.memory_space<semaphore_mem>>)
    %dma_wait3A_1290 = arith.constant 0 : i32
    %dma_wait3A_1291 = arith.constant 0 : i32
    %dma_wait3A_1292 = arith.constant 0 : i32
    %dma_wait3A_1293 = tpu.memref_slice %arg17[%dma_wait3A_1290, %dma_wait3A_1291, %dma_wait3A_1292] : memref<4x80x128xf32, #tpu.memory_space<vmem>> -> memref<1x80x128xf32, #tpu.memory_space<vmem>>
    %dma_wait3A_1294 = tpu.memref_squeeze %dma_wait3A_1293 : memref<1x80x128xf32, #tpu.memory_space<vmem>> -> memref<80x128xf32, #tpu.memory_space<vmem>>
    %dma_wait3A_1295 = arith.constant 2240 : i32
    %dma_wait3A_1296 = tpu.memref_slice %arg13[%dma_wait3A_1295] : memref<4000xi32, #tpu.memory_space<vmem>> -> memref<80xi32, #tpu.memory_space<vmem>>
    %dma_wait3A_1297 = arith.constant 0 : i32
    %dma_wait3A_1298 = arith.constant 0 : i32
    %dma_wait3A_1299 = tpu.memref_slice %arg5[%dma_wait3A_1297, %dma_wait3A_1298] : memref<16000x128xf32, #tpu.memory_space<hbm>> -> memref<16000x128xf32, #tpu.memory_space<hbm>>
    tpu.wait_indirect_dma semaphore(%arg18 : memref<!tpu.dma_semaphore, #tpu.memory_space<semaphore_mem>>) src(%dma_wait3A_1299 : memref<16000x128xf32, #tpu.memory_space<hbm>>) dst(%dma_wait3A_1294 : memref<80x128xf32, #tpu.memory_space<vmem>>)
    %dma_start3A_1300 = arith.constant 0 : i32
    %dma_start3A_1301 = arith.constant 28 : i32
    %dma_start3A_1302 = arith.constant 0 : i32
    %dma_start3A_1303 = arith.constant 0 : i32
    %dma_start3A_1304 = tpu.memref_slice %arg17[%dma_start3A_1300, %dma_start3A_1302, %dma_start3A_1303] : memref<4x80x128xf32, #tpu.memory_space<vmem>> -> memref<1x80x128xf32, #tpu.memory_space<vmem>>
    %dma_start3A_1305 = tpu.memref_squeeze %dma_start3A_1304 : memref<1x80x128xf32, #tpu.memory_space<vmem>> -> memref<80x128xf32, #tpu.memory_space<vmem>>
    %dma_start3A_1306 = arith.constant 0 : i32
    %dma_start3A_1307 = tpu.memref_slice %arg15[%dma_start3A_1301, %dma_start3A_1306] : memref<50x80xi32, #tpu.memory_space<vmem>> -> memref<1x80xi32, #tpu.memory_space<vmem>>
    %dma_start3A_1308 = tpu.memref_squeeze %dma_start3A_1307 : memref<1x80xi32, #tpu.memory_space<vmem>> -> memref<80xi32, #tpu.memory_space<vmem>>
    %dma_start3A_1309 = arith.constant 0 : i32
    %dma_start3A_1310 = arith.constant 0 : i32
    %dma_start3A_1311 = tpu.memref_slice %arg9[%dma_start3A_1309, %dma_start3A_1310] : memref<128000x128xf32, #tpu.memory_space<hbm>> -> memref<128000x128xf32, #tpu.memory_space<hbm>>
    tpu.enqueue_indirect_dma source(%dma_start3A_1305 : memref<80x128xf32, #tpu.memory_space<vmem>>) target(%dma_start3A_1311 : memref<128000x128xf32, #tpu.memory_space<hbm>>) offsets(%dma_start3A_1308 : memref<80xi32, #tpu.memory_space<vmem>>) semaphore(%arg19 : memref<!tpu.dma_semaphore, #tpu.memory_space<semaphore_mem>>)
    %dma_wait3A_1312 = arith.constant 1 : i32
    %dma_wait3A_1313 = arith.constant 25 : i32
    %dma_wait3A_1314 = arith.constant 0 : i32
    %dma_wait3A_1315 = arith.constant 0 : i32
    %dma_wait3A_1316 = tpu.memref_slice %arg17[%dma_wait3A_1312, %dma_wait3A_1314, %dma_wait3A_1315] : memref<4x80x128xf32, #tpu.memory_space<vmem>> -> memref<1x80x128xf32, #tpu.memory_space<vmem>>
    %dma_wait3A_1317 = tpu.memref_squeeze %dma_wait3A_1316 : memref<1x80x128xf32, #tpu.memory_space<vmem>> -> memref<80x128xf32, #tpu.memory_space<vmem>>
    %dma_wait3A_1318 = arith.constant 0 : i32
    %dma_wait3A_1319 = tpu.memref_slice %arg15[%dma_wait3A_1313, %dma_wait3A_1318] : memref<50x80xi32, #tpu.memory_space<vmem>> -> memref<1x80xi32, #tpu.memory_space<vmem>>
    %dma_wait3A_1320 = tpu.memref_squeeze %dma_wait3A_1319 : memref<1x80xi32, #tpu.memory_space<vmem>> -> memref<80xi32, #tpu.memory_space<vmem>>
    %dma_wait3A_1321 = arith.constant 0 : i32
    %dma_wait3A_1322 = arith.constant 0 : i32
    %dma_wait3A_1323 = tpu.memref_slice %arg9[%dma_wait3A_1321, %dma_wait3A_1322] : memref<128000x128xf32, #tpu.memory_space<hbm>> -> memref<128000x128xf32, #tpu.memory_space<hbm>>
    tpu.wait_indirect_dma semaphore(%arg19 : memref<!tpu.dma_semaphore, #tpu.memory_space<semaphore_mem>>) src(%dma_wait3A_1317 : memref<80x128xf32, #tpu.memory_space<vmem>>) dst(%dma_wait3A_1323 : memref<128000x128xf32, #tpu.memory_space<hbm>>)
    %dma_start3A_1324 = arith.constant 1 : i32
    %dma_start3A_1325 = arith.constant 0 : i32
    %dma_start3A_1326 = arith.constant 0 : i32
    %dma_start3A_1327 = tpu.memref_slice %arg17[%dma_start3A_1324, %dma_start3A_1325, %dma_start3A_1326] : memref<4x80x128xf32, #tpu.memory_space<vmem>> -> memref<1x80x128xf32, #tpu.memory_space<vmem>>
    %dma_start3A_1328 = tpu.memref_squeeze %dma_start3A_1327 : memref<1x80x128xf32, #tpu.memory_space<vmem>> -> memref<80x128xf32, #tpu.memory_space<vmem>>
    %dma_start3A_1329 = arith.constant 2320 : i32
    %dma_start3A_1330 = tpu.memref_slice %arg13[%dma_start3A_1329] : memref<4000xi32, #tpu.memory_space<vmem>> -> memref<80xi32, #tpu.memory_space<vmem>>
    %dma_start3A_1331 = arith.constant 0 : i32
    %dma_start3A_1332 = arith.constant 0 : i32
    %dma_start3A_1333 = tpu.memref_slice %arg5[%dma_start3A_1331, %dma_start3A_1332] : memref<16000x128xf32, #tpu.memory_space<hbm>> -> memref<16000x128xf32, #tpu.memory_space<hbm>>
    tpu.enqueue_indirect_dma source(%dma_start3A_1333 : memref<16000x128xf32, #tpu.memory_space<hbm>>) target(%dma_start3A_1328 : memref<80x128xf32, #tpu.memory_space<vmem>>) offsets(%dma_start3A_1330 : memref<80xi32, #tpu.memory_space<vmem>>) semaphore(%arg18 : memref<!tpu.dma_semaphore, #tpu.memory_space<semaphore_mem>>)
    %dma_wait3A_1334 = arith.constant 1 : i32
    %dma_wait3A_1335 = arith.constant 0 : i32
    %dma_wait3A_1336 = arith.constant 0 : i32
    %dma_wait3A_1337 = tpu.memref_slice %arg17[%dma_wait3A_1334, %dma_wait3A_1335, %dma_wait3A_1336] : memref<4x80x128xf32, #tpu.memory_space<vmem>> -> memref<1x80x128xf32, #tpu.memory_space<vmem>>
    %dma_wait3A_1338 = tpu.memref_squeeze %dma_wait3A_1337 : memref<1x80x128xf32, #tpu.memory_space<vmem>> -> memref<80x128xf32, #tpu.memory_space<vmem>>
    %dma_wait3A_1339 = arith.constant 2320 : i32
    %dma_wait3A_1340 = tpu.memref_slice %arg13[%dma_wait3A_1339] : memref<4000xi32, #tpu.memory_space<vmem>> -> memref<80xi32, #tpu.memory_space<vmem>>
    %dma_wait3A_1341 = arith.constant 0 : i32
    %dma_wait3A_1342 = arith.constant 0 : i32
    %dma_wait3A_1343 = tpu.memref_slice %arg5[%dma_wait3A_1341, %dma_wait3A_1342] : memref<16000x128xf32, #tpu.memory_space<hbm>> -> memref<16000x128xf32, #tpu.memory_space<hbm>>
    tpu.wait_indirect_dma semaphore(%arg18 : memref<!tpu.dma_semaphore, #tpu.memory_space<semaphore_mem>>) src(%dma_wait3A_1343 : memref<16000x128xf32, #tpu.memory_space<hbm>>) dst(%dma_wait3A_1338 : memref<80x128xf32, #tpu.memory_space<vmem>>)
    %dma_start3A_1344 = arith.constant 1 : i32
    %dma_start3A_1345 = arith.constant 29 : i32
    %dma_start3A_1346 = arith.constant 0 : i32
    %dma_start3A_1347 = arith.constant 0 : i32
    %dma_start3A_1348 = tpu.memref_slice %arg17[%dma_start3A_1344, %dma_start3A_1346, %dma_start3A_1347] : memref<4x80x128xf32, #tpu.memory_space<vmem>> -> memref<1x80x128xf32, #tpu.memory_space<vmem>>
    %dma_start3A_1349 = tpu.memref_squeeze %dma_start3A_1348 : memref<1x80x128xf32, #tpu.memory_space<vmem>> -> memref<80x128xf32, #tpu.memory_space<vmem>>
    %dma_start3A_1350 = arith.constant 0 : i32
    %dma_start3A_1351 = tpu.memref_slice %arg15[%dma_start3A_1345, %dma_start3A_1350] : memref<50x80xi32, #tpu.memory_space<vmem>> -> memref<1x80xi32, #tpu.memory_space<vmem>>
    %dma_start3A_1352 = tpu.memref_squeeze %dma_start3A_1351 : memref<1x80xi32, #tpu.memory_space<vmem>> -> memref<80xi32, #tpu.memory_space<vmem>>
    %dma_start3A_1353 = arith.constant 0 : i32
    %dma_start3A_1354 = arith.constant 0 : i32
    %dma_start3A_1355 = tpu.memref_slice %arg9[%dma_start3A_1353, %dma_start3A_1354] : memref<128000x128xf32, #tpu.memory_space<hbm>> -> memref<128000x128xf32, #tpu.memory_space<hbm>>
    tpu.enqueue_indirect_dma source(%dma_start3A_1349 : memref<80x128xf32, #tpu.memory_space<vmem>>) target(%dma_start3A_1355 : memref<128000x128xf32, #tpu.memory_space<hbm>>) offsets(%dma_start3A_1352 : memref<80xi32, #tpu.memory_space<vmem>>) semaphore(%arg19 : memref<!tpu.dma_semaphore, #tpu.memory_space<semaphore_mem>>)
    %dma_wait3A_1356 = arith.constant 2 : i32
    %dma_wait3A_1357 = arith.constant 26 : i32
    %dma_wait3A_1358 = arith.constant 0 : i32
    %dma_wait3A_1359 = arith.constant 0 : i32
    %dma_wait3A_1360 = tpu.memref_slice %arg17[%dma_wait3A_1356, %dma_wait3A_1358, %dma_wait3A_1359] : memref<4x80x128xf32, #tpu.memory_space<vmem>> -> memref<1x80x128xf32, #tpu.memory_space<vmem>>
    %dma_wait3A_1361 = tpu.memref_squeeze %dma_wait3A_1360 : memref<1x80x128xf32, #tpu.memory_space<vmem>> -> memref<80x128xf32, #tpu.memory_space<vmem>>
    %dma_wait3A_1362 = arith.constant 0 : i32
    %dma_wait3A_1363 = tpu.memref_slice %arg15[%dma_wait3A_1357, %dma_wait3A_1362] : memref<50x80xi32, #tpu.memory_space<vmem>> -> memref<1x80xi32, #tpu.memory_space<vmem>>
    %dma_wait3A_1364 = tpu.memref_squeeze %dma_wait3A_1363 : memref<1x80xi32, #tpu.memory_space<vmem>> -> memref<80xi32, #tpu.memory_space<vmem>>
    %dma_wait3A_1365 = arith.constant 0 : i32
    %dma_wait3A_1366 = arith.constant 0 : i32
    %dma_wait3A_1367 = tpu.memref_slice %arg9[%dma_wait3A_1365, %dma_wait3A_1366] : memref<128000x128xf32, #tpu.memory_space<hbm>> -> memref<128000x128xf32, #tpu.memory_space<hbm>>
    tpu.wait_indirect_dma semaphore(%arg19 : memref<!tpu.dma_semaphore, #tpu.memory_space<semaphore_mem>>) src(%dma_wait3A_1361 : memref<80x128xf32, #tpu.memory_space<vmem>>) dst(%dma_wait3A_1367 : memref<128000x128xf32, #tpu.memory_space<hbm>>)
    %dma_start3A_1368 = arith.constant 2 : i32
    %dma_start3A_1369 = arith.constant 0 : i32
    %dma_start3A_1370 = arith.constant 0 : i32
    %dma_start3A_1371 = tpu.memref_slice %arg17[%dma_start3A_1368, %dma_start3A_1369, %dma_start3A_1370] : memref<4x80x128xf32, #tpu.memory_space<vmem>> -> memref<1x80x128xf32, #tpu.memory_space<vmem>>
    %dma_start3A_1372 = tpu.memref_squeeze %dma_start3A_1371 : memref<1x80x128xf32, #tpu.memory_space<vmem>> -> memref<80x128xf32, #tpu.memory_space<vmem>>
    %dma_start3A_1373 = arith.constant 2400 : i32
    %dma_start3A_1374 = tpu.memref_slice %arg13[%dma_start3A_1373] : memref<4000xi32, #tpu.memory_space<vmem>> -> memref<80xi32, #tpu.memory_space<vmem>>
    %dma_start3A_1375 = arith.constant 0 : i32
    %dma_start3A_1376 = arith.constant 0 : i32
    %dma_start3A_1377 = tpu.memref_slice %arg5[%dma_start3A_1375, %dma_start3A_1376] : memref<16000x128xf32, #tpu.memory_space<hbm>> -> memref<16000x128xf32, #tpu.memory_space<hbm>>
    tpu.enqueue_indirect_dma source(%dma_start3A_1377 : memref<16000x128xf32, #tpu.memory_space<hbm>>) target(%dma_start3A_1372 : memref<80x128xf32, #tpu.memory_space<vmem>>) offsets(%dma_start3A_1374 : memref<80xi32, #tpu.memory_space<vmem>>) semaphore(%arg18 : memref<!tpu.dma_semaphore, #tpu.memory_space<semaphore_mem>>)
    %dma_wait3A_1378 = arith.constant 2 : i32
    %dma_wait3A_1379 = arith.constant 0 : i32
    %dma_wait3A_1380 = arith.constant 0 : i32
    %dma_wait3A_1381 = tpu.memref_slice %arg17[%dma_wait3A_1378, %dma_wait3A_1379, %dma_wait3A_1380] : memref<4x80x128xf32, #tpu.memory_space<vmem>> -> memref<1x80x128xf32, #tpu.memory_space<vmem>>
    %dma_wait3A_1382 = tpu.memref_squeeze %dma_wait3A_1381 : memref<1x80x128xf32, #tpu.memory_space<vmem>> -> memref<80x128xf32, #tpu.memory_space<vmem>>
    %dma_wait3A_1383 = arith.constant 2400 : i32
    %dma_wait3A_1384 = tpu.memref_slice %arg13[%dma_wait3A_1383] : memref<4000xi32, #tpu.memory_space<vmem>> -> memref<80xi32, #tpu.memory_space<vmem>>
    %dma_wait3A_1385 = arith.constant 0 : i32
    %dma_wait3A_1386 = arith.constant 0 : i32
    %dma_wait3A_1387 = tpu.memref_slice %arg5[%dma_wait3A_1385, %dma_wait3A_1386] : memref<16000x128xf32, #tpu.memory_space<hbm>> -> memref<16000x128xf32, #tpu.memory_space<hbm>>
    tpu.wait_indirect_dma semaphore(%arg18 : memref<!tpu.dma_semaphore, #tpu.memory_space<semaphore_mem>>) src(%dma_wait3A_1387 : memref<16000x128xf32, #tpu.memory_space<hbm>>) dst(%dma_wait3A_1382 : memref<80x128xf32, #tpu.memory_space<vmem>>)
    %dma_start3A_1388 = arith.constant 2 : i32
    %dma_start3A_1389 = arith.constant 30 : i32
    %dma_start3A_1390 = arith.constant 0 : i32
    %dma_start3A_1391 = arith.constant 0 : i32
    %dma_start3A_1392 = tpu.memref_slice %arg17[%dma_start3A_1388, %dma_start3A_1390, %dma_start3A_1391] : memref<4x80x128xf32, #tpu.memory_space<vmem>> -> memref<1x80x128xf32, #tpu.memory_space<vmem>>
    %dma_start3A_1393 = tpu.memref_squeeze %dma_start3A_1392 : memref<1x80x128xf32, #tpu.memory_space<vmem>> -> memref<80x128xf32, #tpu.memory_space<vmem>>
    %dma_start3A_1394 = arith.constant 0 : i32
    %dma_start3A_1395 = tpu.memref_slice %arg15[%dma_start3A_1389, %dma_start3A_1394] : memref<50x80xi32, #tpu.memory_space<vmem>> -> memref<1x80xi32, #tpu.memory_space<vmem>>
    %dma_start3A_1396 = tpu.memref_squeeze %dma_start3A_1395 : memref<1x80xi32, #tpu.memory_space<vmem>> -> memref<80xi32, #tpu.memory_space<vmem>>
    %dma_start3A_1397 = arith.constant 0 : i32
    %dma_start3A_1398 = arith.constant 0 : i32
    %dma_start3A_1399 = tpu.memref_slice %arg9[%dma_start3A_1397, %dma_start3A_1398] : memref<128000x128xf32, #tpu.memory_space<hbm>> -> memref<128000x128xf32, #tpu.memory_space<hbm>>
    tpu.enqueue_indirect_dma source(%dma_start3A_1393 : memref<80x128xf32, #tpu.memory_space<vmem>>) target(%dma_start3A_1399 : memref<128000x128xf32, #tpu.memory_space<hbm>>) offsets(%dma_start3A_1396 : memref<80xi32, #tpu.memory_space<vmem>>) semaphore(%arg19 : memref<!tpu.dma_semaphore, #tpu.memory_space<semaphore_mem>>)
    %dma_wait3A_1400 = arith.constant 3 : i32
    %dma_wait3A_1401 = arith.constant 27 : i32
    %dma_wait3A_1402 = arith.constant 0 : i32
    %dma_wait3A_1403 = arith.constant 0 : i32
    %dma_wait3A_1404 = tpu.memref_slice %arg17[%dma_wait3A_1400, %dma_wait3A_1402, %dma_wait3A_1403] : memref<4x80x128xf32, #tpu.memory_space<vmem>> -> memref<1x80x128xf32, #tpu.memory_space<vmem>>
    %dma_wait3A_1405 = tpu.memref_squeeze %dma_wait3A_1404 : memref<1x80x128xf32, #tpu.memory_space<vmem>> -> memref<80x128xf32, #tpu.memory_space<vmem>>
    %dma_wait3A_1406 = arith.constant 0 : i32
    %dma_wait3A_1407 = tpu.memref_slice %arg15[%dma_wait3A_1401, %dma_wait3A_1406] : memref<50x80xi32, #tpu.memory_space<vmem>> -> memref<1x80xi32, #tpu.memory_space<vmem>>
    %dma_wait3A_1408 = tpu.memref_squeeze %dma_wait3A_1407 : memref<1x80xi32, #tpu.memory_space<vmem>> -> memref<80xi32, #tpu.memory_space<vmem>>
    %dma_wait3A_1409 = arith.constant 0 : i32
    %dma_wait3A_1410 = arith.constant 0 : i32
    %dma_wait3A_1411 = tpu.memref_slice %arg9[%dma_wait3A_1409, %dma_wait3A_1410] : memref<128000x128xf32, #tpu.memory_space<hbm>> -> memref<128000x128xf32, #tpu.memory_space<hbm>>
    tpu.wait_indirect_dma semaphore(%arg19 : memref<!tpu.dma_semaphore, #tpu.memory_space<semaphore_mem>>) src(%dma_wait3A_1405 : memref<80x128xf32, #tpu.memory_space<vmem>>) dst(%dma_wait3A_1411 : memref<128000x128xf32, #tpu.memory_space<hbm>>)
    %dma_start3A_1412 = arith.constant 3 : i32
    %dma_start3A_1413 = arith.constant 0 : i32
    %dma_start3A_1414 = arith.constant 0 : i32
    %dma_start3A_1415 = tpu.memref_slice %arg17[%dma_start3A_1412, %dma_start3A_1413, %dma_start3A_1414] : memref<4x80x128xf32, #tpu.memory_space<vmem>> -> memref<1x80x128xf32, #tpu.memory_space<vmem>>
    %dma_start3A_1416 = tpu.memref_squeeze %dma_start3A_1415 : memref<1x80x128xf32, #tpu.memory_space<vmem>> -> memref<80x128xf32, #tpu.memory_space<vmem>>
    %dma_start3A_1417 = arith.constant 2480 : i32
    %dma_start3A_1418 = tpu.memref_slice %arg13[%dma_start3A_1417] : memref<4000xi32, #tpu.memory_space<vmem>> -> memref<80xi32, #tpu.memory_space<vmem>>
    %dma_start3A_1419 = arith.constant 0 : i32
    %dma_start3A_1420 = arith.constant 0 : i32
    %dma_start3A_1421 = tpu.memref_slice %arg5[%dma_start3A_1419, %dma_start3A_1420] : memref<16000x128xf32, #tpu.memory_space<hbm>> -> memref<16000x128xf32, #tpu.memory_space<hbm>>
    tpu.enqueue_indirect_dma source(%dma_start3A_1421 : memref<16000x128xf32, #tpu.memory_space<hbm>>) target(%dma_start3A_1416 : memref<80x128xf32, #tpu.memory_space<vmem>>) offsets(%dma_start3A_1418 : memref<80xi32, #tpu.memory_space<vmem>>) semaphore(%arg18 : memref<!tpu.dma_semaphore, #tpu.memory_space<semaphore_mem>>)
    %dma_wait3A_1422 = arith.constant 3 : i32
    %dma_wait3A_1423 = arith.constant 0 : i32
    %dma_wait3A_1424 = arith.constant 0 : i32
    %dma_wait3A_1425 = tpu.memref_slice %arg17[%dma_wait3A_1422, %dma_wait3A_1423, %dma_wait3A_1424] : memref<4x80x128xf32, #tpu.memory_space<vmem>> -> memref<1x80x128xf32, #tpu.memory_space<vmem>>
    %dma_wait3A_1426 = tpu.memref_squeeze %dma_wait3A_1425 : memref<1x80x128xf32, #tpu.memory_space<vmem>> -> memref<80x128xf32, #tpu.memory_space<vmem>>
    %dma_wait3A_1427 = arith.constant 2480 : i32
    %dma_wait3A_1428 = tpu.memref_slice %arg13[%dma_wait3A_1427] : memref<4000xi32, #tpu.memory_space<vmem>> -> memref<80xi32, #tpu.memory_space<vmem>>
    %dma_wait3A_1429 = arith.constant 0 : i32
    %dma_wait3A_1430 = arith.constant 0 : i32
    %dma_wait3A_1431 = tpu.memref_slice %arg5[%dma_wait3A_1429, %dma_wait3A_1430] : memref<16000x128xf32, #tpu.memory_space<hbm>> -> memref<16000x128xf32, #tpu.memory_space<hbm>>
    tpu.wait_indirect_dma semaphore(%arg18 : memref<!tpu.dma_semaphore, #tpu.memory_space<semaphore_mem>>) src(%dma_wait3A_1431 : memref<16000x128xf32, #tpu.memory_space<hbm>>) dst(%dma_wait3A_1426 : memref<80x128xf32, #tpu.memory_space<vmem>>)
    %dma_start3A_1432 = arith.constant 3 : i32
    %dma_start3A_1433 = arith.constant 31 : i32
    %dma_start3A_1434 = arith.constant 0 : i32
    %dma_start3A_1435 = arith.constant 0 : i32
    %dma_start3A_1436 = tpu.memref_slice %arg17[%dma_start3A_1432, %dma_start3A_1434, %dma_start3A_1435] : memref<4x80x128xf32, #tpu.memory_space<vmem>> -> memref<1x80x128xf32, #tpu.memory_space<vmem>>
    %dma_start3A_1437 = tpu.memref_squeeze %dma_start3A_1436 : memref<1x80x128xf32, #tpu.memory_space<vmem>> -> memref<80x128xf32, #tpu.memory_space<vmem>>
    %dma_start3A_1438 = arith.constant 0 : i32
    %dma_start3A_1439 = tpu.memref_slice %arg15[%dma_start3A_1433, %dma_start3A_1438] : memref<50x80xi32, #tpu.memory_space<vmem>> -> memref<1x80xi32, #tpu.memory_space<vmem>>
    %dma_start3A_1440 = tpu.memref_squeeze %dma_start3A_1439 : memref<1x80xi32, #tpu.memory_space<vmem>> -> memref<80xi32, #tpu.memory_space<vmem>>
    %dma_start3A_1441 = arith.constant 0 : i32
    %dma_start3A_1442 = arith.constant 0 : i32
    %dma_start3A_1443 = tpu.memref_slice %arg9[%dma_start3A_1441, %dma_start3A_1442] : memref<128000x128xf32, #tpu.memory_space<hbm>> -> memref<128000x128xf32, #tpu.memory_space<hbm>>
    tpu.enqueue_indirect_dma source(%dma_start3A_1437 : memref<80x128xf32, #tpu.memory_space<vmem>>) target(%dma_start3A_1443 : memref<128000x128xf32, #tpu.memory_space<hbm>>) offsets(%dma_start3A_1440 : memref<80xi32, #tpu.memory_space<vmem>>) semaphore(%arg19 : memref<!tpu.dma_semaphore, #tpu.memory_space<semaphore_mem>>)
    %dma_wait3A_1444 = arith.constant 0 : i32
    %dma_wait3A_1445 = arith.constant 28 : i32
    %dma_wait3A_1446 = arith.constant 0 : i32
    %dma_wait3A_1447 = arith.constant 0 : i32
    %dma_wait3A_1448 = tpu.memref_slice %arg17[%dma_wait3A_1444, %dma_wait3A_1446, %dma_wait3A_1447] : memref<4x80x128xf32, #tpu.memory_space<vmem>> -> memref<1x80x128xf32, #tpu.memory_space<vmem>>
    %dma_wait3A_1449 = tpu.memref_squeeze %dma_wait3A_1448 : memref<1x80x128xf32, #tpu.memory_space<vmem>> -> memref<80x128xf32, #tpu.memory_space<vmem>>
    %dma_wait3A_1450 = arith.constant 0 : i32
    %dma_wait3A_1451 = tpu.memref_slice %arg15[%dma_wait3A_1445, %dma_wait3A_1450] : memref<50x80xi32, #tpu.memory_space<vmem>> -> memref<1x80xi32, #tpu.memory_space<vmem>>
    %dma_wait3A_1452 = tpu.memref_squeeze %dma_wait3A_1451 : memref<1x80xi32, #tpu.memory_space<vmem>> -> memref<80xi32, #tpu.memory_space<vmem>>
    %dma_wait3A_1453 = arith.constant 0 : i32
    %dma_wait3A_1454 = arith.constant 0 : i32
    %dma_wait3A_1455 = tpu.memref_slice %arg9[%dma_wait3A_1453, %dma_wait3A_1454] : memref<128000x128xf32, #tpu.memory_space<hbm>> -> memref<128000x128xf32, #tpu.memory_space<hbm>>
    tpu.wait_indirect_dma semaphore(%arg19 : memref<!tpu.dma_semaphore, #tpu.memory_space<semaphore_mem>>) src(%dma_wait3A_1449 : memref<80x128xf32, #tpu.memory_space<vmem>>) dst(%dma_wait3A_1455 : memref<128000x128xf32, #tpu.memory_space<hbm>>)
    %dma_start3A_1456 = arith.constant 0 : i32
    %dma_start3A_1457 = arith.constant 0 : i32
    %dma_start3A_1458 = arith.constant 0 : i32
    %dma_start3A_1459 = tpu.memref_slice %arg17[%dma_start3A_1456, %dma_start3A_1457, %dma_start3A_1458] : memref<4x80x128xf32, #tpu.memory_space<vmem>> -> memref<1x80x128xf32, #tpu.memory_space<vmem>>
    %dma_start3A_1460 = tpu.memref_squeeze %dma_start3A_1459 : memref<1x80x128xf32, #tpu.memory_space<vmem>> -> memref<80x128xf32, #tpu.memory_space<vmem>>
    %dma_start3A_1461 = arith.constant 2560 : i32
    %dma_start3A_1462 = tpu.memref_slice %arg13[%dma_start3A_1461] : memref<4000xi32, #tpu.memory_space<vmem>> -> memref<80xi32, #tpu.memory_space<vmem>>
    %dma_start3A_1463 = arith.constant 0 : i32
    %dma_start3A_1464 = arith.constant 0 : i32
    %dma_start3A_1465 = tpu.memref_slice %arg5[%dma_start3A_1463, %dma_start3A_1464] : memref<16000x128xf32, #tpu.memory_space<hbm>> -> memref<16000x128xf32, #tpu.memory_space<hbm>>
    tpu.enqueue_indirect_dma source(%dma_start3A_1465 : memref<16000x128xf32, #tpu.memory_space<hbm>>) target(%dma_start3A_1460 : memref<80x128xf32, #tpu.memory_space<vmem>>) offsets(%dma_start3A_1462 : memref<80xi32, #tpu.memory_space<vmem>>) semaphore(%arg18 : memref<!tpu.dma_semaphore, #tpu.memory_space<semaphore_mem>>)
    %dma_wait3A_1466 = arith.constant 0 : i32
    %dma_wait3A_1467 = arith.constant 0 : i32
    %dma_wait3A_1468 = arith.constant 0 : i32
    %dma_wait3A_1469 = tpu.memref_slice %arg17[%dma_wait3A_1466, %dma_wait3A_1467, %dma_wait3A_1468] : memref<4x80x128xf32, #tpu.memory_space<vmem>> -> memref<1x80x128xf32, #tpu.memory_space<vmem>>
    %dma_wait3A_1470 = tpu.memref_squeeze %dma_wait3A_1469 : memref<1x80x128xf32, #tpu.memory_space<vmem>> -> memref<80x128xf32, #tpu.memory_space<vmem>>
    %dma_wait3A_1471 = arith.constant 2560 : i32
    %dma_wait3A_1472 = tpu.memref_slice %arg13[%dma_wait3A_1471] : memref<4000xi32, #tpu.memory_space<vmem>> -> memref<80xi32, #tpu.memory_space<vmem>>
    %dma_wait3A_1473 = arith.constant 0 : i32
    %dma_wait3A_1474 = arith.constant 0 : i32
    %dma_wait3A_1475 = tpu.memref_slice %arg5[%dma_wait3A_1473, %dma_wait3A_1474] : memref<16000x128xf32, #tpu.memory_space<hbm>> -> memref<16000x128xf32, #tpu.memory_space<hbm>>
    tpu.wait_indirect_dma semaphore(%arg18 : memref<!tpu.dma_semaphore, #tpu.memory_space<semaphore_mem>>) src(%dma_wait3A_1475 : memref<16000x128xf32, #tpu.memory_space<hbm>>) dst(%dma_wait3A_1470 : memref<80x128xf32, #tpu.memory_space<vmem>>)
    %dma_start3A_1476 = arith.constant 0 : i32
    %dma_start3A_1477 = arith.constant 32 : i32
    %dma_start3A_1478 = arith.constant 0 : i32
    %dma_start3A_1479 = arith.constant 0 : i32
    %dma_start3A_1480 = tpu.memref_slice %arg17[%dma_start3A_1476, %dma_start3A_1478, %dma_start3A_1479] : memref<4x80x128xf32, #tpu.memory_space<vmem>> -> memref<1x80x128xf32, #tpu.memory_space<vmem>>
    %dma_start3A_1481 = tpu.memref_squeeze %dma_start3A_1480 : memref<1x80x128xf32, #tpu.memory_space<vmem>> -> memref<80x128xf32, #tpu.memory_space<vmem>>
    %dma_start3A_1482 = arith.constant 0 : i32
    %dma_start3A_1483 = tpu.memref_slice %arg15[%dma_start3A_1477, %dma_start3A_1482] : memref<50x80xi32, #tpu.memory_space<vmem>> -> memref<1x80xi32, #tpu.memory_space<vmem>>
    %dma_start3A_1484 = tpu.memref_squeeze %dma_start3A_1483 : memref<1x80xi32, #tpu.memory_space<vmem>> -> memref<80xi32, #tpu.memory_space<vmem>>
    %dma_start3A_1485 = arith.constant 0 : i32
    %dma_start3A_1486 = arith.constant 0 : i32
    %dma_start3A_1487 = tpu.memref_slice %arg9[%dma_start3A_1485, %dma_start3A_1486] : memref<128000x128xf32, #tpu.memory_space<hbm>> -> memref<128000x128xf32, #tpu.memory_space<hbm>>
    tpu.enqueue_indirect_dma source(%dma_start3A_1481 : memref<80x128xf32, #tpu.memory_space<vmem>>) target(%dma_start3A_1487 : memref<128000x128xf32, #tpu.memory_space<hbm>>) offsets(%dma_start3A_1484 : memref<80xi32, #tpu.memory_space<vmem>>) semaphore(%arg19 : memref<!tpu.dma_semaphore, #tpu.memory_space<semaphore_mem>>)
    %dma_wait3A_1488 = arith.constant 1 : i32
    %dma_wait3A_1489 = arith.constant 29 : i32
    %dma_wait3A_1490 = arith.constant 0 : i32
    %dma_wait3A_1491 = arith.constant 0 : i32
    %dma_wait3A_1492 = tpu.memref_slice %arg17[%dma_wait3A_1488, %dma_wait3A_1490, %dma_wait3A_1491] : memref<4x80x128xf32, #tpu.memory_space<vmem>> -> memref<1x80x128xf32, #tpu.memory_space<vmem>>
    %dma_wait3A_1493 = tpu.memref_squeeze %dma_wait3A_1492 : memref<1x80x128xf32, #tpu.memory_space<vmem>> -> memref<80x128xf32, #tpu.memory_space<vmem>>
    %dma_wait3A_1494 = arith.constant 0 : i32
    %dma_wait3A_1495 = tpu.memref_slice %arg15[%dma_wait3A_1489, %dma_wait3A_1494] : memref<50x80xi32, #tpu.memory_space<vmem>> -> memref<1x80xi32, #tpu.memory_space<vmem>>
    %dma_wait3A_1496 = tpu.memref_squeeze %dma_wait3A_1495 : memref<1x80xi32, #tpu.memory_space<vmem>> -> memref<80xi32, #tpu.memory_space<vmem>>
    %dma_wait3A_1497 = arith.constant 0 : i32
    %dma_wait3A_1498 = arith.constant 0 : i32
    %dma_wait3A_1499 = tpu.memref_slice %arg9[%dma_wait3A_1497, %dma_wait3A_1498] : memref<128000x128xf32, #tpu.memory_space<hbm>> -> memref<128000x128xf32, #tpu.memory_space<hbm>>
    tpu.wait_indirect_dma semaphore(%arg19 : memref<!tpu.dma_semaphore, #tpu.memory_space<semaphore_mem>>) src(%dma_wait3A_1493 : memref<80x128xf32, #tpu.memory_space<vmem>>) dst(%dma_wait3A_1499 : memref<128000x128xf32, #tpu.memory_space<hbm>>)
    %dma_start3A_1500 = arith.constant 1 : i32
    %dma_start3A_1501 = arith.constant 0 : i32
    %dma_start3A_1502 = arith.constant 0 : i32
    %dma_start3A_1503 = tpu.memref_slice %arg17[%dma_start3A_1500, %dma_start3A_1501, %dma_start3A_1502] : memref<4x80x128xf32, #tpu.memory_space<vmem>> -> memref<1x80x128xf32, #tpu.memory_space<vmem>>
    %dma_start3A_1504 = tpu.memref_squeeze %dma_start3A_1503 : memref<1x80x128xf32, #tpu.memory_space<vmem>> -> memref<80x128xf32, #tpu.memory_space<vmem>>
    %dma_start3A_1505 = arith.constant 2640 : i32
    %dma_start3A_1506 = tpu.memref_slice %arg13[%dma_start3A_1505] : memref<4000xi32, #tpu.memory_space<vmem>> -> memref<80xi32, #tpu.memory_space<vmem>>
    %dma_start3A_1507 = arith.constant 0 : i32
    %dma_start3A_1508 = arith.constant 0 : i32
    %dma_start3A_1509 = tpu.memref_slice %arg5[%dma_start3A_1507, %dma_start3A_1508] : memref<16000x128xf32, #tpu.memory_space<hbm>> -> memref<16000x128xf32, #tpu.memory_space<hbm>>
    tpu.enqueue_indirect_dma source(%dma_start3A_1509 : memref<16000x128xf32, #tpu.memory_space<hbm>>) target(%dma_start3A_1504 : memref<80x128xf32, #tpu.memory_space<vmem>>) offsets(%dma_start3A_1506 : memref<80xi32, #tpu.memory_space<vmem>>) semaphore(%arg18 : memref<!tpu.dma_semaphore, #tpu.memory_space<semaphore_mem>>)
    %dma_wait3A_1510 = arith.constant 1 : i32
    %dma_wait3A_1511 = arith.constant 0 : i32
    %dma_wait3A_1512 = arith.constant 0 : i32
    %dma_wait3A_1513 = tpu.memref_slice %arg17[%dma_wait3A_1510, %dma_wait3A_1511, %dma_wait3A_1512] : memref<4x80x128xf32, #tpu.memory_space<vmem>> -> memref<1x80x128xf32, #tpu.memory_space<vmem>>
    %dma_wait3A_1514 = tpu.memref_squeeze %dma_wait3A_1513 : memref<1x80x128xf32, #tpu.memory_space<vmem>> -> memref<80x128xf32, #tpu.memory_space<vmem>>
    %dma_wait3A_1515 = arith.constant 2640 : i32
    %dma_wait3A_1516 = tpu.memref_slice %arg13[%dma_wait3A_1515] : memref<4000xi32, #tpu.memory_space<vmem>> -> memref<80xi32, #tpu.memory_space<vmem>>
    %dma_wait3A_1517 = arith.constant 0 : i32
    %dma_wait3A_1518 = arith.constant 0 : i32
    %dma_wait3A_1519 = tpu.memref_slice %arg5[%dma_wait3A_1517, %dma_wait3A_1518] : memref<16000x128xf32, #tpu.memory_space<hbm>> -> memref<16000x128xf32, #tpu.memory_space<hbm>>
    tpu.wait_indirect_dma semaphore(%arg18 : memref<!tpu.dma_semaphore, #tpu.memory_space<semaphore_mem>>) src(%dma_wait3A_1519 : memref<16000x128xf32, #tpu.memory_space<hbm>>) dst(%dma_wait3A_1514 : memref<80x128xf32, #tpu.memory_space<vmem>>)
    %dma_start3A_1520 = arith.constant 1 : i32
    %dma_start3A_1521 = arith.constant 33 : i32
    %dma_start3A_1522 = arith.constant 0 : i32
    %dma_start3A_1523 = arith.constant 0 : i32
    %dma_start3A_1524 = tpu.memref_slice %arg17[%dma_start3A_1520, %dma_start3A_1522, %dma_start3A_1523] : memref<4x80x128xf32, #tpu.memory_space<vmem>> -> memref<1x80x128xf32, #tpu.memory_space<vmem>>
    %dma_start3A_1525 = tpu.memref_squeeze %dma_start3A_1524 : memref<1x80x128xf32, #tpu.memory_space<vmem>> -> memref<80x128xf32, #tpu.memory_space<vmem>>
    %dma_start3A_1526 = arith.constant 0 : i32
    %dma_start3A_1527 = tpu.memref_slice %arg15[%dma_start3A_1521, %dma_start3A_1526] : memref<50x80xi32, #tpu.memory_space<vmem>> -> memref<1x80xi32, #tpu.memory_space<vmem>>
    %dma_start3A_1528 = tpu.memref_squeeze %dma_start3A_1527 : memref<1x80xi32, #tpu.memory_space<vmem>> -> memref<80xi32, #tpu.memory_space<vmem>>
    %dma_start3A_1529 = arith.constant 0 : i32
    %dma_start3A_1530 = arith.constant 0 : i32
    %dma_start3A_1531 = tpu.memref_slice %arg9[%dma_start3A_1529, %dma_start3A_1530] : memref<128000x128xf32, #tpu.memory_space<hbm>> -> memref<128000x128xf32, #tpu.memory_space<hbm>>
    tpu.enqueue_indirect_dma source(%dma_start3A_1525 : memref<80x128xf32, #tpu.memory_space<vmem>>) target(%dma_start3A_1531 : memref<128000x128xf32, #tpu.memory_space<hbm>>) offsets(%dma_start3A_1528 : memref<80xi32, #tpu.memory_space<vmem>>) semaphore(%arg19 : memref<!tpu.dma_semaphore, #tpu.memory_space<semaphore_mem>>)
    %dma_wait3A_1532 = arith.constant 2 : i32
    %dma_wait3A_1533 = arith.constant 30 : i32
    %dma_wait3A_1534 = arith.constant 0 : i32
    %dma_wait3A_1535 = arith.constant 0 : i32
    %dma_wait3A_1536 = tpu.memref_slice %arg17[%dma_wait3A_1532, %dma_wait3A_1534, %dma_wait3A_1535] : memref<4x80x128xf32, #tpu.memory_space<vmem>> -> memref<1x80x128xf32, #tpu.memory_space<vmem>>
    %dma_wait3A_1537 = tpu.memref_squeeze %dma_wait3A_1536 : memref<1x80x128xf32, #tpu.memory_space<vmem>> -> memref<80x128xf32, #tpu.memory_space<vmem>>
    %dma_wait3A_1538 = arith.constant 0 : i32
    %dma_wait3A_1539 = tpu.memref_slice %arg15[%dma_wait3A_1533, %dma_wait3A_1538] : memref<50x80xi32, #tpu.memory_space<vmem>> -> memref<1x80xi32, #tpu.memory_space<vmem>>
    %dma_wait3A_1540 = tpu.memref_squeeze %dma_wait3A_1539 : memref<1x80xi32, #tpu.memory_space<vmem>> -> memref<80xi32, #tpu.memory_space<vmem>>
    %dma_wait3A_1541 = arith.constant 0 : i32
    %dma_wait3A_1542 = arith.constant 0 : i32
    %dma_wait3A_1543 = tpu.memref_slice %arg9[%dma_wait3A_1541, %dma_wait3A_1542] : memref<128000x128xf32, #tpu.memory_space<hbm>> -> memref<128000x128xf32, #tpu.memory_space<hbm>>
    tpu.wait_indirect_dma semaphore(%arg19 : memref<!tpu.dma_semaphore, #tpu.memory_space<semaphore_mem>>) src(%dma_wait3A_1537 : memref<80x128xf32, #tpu.memory_space<vmem>>) dst(%dma_wait3A_1543 : memref<128000x128xf32, #tpu.memory_space<hbm>>)
    %dma_start3A_1544 = arith.constant 2 : i32
    %dma_start3A_1545 = arith.constant 0 : i32
    %dma_start3A_1546 = arith.constant 0 : i32
    %dma_start3A_1547 = tpu.memref_slice %arg17[%dma_start3A_1544, %dma_start3A_1545, %dma_start3A_1546] : memref<4x80x128xf32, #tpu.memory_space<vmem>> -> memref<1x80x128xf32, #tpu.memory_space<vmem>>
    %dma_start3A_1548 = tpu.memref_squeeze %dma_start3A_1547 : memref<1x80x128xf32, #tpu.memory_space<vmem>> -> memref<80x128xf32, #tpu.memory_space<vmem>>
    %dma_start3A_1549 = arith.constant 2720 : i32
    %dma_start3A_1550 = tpu.memref_slice %arg13[%dma_start3A_1549] : memref<4000xi32, #tpu.memory_space<vmem>> -> memref<80xi32, #tpu.memory_space<vmem>>
    %dma_start3A_1551 = arith.constant 0 : i32
    %dma_start3A_1552 = arith.constant 0 : i32
    %dma_start3A_1553 = tpu.memref_slice %arg5[%dma_start3A_1551, %dma_start3A_1552] : memref<16000x128xf32, #tpu.memory_space<hbm>> -> memref<16000x128xf32, #tpu.memory_space<hbm>>
    tpu.enqueue_indirect_dma source(%dma_start3A_1553 : memref<16000x128xf32, #tpu.memory_space<hbm>>) target(%dma_start3A_1548 : memref<80x128xf32, #tpu.memory_space<vmem>>) offsets(%dma_start3A_1550 : memref<80xi32, #tpu.memory_space<vmem>>) semaphore(%arg18 : memref<!tpu.dma_semaphore, #tpu.memory_space<semaphore_mem>>)
    %dma_wait3A_1554 = arith.constant 2 : i32
    %dma_wait3A_1555 = arith.constant 0 : i32
    %dma_wait3A_1556 = arith.constant 0 : i32
    %dma_wait3A_1557 = tpu.memref_slice %arg17[%dma_wait3A_1554, %dma_wait3A_1555, %dma_wait3A_1556] : memref<4x80x128xf32, #tpu.memory_space<vmem>> -> memref<1x80x128xf32, #tpu.memory_space<vmem>>
    %dma_wait3A_1558 = tpu.memref_squeeze %dma_wait3A_1557 : memref<1x80x128xf32, #tpu.memory_space<vmem>> -> memref<80x128xf32, #tpu.memory_space<vmem>>
    %dma_wait3A_1559 = arith.constant 2720 : i32
    %dma_wait3A_1560 = tpu.memref_slice %arg13[%dma_wait3A_1559] : memref<4000xi32, #tpu.memory_space<vmem>> -> memref<80xi32, #tpu.memory_space<vmem>>
    %dma_wait3A_1561 = arith.constant 0 : i32
    %dma_wait3A_1562 = arith.constant 0 : i32
    %dma_wait3A_1563 = tpu.memref_slice %arg5[%dma_wait3A_1561, %dma_wait3A_1562] : memref<16000x128xf32, #tpu.memory_space<hbm>> -> memref<16000x128xf32, #tpu.memory_space<hbm>>
    tpu.wait_indirect_dma semaphore(%arg18 : memref<!tpu.dma_semaphore, #tpu.memory_space<semaphore_mem>>) src(%dma_wait3A_1563 : memref<16000x128xf32, #tpu.memory_space<hbm>>) dst(%dma_wait3A_1558 : memref<80x128xf32, #tpu.memory_space<vmem>>)
    %dma_start3A_1564 = arith.constant 2 : i32
    %dma_start3A_1565 = arith.constant 34 : i32
    %dma_start3A_1566 = arith.constant 0 : i32
    %dma_start3A_1567 = arith.constant 0 : i32
    %dma_start3A_1568 = tpu.memref_slice %arg17[%dma_start3A_1564, %dma_start3A_1566, %dma_start3A_1567] : memref<4x80x128xf32, #tpu.memory_space<vmem>> -> memref<1x80x128xf32, #tpu.memory_space<vmem>>
    %dma_start3A_1569 = tpu.memref_squeeze %dma_start3A_1568 : memref<1x80x128xf32, #tpu.memory_space<vmem>> -> memref<80x128xf32, #tpu.memory_space<vmem>>
    %dma_start3A_1570 = arith.constant 0 : i32
    %dma_start3A_1571 = tpu.memref_slice %arg15[%dma_start3A_1565, %dma_start3A_1570] : memref<50x80xi32, #tpu.memory_space<vmem>> -> memref<1x80xi32, #tpu.memory_space<vmem>>
    %dma_start3A_1572 = tpu.memref_squeeze %dma_start3A_1571 : memref<1x80xi32, #tpu.memory_space<vmem>> -> memref<80xi32, #tpu.memory_space<vmem>>
    %dma_start3A_1573 = arith.constant 0 : i32
    %dma_start3A_1574 = arith.constant 0 : i32
    %dma_start3A_1575 = tpu.memref_slice %arg9[%dma_start3A_1573, %dma_start3A_1574] : memref<128000x128xf32, #tpu.memory_space<hbm>> -> memref<128000x128xf32, #tpu.memory_space<hbm>>
    tpu.enqueue_indirect_dma source(%dma_start3A_1569 : memref<80x128xf32, #tpu.memory_space<vmem>>) target(%dma_start3A_1575 : memref<128000x128xf32, #tpu.memory_space<hbm>>) offsets(%dma_start3A_1572 : memref<80xi32, #tpu.memory_space<vmem>>) semaphore(%arg19 : memref<!tpu.dma_semaphore, #tpu.memory_space<semaphore_mem>>)
    %dma_wait3A_1576 = arith.constant 3 : i32
    %dma_wait3A_1577 = arith.constant 31 : i32
    %dma_wait3A_1578 = arith.constant 0 : i32
    %dma_wait3A_1579 = arith.constant 0 : i32
    %dma_wait3A_1580 = tpu.memref_slice %arg17[%dma_wait3A_1576, %dma_wait3A_1578, %dma_wait3A_1579] : memref<4x80x128xf32, #tpu.memory_space<vmem>> -> memref<1x80x128xf32, #tpu.memory_space<vmem>>
    %dma_wait3A_1581 = tpu.memref_squeeze %dma_wait3A_1580 : memref<1x80x128xf32, #tpu.memory_space<vmem>> -> memref<80x128xf32, #tpu.memory_space<vmem>>
    %dma_wait3A_1582 = arith.constant 0 : i32
    %dma_wait3A_1583 = tpu.memref_slice %arg15[%dma_wait3A_1577, %dma_wait3A_1582] : memref<50x80xi32, #tpu.memory_space<vmem>> -> memref<1x80xi32, #tpu.memory_space<vmem>>
    %dma_wait3A_1584 = tpu.memref_squeeze %dma_wait3A_1583 : memref<1x80xi32, #tpu.memory_space<vmem>> -> memref<80xi32, #tpu.memory_space<vmem>>
    %dma_wait3A_1585 = arith.constant 0 : i32
    %dma_wait3A_1586 = arith.constant 0 : i32
    %dma_wait3A_1587 = tpu.memref_slice %arg9[%dma_wait3A_1585, %dma_wait3A_1586] : memref<128000x128xf32, #tpu.memory_space<hbm>> -> memref<128000x128xf32, #tpu.memory_space<hbm>>
    tpu.wait_indirect_dma semaphore(%arg19 : memref<!tpu.dma_semaphore, #tpu.memory_space<semaphore_mem>>) src(%dma_wait3A_1581 : memref<80x128xf32, #tpu.memory_space<vmem>>) dst(%dma_wait3A_1587 : memref<128000x128xf32, #tpu.memory_space<hbm>>)
    %dma_start3A_1588 = arith.constant 3 : i32
    %dma_start3A_1589 = arith.constant 0 : i32
    %dma_start3A_1590 = arith.constant 0 : i32
    %dma_start3A_1591 = tpu.memref_slice %arg17[%dma_start3A_1588, %dma_start3A_1589, %dma_start3A_1590] : memref<4x80x128xf32, #tpu.memory_space<vmem>> -> memref<1x80x128xf32, #tpu.memory_space<vmem>>
    %dma_start3A_1592 = tpu.memref_squeeze %dma_start3A_1591 : memref<1x80x128xf32, #tpu.memory_space<vmem>> -> memref<80x128xf32, #tpu.memory_space<vmem>>
    %dma_start3A_1593 = arith.constant 2800 : i32
    %dma_start3A_1594 = tpu.memref_slice %arg13[%dma_start3A_1593] : memref<4000xi32, #tpu.memory_space<vmem>> -> memref<80xi32, #tpu.memory_space<vmem>>
    %dma_start3A_1595 = arith.constant 0 : i32
    %dma_start3A_1596 = arith.constant 0 : i32
    %dma_start3A_1597 = tpu.memref_slice %arg5[%dma_start3A_1595, %dma_start3A_1596] : memref<16000x128xf32, #tpu.memory_space<hbm>> -> memref<16000x128xf32, #tpu.memory_space<hbm>>
    tpu.enqueue_indirect_dma source(%dma_start3A_1597 : memref<16000x128xf32, #tpu.memory_space<hbm>>) target(%dma_start3A_1592 : memref<80x128xf32, #tpu.memory_space<vmem>>) offsets(%dma_start3A_1594 : memref<80xi32, #tpu.memory_space<vmem>>) semaphore(%arg18 : memref<!tpu.dma_semaphore, #tpu.memory_space<semaphore_mem>>)
    %dma_wait3A_1598 = arith.constant 3 : i32
    %dma_wait3A_1599 = arith.constant 0 : i32
    %dma_wait3A_1600 = arith.constant 0 : i32
    %dma_wait3A_1601 = tpu.memref_slice %arg17[%dma_wait3A_1598, %dma_wait3A_1599, %dma_wait3A_1600] : memref<4x80x128xf32, #tpu.memory_space<vmem>> -> memref<1x80x128xf32, #tpu.memory_space<vmem>>
    %dma_wait3A_1602 = tpu.memref_squeeze %dma_wait3A_1601 : memref<1x80x128xf32, #tpu.memory_space<vmem>> -> memref<80x128xf32, #tpu.memory_space<vmem>>
    %dma_wait3A_1603 = arith.constant 2800 : i32
    %dma_wait3A_1604 = tpu.memref_slice %arg13[%dma_wait3A_1603] : memref<4000xi32, #tpu.memory_space<vmem>> -> memref<80xi32, #tpu.memory_space<vmem>>
    %dma_wait3A_1605 = arith.constant 0 : i32
    %dma_wait3A_1606 = arith.constant 0 : i32
    %dma_wait3A_1607 = tpu.memref_slice %arg5[%dma_wait3A_1605, %dma_wait3A_1606] : memref<16000x128xf32, #tpu.memory_space<hbm>> -> memref<16000x128xf32, #tpu.memory_space<hbm>>
    tpu.wait_indirect_dma semaphore(%arg18 : memref<!tpu.dma_semaphore, #tpu.memory_space<semaphore_mem>>) src(%dma_wait3A_1607 : memref<16000x128xf32, #tpu.memory_space<hbm>>) dst(%dma_wait3A_1602 : memref<80x128xf32, #tpu.memory_space<vmem>>)
    %dma_start3A_1608 = arith.constant 3 : i32
    %dma_start3A_1609 = arith.constant 35 : i32
    %dma_start3A_1610 = arith.constant 0 : i32
    %dma_start3A_1611 = arith.constant 0 : i32
    %dma_start3A_1612 = tpu.memref_slice %arg17[%dma_start3A_1608, %dma_start3A_1610, %dma_start3A_1611] : memref<4x80x128xf32, #tpu.memory_space<vmem>> -> memref<1x80x128xf32, #tpu.memory_space<vmem>>
    %dma_start3A_1613 = tpu.memref_squeeze %dma_start3A_1612 : memref<1x80x128xf32, #tpu.memory_space<vmem>> -> memref<80x128xf32, #tpu.memory_space<vmem>>
    %dma_start3A_1614 = arith.constant 0 : i32
    %dma_start3A_1615 = tpu.memref_slice %arg15[%dma_start3A_1609, %dma_start3A_1614] : memref<50x80xi32, #tpu.memory_space<vmem>> -> memref<1x80xi32, #tpu.memory_space<vmem>>
    %dma_start3A_1616 = tpu.memref_squeeze %dma_start3A_1615 : memref<1x80xi32, #tpu.memory_space<vmem>> -> memref<80xi32, #tpu.memory_space<vmem>>
    %dma_start3A_1617 = arith.constant 0 : i32
    %dma_start3A_1618 = arith.constant 0 : i32
    %dma_start3A_1619 = tpu.memref_slice %arg9[%dma_start3A_1617, %dma_start3A_1618] : memref<128000x128xf32, #tpu.memory_space<hbm>> -> memref<128000x128xf32, #tpu.memory_space<hbm>>
    tpu.enqueue_indirect_dma source(%dma_start3A_1613 : memref<80x128xf32, #tpu.memory_space<vmem>>) target(%dma_start3A_1619 : memref<128000x128xf32, #tpu.memory_space<hbm>>) offsets(%dma_start3A_1616 : memref<80xi32, #tpu.memory_space<vmem>>) semaphore(%arg19 : memref<!tpu.dma_semaphore, #tpu.memory_space<semaphore_mem>>)
    %dma_wait3A_1620 = arith.constant 0 : i32
    %dma_wait3A_1621 = arith.constant 32 : i32
    %dma_wait3A_1622 = arith.constant 0 : i32
    %dma_wait3A_1623 = arith.constant 0 : i32
    %dma_wait3A_1624 = tpu.memref_slice %arg17[%dma_wait3A_1620, %dma_wait3A_1622, %dma_wait3A_1623] : memref<4x80x128xf32, #tpu.memory_space<vmem>> -> memref<1x80x128xf32, #tpu.memory_space<vmem>>
    %dma_wait3A_1625 = tpu.memref_squeeze %dma_wait3A_1624 : memref<1x80x128xf32, #tpu.memory_space<vmem>> -> memref<80x128xf32, #tpu.memory_space<vmem>>
    %dma_wait3A_1626 = arith.constant 0 : i32
    %dma_wait3A_1627 = tpu.memref_slice %arg15[%dma_wait3A_1621, %dma_wait3A_1626] : memref<50x80xi32, #tpu.memory_space<vmem>> -> memref<1x80xi32, #tpu.memory_space<vmem>>
    %dma_wait3A_1628 = tpu.memref_squeeze %dma_wait3A_1627 : memref<1x80xi32, #tpu.memory_space<vmem>> -> memref<80xi32, #tpu.memory_space<vmem>>
    %dma_wait3A_1629 = arith.constant 0 : i32
    %dma_wait3A_1630 = arith.constant 0 : i32
    %dma_wait3A_1631 = tpu.memref_slice %arg9[%dma_wait3A_1629, %dma_wait3A_1630] : memref<128000x128xf32, #tpu.memory_space<hbm>> -> memref<128000x128xf32, #tpu.memory_space<hbm>>
    tpu.wait_indirect_dma semaphore(%arg19 : memref<!tpu.dma_semaphore, #tpu.memory_space<semaphore_mem>>) src(%dma_wait3A_1625 : memref<80x128xf32, #tpu.memory_space<vmem>>) dst(%dma_wait3A_1631 : memref<128000x128xf32, #tpu.memory_space<hbm>>)
    %dma_start3A_1632 = arith.constant 0 : i32
    %dma_start3A_1633 = arith.constant 0 : i32
    %dma_start3A_1634 = arith.constant 0 : i32
    %dma_start3A_1635 = tpu.memref_slice %arg17[%dma_start3A_1632, %dma_start3A_1633, %dma_start3A_1634] : memref<4x80x128xf32, #tpu.memory_space<vmem>> -> memref<1x80x128xf32, #tpu.memory_space<vmem>>
    %dma_start3A_1636 = tpu.memref_squeeze %dma_start3A_1635 : memref<1x80x128xf32, #tpu.memory_space<vmem>> -> memref<80x128xf32, #tpu.memory_space<vmem>>
    %dma_start3A_1637 = arith.constant 2880 : i32
    %dma_start3A_1638 = tpu.memref_slice %arg13[%dma_start3A_1637] : memref<4000xi32, #tpu.memory_space<vmem>> -> memref<80xi32, #tpu.memory_space<vmem>>
    %dma_start3A_1639 = arith.constant 0 : i32
    %dma_start3A_1640 = arith.constant 0 : i32
    %dma_start3A_1641 = tpu.memref_slice %arg5[%dma_start3A_1639, %dma_start3A_1640] : memref<16000x128xf32, #tpu.memory_space<hbm>> -> memref<16000x128xf32, #tpu.memory_space<hbm>>
    tpu.enqueue_indirect_dma source(%dma_start3A_1641 : memref<16000x128xf32, #tpu.memory_space<hbm>>) target(%dma_start3A_1636 : memref<80x128xf32, #tpu.memory_space<vmem>>) offsets(%dma_start3A_1638 : memref<80xi32, #tpu.memory_space<vmem>>) semaphore(%arg18 : memref<!tpu.dma_semaphore, #tpu.memory_space<semaphore_mem>>)
    %dma_wait3A_1642 = arith.constant 0 : i32
    %dma_wait3A_1643 = arith.constant 0 : i32
    %dma_wait3A_1644 = arith.constant 0 : i32
    %dma_wait3A_1645 = tpu.memref_slice %arg17[%dma_wait3A_1642, %dma_wait3A_1643, %dma_wait3A_1644] : memref<4x80x128xf32, #tpu.memory_space<vmem>> -> memref<1x80x128xf32, #tpu.memory_space<vmem>>
    %dma_wait3A_1646 = tpu.memref_squeeze %dma_wait3A_1645 : memref<1x80x128xf32, #tpu.memory_space<vmem>> -> memref<80x128xf32, #tpu.memory_space<vmem>>
    %dma_wait3A_1647 = arith.constant 2880 : i32
    %dma_wait3A_1648 = tpu.memref_slice %arg13[%dma_wait3A_1647] : memref<4000xi32, #tpu.memory_space<vmem>> -> memref<80xi32, #tpu.memory_space<vmem>>
    %dma_wait3A_1649 = arith.constant 0 : i32
    %dma_wait3A_1650 = arith.constant 0 : i32
    %dma_wait3A_1651 = tpu.memref_slice %arg5[%dma_wait3A_1649, %dma_wait3A_1650] : memref<16000x128xf32, #tpu.memory_space<hbm>> -> memref<16000x128xf32, #tpu.memory_space<hbm>>
    tpu.wait_indirect_dma semaphore(%arg18 : memref<!tpu.dma_semaphore, #tpu.memory_space<semaphore_mem>>) src(%dma_wait3A_1651 : memref<16000x128xf32, #tpu.memory_space<hbm>>) dst(%dma_wait3A_1646 : memref<80x128xf32, #tpu.memory_space<vmem>>)
    %dma_start3A_1652 = arith.constant 0 : i32
    %dma_start3A_1653 = arith.constant 36 : i32
    %dma_start3A_1654 = arith.constant 0 : i32
    %dma_start3A_1655 = arith.constant 0 : i32
    %dma_start3A_1656 = tpu.memref_slice %arg17[%dma_start3A_1652, %dma_start3A_1654, %dma_start3A_1655] : memref<4x80x128xf32, #tpu.memory_space<vmem>> -> memref<1x80x128xf32, #tpu.memory_space<vmem>>
    %dma_start3A_1657 = tpu.memref_squeeze %dma_start3A_1656 : memref<1x80x128xf32, #tpu.memory_space<vmem>> -> memref<80x128xf32, #tpu.memory_space<vmem>>
    %dma_start3A_1658 = arith.constant 0 : i32
    %dma_start3A_1659 = tpu.memref_slice %arg15[%dma_start3A_1653, %dma_start3A_1658] : memref<50x80xi32, #tpu.memory_space<vmem>> -> memref<1x80xi32, #tpu.memory_space<vmem>>
    %dma_start3A_1660 = tpu.memref_squeeze %dma_start3A_1659 : memref<1x80xi32, #tpu.memory_space<vmem>> -> memref<80xi32, #tpu.memory_space<vmem>>
    %dma_start3A_1661 = arith.constant 0 : i32
    %dma_start3A_1662 = arith.constant 0 : i32
    %dma_start3A_1663 = tpu.memref_slice %arg9[%dma_start3A_1661, %dma_start3A_1662] : memref<128000x128xf32, #tpu.memory_space<hbm>> -> memref<128000x128xf32, #tpu.memory_space<hbm>>
    tpu.enqueue_indirect_dma source(%dma_start3A_1657 : memref<80x128xf32, #tpu.memory_space<vmem>>) target(%dma_start3A_1663 : memref<128000x128xf32, #tpu.memory_space<hbm>>) offsets(%dma_start3A_1660 : memref<80xi32, #tpu.memory_space<vmem>>) semaphore(%arg19 : memref<!tpu.dma_semaphore, #tpu.memory_space<semaphore_mem>>)
    %dma_wait3A_1664 = arith.constant 1 : i32
    %dma_wait3A_1665 = arith.constant 33 : i32
    %dma_wait3A_1666 = arith.constant 0 : i32
    %dma_wait3A_1667 = arith.constant 0 : i32
    %dma_wait3A_1668 = tpu.memref_slice %arg17[%dma_wait3A_1664, %dma_wait3A_1666, %dma_wait3A_1667] : memref<4x80x128xf32, #tpu.memory_space<vmem>> -> memref<1x80x128xf32, #tpu.memory_space<vmem>>
    %dma_wait3A_1669 = tpu.memref_squeeze %dma_wait3A_1668 : memref<1x80x128xf32, #tpu.memory_space<vmem>> -> memref<80x128xf32, #tpu.memory_space<vmem>>
    %dma_wait3A_1670 = arith.constant 0 : i32
    %dma_wait3A_1671 = tpu.memref_slice %arg15[%dma_wait3A_1665, %dma_wait3A_1670] : memref<50x80xi32, #tpu.memory_space<vmem>> -> memref<1x80xi32, #tpu.memory_space<vmem>>
    %dma_wait3A_1672 = tpu.memref_squeeze %dma_wait3A_1671 : memref<1x80xi32, #tpu.memory_space<vmem>> -> memref<80xi32, #tpu.memory_space<vmem>>
    %dma_wait3A_1673 = arith.constant 0 : i32
    %dma_wait3A_1674 = arith.constant 0 : i32
    %dma_wait3A_1675 = tpu.memref_slice %arg9[%dma_wait3A_1673, %dma_wait3A_1674] : memref<128000x128xf32, #tpu.memory_space<hbm>> -> memref<128000x128xf32, #tpu.memory_space<hbm>>
    tpu.wait_indirect_dma semaphore(%arg19 : memref<!tpu.dma_semaphore, #tpu.memory_space<semaphore_mem>>) src(%dma_wait3A_1669 : memref<80x128xf32, #tpu.memory_space<vmem>>) dst(%dma_wait3A_1675 : memref<128000x128xf32, #tpu.memory_space<hbm>>)
    %dma_start3A_1676 = arith.constant 1 : i32
    %dma_start3A_1677 = arith.constant 0 : i32
    %dma_start3A_1678 = arith.constant 0 : i32
    %dma_start3A_1679 = tpu.memref_slice %arg17[%dma_start3A_1676, %dma_start3A_1677, %dma_start3A_1678] : memref<4x80x128xf32, #tpu.memory_space<vmem>> -> memref<1x80x128xf32, #tpu.memory_space<vmem>>
    %dma_start3A_1680 = tpu.memref_squeeze %dma_start3A_1679 : memref<1x80x128xf32, #tpu.memory_space<vmem>> -> memref<80x128xf32, #tpu.memory_space<vmem>>
    %dma_start3A_1681 = arith.constant 2960 : i32
    %dma_start3A_1682 = tpu.memref_slice %arg13[%dma_start3A_1681] : memref<4000xi32, #tpu.memory_space<vmem>> -> memref<80xi32, #tpu.memory_space<vmem>>
    %dma_start3A_1683 = arith.constant 0 : i32
    %dma_start3A_1684 = arith.constant 0 : i32
    %dma_start3A_1685 = tpu.memref_slice %arg5[%dma_start3A_1683, %dma_start3A_1684] : memref<16000x128xf32, #tpu.memory_space<hbm>> -> memref<16000x128xf32, #tpu.memory_space<hbm>>
    tpu.enqueue_indirect_dma source(%dma_start3A_1685 : memref<16000x128xf32, #tpu.memory_space<hbm>>) target(%dma_start3A_1680 : memref<80x128xf32, #tpu.memory_space<vmem>>) offsets(%dma_start3A_1682 : memref<80xi32, #tpu.memory_space<vmem>>) semaphore(%arg18 : memref<!tpu.dma_semaphore, #tpu.memory_space<semaphore_mem>>)
    %dma_wait3A_1686 = arith.constant 1 : i32
    %dma_wait3A_1687 = arith.constant 0 : i32
    %dma_wait3A_1688 = arith.constant 0 : i32
    %dma_wait3A_1689 = tpu.memref_slice %arg17[%dma_wait3A_1686, %dma_wait3A_1687, %dma_wait3A_1688] : memref<4x80x128xf32, #tpu.memory_space<vmem>> -> memref<1x80x128xf32, #tpu.memory_space<vmem>>
    %dma_wait3A_1690 = tpu.memref_squeeze %dma_wait3A_1689 : memref<1x80x128xf32, #tpu.memory_space<vmem>> -> memref<80x128xf32, #tpu.memory_space<vmem>>
    %dma_wait3A_1691 = arith.constant 2960 : i32
    %dma_wait3A_1692 = tpu.memref_slice %arg13[%dma_wait3A_1691] : memref<4000xi32, #tpu.memory_space<vmem>> -> memref<80xi32, #tpu.memory_space<vmem>>
    %dma_wait3A_1693 = arith.constant 0 : i32
    %dma_wait3A_1694 = arith.constant 0 : i32
    %dma_wait3A_1695 = tpu.memref_slice %arg5[%dma_wait3A_1693, %dma_wait3A_1694] : memref<16000x128xf32, #tpu.memory_space<hbm>> -> memref<16000x128xf32, #tpu.memory_space<hbm>>
    tpu.wait_indirect_dma semaphore(%arg18 : memref<!tpu.dma_semaphore, #tpu.memory_space<semaphore_mem>>) src(%dma_wait3A_1695 : memref<16000x128xf32, #tpu.memory_space<hbm>>) dst(%dma_wait3A_1690 : memref<80x128xf32, #tpu.memory_space<vmem>>)
    %dma_start3A_1696 = arith.constant 1 : i32
    %dma_start3A_1697 = arith.constant 37 : i32
    %dma_start3A_1698 = arith.constant 0 : i32
    %dma_start3A_1699 = arith.constant 0 : i32
    %dma_start3A_1700 = tpu.memref_slice %arg17[%dma_start3A_1696, %dma_start3A_1698, %dma_start3A_1699] : memref<4x80x128xf32, #tpu.memory_space<vmem>> -> memref<1x80x128xf32, #tpu.memory_space<vmem>>
    %dma_start3A_1701 = tpu.memref_squeeze %dma_start3A_1700 : memref<1x80x128xf32, #tpu.memory_space<vmem>> -> memref<80x128xf32, #tpu.memory_space<vmem>>
    %dma_start3A_1702 = arith.constant 0 : i32
    %dma_start3A_1703 = tpu.memref_slice %arg15[%dma_start3A_1697, %dma_start3A_1702] : memref<50x80xi32, #tpu.memory_space<vmem>> -> memref<1x80xi32, #tpu.memory_space<vmem>>
    %dma_start3A_1704 = tpu.memref_squeeze %dma_start3A_1703 : memref<1x80xi32, #tpu.memory_space<vmem>> -> memref<80xi32, #tpu.memory_space<vmem>>
    %dma_start3A_1705 = arith.constant 0 : i32
    %dma_start3A_1706 = arith.constant 0 : i32
    %dma_start3A_1707 = tpu.memref_slice %arg9[%dma_start3A_1705, %dma_start3A_1706] : memref<128000x128xf32, #tpu.memory_space<hbm>> -> memref<128000x128xf32, #tpu.memory_space<hbm>>
    tpu.enqueue_indirect_dma source(%dma_start3A_1701 : memref<80x128xf32, #tpu.memory_space<vmem>>) target(%dma_start3A_1707 : memref<128000x128xf32, #tpu.memory_space<hbm>>) offsets(%dma_start3A_1704 : memref<80xi32, #tpu.memory_space<vmem>>) semaphore(%arg19 : memref<!tpu.dma_semaphore, #tpu.memory_space<semaphore_mem>>)
    %dma_wait3A_1708 = arith.constant 2 : i32
    %dma_wait3A_1709 = arith.constant 34 : i32
    %dma_wait3A_1710 = arith.constant 0 : i32
    %dma_wait3A_1711 = arith.constant 0 : i32
    %dma_wait3A_1712 = tpu.memref_slice %arg17[%dma_wait3A_1708, %dma_wait3A_1710, %dma_wait3A_1711] : memref<4x80x128xf32, #tpu.memory_space<vmem>> -> memref<1x80x128xf32, #tpu.memory_space<vmem>>
    %dma_wait3A_1713 = tpu.memref_squeeze %dma_wait3A_1712 : memref<1x80x128xf32, #tpu.memory_space<vmem>> -> memref<80x128xf32, #tpu.memory_space<vmem>>
    %dma_wait3A_1714 = arith.constant 0 : i32
    %dma_wait3A_1715 = tpu.memref_slice %arg15[%dma_wait3A_1709, %dma_wait3A_1714] : memref<50x80xi32, #tpu.memory_space<vmem>> -> memref<1x80xi32, #tpu.memory_space<vmem>>
    %dma_wait3A_1716 = tpu.memref_squeeze %dma_wait3A_1715 : memref<1x80xi32, #tpu.memory_space<vmem>> -> memref<80xi32, #tpu.memory_space<vmem>>
    %dma_wait3A_1717 = arith.constant 0 : i32
    %dma_wait3A_1718 = arith.constant 0 : i32
    %dma_wait3A_1719 = tpu.memref_slice %arg9[%dma_wait3A_1717, %dma_wait3A_1718] : memref<128000x128xf32, #tpu.memory_space<hbm>> -> memref<128000x128xf32, #tpu.memory_space<hbm>>
    tpu.wait_indirect_dma semaphore(%arg19 : memref<!tpu.dma_semaphore, #tpu.memory_space<semaphore_mem>>) src(%dma_wait3A_1713 : memref<80x128xf32, #tpu.memory_space<vmem>>) dst(%dma_wait3A_1719 : memref<128000x128xf32, #tpu.memory_space<hbm>>)
    %dma_start3A_1720 = arith.constant 2 : i32
    %dma_start3A_1721 = arith.constant 0 : i32
    %dma_start3A_1722 = arith.constant 0 : i32
    %dma_start3A_1723 = tpu.memref_slice %arg17[%dma_start3A_1720, %dma_start3A_1721, %dma_start3A_1722] : memref<4x80x128xf32, #tpu.memory_space<vmem>> -> memref<1x80x128xf32, #tpu.memory_space<vmem>>
    %dma_start3A_1724 = tpu.memref_squeeze %dma_start3A_1723 : memref<1x80x128xf32, #tpu.memory_space<vmem>> -> memref<80x128xf32, #tpu.memory_space<vmem>>
    %dma_start3A_1725 = arith.constant 3040 : i32
    %dma_start3A_1726 = tpu.memref_slice %arg13[%dma_start3A_1725] : memref<4000xi32, #tpu.memory_space<vmem>> -> memref<80xi32, #tpu.memory_space<vmem>>
    %dma_start3A_1727 = arith.constant 0 : i32
    %dma_start3A_1728 = arith.constant 0 : i32
    %dma_start3A_1729 = tpu.memref_slice %arg5[%dma_start3A_1727, %dma_start3A_1728] : memref<16000x128xf32, #tpu.memory_space<hbm>> -> memref<16000x128xf32, #tpu.memory_space<hbm>>
    tpu.enqueue_indirect_dma source(%dma_start3A_1729 : memref<16000x128xf32, #tpu.memory_space<hbm>>) target(%dma_start3A_1724 : memref<80x128xf32, #tpu.memory_space<vmem>>) offsets(%dma_start3A_1726 : memref<80xi32, #tpu.memory_space<vmem>>) semaphore(%arg18 : memref<!tpu.dma_semaphore, #tpu.memory_space<semaphore_mem>>)
    %dma_wait3A_1730 = arith.constant 2 : i32
    %dma_wait3A_1731 = arith.constant 0 : i32
    %dma_wait3A_1732 = arith.constant 0 : i32
    %dma_wait3A_1733 = tpu.memref_slice %arg17[%dma_wait3A_1730, %dma_wait3A_1731, %dma_wait3A_1732] : memref<4x80x128xf32, #tpu.memory_space<vmem>> -> memref<1x80x128xf32, #tpu.memory_space<vmem>>
    %dma_wait3A_1734 = tpu.memref_squeeze %dma_wait3A_1733 : memref<1x80x128xf32, #tpu.memory_space<vmem>> -> memref<80x128xf32, #tpu.memory_space<vmem>>
    %dma_wait3A_1735 = arith.constant 3040 : i32
    %dma_wait3A_1736 = tpu.memref_slice %arg13[%dma_wait3A_1735] : memref<4000xi32, #tpu.memory_space<vmem>> -> memref<80xi32, #tpu.memory_space<vmem>>
    %dma_wait3A_1737 = arith.constant 0 : i32
    %dma_wait3A_1738 = arith.constant 0 : i32
    %dma_wait3A_1739 = tpu.memref_slice %arg5[%dma_wait3A_1737, %dma_wait3A_1738] : memref<16000x128xf32, #tpu.memory_space<hbm>> -> memref<16000x128xf32, #tpu.memory_space<hbm>>
    tpu.wait_indirect_dma semaphore(%arg18 : memref<!tpu.dma_semaphore, #tpu.memory_space<semaphore_mem>>) src(%dma_wait3A_1739 : memref<16000x128xf32, #tpu.memory_space<hbm>>) dst(%dma_wait3A_1734 : memref<80x128xf32, #tpu.memory_space<vmem>>)
    %dma_start3A_1740 = arith.constant 2 : i32
    %dma_start3A_1741 = arith.constant 38 : i32
    %dma_start3A_1742 = arith.constant 0 : i32
    %dma_start3A_1743 = arith.constant 0 : i32
    %dma_start3A_1744 = tpu.memref_slice %arg17[%dma_start3A_1740, %dma_start3A_1742, %dma_start3A_1743] : memref<4x80x128xf32, #tpu.memory_space<vmem>> -> memref<1x80x128xf32, #tpu.memory_space<vmem>>
    %dma_start3A_1745 = tpu.memref_squeeze %dma_start3A_1744 : memref<1x80x128xf32, #tpu.memory_space<vmem>> -> memref<80x128xf32, #tpu.memory_space<vmem>>
    %dma_start3A_1746 = arith.constant 0 : i32
    %dma_start3A_1747 = tpu.memref_slice %arg15[%dma_start3A_1741, %dma_start3A_1746] : memref<50x80xi32, #tpu.memory_space<vmem>> -> memref<1x80xi32, #tpu.memory_space<vmem>>
    %dma_start3A_1748 = tpu.memref_squeeze %dma_start3A_1747 : memref<1x80xi32, #tpu.memory_space<vmem>> -> memref<80xi32, #tpu.memory_space<vmem>>
    %dma_start3A_1749 = arith.constant 0 : i32
    %dma_start3A_1750 = arith.constant 0 : i32
    %dma_start3A_1751 = tpu.memref_slice %arg9[%dma_start3A_1749, %dma_start3A_1750] : memref<128000x128xf32, #tpu.memory_space<hbm>> -> memref<128000x128xf32, #tpu.memory_space<hbm>>
    tpu.enqueue_indirect_dma source(%dma_start3A_1745 : memref<80x128xf32, #tpu.memory_space<vmem>>) target(%dma_start3A_1751 : memref<128000x128xf32, #tpu.memory_space<hbm>>) offsets(%dma_start3A_1748 : memref<80xi32, #tpu.memory_space<vmem>>) semaphore(%arg19 : memref<!tpu.dma_semaphore, #tpu.memory_space<semaphore_mem>>)
    %dma_wait3A_1752 = arith.constant 3 : i32
    %dma_wait3A_1753 = arith.constant 35 : i32
    %dma_wait3A_1754 = arith.constant 0 : i32
    %dma_wait3A_1755 = arith.constant 0 : i32
    %dma_wait3A_1756 = tpu.memref_slice %arg17[%dma_wait3A_1752, %dma_wait3A_1754, %dma_wait3A_1755] : memref<4x80x128xf32, #tpu.memory_space<vmem>> -> memref<1x80x128xf32, #tpu.memory_space<vmem>>
    %dma_wait3A_1757 = tpu.memref_squeeze %dma_wait3A_1756 : memref<1x80x128xf32, #tpu.memory_space<vmem>> -> memref<80x128xf32, #tpu.memory_space<vmem>>
    %dma_wait3A_1758 = arith.constant 0 : i32
    %dma_wait3A_1759 = tpu.memref_slice %arg15[%dma_wait3A_1753, %dma_wait3A_1758] : memref<50x80xi32, #tpu.memory_space<vmem>> -> memref<1x80xi32, #tpu.memory_space<vmem>>
    %dma_wait3A_1760 = tpu.memref_squeeze %dma_wait3A_1759 : memref<1x80xi32, #tpu.memory_space<vmem>> -> memref<80xi32, #tpu.memory_space<vmem>>
    %dma_wait3A_1761 = arith.constant 0 : i32
    %dma_wait3A_1762 = arith.constant 0 : i32
    %dma_wait3A_1763 = tpu.memref_slice %arg9[%dma_wait3A_1761, %dma_wait3A_1762] : memref<128000x128xf32, #tpu.memory_space<hbm>> -> memref<128000x128xf32, #tpu.memory_space<hbm>>
    tpu.wait_indirect_dma semaphore(%arg19 : memref<!tpu.dma_semaphore, #tpu.memory_space<semaphore_mem>>) src(%dma_wait3A_1757 : memref<80x128xf32, #tpu.memory_space<vmem>>) dst(%dma_wait3A_1763 : memref<128000x128xf32, #tpu.memory_space<hbm>>)
    %dma_start3A_1764 = arith.constant 3 : i32
    %dma_start3A_1765 = arith.constant 0 : i32
    %dma_start3A_1766 = arith.constant 0 : i32
    %dma_start3A_1767 = tpu.memref_slice %arg17[%dma_start3A_1764, %dma_start3A_1765, %dma_start3A_1766] : memref<4x80x128xf32, #tpu.memory_space<vmem>> -> memref<1x80x128xf32, #tpu.memory_space<vmem>>
    %dma_start3A_1768 = tpu.memref_squeeze %dma_start3A_1767 : memref<1x80x128xf32, #tpu.memory_space<vmem>> -> memref<80x128xf32, #tpu.memory_space<vmem>>
    %dma_start3A_1769 = arith.constant 3120 : i32
    %dma_start3A_1770 = tpu.memref_slice %arg13[%dma_start3A_1769] : memref<4000xi32, #tpu.memory_space<vmem>> -> memref<80xi32, #tpu.memory_space<vmem>>
    %dma_start3A_1771 = arith.constant 0 : i32
    %dma_start3A_1772 = arith.constant 0 : i32
    %dma_start3A_1773 = tpu.memref_slice %arg5[%dma_start3A_1771, %dma_start3A_1772] : memref<16000x128xf32, #tpu.memory_space<hbm>> -> memref<16000x128xf32, #tpu.memory_space<hbm>>
    tpu.enqueue_indirect_dma source(%dma_start3A_1773 : memref<16000x128xf32, #tpu.memory_space<hbm>>) target(%dma_start3A_1768 : memref<80x128xf32, #tpu.memory_space<vmem>>) offsets(%dma_start3A_1770 : memref<80xi32, #tpu.memory_space<vmem>>) semaphore(%arg18 : memref<!tpu.dma_semaphore, #tpu.memory_space<semaphore_mem>>)
    %dma_wait3A_1774 = arith.constant 3 : i32
    %dma_wait3A_1775 = arith.constant 0 : i32
    %dma_wait3A_1776 = arith.constant 0 : i32
    %dma_wait3A_1777 = tpu.memref_slice %arg17[%dma_wait3A_1774, %dma_wait3A_1775, %dma_wait3A_1776] : memref<4x80x128xf32, #tpu.memory_space<vmem>> -> memref<1x80x128xf32, #tpu.memory_space<vmem>>
    %dma_wait3A_1778 = tpu.memref_squeeze %dma_wait3A_1777 : memref<1x80x128xf32, #tpu.memory_space<vmem>> -> memref<80x128xf32, #tpu.memory_space<vmem>>
    %dma_wait3A_1779 = arith.constant 3120 : i32
    %dma_wait3A_1780 = tpu.memref_slice %arg13[%dma_wait3A_1779] : memref<4000xi32, #tpu.memory_space<vmem>> -> memref<80xi32, #tpu.memory_space<vmem>>
    %dma_wait3A_1781 = arith.constant 0 : i32
    %dma_wait3A_1782 = arith.constant 0 : i32
    %dma_wait3A_1783 = tpu.memref_slice %arg5[%dma_wait3A_1781, %dma_wait3A_1782] : memref<16000x128xf32, #tpu.memory_space<hbm>> -> memref<16000x128xf32, #tpu.memory_space<hbm>>
    tpu.wait_indirect_dma semaphore(%arg18 : memref<!tpu.dma_semaphore, #tpu.memory_space<semaphore_mem>>) src(%dma_wait3A_1783 : memref<16000x128xf32, #tpu.memory_space<hbm>>) dst(%dma_wait3A_1778 : memref<80x128xf32, #tpu.memory_space<vmem>>)
    %dma_start3A_1784 = arith.constant 3 : i32
    %dma_start3A_1785 = arith.constant 39 : i32
    %dma_start3A_1786 = arith.constant 0 : i32
    %dma_start3A_1787 = arith.constant 0 : i32
    %dma_start3A_1788 = tpu.memref_slice %arg17[%dma_start3A_1784, %dma_start3A_1786, %dma_start3A_1787] : memref<4x80x128xf32, #tpu.memory_space<vmem>> -> memref<1x80x128xf32, #tpu.memory_space<vmem>>
    %dma_start3A_1789 = tpu.memref_squeeze %dma_start3A_1788 : memref<1x80x128xf32, #tpu.memory_space<vmem>> -> memref<80x128xf32, #tpu.memory_space<vmem>>
    %dma_start3A_1790 = arith.constant 0 : i32
    %dma_start3A_1791 = tpu.memref_slice %arg15[%dma_start3A_1785, %dma_start3A_1790] : memref<50x80xi32, #tpu.memory_space<vmem>> -> memref<1x80xi32, #tpu.memory_space<vmem>>
    %dma_start3A_1792 = tpu.memref_squeeze %dma_start3A_1791 : memref<1x80xi32, #tpu.memory_space<vmem>> -> memref<80xi32, #tpu.memory_space<vmem>>
    %dma_start3A_1793 = arith.constant 0 : i32
    %dma_start3A_1794 = arith.constant 0 : i32
    %dma_start3A_1795 = tpu.memref_slice %arg9[%dma_start3A_1793, %dma_start3A_1794] : memref<128000x128xf32, #tpu.memory_space<hbm>> -> memref<128000x128xf32, #tpu.memory_space<hbm>>
    tpu.enqueue_indirect_dma source(%dma_start3A_1789 : memref<80x128xf32, #tpu.memory_space<vmem>>) target(%dma_start3A_1795 : memref<128000x128xf32, #tpu.memory_space<hbm>>) offsets(%dma_start3A_1792 : memref<80xi32, #tpu.memory_space<vmem>>) semaphore(%arg19 : memref<!tpu.dma_semaphore, #tpu.memory_space<semaphore_mem>>)
    %dma_wait3A_1796 = arith.constant 0 : i32
    %dma_wait3A_1797 = arith.constant 36 : i32
    %dma_wait3A_1798 = arith.constant 0 : i32
    %dma_wait3A_1799 = arith.constant 0 : i32
    %dma_wait3A_1800 = tpu.memref_slice %arg17[%dma_wait3A_1796, %dma_wait3A_1798, %dma_wait3A_1799] : memref<4x80x128xf32, #tpu.memory_space<vmem>> -> memref<1x80x128xf32, #tpu.memory_space<vmem>>
    %dma_wait3A_1801 = tpu.memref_squeeze %dma_wait3A_1800 : memref<1x80x128xf32, #tpu.memory_space<vmem>> -> memref<80x128xf32, #tpu.memory_space<vmem>>
    %dma_wait3A_1802 = arith.constant 0 : i32
    %dma_wait3A_1803 = tpu.memref_slice %arg15[%dma_wait3A_1797, %dma_wait3A_1802] : memref<50x80xi32, #tpu.memory_space<vmem>> -> memref<1x80xi32, #tpu.memory_space<vmem>>
    %dma_wait3A_1804 = tpu.memref_squeeze %dma_wait3A_1803 : memref<1x80xi32, #tpu.memory_space<vmem>> -> memref<80xi32, #tpu.memory_space<vmem>>
    %dma_wait3A_1805 = arith.constant 0 : i32
    %dma_wait3A_1806 = arith.constant 0 : i32
    %dma_wait3A_1807 = tpu.memref_slice %arg9[%dma_wait3A_1805, %dma_wait3A_1806] : memref<128000x128xf32, #tpu.memory_space<hbm>> -> memref<128000x128xf32, #tpu.memory_space<hbm>>
    tpu.wait_indirect_dma semaphore(%arg19 : memref<!tpu.dma_semaphore, #tpu.memory_space<semaphore_mem>>) src(%dma_wait3A_1801 : memref<80x128xf32, #tpu.memory_space<vmem>>) dst(%dma_wait3A_1807 : memref<128000x128xf32, #tpu.memory_space<hbm>>)
    %dma_start3A_1808 = arith.constant 0 : i32
    %dma_start3A_1809 = arith.constant 0 : i32
    %dma_start3A_1810 = arith.constant 0 : i32
    %dma_start3A_1811 = tpu.memref_slice %arg17[%dma_start3A_1808, %dma_start3A_1809, %dma_start3A_1810] : memref<4x80x128xf32, #tpu.memory_space<vmem>> -> memref<1x80x128xf32, #tpu.memory_space<vmem>>
    %dma_start3A_1812 = tpu.memref_squeeze %dma_start3A_1811 : memref<1x80x128xf32, #tpu.memory_space<vmem>> -> memref<80x128xf32, #tpu.memory_space<vmem>>
    %dma_start3A_1813 = arith.constant 3200 : i32
    %dma_start3A_1814 = tpu.memref_slice %arg13[%dma_start3A_1813] : memref<4000xi32, #tpu.memory_space<vmem>> -> memref<80xi32, #tpu.memory_space<vmem>>
    %dma_start3A_1815 = arith.constant 0 : i32
    %dma_start3A_1816 = arith.constant 0 : i32
    %dma_start3A_1817 = tpu.memref_slice %arg5[%dma_start3A_1815, %dma_start3A_1816] : memref<16000x128xf32, #tpu.memory_space<hbm>> -> memref<16000x128xf32, #tpu.memory_space<hbm>>
    tpu.enqueue_indirect_dma source(%dma_start3A_1817 : memref<16000x128xf32, #tpu.memory_space<hbm>>) target(%dma_start3A_1812 : memref<80x128xf32, #tpu.memory_space<vmem>>) offsets(%dma_start3A_1814 : memref<80xi32, #tpu.memory_space<vmem>>) semaphore(%arg18 : memref<!tpu.dma_semaphore, #tpu.memory_space<semaphore_mem>>)
    %dma_wait3A_1818 = arith.constant 0 : i32
    %dma_wait3A_1819 = arith.constant 0 : i32
    %dma_wait3A_1820 = arith.constant 0 : i32
    %dma_wait3A_1821 = tpu.memref_slice %arg17[%dma_wait3A_1818, %dma_wait3A_1819, %dma_wait3A_1820] : memref<4x80x128xf32, #tpu.memory_space<vmem>> -> memref<1x80x128xf32, #tpu.memory_space<vmem>>
    %dma_wait3A_1822 = tpu.memref_squeeze %dma_wait3A_1821 : memref<1x80x128xf32, #tpu.memory_space<vmem>> -> memref<80x128xf32, #tpu.memory_space<vmem>>
    %dma_wait3A_1823 = arith.constant 3200 : i32
    %dma_wait3A_1824 = tpu.memref_slice %arg13[%dma_wait3A_1823] : memref<4000xi32, #tpu.memory_space<vmem>> -> memref<80xi32, #tpu.memory_space<vmem>>
    %dma_wait3A_1825 = arith.constant 0 : i32
    %dma_wait3A_1826 = arith.constant 0 : i32
    %dma_wait3A_1827 = tpu.memref_slice %arg5[%dma_wait3A_1825, %dma_wait3A_1826] : memref<16000x128xf32, #tpu.memory_space<hbm>> -> memref<16000x128xf32, #tpu.memory_space<hbm>>
    tpu.wait_indirect_dma semaphore(%arg18 : memref<!tpu.dma_semaphore, #tpu.memory_space<semaphore_mem>>) src(%dma_wait3A_1827 : memref<16000x128xf32, #tpu.memory_space<hbm>>) dst(%dma_wait3A_1822 : memref<80x128xf32, #tpu.memory_space<vmem>>)
    %dma_start3A_1828 = arith.constant 0 : i32
    %dma_start3A_1829 = arith.constant 40 : i32
    %dma_start3A_1830 = arith.constant 0 : i32
    %dma_start3A_1831 = arith.constant 0 : i32
    %dma_start3A_1832 = tpu.memref_slice %arg17[%dma_start3A_1828, %dma_start3A_1830, %dma_start3A_1831] : memref<4x80x128xf32, #tpu.memory_space<vmem>> -> memref<1x80x128xf32, #tpu.memory_space<vmem>>
    %dma_start3A_1833 = tpu.memref_squeeze %dma_start3A_1832 : memref<1x80x128xf32, #tpu.memory_space<vmem>> -> memref<80x128xf32, #tpu.memory_space<vmem>>
    %dma_start3A_1834 = arith.constant 0 : i32
    %dma_start3A_1835 = tpu.memref_slice %arg15[%dma_start3A_1829, %dma_start3A_1834] : memref<50x80xi32, #tpu.memory_space<vmem>> -> memref<1x80xi32, #tpu.memory_space<vmem>>
    %dma_start3A_1836 = tpu.memref_squeeze %dma_start3A_1835 : memref<1x80xi32, #tpu.memory_space<vmem>> -> memref<80xi32, #tpu.memory_space<vmem>>
    %dma_start3A_1837 = arith.constant 0 : i32
    %dma_start3A_1838 = arith.constant 0 : i32
    %dma_start3A_1839 = tpu.memref_slice %arg9[%dma_start3A_1837, %dma_start3A_1838] : memref<128000x128xf32, #tpu.memory_space<hbm>> -> memref<128000x128xf32, #tpu.memory_space<hbm>>
    tpu.enqueue_indirect_dma source(%dma_start3A_1833 : memref<80x128xf32, #tpu.memory_space<vmem>>) target(%dma_start3A_1839 : memref<128000x128xf32, #tpu.memory_space<hbm>>) offsets(%dma_start3A_1836 : memref<80xi32, #tpu.memory_space<vmem>>) semaphore(%arg19 : memref<!tpu.dma_semaphore, #tpu.memory_space<semaphore_mem>>)
    %dma_wait3A_1840 = arith.constant 1 : i32
    %dma_wait3A_1841 = arith.constant 37 : i32
    %dma_wait3A_1842 = arith.constant 0 : i32
    %dma_wait3A_1843 = arith.constant 0 : i32
    %dma_wait3A_1844 = tpu.memref_slice %arg17[%dma_wait3A_1840, %dma_wait3A_1842, %dma_wait3A_1843] : memref<4x80x128xf32, #tpu.memory_space<vmem>> -> memref<1x80x128xf32, #tpu.memory_space<vmem>>
    %dma_wait3A_1845 = tpu.memref_squeeze %dma_wait3A_1844 : memref<1x80x128xf32, #tpu.memory_space<vmem>> -> memref<80x128xf32, #tpu.memory_space<vmem>>
    %dma_wait3A_1846 = arith.constant 0 : i32
    %dma_wait3A_1847 = tpu.memref_slice %arg15[%dma_wait3A_1841, %dma_wait3A_1846] : memref<50x80xi32, #tpu.memory_space<vmem>> -> memref<1x80xi32, #tpu.memory_space<vmem>>
    %dma_wait3A_1848 = tpu.memref_squeeze %dma_wait3A_1847 : memref<1x80xi32, #tpu.memory_space<vmem>> -> memref<80xi32, #tpu.memory_space<vmem>>
    %dma_wait3A_1849 = arith.constant 0 : i32
    %dma_wait3A_1850 = arith.constant 0 : i32
    %dma_wait3A_1851 = tpu.memref_slice %arg9[%dma_wait3A_1849, %dma_wait3A_1850] : memref<128000x128xf32, #tpu.memory_space<hbm>> -> memref<128000x128xf32, #tpu.memory_space<hbm>>
    tpu.wait_indirect_dma semaphore(%arg19 : memref<!tpu.dma_semaphore, #tpu.memory_space<semaphore_mem>>) src(%dma_wait3A_1845 : memref<80x128xf32, #tpu.memory_space<vmem>>) dst(%dma_wait3A_1851 : memref<128000x128xf32, #tpu.memory_space<hbm>>)
    %dma_start3A_1852 = arith.constant 1 : i32
    %dma_start3A_1853 = arith.constant 0 : i32
    %dma_start3A_1854 = arith.constant 0 : i32
    %dma_start3A_1855 = tpu.memref_slice %arg17[%dma_start3A_1852, %dma_start3A_1853, %dma_start3A_1854] : memref<4x80x128xf32, #tpu.memory_space<vmem>> -> memref<1x80x128xf32, #tpu.memory_space<vmem>>
    %dma_start3A_1856 = tpu.memref_squeeze %dma_start3A_1855 : memref<1x80x128xf32, #tpu.memory_space<vmem>> -> memref<80x128xf32, #tpu.memory_space<vmem>>
    %dma_start3A_1857 = arith.constant 3280 : i32
    %dma_start3A_1858 = tpu.memref_slice %arg13[%dma_start3A_1857] : memref<4000xi32, #tpu.memory_space<vmem>> -> memref<80xi32, #tpu.memory_space<vmem>>
    %dma_start3A_1859 = arith.constant 0 : i32
    %dma_start3A_1860 = arith.constant 0 : i32
    %dma_start3A_1861 = tpu.memref_slice %arg5[%dma_start3A_1859, %dma_start3A_1860] : memref<16000x128xf32, #tpu.memory_space<hbm>> -> memref<16000x128xf32, #tpu.memory_space<hbm>>
    tpu.enqueue_indirect_dma source(%dma_start3A_1861 : memref<16000x128xf32, #tpu.memory_space<hbm>>) target(%dma_start3A_1856 : memref<80x128xf32, #tpu.memory_space<vmem>>) offsets(%dma_start3A_1858 : memref<80xi32, #tpu.memory_space<vmem>>) semaphore(%arg18 : memref<!tpu.dma_semaphore, #tpu.memory_space<semaphore_mem>>)
    %dma_wait3A_1862 = arith.constant 1 : i32
    %dma_wait3A_1863 = arith.constant 0 : i32
    %dma_wait3A_1864 = arith.constant 0 : i32
    %dma_wait3A_1865 = tpu.memref_slice %arg17[%dma_wait3A_1862, %dma_wait3A_1863, %dma_wait3A_1864] : memref<4x80x128xf32, #tpu.memory_space<vmem>> -> memref<1x80x128xf32, #tpu.memory_space<vmem>>
    %dma_wait3A_1866 = tpu.memref_squeeze %dma_wait3A_1865 : memref<1x80x128xf32, #tpu.memory_space<vmem>> -> memref<80x128xf32, #tpu.memory_space<vmem>>
    %dma_wait3A_1867 = arith.constant 3280 : i32
    %dma_wait3A_1868 = tpu.memref_slice %arg13[%dma_wait3A_1867] : memref<4000xi32, #tpu.memory_space<vmem>> -> memref<80xi32, #tpu.memory_space<vmem>>
    %dma_wait3A_1869 = arith.constant 0 : i32
    %dma_wait3A_1870 = arith.constant 0 : i32
    %dma_wait3A_1871 = tpu.memref_slice %arg5[%dma_wait3A_1869, %dma_wait3A_1870] : memref<16000x128xf32, #tpu.memory_space<hbm>> -> memref<16000x128xf32, #tpu.memory_space<hbm>>
    tpu.wait_indirect_dma semaphore(%arg18 : memref<!tpu.dma_semaphore, #tpu.memory_space<semaphore_mem>>) src(%dma_wait3A_1871 : memref<16000x128xf32, #tpu.memory_space<hbm>>) dst(%dma_wait3A_1866 : memref<80x128xf32, #tpu.memory_space<vmem>>)
    %dma_start3A_1872 = arith.constant 1 : i32
    %dma_start3A_1873 = arith.constant 41 : i32
    %dma_start3A_1874 = arith.constant 0 : i32
    %dma_start3A_1875 = arith.constant 0 : i32
    %dma_start3A_1876 = tpu.memref_slice %arg17[%dma_start3A_1872, %dma_start3A_1874, %dma_start3A_1875] : memref<4x80x128xf32, #tpu.memory_space<vmem>> -> memref<1x80x128xf32, #tpu.memory_space<vmem>>
    %dma_start3A_1877 = tpu.memref_squeeze %dma_start3A_1876 : memref<1x80x128xf32, #tpu.memory_space<vmem>> -> memref<80x128xf32, #tpu.memory_space<vmem>>
    %dma_start3A_1878 = arith.constant 0 : i32
    %dma_start3A_1879 = tpu.memref_slice %arg15[%dma_start3A_1873, %dma_start3A_1878] : memref<50x80xi32, #tpu.memory_space<vmem>> -> memref<1x80xi32, #tpu.memory_space<vmem>>
    %dma_start3A_1880 = tpu.memref_squeeze %dma_start3A_1879 : memref<1x80xi32, #tpu.memory_space<vmem>> -> memref<80xi32, #tpu.memory_space<vmem>>
    %dma_start3A_1881 = arith.constant 0 : i32
    %dma_start3A_1882 = arith.constant 0 : i32
    %dma_start3A_1883 = tpu.memref_slice %arg9[%dma_start3A_1881, %dma_start3A_1882] : memref<128000x128xf32, #tpu.memory_space<hbm>> -> memref<128000x128xf32, #tpu.memory_space<hbm>>
    tpu.enqueue_indirect_dma source(%dma_start3A_1877 : memref<80x128xf32, #tpu.memory_space<vmem>>) target(%dma_start3A_1883 : memref<128000x128xf32, #tpu.memory_space<hbm>>) offsets(%dma_start3A_1880 : memref<80xi32, #tpu.memory_space<vmem>>) semaphore(%arg19 : memref<!tpu.dma_semaphore, #tpu.memory_space<semaphore_mem>>)
    %dma_wait3A_1884 = arith.constant 2 : i32
    %dma_wait3A_1885 = arith.constant 38 : i32
    %dma_wait3A_1886 = arith.constant 0 : i32
    %dma_wait3A_1887 = arith.constant 0 : i32
    %dma_wait3A_1888 = tpu.memref_slice %arg17[%dma_wait3A_1884, %dma_wait3A_1886, %dma_wait3A_1887] : memref<4x80x128xf32, #tpu.memory_space<vmem>> -> memref<1x80x128xf32, #tpu.memory_space<vmem>>
    %dma_wait3A_1889 = tpu.memref_squeeze %dma_wait3A_1888 : memref<1x80x128xf32, #tpu.memory_space<vmem>> -> memref<80x128xf32, #tpu.memory_space<vmem>>
    %dma_wait3A_1890 = arith.constant 0 : i32
    %dma_wait3A_1891 = tpu.memref_slice %arg15[%dma_wait3A_1885, %dma_wait3A_1890] : memref<50x80xi32, #tpu.memory_space<vmem>> -> memref<1x80xi32, #tpu.memory_space<vmem>>
    %dma_wait3A_1892 = tpu.memref_squeeze %dma_wait3A_1891 : memref<1x80xi32, #tpu.memory_space<vmem>> -> memref<80xi32, #tpu.memory_space<vmem>>
    %dma_wait3A_1893 = arith.constant 0 : i32
    %dma_wait3A_1894 = arith.constant 0 : i32
    %dma_wait3A_1895 = tpu.memref_slice %arg9[%dma_wait3A_1893, %dma_wait3A_1894] : memref<128000x128xf32, #tpu.memory_space<hbm>> -> memref<128000x128xf32, #tpu.memory_space<hbm>>
    tpu.wait_indirect_dma semaphore(%arg19 : memref<!tpu.dma_semaphore, #tpu.memory_space<semaphore_mem>>) src(%dma_wait3A_1889 : memref<80x128xf32, #tpu.memory_space<vmem>>) dst(%dma_wait3A_1895 : memref<128000x128xf32, #tpu.memory_space<hbm>>)
    %dma_start3A_1896 = arith.constant 2 : i32
    %dma_start3A_1897 = arith.constant 0 : i32
    %dma_start3A_1898 = arith.constant 0 : i32
    %dma_start3A_1899 = tpu.memref_slice %arg17[%dma_start3A_1896, %dma_start3A_1897, %dma_start3A_1898] : memref<4x80x128xf32, #tpu.memory_space<vmem>> -> memref<1x80x128xf32, #tpu.memory_space<vmem>>
    %dma_start3A_1900 = tpu.memref_squeeze %dma_start3A_1899 : memref<1x80x128xf32, #tpu.memory_space<vmem>> -> memref<80x128xf32, #tpu.memory_space<vmem>>
    %dma_start3A_1901 = arith.constant 3360 : i32
    %dma_start3A_1902 = tpu.memref_slice %arg13[%dma_start3A_1901] : memref<4000xi32, #tpu.memory_space<vmem>> -> memref<80xi32, #tpu.memory_space<vmem>>
    %dma_start3A_1903 = arith.constant 0 : i32
    %dma_start3A_1904 = arith.constant 0 : i32
    %dma_start3A_1905 = tpu.memref_slice %arg5[%dma_start3A_1903, %dma_start3A_1904] : memref<16000x128xf32, #tpu.memory_space<hbm>> -> memref<16000x128xf32, #tpu.memory_space<hbm>>
    tpu.enqueue_indirect_dma source(%dma_start3A_1905 : memref<16000x128xf32, #tpu.memory_space<hbm>>) target(%dma_start3A_1900 : memref<80x128xf32, #tpu.memory_space<vmem>>) offsets(%dma_start3A_1902 : memref<80xi32, #tpu.memory_space<vmem>>) semaphore(%arg18 : memref<!tpu.dma_semaphore, #tpu.memory_space<semaphore_mem>>)
    %dma_wait3A_1906 = arith.constant 2 : i32
    %dma_wait3A_1907 = arith.constant 0 : i32
    %dma_wait3A_1908 = arith.constant 0 : i32
    %dma_wait3A_1909 = tpu.memref_slice %arg17[%dma_wait3A_1906, %dma_wait3A_1907, %dma_wait3A_1908] : memref<4x80x128xf32, #tpu.memory_space<vmem>> -> memref<1x80x128xf32, #tpu.memory_space<vmem>>
    %dma_wait3A_1910 = tpu.memref_squeeze %dma_wait3A_1909 : memref<1x80x128xf32, #tpu.memory_space<vmem>> -> memref<80x128xf32, #tpu.memory_space<vmem>>
    %dma_wait3A_1911 = arith.constant 3360 : i32
    %dma_wait3A_1912 = tpu.memref_slice %arg13[%dma_wait3A_1911] : memref<4000xi32, #tpu.memory_space<vmem>> -> memref<80xi32, #tpu.memory_space<vmem>>
    %dma_wait3A_1913 = arith.constant 0 : i32
    %dma_wait3A_1914 = arith.constant 0 : i32
    %dma_wait3A_1915 = tpu.memref_slice %arg5[%dma_wait3A_1913, %dma_wait3A_1914] : memref<16000x128xf32, #tpu.memory_space<hbm>> -> memref<16000x128xf32, #tpu.memory_space<hbm>>
    tpu.wait_indirect_dma semaphore(%arg18 : memref<!tpu.dma_semaphore, #tpu.memory_space<semaphore_mem>>) src(%dma_wait3A_1915 : memref<16000x128xf32, #tpu.memory_space<hbm>>) dst(%dma_wait3A_1910 : memref<80x128xf32, #tpu.memory_space<vmem>>)
    %dma_start3A_1916 = arith.constant 2 : i32
    %dma_start3A_1917 = arith.constant 42 : i32
    %dma_start3A_1918 = arith.constant 0 : i32
    %dma_start3A_1919 = arith.constant 0 : i32
    %dma_start3A_1920 = tpu.memref_slice %arg17[%dma_start3A_1916, %dma_start3A_1918, %dma_start3A_1919] : memref<4x80x128xf32, #tpu.memory_space<vmem>> -> memref<1x80x128xf32, #tpu.memory_space<vmem>>
    %dma_start3A_1921 = tpu.memref_squeeze %dma_start3A_1920 : memref<1x80x128xf32, #tpu.memory_space<vmem>> -> memref<80x128xf32, #tpu.memory_space<vmem>>
    %dma_start3A_1922 = arith.constant 0 : i32
    %dma_start3A_1923 = tpu.memref_slice %arg15[%dma_start3A_1917, %dma_start3A_1922] : memref<50x80xi32, #tpu.memory_space<vmem>> -> memref<1x80xi32, #tpu.memory_space<vmem>>
    %dma_start3A_1924 = tpu.memref_squeeze %dma_start3A_1923 : memref<1x80xi32, #tpu.memory_space<vmem>> -> memref<80xi32, #tpu.memory_space<vmem>>
    %dma_start3A_1925 = arith.constant 0 : i32
    %dma_start3A_1926 = arith.constant 0 : i32
    %dma_start3A_1927 = tpu.memref_slice %arg9[%dma_start3A_1925, %dma_start3A_1926] : memref<128000x128xf32, #tpu.memory_space<hbm>> -> memref<128000x128xf32, #tpu.memory_space<hbm>>
    tpu.enqueue_indirect_dma source(%dma_start3A_1921 : memref<80x128xf32, #tpu.memory_space<vmem>>) target(%dma_start3A_1927 : memref<128000x128xf32, #tpu.memory_space<hbm>>) offsets(%dma_start3A_1924 : memref<80xi32, #tpu.memory_space<vmem>>) semaphore(%arg19 : memref<!tpu.dma_semaphore, #tpu.memory_space<semaphore_mem>>)
    %dma_wait3A_1928 = arith.constant 3 : i32
    %dma_wait3A_1929 = arith.constant 39 : i32
    %dma_wait3A_1930 = arith.constant 0 : i32
    %dma_wait3A_1931 = arith.constant 0 : i32
    %dma_wait3A_1932 = tpu.memref_slice %arg17[%dma_wait3A_1928, %dma_wait3A_1930, %dma_wait3A_1931] : memref<4x80x128xf32, #tpu.memory_space<vmem>> -> memref<1x80x128xf32, #tpu.memory_space<vmem>>
    %dma_wait3A_1933 = tpu.memref_squeeze %dma_wait3A_1932 : memref<1x80x128xf32, #tpu.memory_space<vmem>> -> memref<80x128xf32, #tpu.memory_space<vmem>>
    %dma_wait3A_1934 = arith.constant 0 : i32
    %dma_wait3A_1935 = tpu.memref_slice %arg15[%dma_wait3A_1929, %dma_wait3A_1934] : memref<50x80xi32, #tpu.memory_space<vmem>> -> memref<1x80xi32, #tpu.memory_space<vmem>>
    %dma_wait3A_1936 = tpu.memref_squeeze %dma_wait3A_1935 : memref<1x80xi32, #tpu.memory_space<vmem>> -> memref<80xi32, #tpu.memory_space<vmem>>
    %dma_wait3A_1937 = arith.constant 0 : i32
    %dma_wait3A_1938 = arith.constant 0 : i32
    %dma_wait3A_1939 = tpu.memref_slice %arg9[%dma_wait3A_1937, %dma_wait3A_1938] : memref<128000x128xf32, #tpu.memory_space<hbm>> -> memref<128000x128xf32, #tpu.memory_space<hbm>>
    tpu.wait_indirect_dma semaphore(%arg19 : memref<!tpu.dma_semaphore, #tpu.memory_space<semaphore_mem>>) src(%dma_wait3A_1933 : memref<80x128xf32, #tpu.memory_space<vmem>>) dst(%dma_wait3A_1939 : memref<128000x128xf32, #tpu.memory_space<hbm>>)
    %dma_start3A_1940 = arith.constant 3 : i32
    %dma_start3A_1941 = arith.constant 0 : i32
    %dma_start3A_1942 = arith.constant 0 : i32
    %dma_start3A_1943 = tpu.memref_slice %arg17[%dma_start3A_1940, %dma_start3A_1941, %dma_start3A_1942] : memref<4x80x128xf32, #tpu.memory_space<vmem>> -> memref<1x80x128xf32, #tpu.memory_space<vmem>>
    %dma_start3A_1944 = tpu.memref_squeeze %dma_start3A_1943 : memref<1x80x128xf32, #tpu.memory_space<vmem>> -> memref<80x128xf32, #tpu.memory_space<vmem>>
    %dma_start3A_1945 = arith.constant 3440 : i32
    %dma_start3A_1946 = tpu.memref_slice %arg13[%dma_start3A_1945] : memref<4000xi32, #tpu.memory_space<vmem>> -> memref<80xi32, #tpu.memory_space<vmem>>
    %dma_start3A_1947 = arith.constant 0 : i32
    %dma_start3A_1948 = arith.constant 0 : i32
    %dma_start3A_1949 = tpu.memref_slice %arg5[%dma_start3A_1947, %dma_start3A_1948] : memref<16000x128xf32, #tpu.memory_space<hbm>> -> memref<16000x128xf32, #tpu.memory_space<hbm>>
    tpu.enqueue_indirect_dma source(%dma_start3A_1949 : memref<16000x128xf32, #tpu.memory_space<hbm>>) target(%dma_start3A_1944 : memref<80x128xf32, #tpu.memory_space<vmem>>) offsets(%dma_start3A_1946 : memref<80xi32, #tpu.memory_space<vmem>>) semaphore(%arg18 : memref<!tpu.dma_semaphore, #tpu.memory_space<semaphore_mem>>)
    %dma_wait3A_1950 = arith.constant 3 : i32
    %dma_wait3A_1951 = arith.constant 0 : i32
    %dma_wait3A_1952 = arith.constant 0 : i32
    %dma_wait3A_1953 = tpu.memref_slice %arg17[%dma_wait3A_1950, %dma_wait3A_1951, %dma_wait3A_1952] : memref<4x80x128xf32, #tpu.memory_space<vmem>> -> memref<1x80x128xf32, #tpu.memory_space<vmem>>
    %dma_wait3A_1954 = tpu.memref_squeeze %dma_wait3A_1953 : memref<1x80x128xf32, #tpu.memory_space<vmem>> -> memref<80x128xf32, #tpu.memory_space<vmem>>
    %dma_wait3A_1955 = arith.constant 3440 : i32
    %dma_wait3A_1956 = tpu.memref_slice %arg13[%dma_wait3A_1955] : memref<4000xi32, #tpu.memory_space<vmem>> -> memref<80xi32, #tpu.memory_space<vmem>>
    %dma_wait3A_1957 = arith.constant 0 : i32
    %dma_wait3A_1958 = arith.constant 0 : i32
    %dma_wait3A_1959 = tpu.memref_slice %arg5[%dma_wait3A_1957, %dma_wait3A_1958] : memref<16000x128xf32, #tpu.memory_space<hbm>> -> memref<16000x128xf32, #tpu.memory_space<hbm>>
    tpu.wait_indirect_dma semaphore(%arg18 : memref<!tpu.dma_semaphore, #tpu.memory_space<semaphore_mem>>) src(%dma_wait3A_1959 : memref<16000x128xf32, #tpu.memory_space<hbm>>) dst(%dma_wait3A_1954 : memref<80x128xf32, #tpu.memory_space<vmem>>)
    %dma_start3A_1960 = arith.constant 3 : i32
    %dma_start3A_1961 = arith.constant 43 : i32
    %dma_start3A_1962 = arith.constant 0 : i32
    %dma_start3A_1963 = arith.constant 0 : i32
    %dma_start3A_1964 = tpu.memref_slice %arg17[%dma_start3A_1960, %dma_start3A_1962, %dma_start3A_1963] : memref<4x80x128xf32, #tpu.memory_space<vmem>> -> memref<1x80x128xf32, #tpu.memory_space<vmem>>
    %dma_start3A_1965 = tpu.memref_squeeze %dma_start3A_1964 : memref<1x80x128xf32, #tpu.memory_space<vmem>> -> memref<80x128xf32, #tpu.memory_space<vmem>>
    %dma_start3A_1966 = arith.constant 0 : i32
    %dma_start3A_1967 = tpu.memref_slice %arg15[%dma_start3A_1961, %dma_start3A_1966] : memref<50x80xi32, #tpu.memory_space<vmem>> -> memref<1x80xi32, #tpu.memory_space<vmem>>
    %dma_start3A_1968 = tpu.memref_squeeze %dma_start3A_1967 : memref<1x80xi32, #tpu.memory_space<vmem>> -> memref<80xi32, #tpu.memory_space<vmem>>
    %dma_start3A_1969 = arith.constant 0 : i32
    %dma_start3A_1970 = arith.constant 0 : i32
    %dma_start3A_1971 = tpu.memref_slice %arg9[%dma_start3A_1969, %dma_start3A_1970] : memref<128000x128xf32, #tpu.memory_space<hbm>> -> memref<128000x128xf32, #tpu.memory_space<hbm>>
    tpu.enqueue_indirect_dma source(%dma_start3A_1965 : memref<80x128xf32, #tpu.memory_space<vmem>>) target(%dma_start3A_1971 : memref<128000x128xf32, #tpu.memory_space<hbm>>) offsets(%dma_start3A_1968 : memref<80xi32, #tpu.memory_space<vmem>>) semaphore(%arg19 : memref<!tpu.dma_semaphore, #tpu.memory_space<semaphore_mem>>)
    %dma_wait3A_1972 = arith.constant 0 : i32
    %dma_wait3A_1973 = arith.constant 40 : i32
    %dma_wait3A_1974 = arith.constant 0 : i32
    %dma_wait3A_1975 = arith.constant 0 : i32
    %dma_wait3A_1976 = tpu.memref_slice %arg17[%dma_wait3A_1972, %dma_wait3A_1974, %dma_wait3A_1975] : memref<4x80x128xf32, #tpu.memory_space<vmem>> -> memref<1x80x128xf32, #tpu.memory_space<vmem>>
    %dma_wait3A_1977 = tpu.memref_squeeze %dma_wait3A_1976 : memref<1x80x128xf32, #tpu.memory_space<vmem>> -> memref<80x128xf32, #tpu.memory_space<vmem>>
    %dma_wait3A_1978 = arith.constant 0 : i32
    %dma_wait3A_1979 = tpu.memref_slice %arg15[%dma_wait3A_1973, %dma_wait3A_1978] : memref<50x80xi32, #tpu.memory_space<vmem>> -> memref<1x80xi32, #tpu.memory_space<vmem>>
    %dma_wait3A_1980 = tpu.memref_squeeze %dma_wait3A_1979 : memref<1x80xi32, #tpu.memory_space<vmem>> -> memref<80xi32, #tpu.memory_space<vmem>>
    %dma_wait3A_1981 = arith.constant 0 : i32
    %dma_wait3A_1982 = arith.constant 0 : i32
    %dma_wait3A_1983 = tpu.memref_slice %arg9[%dma_wait3A_1981, %dma_wait3A_1982] : memref<128000x128xf32, #tpu.memory_space<hbm>> -> memref<128000x128xf32, #tpu.memory_space<hbm>>
    tpu.wait_indirect_dma semaphore(%arg19 : memref<!tpu.dma_semaphore, #tpu.memory_space<semaphore_mem>>) src(%dma_wait3A_1977 : memref<80x128xf32, #tpu.memory_space<vmem>>) dst(%dma_wait3A_1983 : memref<128000x128xf32, #tpu.memory_space<hbm>>)
    %dma_start3A_1984 = arith.constant 0 : i32
    %dma_start3A_1985 = arith.constant 0 : i32
    %dma_start3A_1986 = arith.constant 0 : i32
    %dma_start3A_1987 = tpu.memref_slice %arg17[%dma_start3A_1984, %dma_start3A_1985, %dma_start3A_1986] : memref<4x80x128xf32, #tpu.memory_space<vmem>> -> memref<1x80x128xf32, #tpu.memory_space<vmem>>
    %dma_start3A_1988 = tpu.memref_squeeze %dma_start3A_1987 : memref<1x80x128xf32, #tpu.memory_space<vmem>> -> memref<80x128xf32, #tpu.memory_space<vmem>>
    %dma_start3A_1989 = arith.constant 3520 : i32
    %dma_start3A_1990 = tpu.memref_slice %arg13[%dma_start3A_1989] : memref<4000xi32, #tpu.memory_space<vmem>> -> memref<80xi32, #tpu.memory_space<vmem>>
    %dma_start3A_1991 = arith.constant 0 : i32
    %dma_start3A_1992 = arith.constant 0 : i32
    %dma_start3A_1993 = tpu.memref_slice %arg5[%dma_start3A_1991, %dma_start3A_1992] : memref<16000x128xf32, #tpu.memory_space<hbm>> -> memref<16000x128xf32, #tpu.memory_space<hbm>>
    tpu.enqueue_indirect_dma source(%dma_start3A_1993 : memref<16000x128xf32, #tpu.memory_space<hbm>>) target(%dma_start3A_1988 : memref<80x128xf32, #tpu.memory_space<vmem>>) offsets(%dma_start3A_1990 : memref<80xi32, #tpu.memory_space<vmem>>) semaphore(%arg18 : memref<!tpu.dma_semaphore, #tpu.memory_space<semaphore_mem>>)
    %dma_wait3A_1994 = arith.constant 0 : i32
    %dma_wait3A_1995 = arith.constant 0 : i32
    %dma_wait3A_1996 = arith.constant 0 : i32
    %dma_wait3A_1997 = tpu.memref_slice %arg17[%dma_wait3A_1994, %dma_wait3A_1995, %dma_wait3A_1996] : memref<4x80x128xf32, #tpu.memory_space<vmem>> -> memref<1x80x128xf32, #tpu.memory_space<vmem>>
    %dma_wait3A_1998 = tpu.memref_squeeze %dma_wait3A_1997 : memref<1x80x128xf32, #tpu.memory_space<vmem>> -> memref<80x128xf32, #tpu.memory_space<vmem>>
    %dma_wait3A_1999 = arith.constant 3520 : i32
    %dma_wait3A_2000 = tpu.memref_slice %arg13[%dma_wait3A_1999] : memref<4000xi32, #tpu.memory_space<vmem>> -> memref<80xi32, #tpu.memory_space<vmem>>
    %dma_wait3A_2001 = arith.constant 0 : i32
    %dma_wait3A_2002 = arith.constant 0 : i32
    %dma_wait3A_2003 = tpu.memref_slice %arg5[%dma_wait3A_2001, %dma_wait3A_2002] : memref<16000x128xf32, #tpu.memory_space<hbm>> -> memref<16000x128xf32, #tpu.memory_space<hbm>>
    tpu.wait_indirect_dma semaphore(%arg18 : memref<!tpu.dma_semaphore, #tpu.memory_space<semaphore_mem>>) src(%dma_wait3A_2003 : memref<16000x128xf32, #tpu.memory_space<hbm>>) dst(%dma_wait3A_1998 : memref<80x128xf32, #tpu.memory_space<vmem>>)
    %dma_start3A_2004 = arith.constant 0 : i32
    %dma_start3A_2005 = arith.constant 44 : i32
    %dma_start3A_2006 = arith.constant 0 : i32
    %dma_start3A_2007 = arith.constant 0 : i32
    %dma_start3A_2008 = tpu.memref_slice %arg17[%dma_start3A_2004, %dma_start3A_2006, %dma_start3A_2007] : memref<4x80x128xf32, #tpu.memory_space<vmem>> -> memref<1x80x128xf32, #tpu.memory_space<vmem>>
    %dma_start3A_2009 = tpu.memref_squeeze %dma_start3A_2008 : memref<1x80x128xf32, #tpu.memory_space<vmem>> -> memref<80x128xf32, #tpu.memory_space<vmem>>
    %dma_start3A_2010 = arith.constant 0 : i32
    %dma_start3A_2011 = tpu.memref_slice %arg15[%dma_start3A_2005, %dma_start3A_2010] : memref<50x80xi32, #tpu.memory_space<vmem>> -> memref<1x80xi32, #tpu.memory_space<vmem>>
    %dma_start3A_2012 = tpu.memref_squeeze %dma_start3A_2011 : memref<1x80xi32, #tpu.memory_space<vmem>> -> memref<80xi32, #tpu.memory_space<vmem>>
    %dma_start3A_2013 = arith.constant 0 : i32
    %dma_start3A_2014 = arith.constant 0 : i32
    %dma_start3A_2015 = tpu.memref_slice %arg9[%dma_start3A_2013, %dma_start3A_2014] : memref<128000x128xf32, #tpu.memory_space<hbm>> -> memref<128000x128xf32, #tpu.memory_space<hbm>>
    tpu.enqueue_indirect_dma source(%dma_start3A_2009 : memref<80x128xf32, #tpu.memory_space<vmem>>) target(%dma_start3A_2015 : memref<128000x128xf32, #tpu.memory_space<hbm>>) offsets(%dma_start3A_2012 : memref<80xi32, #tpu.memory_space<vmem>>) semaphore(%arg19 : memref<!tpu.dma_semaphore, #tpu.memory_space<semaphore_mem>>)
    %dma_wait3A_2016 = arith.constant 1 : i32
    %dma_wait3A_2017 = arith.constant 41 : i32
    %dma_wait3A_2018 = arith.constant 0 : i32
    %dma_wait3A_2019 = arith.constant 0 : i32
    %dma_wait3A_2020 = tpu.memref_slice %arg17[%dma_wait3A_2016, %dma_wait3A_2018, %dma_wait3A_2019] : memref<4x80x128xf32, #tpu.memory_space<vmem>> -> memref<1x80x128xf32, #tpu.memory_space<vmem>>
    %dma_wait3A_2021 = tpu.memref_squeeze %dma_wait3A_2020 : memref<1x80x128xf32, #tpu.memory_space<vmem>> -> memref<80x128xf32, #tpu.memory_space<vmem>>
    %dma_wait3A_2022 = arith.constant 0 : i32
    %dma_wait3A_2023 = tpu.memref_slice %arg15[%dma_wait3A_2017, %dma_wait3A_2022] : memref<50x80xi32, #tpu.memory_space<vmem>> -> memref<1x80xi32, #tpu.memory_space<vmem>>
    %dma_wait3A_2024 = tpu.memref_squeeze %dma_wait3A_2023 : memref<1x80xi32, #tpu.memory_space<vmem>> -> memref<80xi32, #tpu.memory_space<vmem>>
    %dma_wait3A_2025 = arith.constant 0 : i32
    %dma_wait3A_2026 = arith.constant 0 : i32
    %dma_wait3A_2027 = tpu.memref_slice %arg9[%dma_wait3A_2025, %dma_wait3A_2026] : memref<128000x128xf32, #tpu.memory_space<hbm>> -> memref<128000x128xf32, #tpu.memory_space<hbm>>
    tpu.wait_indirect_dma semaphore(%arg19 : memref<!tpu.dma_semaphore, #tpu.memory_space<semaphore_mem>>) src(%dma_wait3A_2021 : memref<80x128xf32, #tpu.memory_space<vmem>>) dst(%dma_wait3A_2027 : memref<128000x128xf32, #tpu.memory_space<hbm>>)
    %dma_start3A_2028 = arith.constant 1 : i32
    %dma_start3A_2029 = arith.constant 0 : i32
    %dma_start3A_2030 = arith.constant 0 : i32
    %dma_start3A_2031 = tpu.memref_slice %arg17[%dma_start3A_2028, %dma_start3A_2029, %dma_start3A_2030] : memref<4x80x128xf32, #tpu.memory_space<vmem>> -> memref<1x80x128xf32, #tpu.memory_space<vmem>>
    %dma_start3A_2032 = tpu.memref_squeeze %dma_start3A_2031 : memref<1x80x128xf32, #tpu.memory_space<vmem>> -> memref<80x128xf32, #tpu.memory_space<vmem>>
    %dma_start3A_2033 = arith.constant 3600 : i32
    %dma_start3A_2034 = tpu.memref_slice %arg13[%dma_start3A_2033] : memref<4000xi32, #tpu.memory_space<vmem>> -> memref<80xi32, #tpu.memory_space<vmem>>
    %dma_start3A_2035 = arith.constant 0 : i32
    %dma_start3A_2036 = arith.constant 0 : i32
    %dma_start3A_2037 = tpu.memref_slice %arg5[%dma_start3A_2035, %dma_start3A_2036] : memref<16000x128xf32, #tpu.memory_space<hbm>> -> memref<16000x128xf32, #tpu.memory_space<hbm>>
    tpu.enqueue_indirect_dma source(%dma_start3A_2037 : memref<16000x128xf32, #tpu.memory_space<hbm>>) target(%dma_start3A_2032 : memref<80x128xf32, #tpu.memory_space<vmem>>) offsets(%dma_start3A_2034 : memref<80xi32, #tpu.memory_space<vmem>>) semaphore(%arg18 : memref<!tpu.dma_semaphore, #tpu.memory_space<semaphore_mem>>)
    %dma_wait3A_2038 = arith.constant 1 : i32
    %dma_wait3A_2039 = arith.constant 0 : i32
    %dma_wait3A_2040 = arith.constant 0 : i32
    %dma_wait3A_2041 = tpu.memref_slice %arg17[%dma_wait3A_2038, %dma_wait3A_2039, %dma_wait3A_2040] : memref<4x80x128xf32, #tpu.memory_space<vmem>> -> memref<1x80x128xf32, #tpu.memory_space<vmem>>
    %dma_wait3A_2042 = tpu.memref_squeeze %dma_wait3A_2041 : memref<1x80x128xf32, #tpu.memory_space<vmem>> -> memref<80x128xf32, #tpu.memory_space<vmem>>
    %dma_wait3A_2043 = arith.constant 3600 : i32
    %dma_wait3A_2044 = tpu.memref_slice %arg13[%dma_wait3A_2043] : memref<4000xi32, #tpu.memory_space<vmem>> -> memref<80xi32, #tpu.memory_space<vmem>>
    %dma_wait3A_2045 = arith.constant 0 : i32
    %dma_wait3A_2046 = arith.constant 0 : i32
    %dma_wait3A_2047 = tpu.memref_slice %arg5[%dma_wait3A_2045, %dma_wait3A_2046] : memref<16000x128xf32, #tpu.memory_space<hbm>> -> memref<16000x128xf32, #tpu.memory_space<hbm>>
    tpu.wait_indirect_dma semaphore(%arg18 : memref<!tpu.dma_semaphore, #tpu.memory_space<semaphore_mem>>) src(%dma_wait3A_2047 : memref<16000x128xf32, #tpu.memory_space<hbm>>) dst(%dma_wait3A_2042 : memref<80x128xf32, #tpu.memory_space<vmem>>)
    %dma_start3A_2048 = arith.constant 1 : i32
    %dma_start3A_2049 = arith.constant 45 : i32
    %dma_start3A_2050 = arith.constant 0 : i32
    %dma_start3A_2051 = arith.constant 0 : i32
    %dma_start3A_2052 = tpu.memref_slice %arg17[%dma_start3A_2048, %dma_start3A_2050, %dma_start3A_2051] : memref<4x80x128xf32, #tpu.memory_space<vmem>> -> memref<1x80x128xf32, #tpu.memory_space<vmem>>
    %dma_start3A_2053 = tpu.memref_squeeze %dma_start3A_2052 : memref<1x80x128xf32, #tpu.memory_space<vmem>> -> memref<80x128xf32, #tpu.memory_space<vmem>>
    %dma_start3A_2054 = arith.constant 0 : i32
    %dma_start3A_2055 = tpu.memref_slice %arg15[%dma_start3A_2049, %dma_start3A_2054] : memref<50x80xi32, #tpu.memory_space<vmem>> -> memref<1x80xi32, #tpu.memory_space<vmem>>
    %dma_start3A_2056 = tpu.memref_squeeze %dma_start3A_2055 : memref<1x80xi32, #tpu.memory_space<vmem>> -> memref<80xi32, #tpu.memory_space<vmem>>
    %dma_start3A_2057 = arith.constant 0 : i32
    %dma_start3A_2058 = arith.constant 0 : i32
    %dma_start3A_2059 = tpu.memref_slice %arg9[%dma_start3A_2057, %dma_start3A_2058] : memref<128000x128xf32, #tpu.memory_space<hbm>> -> memref<128000x128xf32, #tpu.memory_space<hbm>>
    tpu.enqueue_indirect_dma source(%dma_start3A_2053 : memref<80x128xf32, #tpu.memory_space<vmem>>) target(%dma_start3A_2059 : memref<128000x128xf32, #tpu.memory_space<hbm>>) offsets(%dma_start3A_2056 : memref<80xi32, #tpu.memory_space<vmem>>) semaphore(%arg19 : memref<!tpu.dma_semaphore, #tpu.memory_space<semaphore_mem>>)
    %dma_wait3A_2060 = arith.constant 2 : i32
    %dma_wait3A_2061 = arith.constant 42 : i32
    %dma_wait3A_2062 = arith.constant 0 : i32
    %dma_wait3A_2063 = arith.constant 0 : i32
    %dma_wait3A_2064 = tpu.memref_slice %arg17[%dma_wait3A_2060, %dma_wait3A_2062, %dma_wait3A_2063] : memref<4x80x128xf32, #tpu.memory_space<vmem>> -> memref<1x80x128xf32, #tpu.memory_space<vmem>>
    %dma_wait3A_2065 = tpu.memref_squeeze %dma_wait3A_2064 : memref<1x80x128xf32, #tpu.memory_space<vmem>> -> memref<80x128xf32, #tpu.memory_space<vmem>>
    %dma_wait3A_2066 = arith.constant 0 : i32
    %dma_wait3A_2067 = tpu.memref_slice %arg15[%dma_wait3A_2061, %dma_wait3A_2066] : memref<50x80xi32, #tpu.memory_space<vmem>> -> memref<1x80xi32, #tpu.memory_space<vmem>>
    %dma_wait3A_2068 = tpu.memref_squeeze %dma_wait3A_2067 : memref<1x80xi32, #tpu.memory_space<vmem>> -> memref<80xi32, #tpu.memory_space<vmem>>
    %dma_wait3A_2069 = arith.constant 0 : i32
    %dma_wait3A_2070 = arith.constant 0 : i32
    %dma_wait3A_2071 = tpu.memref_slice %arg9[%dma_wait3A_2069, %dma_wait3A_2070] : memref<128000x128xf32, #tpu.memory_space<hbm>> -> memref<128000x128xf32, #tpu.memory_space<hbm>>
    tpu.wait_indirect_dma semaphore(%arg19 : memref<!tpu.dma_semaphore, #tpu.memory_space<semaphore_mem>>) src(%dma_wait3A_2065 : memref<80x128xf32, #tpu.memory_space<vmem>>) dst(%dma_wait3A_2071 : memref<128000x128xf32, #tpu.memory_space<hbm>>)
    %dma_start3A_2072 = arith.constant 2 : i32
    %dma_start3A_2073 = arith.constant 0 : i32
    %dma_start3A_2074 = arith.constant 0 : i32
    %dma_start3A_2075 = tpu.memref_slice %arg17[%dma_start3A_2072, %dma_start3A_2073, %dma_start3A_2074] : memref<4x80x128xf32, #tpu.memory_space<vmem>> -> memref<1x80x128xf32, #tpu.memory_space<vmem>>
    %dma_start3A_2076 = tpu.memref_squeeze %dma_start3A_2075 : memref<1x80x128xf32, #tpu.memory_space<vmem>> -> memref<80x128xf32, #tpu.memory_space<vmem>>
    %dma_start3A_2077 = arith.constant 3680 : i32
    %dma_start3A_2078 = tpu.memref_slice %arg13[%dma_start3A_2077] : memref<4000xi32, #tpu.memory_space<vmem>> -> memref<80xi32, #tpu.memory_space<vmem>>
    %dma_start3A_2079 = arith.constant 0 : i32
    %dma_start3A_2080 = arith.constant 0 : i32
    %dma_start3A_2081 = tpu.memref_slice %arg5[%dma_start3A_2079, %dma_start3A_2080] : memref<16000x128xf32, #tpu.memory_space<hbm>> -> memref<16000x128xf32, #tpu.memory_space<hbm>>
    tpu.enqueue_indirect_dma source(%dma_start3A_2081 : memref<16000x128xf32, #tpu.memory_space<hbm>>) target(%dma_start3A_2076 : memref<80x128xf32, #tpu.memory_space<vmem>>) offsets(%dma_start3A_2078 : memref<80xi32, #tpu.memory_space<vmem>>) semaphore(%arg18 : memref<!tpu.dma_semaphore, #tpu.memory_space<semaphore_mem>>)
    %dma_wait3A_2082 = arith.constant 2 : i32
    %dma_wait3A_2083 = arith.constant 0 : i32
    %dma_wait3A_2084 = arith.constant 0 : i32
    %dma_wait3A_2085 = tpu.memref_slice %arg17[%dma_wait3A_2082, %dma_wait3A_2083, %dma_wait3A_2084] : memref<4x80x128xf32, #tpu.memory_space<vmem>> -> memref<1x80x128xf32, #tpu.memory_space<vmem>>
    %dma_wait3A_2086 = tpu.memref_squeeze %dma_wait3A_2085 : memref<1x80x128xf32, #tpu.memory_space<vmem>> -> memref<80x128xf32, #tpu.memory_space<vmem>>
    %dma_wait3A_2087 = arith.constant 3680 : i32
    %dma_wait3A_2088 = tpu.memref_slice %arg13[%dma_wait3A_2087] : memref<4000xi32, #tpu.memory_space<vmem>> -> memref<80xi32, #tpu.memory_space<vmem>>
    %dma_wait3A_2089 = arith.constant 0 : i32
    %dma_wait3A_2090 = arith.constant 0 : i32
    %dma_wait3A_2091 = tpu.memref_slice %arg5[%dma_wait3A_2089, %dma_wait3A_2090] : memref<16000x128xf32, #tpu.memory_space<hbm>> -> memref<16000x128xf32, #tpu.memory_space<hbm>>
    tpu.wait_indirect_dma semaphore(%arg18 : memref<!tpu.dma_semaphore, #tpu.memory_space<semaphore_mem>>) src(%dma_wait3A_2091 : memref<16000x128xf32, #tpu.memory_space<hbm>>) dst(%dma_wait3A_2086 : memref<80x128xf32, #tpu.memory_space<vmem>>)
    %dma_start3A_2092 = arith.constant 2 : i32
    %dma_start3A_2093 = arith.constant 46 : i32
    %dma_start3A_2094 = arith.constant 0 : i32
    %dma_start3A_2095 = arith.constant 0 : i32
    %dma_start3A_2096 = tpu.memref_slice %arg17[%dma_start3A_2092, %dma_start3A_2094, %dma_start3A_2095] : memref<4x80x128xf32, #tpu.memory_space<vmem>> -> memref<1x80x128xf32, #tpu.memory_space<vmem>>
    %dma_start3A_2097 = tpu.memref_squeeze %dma_start3A_2096 : memref<1x80x128xf32, #tpu.memory_space<vmem>> -> memref<80x128xf32, #tpu.memory_space<vmem>>
    %dma_start3A_2098 = arith.constant 0 : i32
    %dma_start3A_2099 = tpu.memref_slice %arg15[%dma_start3A_2093, %dma_start3A_2098] : memref<50x80xi32, #tpu.memory_space<vmem>> -> memref<1x80xi32, #tpu.memory_space<vmem>>
    %dma_start3A_2100 = tpu.memref_squeeze %dma_start3A_2099 : memref<1x80xi32, #tpu.memory_space<vmem>> -> memref<80xi32, #tpu.memory_space<vmem>>
    %dma_start3A_2101 = arith.constant 0 : i32
    %dma_start3A_2102 = arith.constant 0 : i32
    %dma_start3A_2103 = tpu.memref_slice %arg9[%dma_start3A_2101, %dma_start3A_2102] : memref<128000x128xf32, #tpu.memory_space<hbm>> -> memref<128000x128xf32, #tpu.memory_space<hbm>>
    tpu.enqueue_indirect_dma source(%dma_start3A_2097 : memref<80x128xf32, #tpu.memory_space<vmem>>) target(%dma_start3A_2103 : memref<128000x128xf32, #tpu.memory_space<hbm>>) offsets(%dma_start3A_2100 : memref<80xi32, #tpu.memory_space<vmem>>) semaphore(%arg19 : memref<!tpu.dma_semaphore, #tpu.memory_space<semaphore_mem>>)
    %dma_wait3A_2104 = arith.constant 3 : i32
    %dma_wait3A_2105 = arith.constant 43 : i32
    %dma_wait3A_2106 = arith.constant 0 : i32
    %dma_wait3A_2107 = arith.constant 0 : i32
    %dma_wait3A_2108 = tpu.memref_slice %arg17[%dma_wait3A_2104, %dma_wait3A_2106, %dma_wait3A_2107] : memref<4x80x128xf32, #tpu.memory_space<vmem>> -> memref<1x80x128xf32, #tpu.memory_space<vmem>>
    %dma_wait3A_2109 = tpu.memref_squeeze %dma_wait3A_2108 : memref<1x80x128xf32, #tpu.memory_space<vmem>> -> memref<80x128xf32, #tpu.memory_space<vmem>>
    %dma_wait3A_2110 = arith.constant 0 : i32
    %dma_wait3A_2111 = tpu.memref_slice %arg15[%dma_wait3A_2105, %dma_wait3A_2110] : memref<50x80xi32, #tpu.memory_space<vmem>> -> memref<1x80xi32, #tpu.memory_space<vmem>>
    %dma_wait3A_2112 = tpu.memref_squeeze %dma_wait3A_2111 : memref<1x80xi32, #tpu.memory_space<vmem>> -> memref<80xi32, #tpu.memory_space<vmem>>
    %dma_wait3A_2113 = arith.constant 0 : i32
    %dma_wait3A_2114 = arith.constant 0 : i32
    %dma_wait3A_2115 = tpu.memref_slice %arg9[%dma_wait3A_2113, %dma_wait3A_2114] : memref<128000x128xf32, #tpu.memory_space<hbm>> -> memref<128000x128xf32, #tpu.memory_space<hbm>>
    tpu.wait_indirect_dma semaphore(%arg19 : memref<!tpu.dma_semaphore, #tpu.memory_space<semaphore_mem>>) src(%dma_wait3A_2109 : memref<80x128xf32, #tpu.memory_space<vmem>>) dst(%dma_wait3A_2115 : memref<128000x128xf32, #tpu.memory_space<hbm>>)
    %dma_start3A_2116 = arith.constant 3 : i32
    %dma_start3A_2117 = arith.constant 0 : i32
    %dma_start3A_2118 = arith.constant 0 : i32
    %dma_start3A_2119 = tpu.memref_slice %arg17[%dma_start3A_2116, %dma_start3A_2117, %dma_start3A_2118] : memref<4x80x128xf32, #tpu.memory_space<vmem>> -> memref<1x80x128xf32, #tpu.memory_space<vmem>>
    %dma_start3A_2120 = tpu.memref_squeeze %dma_start3A_2119 : memref<1x80x128xf32, #tpu.memory_space<vmem>> -> memref<80x128xf32, #tpu.memory_space<vmem>>
    %dma_start3A_2121 = arith.constant 3760 : i32
    %dma_start3A_2122 = tpu.memref_slice %arg13[%dma_start3A_2121] : memref<4000xi32, #tpu.memory_space<vmem>> -> memref<80xi32, #tpu.memory_space<vmem>>
    %dma_start3A_2123 = arith.constant 0 : i32
    %dma_start3A_2124 = arith.constant 0 : i32
    %dma_start3A_2125 = tpu.memref_slice %arg5[%dma_start3A_2123, %dma_start3A_2124] : memref<16000x128xf32, #tpu.memory_space<hbm>> -> memref<16000x128xf32, #tpu.memory_space<hbm>>
    tpu.enqueue_indirect_dma source(%dma_start3A_2125 : memref<16000x128xf32, #tpu.memory_space<hbm>>) target(%dma_start3A_2120 : memref<80x128xf32, #tpu.memory_space<vmem>>) offsets(%dma_start3A_2122 : memref<80xi32, #tpu.memory_space<vmem>>) semaphore(%arg18 : memref<!tpu.dma_semaphore, #tpu.memory_space<semaphore_mem>>)
    %dma_wait3A_2126 = arith.constant 3 : i32
    %dma_wait3A_2127 = arith.constant 0 : i32
    %dma_wait3A_2128 = arith.constant 0 : i32
    %dma_wait3A_2129 = tpu.memref_slice %arg17[%dma_wait3A_2126, %dma_wait3A_2127, %dma_wait3A_2128] : memref<4x80x128xf32, #tpu.memory_space<vmem>> -> memref<1x80x128xf32, #tpu.memory_space<vmem>>
    %dma_wait3A_2130 = tpu.memref_squeeze %dma_wait3A_2129 : memref<1x80x128xf32, #tpu.memory_space<vmem>> -> memref<80x128xf32, #tpu.memory_space<vmem>>
    %dma_wait3A_2131 = arith.constant 3760 : i32
    %dma_wait3A_2132 = tpu.memref_slice %arg13[%dma_wait3A_2131] : memref<4000xi32, #tpu.memory_space<vmem>> -> memref<80xi32, #tpu.memory_space<vmem>>
    %dma_wait3A_2133 = arith.constant 0 : i32
    %dma_wait3A_2134 = arith.constant 0 : i32
    %dma_wait3A_2135 = tpu.memref_slice %arg5[%dma_wait3A_2133, %dma_wait3A_2134] : memref<16000x128xf32, #tpu.memory_space<hbm>> -> memref<16000x128xf32, #tpu.memory_space<hbm>>
    tpu.wait_indirect_dma semaphore(%arg18 : memref<!tpu.dma_semaphore, #tpu.memory_space<semaphore_mem>>) src(%dma_wait3A_2135 : memref<16000x128xf32, #tpu.memory_space<hbm>>) dst(%dma_wait3A_2130 : memref<80x128xf32, #tpu.memory_space<vmem>>)
    %dma_start3A_2136 = arith.constant 3 : i32
    %dma_start3A_2137 = arith.constant 47 : i32
    %dma_start3A_2138 = arith.constant 0 : i32
    %dma_start3A_2139 = arith.constant 0 : i32
    %dma_start3A_2140 = tpu.memref_slice %arg17[%dma_start3A_2136, %dma_start3A_2138, %dma_start3A_2139] : memref<4x80x128xf32, #tpu.memory_space<vmem>> -> memref<1x80x128xf32, #tpu.memory_space<vmem>>
    %dma_start3A_2141 = tpu.memref_squeeze %dma_start3A_2140 : memref<1x80x128xf32, #tpu.memory_space<vmem>> -> memref<80x128xf32, #tpu.memory_space<vmem>>
    %dma_start3A_2142 = arith.constant 0 : i32
    %dma_start3A_2143 = tpu.memref_slice %arg15[%dma_start3A_2137, %dma_start3A_2142] : memref<50x80xi32, #tpu.memory_space<vmem>> -> memref<1x80xi32, #tpu.memory_space<vmem>>
    %dma_start3A_2144 = tpu.memref_squeeze %dma_start3A_2143 : memref<1x80xi32, #tpu.memory_space<vmem>> -> memref<80xi32, #tpu.memory_space<vmem>>
    %dma_start3A_2145 = arith.constant 0 : i32
    %dma_start3A_2146 = arith.constant 0 : i32
    %dma_start3A_2147 = tpu.memref_slice %arg9[%dma_start3A_2145, %dma_start3A_2146] : memref<128000x128xf32, #tpu.memory_space<hbm>> -> memref<128000x128xf32, #tpu.memory_space<hbm>>
    tpu.enqueue_indirect_dma source(%dma_start3A_2141 : memref<80x128xf32, #tpu.memory_space<vmem>>) target(%dma_start3A_2147 : memref<128000x128xf32, #tpu.memory_space<hbm>>) offsets(%dma_start3A_2144 : memref<80xi32, #tpu.memory_space<vmem>>) semaphore(%arg19 : memref<!tpu.dma_semaphore, #tpu.memory_space<semaphore_mem>>)
    %dma_wait3A_2148 = arith.constant 0 : i32
    %dma_wait3A_2149 = arith.constant 44 : i32
    %dma_wait3A_2150 = arith.constant 0 : i32
    %dma_wait3A_2151 = arith.constant 0 : i32
    %dma_wait3A_2152 = tpu.memref_slice %arg17[%dma_wait3A_2148, %dma_wait3A_2150, %dma_wait3A_2151] : memref<4x80x128xf32, #tpu.memory_space<vmem>> -> memref<1x80x128xf32, #tpu.memory_space<vmem>>
    %dma_wait3A_2153 = tpu.memref_squeeze %dma_wait3A_2152 : memref<1x80x128xf32, #tpu.memory_space<vmem>> -> memref<80x128xf32, #tpu.memory_space<vmem>>
    %dma_wait3A_2154 = arith.constant 0 : i32
    %dma_wait3A_2155 = tpu.memref_slice %arg15[%dma_wait3A_2149, %dma_wait3A_2154] : memref<50x80xi32, #tpu.memory_space<vmem>> -> memref<1x80xi32, #tpu.memory_space<vmem>>
    %dma_wait3A_2156 = tpu.memref_squeeze %dma_wait3A_2155 : memref<1x80xi32, #tpu.memory_space<vmem>> -> memref<80xi32, #tpu.memory_space<vmem>>
    %dma_wait3A_2157 = arith.constant 0 : i32
    %dma_wait3A_2158 = arith.constant 0 : i32
    %dma_wait3A_2159 = tpu.memref_slice %arg9[%dma_wait3A_2157, %dma_wait3A_2158] : memref<128000x128xf32, #tpu.memory_space<hbm>> -> memref<128000x128xf32, #tpu.memory_space<hbm>>
    tpu.wait_indirect_dma semaphore(%arg19 : memref<!tpu.dma_semaphore, #tpu.memory_space<semaphore_mem>>) src(%dma_wait3A_2153 : memref<80x128xf32, #tpu.memory_space<vmem>>) dst(%dma_wait3A_2159 : memref<128000x128xf32, #tpu.memory_space<hbm>>)
    %dma_start3A_2160 = arith.constant 0 : i32
    %dma_start3A_2161 = arith.constant 0 : i32
    %dma_start3A_2162 = arith.constant 0 : i32
    %dma_start3A_2163 = tpu.memref_slice %arg17[%dma_start3A_2160, %dma_start3A_2161, %dma_start3A_2162] : memref<4x80x128xf32, #tpu.memory_space<vmem>> -> memref<1x80x128xf32, #tpu.memory_space<vmem>>
    %dma_start3A_2164 = tpu.memref_squeeze %dma_start3A_2163 : memref<1x80x128xf32, #tpu.memory_space<vmem>> -> memref<80x128xf32, #tpu.memory_space<vmem>>
    %dma_start3A_2165 = arith.constant 3840 : i32
    %dma_start3A_2166 = tpu.memref_slice %arg13[%dma_start3A_2165] : memref<4000xi32, #tpu.memory_space<vmem>> -> memref<80xi32, #tpu.memory_space<vmem>>
    %dma_start3A_2167 = arith.constant 0 : i32
    %dma_start3A_2168 = arith.constant 0 : i32
    %dma_start3A_2169 = tpu.memref_slice %arg5[%dma_start3A_2167, %dma_start3A_2168] : memref<16000x128xf32, #tpu.memory_space<hbm>> -> memref<16000x128xf32, #tpu.memory_space<hbm>>
    tpu.enqueue_indirect_dma source(%dma_start3A_2169 : memref<16000x128xf32, #tpu.memory_space<hbm>>) target(%dma_start3A_2164 : memref<80x128xf32, #tpu.memory_space<vmem>>) offsets(%dma_start3A_2166 : memref<80xi32, #tpu.memory_space<vmem>>) semaphore(%arg18 : memref<!tpu.dma_semaphore, #tpu.memory_space<semaphore_mem>>)
    %dma_wait3A_2170 = arith.constant 0 : i32
    %dma_wait3A_2171 = arith.constant 0 : i32
    %dma_wait3A_2172 = arith.constant 0 : i32
    %dma_wait3A_2173 = tpu.memref_slice %arg17[%dma_wait3A_2170, %dma_wait3A_2171, %dma_wait3A_2172] : memref<4x80x128xf32, #tpu.memory_space<vmem>> -> memref<1x80x128xf32, #tpu.memory_space<vmem>>
    %dma_wait3A_2174 = tpu.memref_squeeze %dma_wait3A_2173 : memref<1x80x128xf32, #tpu.memory_space<vmem>> -> memref<80x128xf32, #tpu.memory_space<vmem>>
    %dma_wait3A_2175 = arith.constant 3840 : i32
    %dma_wait3A_2176 = tpu.memref_slice %arg13[%dma_wait3A_2175] : memref<4000xi32, #tpu.memory_space<vmem>> -> memref<80xi32, #tpu.memory_space<vmem>>
    %dma_wait3A_2177 = arith.constant 0 : i32
    %dma_wait3A_2178 = arith.constant 0 : i32
    %dma_wait3A_2179 = tpu.memref_slice %arg5[%dma_wait3A_2177, %dma_wait3A_2178] : memref<16000x128xf32, #tpu.memory_space<hbm>> -> memref<16000x128xf32, #tpu.memory_space<hbm>>
    tpu.wait_indirect_dma semaphore(%arg18 : memref<!tpu.dma_semaphore, #tpu.memory_space<semaphore_mem>>) src(%dma_wait3A_2179 : memref<16000x128xf32, #tpu.memory_space<hbm>>) dst(%dma_wait3A_2174 : memref<80x128xf32, #tpu.memory_space<vmem>>)
    %dma_start3A_2180 = arith.constant 0 : i32
    %dma_start3A_2181 = arith.constant 48 : i32
    %dma_start3A_2182 = arith.constant 0 : i32
    %dma_start3A_2183 = arith.constant 0 : i32
    %dma_start3A_2184 = tpu.memref_slice %arg17[%dma_start3A_2180, %dma_start3A_2182, %dma_start3A_2183] : memref<4x80x128xf32, #tpu.memory_space<vmem>> -> memref<1x80x128xf32, #tpu.memory_space<vmem>>
    %dma_start3A_2185 = tpu.memref_squeeze %dma_start3A_2184 : memref<1x80x128xf32, #tpu.memory_space<vmem>> -> memref<80x128xf32, #tpu.memory_space<vmem>>
    %dma_start3A_2186 = arith.constant 0 : i32
    %dma_start3A_2187 = tpu.memref_slice %arg15[%dma_start3A_2181, %dma_start3A_2186] : memref<50x80xi32, #tpu.memory_space<vmem>> -> memref<1x80xi32, #tpu.memory_space<vmem>>
    %dma_start3A_2188 = tpu.memref_squeeze %dma_start3A_2187 : memref<1x80xi32, #tpu.memory_space<vmem>> -> memref<80xi32, #tpu.memory_space<vmem>>
    %dma_start3A_2189 = arith.constant 0 : i32
    %dma_start3A_2190 = arith.constant 0 : i32
    %dma_start3A_2191 = tpu.memref_slice %arg9[%dma_start3A_2189, %dma_start3A_2190] : memref<128000x128xf32, #tpu.memory_space<hbm>> -> memref<128000x128xf32, #tpu.memory_space<hbm>>
    tpu.enqueue_indirect_dma source(%dma_start3A_2185 : memref<80x128xf32, #tpu.memory_space<vmem>>) target(%dma_start3A_2191 : memref<128000x128xf32, #tpu.memory_space<hbm>>) offsets(%dma_start3A_2188 : memref<80xi32, #tpu.memory_space<vmem>>) semaphore(%arg19 : memref<!tpu.dma_semaphore, #tpu.memory_space<semaphore_mem>>)
    %dma_wait3A_2192 = arith.constant 1 : i32
    %dma_wait3A_2193 = arith.constant 45 : i32
    %dma_wait3A_2194 = arith.constant 0 : i32
    %dma_wait3A_2195 = arith.constant 0 : i32
    %dma_wait3A_2196 = tpu.memref_slice %arg17[%dma_wait3A_2192, %dma_wait3A_2194, %dma_wait3A_2195] : memref<4x80x128xf32, #tpu.memory_space<vmem>> -> memref<1x80x128xf32, #tpu.memory_space<vmem>>
    %dma_wait3A_2197 = tpu.memref_squeeze %dma_wait3A_2196 : memref<1x80x128xf32, #tpu.memory_space<vmem>> -> memref<80x128xf32, #tpu.memory_space<vmem>>
    %dma_wait3A_2198 = arith.constant 0 : i32
    %dma_wait3A_2199 = tpu.memref_slice %arg15[%dma_wait3A_2193, %dma_wait3A_2198] : memref<50x80xi32, #tpu.memory_space<vmem>> -> memref<1x80xi32, #tpu.memory_space<vmem>>
    %dma_wait3A_2200 = tpu.memref_squeeze %dma_wait3A_2199 : memref<1x80xi32, #tpu.memory_space<vmem>> -> memref<80xi32, #tpu.memory_space<vmem>>
    %dma_wait3A_2201 = arith.constant 0 : i32
    %dma_wait3A_2202 = arith.constant 0 : i32
    %dma_wait3A_2203 = tpu.memref_slice %arg9[%dma_wait3A_2201, %dma_wait3A_2202] : memref<128000x128xf32, #tpu.memory_space<hbm>> -> memref<128000x128xf32, #tpu.memory_space<hbm>>
    tpu.wait_indirect_dma semaphore(%arg19 : memref<!tpu.dma_semaphore, #tpu.memory_space<semaphore_mem>>) src(%dma_wait3A_2197 : memref<80x128xf32, #tpu.memory_space<vmem>>) dst(%dma_wait3A_2203 : memref<128000x128xf32, #tpu.memory_space<hbm>>)
    %dma_start3A_2204 = arith.constant 1 : i32
    %dma_start3A_2205 = arith.constant 0 : i32
    %dma_start3A_2206 = arith.constant 0 : i32
    %dma_start3A_2207 = tpu.memref_slice %arg17[%dma_start3A_2204, %dma_start3A_2205, %dma_start3A_2206] : memref<4x80x128xf32, #tpu.memory_space<vmem>> -> memref<1x80x128xf32, #tpu.memory_space<vmem>>
    %dma_start3A_2208 = tpu.memref_squeeze %dma_start3A_2207 : memref<1x80x128xf32, #tpu.memory_space<vmem>> -> memref<80x128xf32, #tpu.memory_space<vmem>>
    %dma_start3A_2209 = arith.constant 3920 : i32
    %dma_start3A_2210 = tpu.memref_slice %arg13[%dma_start3A_2209] : memref<4000xi32, #tpu.memory_space<vmem>> -> memref<80xi32, #tpu.memory_space<vmem>>
    %dma_start3A_2211 = arith.constant 0 : i32
    %dma_start3A_2212 = arith.constant 0 : i32
    %dma_start3A_2213 = tpu.memref_slice %arg5[%dma_start3A_2211, %dma_start3A_2212] : memref<16000x128xf32, #tpu.memory_space<hbm>> -> memref<16000x128xf32, #tpu.memory_space<hbm>>
    tpu.enqueue_indirect_dma source(%dma_start3A_2213 : memref<16000x128xf32, #tpu.memory_space<hbm>>) target(%dma_start3A_2208 : memref<80x128xf32, #tpu.memory_space<vmem>>) offsets(%dma_start3A_2210 : memref<80xi32, #tpu.memory_space<vmem>>) semaphore(%arg18 : memref<!tpu.dma_semaphore, #tpu.memory_space<semaphore_mem>>)
    %dma_wait3A_2214 = arith.constant 1 : i32
    %dma_wait3A_2215 = arith.constant 0 : i32
    %dma_wait3A_2216 = arith.constant 0 : i32
    %dma_wait3A_2217 = tpu.memref_slice %arg17[%dma_wait3A_2214, %dma_wait3A_2215, %dma_wait3A_2216] : memref<4x80x128xf32, #tpu.memory_space<vmem>> -> memref<1x80x128xf32, #tpu.memory_space<vmem>>
    %dma_wait3A_2218 = tpu.memref_squeeze %dma_wait3A_2217 : memref<1x80x128xf32, #tpu.memory_space<vmem>> -> memref<80x128xf32, #tpu.memory_space<vmem>>
    %dma_wait3A_2219 = arith.constant 3920 : i32
    %dma_wait3A_2220 = tpu.memref_slice %arg13[%dma_wait3A_2219] : memref<4000xi32, #tpu.memory_space<vmem>> -> memref<80xi32, #tpu.memory_space<vmem>>
    %dma_wait3A_2221 = arith.constant 0 : i32
    %dma_wait3A_2222 = arith.constant 0 : i32
    %dma_wait3A_2223 = tpu.memref_slice %arg5[%dma_wait3A_2221, %dma_wait3A_2222] : memref<16000x128xf32, #tpu.memory_space<hbm>> -> memref<16000x128xf32, #tpu.memory_space<hbm>>
    tpu.wait_indirect_dma semaphore(%arg18 : memref<!tpu.dma_semaphore, #tpu.memory_space<semaphore_mem>>) src(%dma_wait3A_2223 : memref<16000x128xf32, #tpu.memory_space<hbm>>) dst(%dma_wait3A_2218 : memref<80x128xf32, #tpu.memory_space<vmem>>)
    %dma_start3A_2224 = arith.constant 1 : i32
    %dma_start3A_2225 = arith.constant 49 : i32
    %dma_start3A_2226 = arith.constant 0 : i32
    %dma_start3A_2227 = arith.constant 0 : i32
    %dma_start3A_2228 = tpu.memref_slice %arg17[%dma_start3A_2224, %dma_start3A_2226, %dma_start3A_2227] : memref<4x80x128xf32, #tpu.memory_space<vmem>> -> memref<1x80x128xf32, #tpu.memory_space<vmem>>
    %dma_start3A_2229 = tpu.memref_squeeze %dma_start3A_2228 : memref<1x80x128xf32, #tpu.memory_space<vmem>> -> memref<80x128xf32, #tpu.memory_space<vmem>>
    %dma_start3A_2230 = arith.constant 0 : i32
    %dma_start3A_2231 = tpu.memref_slice %arg15[%dma_start3A_2225, %dma_start3A_2230] : memref<50x80xi32, #tpu.memory_space<vmem>> -> memref<1x80xi32, #tpu.memory_space<vmem>>
    %dma_start3A_2232 = tpu.memref_squeeze %dma_start3A_2231 : memref<1x80xi32, #tpu.memory_space<vmem>> -> memref<80xi32, #tpu.memory_space<vmem>>
    %dma_start3A_2233 = arith.constant 0 : i32
    %dma_start3A_2234 = arith.constant 0 : i32
    %dma_start3A_2235 = tpu.memref_slice %arg9[%dma_start3A_2233, %dma_start3A_2234] : memref<128000x128xf32, #tpu.memory_space<hbm>> -> memref<128000x128xf32, #tpu.memory_space<hbm>>
    tpu.enqueue_indirect_dma source(%dma_start3A_2229 : memref<80x128xf32, #tpu.memory_space<vmem>>) target(%dma_start3A_2235 : memref<128000x128xf32, #tpu.memory_space<hbm>>) offsets(%dma_start3A_2232 : memref<80xi32, #tpu.memory_space<vmem>>) semaphore(%arg19 : memref<!tpu.dma_semaphore, #tpu.memory_space<semaphore_mem>>)
    %dma_wait3A_2236 = arith.constant 0 : i32
    %dma_wait3A_2237 = arith.constant 0 : i32
    %dma_wait3A_2238 = arith.constant 0 : i32
    %dma_wait3A_2239 = tpu.memref_slice %arg14[%dma_wait3A_2237, %dma_wait3A_2238] : memref<500x16xi32, #tpu.memory_space<vmem>> -> memref<125x16xi32, #tpu.memory_space<vmem>>
    %dma_wait3A_2240 = arith.constant 0 : i32
    %dma_wait3A_2241 = tpu.memref_slice %arg16[%dma_wait3A_2236, %dma_wait3A_2240] : memref<4x125xi32, #tpu.memory_space<vmem>> -> memref<1x125xi32, #tpu.memory_space<vmem>>
    %dma_wait3A_2242 = tpu.memref_squeeze %dma_wait3A_2241 : memref<1x125xi32, #tpu.memory_space<vmem>> -> memref<125xi32, #tpu.memory_space<vmem>>
    %dma_wait3A_2243 = arith.constant 0 : i32
    %dma_wait3A_2244 = arith.constant 0 : i32
    %dma_wait3A_2245 = tpu.memref_slice %arg8[%dma_wait3A_2243, %dma_wait3A_2244] : memref<16000x16xi32, #tpu.memory_space<hbm>> -> memref<16000x16xi32, #tpu.memory_space<hbm>>
    tpu.wait_indirect_dma semaphore(%arg20 : memref<!tpu.dma_semaphore, #tpu.memory_space<semaphore_mem>>) src(%dma_wait3A_2239 : memref<125x16xi32, #tpu.memory_space<vmem>>) dst(%dma_wait3A_2245 : memref<16000x16xi32, #tpu.memory_space<hbm>>)
    %dma_wait3A_2246 = arith.constant 1 : i32
    %dma_wait3A_2247 = arith.constant 125 : i32
    %dma_wait3A_2248 = arith.constant 0 : i32
    %dma_wait3A_2249 = tpu.memref_slice %arg14[%dma_wait3A_2247, %dma_wait3A_2248] : memref<500x16xi32, #tpu.memory_space<vmem>> -> memref<125x16xi32, #tpu.memory_space<vmem>>
    %dma_wait3A_2250 = arith.constant 0 : i32
    %dma_wait3A_2251 = tpu.memref_slice %arg16[%dma_wait3A_2246, %dma_wait3A_2250] : memref<4x125xi32, #tpu.memory_space<vmem>> -> memref<1x125xi32, #tpu.memory_space<vmem>>
    %dma_wait3A_2252 = tpu.memref_squeeze %dma_wait3A_2251 : memref<1x125xi32, #tpu.memory_space<vmem>> -> memref<125xi32, #tpu.memory_space<vmem>>
    %dma_wait3A_2253 = arith.constant 0 : i32
    %dma_wait3A_2254 = arith.constant 0 : i32
    %dma_wait3A_2255 = tpu.memref_slice %arg8[%dma_wait3A_2253, %dma_wait3A_2254] : memref<16000x16xi32, #tpu.memory_space<hbm>> -> memref<16000x16xi32, #tpu.memory_space<hbm>>
    tpu.wait_indirect_dma semaphore(%arg20 : memref<!tpu.dma_semaphore, #tpu.memory_space<semaphore_mem>>) src(%dma_wait3A_2249 : memref<125x16xi32, #tpu.memory_space<vmem>>) dst(%dma_wait3A_2255 : memref<16000x16xi32, #tpu.memory_space<hbm>>)
    %dma_wait3A_2256 = arith.constant 2 : i32
    %dma_wait3A_2257 = arith.constant 250 : i32
    %dma_wait3A_2258 = arith.constant 0 : i32
    %dma_wait3A_2259 = tpu.memref_slice %arg14[%dma_wait3A_2257, %dma_wait3A_2258] : memref<500x16xi32, #tpu.memory_space<vmem>> -> memref<125x16xi32, #tpu.memory_space<vmem>>
    %dma_wait3A_2260 = arith.constant 0 : i32
    %dma_wait3A_2261 = tpu.memref_slice %arg16[%dma_wait3A_2256, %dma_wait3A_2260] : memref<4x125xi32, #tpu.memory_space<vmem>> -> memref<1x125xi32, #tpu.memory_space<vmem>>
    %dma_wait3A_2262 = tpu.memref_squeeze %dma_wait3A_2261 : memref<1x125xi32, #tpu.memory_space<vmem>> -> memref<125xi32, #tpu.memory_space<vmem>>
    %dma_wait3A_2263 = arith.constant 0 : i32
    %dma_wait3A_2264 = arith.constant 0 : i32
    %dma_wait3A_2265 = tpu.memref_slice %arg8[%dma_wait3A_2263, %dma_wait3A_2264] : memref<16000x16xi32, #tpu.memory_space<hbm>> -> memref<16000x16xi32, #tpu.memory_space<hbm>>
    tpu.wait_indirect_dma semaphore(%arg20 : memref<!tpu.dma_semaphore, #tpu.memory_space<semaphore_mem>>) src(%dma_wait3A_2259 : memref<125x16xi32, #tpu.memory_space<vmem>>) dst(%dma_wait3A_2265 : memref<16000x16xi32, #tpu.memory_space<hbm>>)
    %dma_wait3A_2266 = arith.constant 3 : i32
    %dma_wait3A_2267 = arith.constant 375 : i32
    %dma_wait3A_2268 = arith.constant 0 : i32
    %dma_wait3A_2269 = tpu.memref_slice %arg14[%dma_wait3A_2267, %dma_wait3A_2268] : memref<500x16xi32, #tpu.memory_space<vmem>> -> memref<125x16xi32, #tpu.memory_space<vmem>>
    %dma_wait3A_2270 = arith.constant 0 : i32
    %dma_wait3A_2271 = tpu.memref_slice %arg16[%dma_wait3A_2266, %dma_wait3A_2270] : memref<4x125xi32, #tpu.memory_space<vmem>> -> memref<1x125xi32, #tpu.memory_space<vmem>>
    %dma_wait3A_2272 = tpu.memref_squeeze %dma_wait3A_2271 : memref<1x125xi32, #tpu.memory_space<vmem>> -> memref<125xi32, #tpu.memory_space<vmem>>
    %dma_wait3A_2273 = arith.constant 0 : i32
    %dma_wait3A_2274 = arith.constant 0 : i32
    %dma_wait3A_2275 = tpu.memref_slice %arg8[%dma_wait3A_2273, %dma_wait3A_2274] : memref<16000x16xi32, #tpu.memory_space<hbm>> -> memref<16000x16xi32, #tpu.memory_space<hbm>>
    tpu.wait_indirect_dma semaphore(%arg20 : memref<!tpu.dma_semaphore, #tpu.memory_space<semaphore_mem>>) src(%dma_wait3A_2269 : memref<125x16xi32, #tpu.memory_space<vmem>>) dst(%dma_wait3A_2275 : memref<16000x16xi32, #tpu.memory_space<hbm>>)
    %dma_wait3A_2276 = arith.constant 2 : i32
    %dma_wait3A_2277 = arith.constant 46 : i32
    %dma_wait3A_2278 = arith.constant 0 : i32
    %dma_wait3A_2279 = arith.constant 0 : i32
    %dma_wait3A_2280 = tpu.memref_slice %arg17[%dma_wait3A_2276, %dma_wait3A_2278, %dma_wait3A_2279] : memref<4x80x128xf32, #tpu.memory_space<vmem>> -> memref<1x80x128xf32, #tpu.memory_space<vmem>>
    %dma_wait3A_2281 = tpu.memref_squeeze %dma_wait3A_2280 : memref<1x80x128xf32, #tpu.memory_space<vmem>> -> memref<80x128xf32, #tpu.memory_space<vmem>>
    %dma_wait3A_2282 = arith.constant 0 : i32
    %dma_wait3A_2283 = tpu.memref_slice %arg15[%dma_wait3A_2277, %dma_wait3A_2282] : memref<50x80xi32, #tpu.memory_space<vmem>> -> memref<1x80xi32, #tpu.memory_space<vmem>>
    %dma_wait3A_2284 = tpu.memref_squeeze %dma_wait3A_2283 : memref<1x80xi32, #tpu.memory_space<vmem>> -> memref<80xi32, #tpu.memory_space<vmem>>
    %dma_wait3A_2285 = arith.constant 0 : i32
    %dma_wait3A_2286 = arith.constant 0 : i32
    %dma_wait3A_2287 = tpu.memref_slice %arg9[%dma_wait3A_2285, %dma_wait3A_2286] : memref<128000x128xf32, #tpu.memory_space<hbm>> -> memref<128000x128xf32, #tpu.memory_space<hbm>>
    tpu.wait_indirect_dma semaphore(%arg19 : memref<!tpu.dma_semaphore, #tpu.memory_space<semaphore_mem>>) src(%dma_wait3A_2281 : memref<80x128xf32, #tpu.memory_space<vmem>>) dst(%dma_wait3A_2287 : memref<128000x128xf32, #tpu.memory_space<hbm>>)
    %dma_wait3A_2288 = arith.constant 3 : i32
    %dma_wait3A_2289 = arith.constant 47 : i32
    %dma_wait3A_2290 = arith.constant 0 : i32
    %dma_wait3A_2291 = arith.constant 0 : i32
    %dma_wait3A_2292 = tpu.memref_slice %arg17[%dma_wait3A_2288, %dma_wait3A_2290, %dma_wait3A_2291] : memref<4x80x128xf32, #tpu.memory_space<vmem>> -> memref<1x80x128xf32, #tpu.memory_space<vmem>>
    %dma_wait3A_2293 = tpu.memref_squeeze %dma_wait3A_2292 : memref<1x80x128xf32, #tpu.memory_space<vmem>> -> memref<80x128xf32, #tpu.memory_space<vmem>>
    %dma_wait3A_2294 = arith.constant 0 : i32
    %dma_wait3A_2295 = tpu.memref_slice %arg15[%dma_wait3A_2289, %dma_wait3A_2294] : memref<50x80xi32, #tpu.memory_space<vmem>> -> memref<1x80xi32, #tpu.memory_space<vmem>>
    %dma_wait3A_2296 = tpu.memref_squeeze %dma_wait3A_2295 : memref<1x80xi32, #tpu.memory_space<vmem>> -> memref<80xi32, #tpu.memory_space<vmem>>
    %dma_wait3A_2297 = arith.constant 0 : i32
    %dma_wait3A_2298 = arith.constant 0 : i32
    %dma_wait3A_2299 = tpu.memref_slice %arg9[%dma_wait3A_2297, %dma_wait3A_2298] : memref<128000x128xf32, #tpu.memory_space<hbm>> -> memref<128000x128xf32, #tpu.memory_space<hbm>>
    tpu.wait_indirect_dma semaphore(%arg19 : memref<!tpu.dma_semaphore, #tpu.memory_space<semaphore_mem>>) src(%dma_wait3A_2293 : memref<80x128xf32, #tpu.memory_space<vmem>>) dst(%dma_wait3A_2299 : memref<128000x128xf32, #tpu.memory_space<hbm>>)
    %dma_wait3A_2300 = arith.constant 0 : i32
    %dma_wait3A_2301 = arith.constant 48 : i32
    %dma_wait3A_2302 = arith.constant 0 : i32
    %dma_wait3A_2303 = arith.constant 0 : i32
    %dma_wait3A_2304 = tpu.memref_slice %arg17[%dma_wait3A_2300, %dma_wait3A_2302, %dma_wait3A_2303] : memref<4x80x128xf32, #tpu.memory_space<vmem>> -> memref<1x80x128xf32, #tpu.memory_space<vmem>>
    %dma_wait3A_2305 = tpu.memref_squeeze %dma_wait3A_2304 : memref<1x80x128xf32, #tpu.memory_space<vmem>> -> memref<80x128xf32, #tpu.memory_space<vmem>>
    %dma_wait3A_2306 = arith.constant 0 : i32
    %dma_wait3A_2307 = tpu.memref_slice %arg15[%dma_wait3A_2301, %dma_wait3A_2306] : memref<50x80xi32, #tpu.memory_space<vmem>> -> memref<1x80xi32, #tpu.memory_space<vmem>>
    %dma_wait3A_2308 = tpu.memref_squeeze %dma_wait3A_2307 : memref<1x80xi32, #tpu.memory_space<vmem>> -> memref<80xi32, #tpu.memory_space<vmem>>
    %dma_wait3A_2309 = arith.constant 0 : i32
    %dma_wait3A_2310 = arith.constant 0 : i32
    %dma_wait3A_2311 = tpu.memref_slice %arg9[%dma_wait3A_2309, %dma_wait3A_2310] : memref<128000x128xf32, #tpu.memory_space<hbm>> -> memref<128000x128xf32, #tpu.memory_space<hbm>>
    tpu.wait_indirect_dma semaphore(%arg19 : memref<!tpu.dma_semaphore, #tpu.memory_space<semaphore_mem>>) src(%dma_wait3A_2305 : memref<80x128xf32, #tpu.memory_space<vmem>>) dst(%dma_wait3A_2311 : memref<128000x128xf32, #tpu.memory_space<hbm>>)
    %dma_wait3A_2312 = arith.constant 1 : i32
    %dma_wait3A_2313 = arith.constant 49 : i32
    %dma_wait3A_2314 = arith.constant 0 : i32
    %dma_wait3A_2315 = arith.constant 0 : i32
    %dma_wait3A_2316 = tpu.memref_slice %arg17[%dma_wait3A_2312, %dma_wait3A_2314, %dma_wait3A_2315] : memref<4x80x128xf32, #tpu.memory_space<vmem>> -> memref<1x80x128xf32, #tpu.memory_space<vmem>>
    %dma_wait3A_2317 = tpu.memref_squeeze %dma_wait3A_2316 : memref<1x80x128xf32, #tpu.memory_space<vmem>> -> memref<80x128xf32, #tpu.memory_space<vmem>>
    %dma_wait3A_2318 = arith.constant 0 : i32
    %dma_wait3A_2319 = tpu.memref_slice %arg15[%dma_wait3A_2313, %dma_wait3A_2318] : memref<50x80xi32, #tpu.memory_space<vmem>> -> memref<1x80xi32, #tpu.memory_space<vmem>>
    %dma_wait3A_2320 = tpu.memref_squeeze %dma_wait3A_2319 : memref<1x80xi32, #tpu.memory_space<vmem>> -> memref<80xi32, #tpu.memory_space<vmem>>
    %dma_wait3A_2321 = arith.constant 0 : i32
    %dma_wait3A_2322 = arith.constant 0 : i32
    %dma_wait3A_2323 = tpu.memref_slice %arg9[%dma_wait3A_2321, %dma_wait3A_2322] : memref<128000x128xf32, #tpu.memory_space<hbm>> -> memref<128000x128xf32, #tpu.memory_space<hbm>>
    tpu.wait_indirect_dma semaphore(%arg19 : memref<!tpu.dma_semaphore, #tpu.memory_space<semaphore_mem>>) src(%dma_wait3A_2317 : memref<80x128xf32, #tpu.memory_space<vmem>>) dst(%dma_wait3A_2323 : memref<128000x128xf32, #tpu.memory_space<hbm>>)
    return
  }
}

module attributes {stable_mosaic.version = 14 : i64} {
  func.func @_stage1_body(%arg0: i32, %arg1: memref<1000x256xf32, #tpu.memory_space<vmem>>, %arg2: memref<256x128xf32, #tpu.memory_space<vmem>>, %arg3: memref<128xf32, #tpu.memory_space<vmem>>, %arg4: memref<128x128xf32, #tpu.memory_space<vmem>>, %arg5: memref<128xf32, #tpu.memory_space<vmem>>, %arg6: memref<128x8xf32, #tpu.memory_space<vmem>>, %arg7: memref<256x128xf32, #tpu.memory_space<vmem>>, %arg8: memref<256x128xf32, #tpu.memory_space<vmem>>, %arg9: memref<128xf32, #tpu.memory_space<vmem>>, %arg10: memref<1000x128xf32, #tpu.memory_space<vmem>>, %arg11: memref<1x1x1000xi32, #tpu.memory_space<vmem>>, %arg12: memref<1000x128xf32, #tpu.memory_space<vmem>>, %arg13: memref<1000x128xf32, #tpu.memory_space<vmem>>) attributes {dimension_semantics = [#tpu.dimension_semantics<arbitrary>], iteration_bounds = array<i64: 16>, scalar_prefetch = 0 : i64, scratch_operands = 0 : i64, tpu.core_type = #tpu.core_type<tc>, window_params = [{transform_indices = @transform_0, window_bounds = array<i64: 1000, 256>}, {pipeline_mode = #tpu.pipeline_mode<synchronous>, transform_indices = @transform_1, window_bounds = array<i64: 256, 128>}, {pipeline_mode = #tpu.pipeline_mode<synchronous>, transform_indices = @transform_2, window_bounds = array<i64: 128>}, {pipeline_mode = #tpu.pipeline_mode<synchronous>, transform_indices = @transform_3, window_bounds = array<i64: 128, 128>}, {pipeline_mode = #tpu.pipeline_mode<synchronous>, transform_indices = @transform_4, window_bounds = array<i64: 128>}, {pipeline_mode = #tpu.pipeline_mode<synchronous>, transform_indices = @transform_5, window_bounds = array<i64: 128, 8>}, {pipeline_mode = #tpu.pipeline_mode<synchronous>, transform_indices = @transform_6, window_bounds = array<i64: 256, 128>}, {pipeline_mode = #tpu.pipeline_mode<synchronous>, transform_indices = @transform_7, window_bounds = array<i64: 256, 128>}, {pipeline_mode = #tpu.pipeline_mode<synchronous>, transform_indices = @transform_8, window_bounds = array<i64: 128>}, {transform_indices = @transform_9, window_bounds = array<i64: 1000, 128>}, {transform_indices = @transform_10, window_bounds = array<i64: 1, 1, 1000>}, {transform_indices = @transform_11, window_bounds = array<i64: 1000, 128>}, {transform_indices = @transform_12, window_bounds = array<i64: 1000, 128>}]} {
    %get3A = arith.constant 0 : index
    %get3A_0 = arith.constant 0 : index
    %get3A_1 = vector.load %arg1[%get3A, %get3A_0] : memref<1000x256xf32, #tpu.memory_space<vmem>>, vector<1000x256xf32>
    %get3A_2 = arith.constant 0 : index
    %get3A_3 = arith.constant 0 : index
    %get3A_4 = vector.load %arg2[%get3A_2, %get3A_3] : memref<256x128xf32, #tpu.memory_space<vmem>>, vector<256x128xf32>
    %dot_general3A = arith.constant dense<0.000000e+00> : vector<1000x128xf32>
    %dot_general3A_5 = tpu.matmul %get3A_1, %get3A_4, %dot_general3A {dimension_numbers = #tpu.dot_dimension_numbers<[1], [0], [0], [1], [0, 0, 1, 1], [], []>, transpose_lhs_hint = false} : vector<1000x256xf32>, vector<256x128xf32>, vector<1000x128xf32> -> vector<1000x128xf32>
    %get3A_6 = arith.constant 0 : index
    %get3A_7 = vector.load %arg3[%get3A_6] : memref<128xf32, #tpu.memory_space<vmem>>, vector<128xf32>
    %broadcast_in_dim3A = vector.shape_cast %get3A_7 : vector<128xf32> to vector<1x128xf32>
    %add3A = vector.broadcast %broadcast_in_dim3A : vector<1x128xf32> to vector<1000x128xf32>
    %add3A_8 = arith.addf %dot_general3A_5, %add3A : vector<1000x128xf32>
    %gt3A = arith.constant 0.000000e+00 : f32
    %gt3A_9 = vector.broadcast %gt3A : f32 to vector<1000x128xf32>
    %gt3A_10 = arith.cmpf ogt, %add3A_8, %gt3A_9 : vector<1000x128xf32>
    %min3A = arith.constant 0.000000e+00 : f32
    %min3A_11 = vector.broadcast %min3A : f32 to vector<1000x128xf32>
    %min3A_12 = arith.minimumf %add3A_8, %min3A_11 : vector<1000x128xf32>
    %exp3A = math.exp %min3A_12 : vector<1000x128xf32>
    %sub3A = arith.constant 1.000000e+00 : f32
    %sub3A_13 = vector.broadcast %sub3A : f32 to vector<1000x128xf32>
    %sub3A_14 = arith.subf %exp3A, %sub3A_13 : vector<1000x128xf32>
    %select_n3A = arith.select %gt3A_10, %add3A_8, %sub3A_14 : vector<1000x128xi1>, vector<1000x128xf32>
    %get3A_15 = arith.constant 0 : index
    %get3A_16 = arith.constant 0 : index
    %get3A_17 = vector.load %arg4[%get3A_15, %get3A_16] : memref<128x128xf32, #tpu.memory_space<vmem>>, vector<128x128xf32>
    %dot_general3A_18 = arith.constant dense<0.000000e+00> : vector<1000x128xf32>
    %dot_general3A_19 = tpu.matmul %select_n3A, %get3A_17, %dot_general3A_18 {dimension_numbers = #tpu.dot_dimension_numbers<[1], [0], [0], [1], [0, 0, 1, 1], [], []>, transpose_lhs_hint = false} : vector<1000x128xf32>, vector<128x128xf32>, vector<1000x128xf32> -> vector<1000x128xf32>
    %get3A_20 = arith.constant 0 : index
    %get3A_21 = vector.load %arg5[%get3A_20] : memref<128xf32, #tpu.memory_space<vmem>>, vector<128xf32>
    %broadcast_in_dim3A_22 = vector.shape_cast %get3A_21 : vector<128xf32> to vector<1x128xf32>
    %add3A_23 = vector.broadcast %broadcast_in_dim3A_22 : vector<1x128xf32> to vector<1000x128xf32>
    %add3A_24 = arith.addf %dot_general3A_19, %add3A_23 : vector<1000x128xf32>
    %swap3A = arith.constant 0 : index
    %swap3A_25 = arith.constant 0 : index
    %swap3A_26 = vector.load %arg10[%swap3A, %swap3A_25] : memref<1000x128xf32, #tpu.memory_space<vmem>>, vector<1000x128xf32>
    tpu.vector_store %arg10[%swap3A, %swap3A_25], %add3A_24 {strides = array<i32>} : memref<1000x128xf32, #tpu.memory_space<vmem>>, vector<1000x128xf32>,
    %get3A_27 = arith.constant 0 : index
    %get3A_28 = arith.constant 0 : index
    %get3A_29 = vector.load %arg6[%get3A_27, %get3A_28] : memref<128x8xf32, #tpu.memory_space<vmem>>, vector<128x8xf32>
    %dot_general3A_30 = arith.constant dense<0.000000e+00> : vector<1000x8xf32>
    %dot_general3A_31 = tpu.matmul %add3A_24, %get3A_29, %dot_general3A_30 {dimension_numbers = #tpu.dot_dimension_numbers<[1], [0], [0], [1], [0, 0, 1, 1], [], []>, transpose_lhs_hint = false} : vector<1000x128xf32>, vector<128x8xf32>, vector<1000x8xf32> -> vector<1000x8xf32>
    %neg3A = arith.constant 0.000000e+00 : f32
    %neg3A_32 = vector.broadcast %neg3A : f32 to vector<1000x8xf32>
    %neg3A_33 = arith.subf %neg3A_32, %dot_general3A_31 : vector<1000x8xf32>
    %concatenate3A = tpu.concatenate %dot_general3A_31, %neg3A_33 in 1 : vector<1000x8xf32>, vector<1000x8xf32> -> vector<1000x16xf32>
    %reduce_max3A = arith.constant dense<0xFF800000> : vector<1000xf32>
    %reduce_max3A_34 = vector.multi_reduction <maximumf>, %concatenate3A, %reduce_max3A [1] : vector<1000x16xf32> to vector<1000xf32>
    %broadcast_in_dim3A_35 = vector.shape_cast %reduce_max3A_34 : vector<1000xf32> to vector<1000x1xf32>
    %iota3A = tpu.iota {dimensions = array<i32: 1>} : vector<1000x16xi32>
    %eq3A = vector.broadcast %broadcast_in_dim3A_35 : vector<1000x1xf32> to vector<1000x16xf32>
    %eq3A_36 = arith.cmpf oeq, %concatenate3A, %eq3A : vector<1000x16xf32>
    %jit3A = arith.constant 16 : i32
    %broadcast_in_dim3A_37 = vector.broadcast %jit3A : i32 to vector<1000x16xi32>
    %select_n3A_38 = arith.select %eq3A_36, %iota3A, %broadcast_in_dim3A_37 : vector<1000x16xi1>, vector<1000x16xi32>
    %reduce_min3A = arith.constant dense<2147483647> : vector<1000xi32>
    %reduce_min3A_39 = vector.multi_reduction <minsi>, %select_n3A_38, %reduce_min3A [1] : vector<1000x16xi32> to vector<1000xi32>
    %swap3A_40 = arith.constant 0 : index
    %swap3A_41 = arith.constant 0 : index
    %swap3A_42 = arith.constant 0 : index
    %swap3A_43 = vector.load %arg11[%swap3A_40, %swap3A_41, %swap3A_42] : memref<1x1x1000xi32, #tpu.memory_space<vmem>>, vector<1x1x1000xi32>
    %swap3A_44 = vector.shape_cast %swap3A_43 : vector<1x1x1000xi32> to vector<1000xi32>
    %swap3A_45 = vector.shape_cast %reduce_min3A_39 : vector<1000xi32> to vector<1x1x1000xi32>
    tpu.vector_store %arg11[%swap3A_40, %swap3A_41, %swap3A_42], %swap3A_45 {strides = array<i32>} : memref<1x1x1000xi32, #tpu.memory_space<vmem>>, vector<1x1x1000xi32>,
    %get3A_46 = arith.constant 0 : index
    %get3A_47 = arith.constant 0 : index
    %get3A_48 = vector.load %arg7[%get3A_46, %get3A_47] : memref<256x128xf32, #tpu.memory_space<vmem>>, vector<256x128xf32>
    %dot_general3A_49 = arith.constant dense<0.000000e+00> : vector<1000x128xf32>
    %dot_general3A_50 = tpu.matmul %get3A_1, %get3A_48, %dot_general3A_49 {dimension_numbers = #tpu.dot_dimension_numbers<[1], [0], [0], [1], [0, 0, 1, 1], [], []>, transpose_lhs_hint = false} : vector<1000x256xf32>, vector<256x128xf32>, vector<1000x128xf32> -> vector<1000x128xf32>
    %get3A_51 = arith.constant 0 : index
    %get3A_52 = vector.load %arg9[%get3A_51] : memref<128xf32, #tpu.memory_space<vmem>>, vector<128xf32>
    %broadcast_in_dim3A_53 = vector.shape_cast %get3A_52 : vector<128xf32> to vector<1x128xf32>
    %add3A_54 = vector.broadcast %broadcast_in_dim3A_53 : vector<1x128xf32> to vector<1000x128xf32>
    %add3A_55 = arith.addf %dot_general3A_50, %add3A_54 : vector<1000x128xf32>
    %swap3A_56 = arith.constant 0 : index
    %swap3A_57 = arith.constant 0 : index
    %swap3A_58 = vector.load %arg12[%swap3A_56, %swap3A_57] : memref<1000x128xf32, #tpu.memory_space<vmem>>, vector<1000x128xf32>
    tpu.vector_store %arg12[%swap3A_56, %swap3A_57], %add3A_55 {strides = array<i32>} : memref<1000x128xf32, #tpu.memory_space<vmem>>, vector<1000x128xf32>,
    %get3A_59 = arith.constant 0 : index
    %get3A_60 = arith.constant 0 : index
    %get3A_61 = vector.load %arg8[%get3A_59, %get3A_60] : memref<256x128xf32, #tpu.memory_space<vmem>>, vector<256x128xf32>
    %dot_general3A_62 = arith.constant dense<0.000000e+00> : vector<1000x128xf32>
    %dot_general3A_63 = tpu.matmul %get3A_1, %get3A_61, %dot_general3A_62 {dimension_numbers = #tpu.dot_dimension_numbers<[1], [0], [0], [1], [0, 0, 1, 1], [], []>, transpose_lhs_hint = false} : vector<1000x256xf32>, vector<256x128xf32>, vector<1000x128xf32> -> vector<1000x128xf32>
    %swap3A_64 = arith.constant 0 : index
    %swap3A_65 = arith.constant 0 : index
    %swap3A_66 = vector.load %arg13[%swap3A_64, %swap3A_65] : memref<1000x128xf32, #tpu.memory_space<vmem>>, vector<1000x128xf32>
    tpu.vector_store %arg13[%swap3A_64, %swap3A_65], %dot_general3A_63 {strides = array<i32>} : memref<1000x128xf32, #tpu.memory_space<vmem>>, vector<1000x128xf32>,
    return
  }
  func.func @transform_0(%arg0: i32) -> (i32, i32) {
    %c0_i32 = arith.constant 0 : i32
    %c0_i32_0 = arith.constant 0 : i32
    return %arg0, %c0_i32 : i32, i32
  }
  func.func @transform_1(%arg0: i32) -> (i32, i32) {
    %c0_i32 = arith.constant 0 : i32
    %c0_i32_0 = arith.constant 0 : i32
    %c0_i32_1 = arith.constant 0 : i32
    return %c0_i32, %c0_i32_0 : i32, i32
  }
  func.func @transform_2(%arg0: i32) -> i32 {
    %c0_i32 = arith.constant 0 : i32
    %c0_i32_0 = arith.constant 0 : i32
    return %c0_i32 : i32
  }
  func.func @transform_3(%arg0: i32) -> (i32, i32) {
    %c0_i32 = arith.constant 0 : i32
    %c0_i32_0 = arith.constant 0 : i32
    %c0_i32_1 = arith.constant 0 : i32
    return %c0_i32, %c0_i32_0 : i32, i32
  }
  func.func @transform_4(%arg0: i32) -> i32 {
    %c0_i32 = arith.constant 0 : i32
    %c0_i32_0 = arith.constant 0 : i32
    return %c0_i32 : i32
  }
  func.func @transform_5(%arg0: i32) -> (i32, i32) {
    %c0_i32 = arith.constant 0 : i32
    %c0_i32_0 = arith.constant 0 : i32
    %c0_i32_1 = arith.constant 0 : i32
    return %c0_i32, %c0_i32_0 : i32, i32
  }
  func.func @transform_6(%arg0: i32) -> (i32, i32) {
    %c0_i32 = arith.constant 0 : i32
    %c0_i32_0 = arith.constant 0 : i32
    %c0_i32_1 = arith.constant 0 : i32
    return %c0_i32, %c0_i32_0 : i32, i32
  }
  func.func @transform_7(%arg0: i32) -> (i32, i32) {
    %c0_i32 = arith.constant 0 : i32
    %c0_i32_0 = arith.constant 0 : i32
    %c0_i32_1 = arith.constant 0 : i32
    return %c0_i32, %c0_i32_0 : i32, i32
  }
  func.func @transform_8(%arg0: i32) -> i32 {
    %c0_i32 = arith.constant 0 : i32
    %c0_i32_0 = arith.constant 0 : i32
    return %c0_i32 : i32
  }
  func.func @transform_9(%arg0: i32) -> (i32, i32) {
    %c0_i32 = arith.constant 0 : i32
    %c0_i32_0 = arith.constant 0 : i32
    return %arg0, %c0_i32 : i32, i32
  }
  func.func @transform_10(%arg0: i32) -> (i32, i32, i32) {
    %c0_i32 = arith.constant 0 : i32
    %c0_i32_0 = arith.constant 0 : i32
    %c0_i32_1 = arith.constant 0 : i32
    return %arg0, %c0_i32, %c0_i32_0 : i32, i32, i32
  }
  func.func @transform_11(%arg0: i32) -> (i32, i32) {
    %c0_i32 = arith.constant 0 : i32
    %c0_i32_0 = arith.constant 0 : i32
    return %arg0, %c0_i32 : i32, i32
  }
  func.func @transform_12(%arg0: i32) -> (i32, i32) {
    %c0_i32 = arith.constant 0 : i32
    %c0_i32_0 = arith.constant 0 : i32
    return %arg0, %c0_i32 : i32, i32
  }
}

module attributes {stable_mosaic.version = 14 : i64} {
  func.func @_stage3_body(%arg0: i32, %arg1: i32, %arg2: memref<1x1x500x128xf32, #tpu.memory_space<vmem>>, %arg3: memref<1x1x8x500xf32, #tpu.memory_space<vmem>>, %arg4: memref<1x1x8x500xi32, #tpu.memory_space<vmem>>) attributes {dimension_semantics = [#tpu.dimension_semantics<arbitrary>, #tpu.dimension_semantics<arbitrary>], iteration_bounds = array<i64: 2, 16>, scalar_prefetch = 0 : i64, scratch_operands = 0 : i64, tpu.core_type = #tpu.core_type<tc>, window_params = [{transform_indices = @transform_0, window_bounds = array<i64: 1, 1, 500, 128>}, {transform_indices = @transform_1, window_bounds = array<i64: 1, 1, 8, 500>}, {transform_indices = @transform_2, window_bounds = array<i64: 1, 1, 8, 500>}]} {
    %get3A = arith.constant 0 : index
    %get3A_0 = arith.constant 0 : index
    %get3A_1 = arith.constant 0 : index
    %get3A_2 = arith.constant 0 : index
    %get3A_3 = vector.load %arg2[%get3A, %get3A_0, %get3A_1, %get3A_2] : memref<1x1x500x128xf32, #tpu.memory_space<vmem>>, vector<1x1x500x128xf32>
    %get3A_4 = vector.shape_cast %get3A_3 : vector<1x1x500x128xf32> to vector<500x128xf32>
    %dot_general3A = arith.constant dense<0.000000e+00> : vector<500x500xf32>
    %dot_general3A_5 = tpu.matmul %get3A_4, %get3A_4, %dot_general3A {dimension_numbers = #tpu.dot_dimension_numbers<[1], [1], [0], [0], [0, 0, 1, 0], [], []>, transpose_lhs_hint = false} : vector<500x128xf32>, vector<500x128xf32>, vector<500x500xf32> -> vector<500x500xf32>
    %logistic3A = arith.negf %dot_general3A_5 : vector<500x500xf32>
    %logistic3A_6 = math.exp %logistic3A : vector<500x500xf32>
    %logistic3A_7 = arith.constant 1.000000e+00 : f32
    %logistic3A_8 = vector.broadcast %logistic3A_7 : f32 to vector<500x500xf32>
    %logistic3A_9 = arith.addf %logistic3A_8, %logistic3A_6 : vector<500x500xf32>
    %logistic3A_10 = arith.divf %logistic3A_8, %logistic3A_9 : vector<500x500xf32>
    %iota3A = tpu.iota {dimensions = array<i32: 1>} : vector<500x500xi32>
    %reduce_max3A = arith.constant dense<0xFF800000> : vector<500xf32>
    %reduce_max3A_11 = vector.multi_reduction <maximumf>, %logistic3A_10, %reduce_max3A [1] : vector<500x500xf32> to vector<500xf32>
    %broadcast_in_dim3A = vector.shape_cast %reduce_max3A_11 : vector<500xf32> to vector<500x1xf32>
    %eq3A = vector.broadcast %broadcast_in_dim3A : vector<500x1xf32> to vector<500x500xf32>
    %eq3A_12 = arith.cmpf oeq, %logistic3A_10, %eq3A : vector<500x500xf32>
    %jit3A = arith.constant 500 : i32
    %broadcast_in_dim3A_13 = vector.broadcast %jit3A : i32 to vector<500x500xi32>
    %select_n3A = arith.select %eq3A_12, %iota3A, %broadcast_in_dim3A_13 : vector<500x500xi1>, vector<500x500xi32>
    %reduce_min3A = arith.constant dense<2147483647> : vector<500xi32>
    %reduce_min3A_14 = vector.multi_reduction <minsi>, %select_n3A, %reduce_min3A [1] : vector<500x500xi32> to vector<500xi32>
    %squeeze3A = vector.shape_cast %broadcast_in_dim3A : vector<500x1xf32> to vector<500xf32>
    %swap3A = arith.constant 0 : index
    %swap3A_15 = arith.constant 0 : index
    %swap3A_16 = arith.constant 0 : index
    %swap3A_17 = arith.constant 0 : index
    %swap3A_18 = vector.load %arg3[%swap3A, %swap3A_15, %swap3A_16, %swap3A_17] : memref<1x1x8x500xf32, #tpu.memory_space<vmem>>, vector<1x1x1x500xf32>
    %swap3A_19 = vector.shape_cast %swap3A_18 : vector<1x1x1x500xf32> to vector<500xf32>
    %swap3A_20 = vector.shape_cast %squeeze3A : vector<500xf32> to vector<1x1x1x500xf32>
    tpu.vector_store %arg3[%swap3A, %swap3A_15, %swap3A_16, %swap3A_17], %swap3A_20 {strides = array<i32>} : memref<1x1x8x500xf32, #tpu.memory_space<vmem>>, vector<1x1x1x500xf32>,
    %swap3A_21 = arith.constant 0 : index
    %swap3A_22 = arith.constant 0 : index
    %swap3A_23 = arith.constant 0 : index
    %swap3A_24 = arith.constant 0 : index
    %swap3A_25 = vector.load %arg4[%swap3A_21, %swap3A_22, %swap3A_23, %swap3A_24] : memref<1x1x8x500xi32, #tpu.memory_space<vmem>>, vector<1x1x1x500xi32>
    %swap3A_26 = vector.shape_cast %swap3A_25 : vector<1x1x1x500xi32> to vector<500xi32>
    %swap3A_27 = vector.shape_cast %reduce_min3A_14 : vector<500xi32> to vector<1x1x1x500xi32>
    tpu.vector_store %arg4[%swap3A_21, %swap3A_22, %swap3A_23, %swap3A_24], %swap3A_27 {strides = array<i32>} : memref<1x1x8x500xi32, #tpu.memory_space<vmem>>, vector<1x1x1x500xi32>,
    %broadcast_in_dim3A_28 = vector.shape_cast %reduce_min3A_14 : vector<500xi32> to vector<500x1xi32>
    %eq3A_29 = vector.broadcast %broadcast_in_dim3A_28 : vector<500x1xi32> to vector<500x500xi32>
    %eq3A_30 = arith.cmpi eq, %iota3A, %eq3A_29 : vector<500x500xi32>
    %jit3A_31 = arith.constant 0xFF800000 : f32
    %broadcast_in_dim3A_32 = vector.broadcast %jit3A_31 : f32 to vector<500x500xf32>
    %select_n3A_33 = arith.select %eq3A_30, %broadcast_in_dim3A_32, %logistic3A_10 : vector<500x500xi1>, vector<500x500xf32>
    %reduce_max3A_34 = arith.constant dense<0xFF800000> : vector<500xf32>
    %reduce_max3A_35 = vector.multi_reduction <maximumf>, %select_n3A_33, %reduce_max3A_34 [1] : vector<500x500xf32> to vector<500xf32>
    %broadcast_in_dim3A_36 = vector.shape_cast %reduce_max3A_35 : vector<500xf32> to vector<500x1xf32>
    %eq3A_37 = vector.broadcast %broadcast_in_dim3A_36 : vector<500x1xf32> to vector<500x500xf32>
    %eq3A_38 = arith.cmpf oeq, %select_n3A_33, %eq3A_37 : vector<500x500xf32>
    %jit3A_39 = arith.constant 500 : i32
    %broadcast_in_dim3A_40 = vector.broadcast %jit3A_39 : i32 to vector<500x500xi32>
    %select_n3A_41 = arith.select %eq3A_38, %iota3A, %broadcast_in_dim3A_40 : vector<500x500xi1>, vector<500x500xi32>
    %reduce_min3A_42 = arith.constant dense<2147483647> : vector<500xi32>
    %reduce_min3A_43 = vector.multi_reduction <minsi>, %select_n3A_41, %reduce_min3A_42 [1] : vector<500x500xi32> to vector<500xi32>
    %squeeze3A_44 = vector.shape_cast %broadcast_in_dim3A_36 : vector<500x1xf32> to vector<500xf32>
    %swap3A_45 = arith.constant 0 : index
    %swap3A_46 = arith.constant 0 : index
    %swap3A_47 = arith.constant 1 : index
    %swap3A_48 = arith.constant 0 : index
    %swap3A_49 = vector.load %arg3[%swap3A_45, %swap3A_46, %swap3A_47, %swap3A_48] : memref<1x1x8x500xf32, #tpu.memory_space<vmem>>, vector<1x1x1x500xf32>
    %swap3A_50 = vector.shape_cast %swap3A_49 : vector<1x1x1x500xf32> to vector<500xf32>
    %swap3A_51 = vector.shape_cast %squeeze3A_44 : vector<500xf32> to vector<1x1x1x500xf32>
    tpu.vector_store %arg3[%swap3A_45, %swap3A_46, %swap3A_47, %swap3A_48], %swap3A_51 {strides = array<i32>} : memref<1x1x8x500xf32, #tpu.memory_space<vmem>>, vector<1x1x1x500xf32>,
    %swap3A_52 = arith.constant 0 : index
    %swap3A_53 = arith.constant 0 : index
    %swap3A_54 = arith.constant 1 : index
    %swap3A_55 = arith.constant 0 : index
    %swap3A_56 = vector.load %arg4[%swap3A_52, %swap3A_53, %swap3A_54, %swap3A_55] : memref<1x1x8x500xi32, #tpu.memory_space<vmem>>, vector<1x1x1x500xi32>
    %swap3A_57 = vector.shape_cast %swap3A_56 : vector<1x1x1x500xi32> to vector<500xi32>
    %swap3A_58 = vector.shape_cast %reduce_min3A_43 : vector<500xi32> to vector<1x1x1x500xi32>
    tpu.vector_store %arg4[%swap3A_52, %swap3A_53, %swap3A_54, %swap3A_55], %swap3A_58 {strides = array<i32>} : memref<1x1x8x500xi32, #tpu.memory_space<vmem>>, vector<1x1x1x500xi32>,
    %broadcast_in_dim3A_59 = vector.shape_cast %reduce_min3A_43 : vector<500xi32> to vector<500x1xi32>
    %eq3A_60 = vector.broadcast %broadcast_in_dim3A_59 : vector<500x1xi32> to vector<500x500xi32>
    %eq3A_61 = arith.cmpi eq, %iota3A, %eq3A_60 : vector<500x500xi32>
    %jit3A_62 = arith.constant 0xFF800000 : f32
    %broadcast_in_dim3A_63 = vector.broadcast %jit3A_62 : f32 to vector<500x500xf32>
    %select_n3A_64 = arith.select %eq3A_61, %broadcast_in_dim3A_63, %select_n3A_33 : vector<500x500xi1>, vector<500x500xf32>
    %reduce_max3A_65 = arith.constant dense<0xFF800000> : vector<500xf32>
    %reduce_max3A_66 = vector.multi_reduction <maximumf>, %select_n3A_64, %reduce_max3A_65 [1] : vector<500x500xf32> to vector<500xf32>
    %broadcast_in_dim3A_67 = vector.shape_cast %reduce_max3A_66 : vector<500xf32> to vector<500x1xf32>
    %eq3A_68 = vector.broadcast %broadcast_in_dim3A_67 : vector<500x1xf32> to vector<500x500xf32>
    %eq3A_69 = arith.cmpf oeq, %select_n3A_64, %eq3A_68 : vector<500x500xf32>
    %jit3A_70 = arith.constant 500 : i32
    %broadcast_in_dim3A_71 = vector.broadcast %jit3A_70 : i32 to vector<500x500xi32>
    %select_n3A_72 = arith.select %eq3A_69, %iota3A, %broadcast_in_dim3A_71 : vector<500x500xi1>, vector<500x500xi32>
    %reduce_min3A_73 = arith.constant dense<2147483647> : vector<500xi32>
    %reduce_min3A_74 = vector.multi_reduction <minsi>, %select_n3A_72, %reduce_min3A_73 [1] : vector<500x500xi32> to vector<500xi32>
    %squeeze3A_75 = vector.shape_cast %broadcast_in_dim3A_67 : vector<500x1xf32> to vector<500xf32>
    %swap3A_76 = arith.constant 0 : index
    %swap3A_77 = arith.constant 0 : index
    %swap3A_78 = arith.constant 2 : index
    %swap3A_79 = arith.constant 0 : index
    %swap3A_80 = vector.load %arg3[%swap3A_76, %swap3A_77, %swap3A_78, %swap3A_79] : memref<1x1x8x500xf32, #tpu.memory_space<vmem>>, vector<1x1x1x500xf32>
    %swap3A_81 = vector.shape_cast %swap3A_80 : vector<1x1x1x500xf32> to vector<500xf32>
    %swap3A_82 = vector.shape_cast %squeeze3A_75 : vector<500xf32> to vector<1x1x1x500xf32>
    tpu.vector_store %arg3[%swap3A_76, %swap3A_77, %swap3A_78, %swap3A_79], %swap3A_82 {strides = array<i32>} : memref<1x1x8x500xf32, #tpu.memory_space<vmem>>, vector<1x1x1x500xf32>,
    %swap3A_83 = arith.constant 0 : index
    %swap3A_84 = arith.constant 0 : index
    %swap3A_85 = arith.constant 2 : index
    %swap3A_86 = arith.constant 0 : index
    %swap3A_87 = vector.load %arg4[%swap3A_83, %swap3A_84, %swap3A_85, %swap3A_86] : memref<1x1x8x500xi32, #tpu.memory_space<vmem>>, vector<1x1x1x500xi32>
    %swap3A_88 = vector.shape_cast %swap3A_87 : vector<1x1x1x500xi32> to vector<500xi32>
    %swap3A_89 = vector.shape_cast %reduce_min3A_74 : vector<500xi32> to vector<1x1x1x500xi32>
    tpu.vector_store %arg4[%swap3A_83, %swap3A_84, %swap3A_85, %swap3A_86], %swap3A_89 {strides = array<i32>} : memref<1x1x8x500xi32, #tpu.memory_space<vmem>>, vector<1x1x1x500xi32>,
    %broadcast_in_dim3A_90 = vector.shape_cast %reduce_min3A_74 : vector<500xi32> to vector<500x1xi32>
    %eq3A_91 = vector.broadcast %broadcast_in_dim3A_90 : vector<500x1xi32> to vector<500x500xi32>
    %eq3A_92 = arith.cmpi eq, %iota3A, %eq3A_91 : vector<500x500xi32>
    %jit3A_93 = arith.constant 0xFF800000 : f32
    %broadcast_in_dim3A_94 = vector.broadcast %jit3A_93 : f32 to vector<500x500xf32>
    %select_n3A_95 = arith.select %eq3A_92, %broadcast_in_dim3A_94, %select_n3A_64 : vector<500x500xi1>, vector<500x500xf32>
    %reduce_max3A_96 = arith.constant dense<0xFF800000> : vector<500xf32>
    %reduce_max3A_97 = vector.multi_reduction <maximumf>, %select_n3A_95, %reduce_max3A_96 [1] : vector<500x500xf32> to vector<500xf32>
    %broadcast_in_dim3A_98 = vector.shape_cast %reduce_max3A_97 : vector<500xf32> to vector<500x1xf32>
    %eq3A_99 = vector.broadcast %broadcast_in_dim3A_98 : vector<500x1xf32> to vector<500x500xf32>
    %eq3A_100 = arith.cmpf oeq, %select_n3A_95, %eq3A_99 : vector<500x500xf32>
    %jit3A_101 = arith.constant 500 : i32
    %broadcast_in_dim3A_102 = vector.broadcast %jit3A_101 : i32 to vector<500x500xi32>
    %select_n3A_103 = arith.select %eq3A_100, %iota3A, %broadcast_in_dim3A_102 : vector<500x500xi1>, vector<500x500xi32>
    %reduce_min3A_104 = arith.constant dense<2147483647> : vector<500xi32>
    %reduce_min3A_105 = vector.multi_reduction <minsi>, %select_n3A_103, %reduce_min3A_104 [1] : vector<500x500xi32> to vector<500xi32>
    %squeeze3A_106 = vector.shape_cast %broadcast_in_dim3A_98 : vector<500x1xf32> to vector<500xf32>
    %swap3A_107 = arith.constant 0 : index
    %swap3A_108 = arith.constant 0 : index
    %swap3A_109 = arith.constant 3 : index
    %swap3A_110 = arith.constant 0 : index
    %swap3A_111 = vector.load %arg3[%swap3A_107, %swap3A_108, %swap3A_109, %swap3A_110] : memref<1x1x8x500xf32, #tpu.memory_space<vmem>>, vector<1x1x1x500xf32>
    %swap3A_112 = vector.shape_cast %swap3A_111 : vector<1x1x1x500xf32> to vector<500xf32>
    %swap3A_113 = vector.shape_cast %squeeze3A_106 : vector<500xf32> to vector<1x1x1x500xf32>
    tpu.vector_store %arg3[%swap3A_107, %swap3A_108, %swap3A_109, %swap3A_110], %swap3A_113 {strides = array<i32>} : memref<1x1x8x500xf32, #tpu.memory_space<vmem>>, vector<1x1x1x500xf32>,
    %swap3A_114 = arith.constant 0 : index
    %swap3A_115 = arith.constant 0 : index
    %swap3A_116 = arith.constant 3 : index
    %swap3A_117 = arith.constant 0 : index
    %swap3A_118 = vector.load %arg4[%swap3A_114, %swap3A_115, %swap3A_116, %swap3A_117] : memref<1x1x8x500xi32, #tpu.memory_space<vmem>>, vector<1x1x1x500xi32>
    %swap3A_119 = vector.shape_cast %swap3A_118 : vector<1x1x1x500xi32> to vector<500xi32>
    %swap3A_120 = vector.shape_cast %reduce_min3A_105 : vector<500xi32> to vector<1x1x1x500xi32>
    tpu.vector_store %arg4[%swap3A_114, %swap3A_115, %swap3A_116, %swap3A_117], %swap3A_120 {strides = array<i32>} : memref<1x1x8x500xi32, #tpu.memory_space<vmem>>, vector<1x1x1x500xi32>,
    %broadcast_in_dim3A_121 = vector.shape_cast %reduce_min3A_105 : vector<500xi32> to vector<500x1xi32>
    %eq3A_122 = vector.broadcast %broadcast_in_dim3A_121 : vector<500x1xi32> to vector<500x500xi32>
    %eq3A_123 = arith.cmpi eq, %iota3A, %eq3A_122 : vector<500x500xi32>
    %jit3A_124 = arith.constant 0xFF800000 : f32
    %broadcast_in_dim3A_125 = vector.broadcast %jit3A_124 : f32 to vector<500x500xf32>
    %select_n3A_126 = arith.select %eq3A_123, %broadcast_in_dim3A_125, %select_n3A_95 : vector<500x500xi1>, vector<500x500xf32>
    %reduce_max3A_127 = arith.constant dense<0xFF800000> : vector<500xf32>
    %reduce_max3A_128 = vector.multi_reduction <maximumf>, %select_n3A_126, %reduce_max3A_127 [1] : vector<500x500xf32> to vector<500xf32>
    %broadcast_in_dim3A_129 = vector.shape_cast %reduce_max3A_128 : vector<500xf32> to vector<500x1xf32>
    %eq3A_130 = vector.broadcast %broadcast_in_dim3A_129 : vector<500x1xf32> to vector<500x500xf32>
    %eq3A_131 = arith.cmpf oeq, %select_n3A_126, %eq3A_130 : vector<500x500xf32>
    %jit3A_132 = arith.constant 500 : i32
    %broadcast_in_dim3A_133 = vector.broadcast %jit3A_132 : i32 to vector<500x500xi32>
    %select_n3A_134 = arith.select %eq3A_131, %iota3A, %broadcast_in_dim3A_133 : vector<500x500xi1>, vector<500x500xi32>
    %reduce_min3A_135 = arith.constant dense<2147483647> : vector<500xi32>
    %reduce_min3A_136 = vector.multi_reduction <minsi>, %select_n3A_134, %reduce_min3A_135 [1] : vector<500x500xi32> to vector<500xi32>
    %squeeze3A_137 = vector.shape_cast %broadcast_in_dim3A_129 : vector<500x1xf32> to vector<500xf32>
    %swap3A_138 = arith.constant 0 : index
    %swap3A_139 = arith.constant 0 : index
    %swap3A_140 = arith.constant 4 : index
    %swap3A_141 = arith.constant 0 : index
    %swap3A_142 = vector.load %arg3[%swap3A_138, %swap3A_139, %swap3A_140, %swap3A_141] : memref<1x1x8x500xf32, #tpu.memory_space<vmem>>, vector<1x1x1x500xf32>
    %swap3A_143 = vector.shape_cast %swap3A_142 : vector<1x1x1x500xf32> to vector<500xf32>
    %swap3A_144 = vector.shape_cast %squeeze3A_137 : vector<500xf32> to vector<1x1x1x500xf32>
    tpu.vector_store %arg3[%swap3A_138, %swap3A_139, %swap3A_140, %swap3A_141], %swap3A_144 {strides = array<i32>} : memref<1x1x8x500xf32, #tpu.memory_space<vmem>>, vector<1x1x1x500xf32>,
    %swap3A_145 = arith.constant 0 : index
    %swap3A_146 = arith.constant 0 : index
    %swap3A_147 = arith.constant 4 : index
    %swap3A_148 = arith.constant 0 : index
    %swap3A_149 = vector.load %arg4[%swap3A_145, %swap3A_146, %swap3A_147, %swap3A_148] : memref<1x1x8x500xi32, #tpu.memory_space<vmem>>, vector<1x1x1x500xi32>
    %swap3A_150 = vector.shape_cast %swap3A_149 : vector<1x1x1x500xi32> to vector<500xi32>
    %swap3A_151 = vector.shape_cast %reduce_min3A_136 : vector<500xi32> to vector<1x1x1x500xi32>
    tpu.vector_store %arg4[%swap3A_145, %swap3A_146, %swap3A_147, %swap3A_148], %swap3A_151 {strides = array<i32>} : memref<1x1x8x500xi32, #tpu.memory_space<vmem>>, vector<1x1x1x500xi32>,
    %broadcast_in_dim3A_152 = vector.shape_cast %reduce_min3A_136 : vector<500xi32> to vector<500x1xi32>
    %eq3A_153 = vector.broadcast %broadcast_in_dim3A_152 : vector<500x1xi32> to vector<500x500xi32>
    %eq3A_154 = arith.cmpi eq, %iota3A, %eq3A_153 : vector<500x500xi32>
    %jit3A_155 = arith.constant 0xFF800000 : f32
    %broadcast_in_dim3A_156 = vector.broadcast %jit3A_155 : f32 to vector<500x500xf32>
    %select_n3A_157 = arith.select %eq3A_154, %broadcast_in_dim3A_156, %select_n3A_126 : vector<500x500xi1>, vector<500x500xf32>
    %reduce_max3A_158 = arith.constant dense<0xFF800000> : vector<500xf32>
    %reduce_max3A_159 = vector.multi_reduction <maximumf>, %select_n3A_157, %reduce_max3A_158 [1] : vector<500x500xf32> to vector<500xf32>
    %broadcast_in_dim3A_160 = vector.shape_cast %reduce_max3A_159 : vector<500xf32> to vector<500x1xf32>
    %eq3A_161 = vector.broadcast %broadcast_in_dim3A_160 : vector<500x1xf32> to vector<500x500xf32>
    %eq3A_162 = arith.cmpf oeq, %select_n3A_157, %eq3A_161 : vector<500x500xf32>
    %jit3A_163 = arith.constant 500 : i32
    %broadcast_in_dim3A_164 = vector.broadcast %jit3A_163 : i32 to vector<500x500xi32>
    %select_n3A_165 = arith.select %eq3A_162, %iota3A, %broadcast_in_dim3A_164 : vector<500x500xi1>, vector<500x500xi32>
    %reduce_min3A_166 = arith.constant dense<2147483647> : vector<500xi32>
    %reduce_min3A_167 = vector.multi_reduction <minsi>, %select_n3A_165, %reduce_min3A_166 [1] : vector<500x500xi32> to vector<500xi32>
    %squeeze3A_168 = vector.shape_cast %broadcast_in_dim3A_160 : vector<500x1xf32> to vector<500xf32>
    %swap3A_169 = arith.constant 0 : index
    %swap3A_170 = arith.constant 0 : index
    %swap3A_171 = arith.constant 5 : index
    %swap3A_172 = arith.constant 0 : index
    %swap3A_173 = vector.load %arg3[%swap3A_169, %swap3A_170, %swap3A_171, %swap3A_172] : memref<1x1x8x500xf32, #tpu.memory_space<vmem>>, vector<1x1x1x500xf32>
    %swap3A_174 = vector.shape_cast %swap3A_173 : vector<1x1x1x500xf32> to vector<500xf32>
    %swap3A_175 = vector.shape_cast %squeeze3A_168 : vector<500xf32> to vector<1x1x1x500xf32>
    tpu.vector_store %arg3[%swap3A_169, %swap3A_170, %swap3A_171, %swap3A_172], %swap3A_175 {strides = array<i32>} : memref<1x1x8x500xf32, #tpu.memory_space<vmem>>, vector<1x1x1x500xf32>,
    %swap3A_176 = arith.constant 0 : index
    %swap3A_177 = arith.constant 0 : index
    %swap3A_178 = arith.constant 5 : index
    %swap3A_179 = arith.constant 0 : index
    %swap3A_180 = vector.load %arg4[%swap3A_176, %swap3A_177, %swap3A_178, %swap3A_179] : memref<1x1x8x500xi32, #tpu.memory_space<vmem>>, vector<1x1x1x500xi32>
    %swap3A_181 = vector.shape_cast %swap3A_180 : vector<1x1x1x500xi32> to vector<500xi32>
    %swap3A_182 = vector.shape_cast %reduce_min3A_167 : vector<500xi32> to vector<1x1x1x500xi32>
    tpu.vector_store %arg4[%swap3A_176, %swap3A_177, %swap3A_178, %swap3A_179], %swap3A_182 {strides = array<i32>} : memref<1x1x8x500xi32, #tpu.memory_space<vmem>>, vector<1x1x1x500xi32>,
    %broadcast_in_dim3A_183 = vector.shape_cast %reduce_min3A_167 : vector<500xi32> to vector<500x1xi32>
    %eq3A_184 = vector.broadcast %broadcast_in_dim3A_183 : vector<500x1xi32> to vector<500x500xi32>
    %eq3A_185 = arith.cmpi eq, %iota3A, %eq3A_184 : vector<500x500xi32>
    %jit3A_186 = arith.constant 0xFF800000 : f32
    %broadcast_in_dim3A_187 = vector.broadcast %jit3A_186 : f32 to vector<500x500xf32>
    %select_n3A_188 = arith.select %eq3A_185, %broadcast_in_dim3A_187, %select_n3A_157 : vector<500x500xi1>, vector<500x500xf32>
    %reduce_max3A_189 = arith.constant dense<0xFF800000> : vector<500xf32>
    %reduce_max3A_190 = vector.multi_reduction <maximumf>, %select_n3A_188, %reduce_max3A_189 [1] : vector<500x500xf32> to vector<500xf32>
    %broadcast_in_dim3A_191 = vector.shape_cast %reduce_max3A_190 : vector<500xf32> to vector<500x1xf32>
    %eq3A_192 = vector.broadcast %broadcast_in_dim3A_191 : vector<500x1xf32> to vector<500x500xf32>
    %eq3A_193 = arith.cmpf oeq, %select_n3A_188, %eq3A_192 : vector<500x500xf32>
    %jit3A_194 = arith.constant 500 : i32
    %broadcast_in_dim3A_195 = vector.broadcast %jit3A_194 : i32 to vector<500x500xi32>
    %select_n3A_196 = arith.select %eq3A_193, %iota3A, %broadcast_in_dim3A_195 : vector<500x500xi1>, vector<500x500xi32>
    %reduce_min3A_197 = arith.constant dense<2147483647> : vector<500xi32>
    %reduce_min3A_198 = vector.multi_reduction <minsi>, %select_n3A_196, %reduce_min3A_197 [1] : vector<500x500xi32> to vector<500xi32>
    %squeeze3A_199 = vector.shape_cast %broadcast_in_dim3A_191 : vector<500x1xf32> to vector<500xf32>
    %swap3A_200 = arith.constant 0 : index
    %swap3A_201 = arith.constant 0 : index
    %swap3A_202 = arith.constant 6 : index
    %swap3A_203 = arith.constant 0 : index
    %swap3A_204 = vector.load %arg3[%swap3A_200, %swap3A_201, %swap3A_202, %swap3A_203] : memref<1x1x8x500xf32, #tpu.memory_space<vmem>>, vector<1x1x1x500xf32>
    %swap3A_205 = vector.shape_cast %swap3A_204 : vector<1x1x1x500xf32> to vector<500xf32>
    %swap3A_206 = vector.shape_cast %squeeze3A_199 : vector<500xf32> to vector<1x1x1x500xf32>
    tpu.vector_store %arg3[%swap3A_200, %swap3A_201, %swap3A_202, %swap3A_203], %swap3A_206 {strides = array<i32>} : memref<1x1x8x500xf32, #tpu.memory_space<vmem>>, vector<1x1x1x500xf32>,
    %swap3A_207 = arith.constant 0 : index
    %swap3A_208 = arith.constant 0 : index
    %swap3A_209 = arith.constant 6 : index
    %swap3A_210 = arith.constant 0 : index
    %swap3A_211 = vector.load %arg4[%swap3A_207, %swap3A_208, %swap3A_209, %swap3A_210] : memref<1x1x8x500xi32, #tpu.memory_space<vmem>>, vector<1x1x1x500xi32>
    %swap3A_212 = vector.shape_cast %swap3A_211 : vector<1x1x1x500xi32> to vector<500xi32>
    %swap3A_213 = vector.shape_cast %reduce_min3A_198 : vector<500xi32> to vector<1x1x1x500xi32>
    tpu.vector_store %arg4[%swap3A_207, %swap3A_208, %swap3A_209, %swap3A_210], %swap3A_213 {strides = array<i32>} : memref<1x1x8x500xi32, #tpu.memory_space<vmem>>, vector<1x1x1x500xi32>,
    %broadcast_in_dim3A_214 = vector.shape_cast %reduce_min3A_198 : vector<500xi32> to vector<500x1xi32>
    %eq3A_215 = vector.broadcast %broadcast_in_dim3A_214 : vector<500x1xi32> to vector<500x500xi32>
    %eq3A_216 = arith.cmpi eq, %iota3A, %eq3A_215 : vector<500x500xi32>
    %jit3A_217 = arith.constant 0xFF800000 : f32
    %broadcast_in_dim3A_218 = vector.broadcast %jit3A_217 : f32 to vector<500x500xf32>
    %select_n3A_219 = arith.select %eq3A_216, %broadcast_in_dim3A_218, %select_n3A_188 : vector<500x500xi1>, vector<500x500xf32>
    %reduce_max3A_220 = arith.constant dense<0xFF800000> : vector<500xf32>
    %reduce_max3A_221 = vector.multi_reduction <maximumf>, %select_n3A_219, %reduce_max3A_220 [1] : vector<500x500xf32> to vector<500xf32>
    %broadcast_in_dim3A_222 = vector.shape_cast %reduce_max3A_221 : vector<500xf32> to vector<500x1xf32>
    %eq3A_223 = vector.broadcast %broadcast_in_dim3A_222 : vector<500x1xf32> to vector<500x500xf32>
    %eq3A_224 = arith.cmpf oeq, %select_n3A_219, %eq3A_223 : vector<500x500xf32>
    %jit3A_225 = arith.constant 500 : i32
    %broadcast_in_dim3A_226 = vector.broadcast %jit3A_225 : i32 to vector<500x500xi32>
    %select_n3A_227 = arith.select %eq3A_224, %iota3A, %broadcast_in_dim3A_226 : vector<500x500xi1>, vector<500x500xi32>
    %reduce_min3A_228 = arith.constant dense<2147483647> : vector<500xi32>
    %reduce_min3A_229 = vector.multi_reduction <minsi>, %select_n3A_227, %reduce_min3A_228 [1] : vector<500x500xi32> to vector<500xi32>
    %squeeze3A_230 = vector.shape_cast %broadcast_in_dim3A_222 : vector<500x1xf32> to vector<500xf32>
    %swap3A_231 = arith.constant 0 : index
    %swap3A_232 = arith.constant 0 : index
    %swap3A_233 = arith.constant 7 : index
    %swap3A_234 = arith.constant 0 : index
    %swap3A_235 = vector.load %arg3[%swap3A_231, %swap3A_232, %swap3A_233, %swap3A_234] : memref<1x1x8x500xf32, #tpu.memory_space<vmem>>, vector<1x1x1x500xf32>
    %swap3A_236 = vector.shape_cast %swap3A_235 : vector<1x1x1x500xf32> to vector<500xf32>
    %swap3A_237 = vector.shape_cast %squeeze3A_230 : vector<500xf32> to vector<1x1x1x500xf32>
    tpu.vector_store %arg3[%swap3A_231, %swap3A_232, %swap3A_233, %swap3A_234], %swap3A_237 {strides = array<i32>} : memref<1x1x8x500xf32, #tpu.memory_space<vmem>>, vector<1x1x1x500xf32>,
    %swap3A_238 = arith.constant 0 : index
    %swap3A_239 = arith.constant 0 : index
    %swap3A_240 = arith.constant 7 : index
    %swap3A_241 = arith.constant 0 : index
    %swap3A_242 = vector.load %arg4[%swap3A_238, %swap3A_239, %swap3A_240, %swap3A_241] : memref<1x1x8x500xi32, #tpu.memory_space<vmem>>, vector<1x1x1x500xi32>
    %swap3A_243 = vector.shape_cast %swap3A_242 : vector<1x1x1x500xi32> to vector<500xi32>
    %swap3A_244 = vector.shape_cast %reduce_min3A_229 : vector<500xi32> to vector<1x1x1x500xi32>
    tpu.vector_store %arg4[%swap3A_238, %swap3A_239, %swap3A_240, %swap3A_241], %swap3A_244 {strides = array<i32>} : memref<1x1x8x500xi32, #tpu.memory_space<vmem>>, vector<1x1x1x500xi32>,
    return
  }
  func.func @transform_0(%arg0: i32, %arg1: i32) -> (i32, i32, i32, i32) {
    %c0_i32 = arith.constant 0 : i32
    %c0_i32_0 = arith.constant 0 : i32
    %c0_i32_1 = arith.constant 0 : i32
    return %arg0, %arg1, %c0_i32, %c0_i32_0 : i32, i32, i32, i32
  }
  func.func @transform_1(%arg0: i32, %arg1: i32) -> (i32, i32, i32, i32) {
    %c0_i32 = arith.constant 0 : i32
    %c0_i32_0 = arith.constant 0 : i32
    %c0_i32_1 = arith.constant 0 : i32
    return %arg0, %arg1, %c0_i32, %c0_i32_0 : i32, i32, i32, i32
  }
  func.func @transform_2(%arg0: i32, %arg1: i32) -> (i32, i32, i32, i32) {
    %c0_i32 = arith.constant 0 : i32
    %c0_i32_0 = arith.constant 0 : i32
    %c0_i32_1 = arith.constant 0 : i32
    return %arg0, %arg1, %c0_i32, %c0_i32_0 : i32, i32, i32, i32
  }
}

module attributes {stable_mosaic.version = 14 : i64} {
  func.func @_stage5_body(%arg0: i32, %arg1: memref<8000x128xf32, #tpu.memory_space<vmem>>, %arg2: memref<1000x128xf32, #tpu.memory_space<vmem>>, %arg3: memref<1x1x8000xf32, #tpu.memory_space<vmem>>, %arg4: memref<1x128xf32, #tpu.memory_space<vmem>>, %arg5: memref<128x1xf32, #tpu.memory_space<vmem>>, %arg6: memref<1x1xf32, #tpu.memory_space<vmem>>, %arg7: memref<1x1x8000xf32, #tpu.memory_space<vmem>>) attributes {dimension_semantics = [#tpu.dimension_semantics<arbitrary>], iteration_bounds = array<i64: 16>, scalar_prefetch = 0 : i64, scratch_operands = 0 : i64, tpu.core_type = #tpu.core_type<tc>, window_params = [{transform_indices = @transform_0, window_bounds = array<i64: 8000, 128>}, {transform_indices = @transform_1, window_bounds = array<i64: 1000, 128>}, {transform_indices = @transform_2, window_bounds = array<i64: 1, 1, 8000>}, {pipeline_mode = #tpu.pipeline_mode<synchronous>, transform_indices = @transform_3, window_bounds = array<i64: 1, 128>}, {pipeline_mode = #tpu.pipeline_mode<synchronous>, transform_indices = @transform_4, window_bounds = array<i64: 128, 1>}, {pipeline_mode = #tpu.pipeline_mode<synchronous>, transform_indices = @transform_5, window_bounds = array<i64: 1, 1>}, {transform_indices = @transform_6, window_bounds = array<i64: 1, 1, 8000>}]} {
    %get3A = arith.constant 0 : index
    %get3A_0 = arith.constant 0 : index
    %get3A_1 = vector.load %arg1[%get3A, %get3A_0] : memref<8000x128xf32, #tpu.memory_space<vmem>>, vector<8000x128xf32>
    %reshape3A = vector.shape_cast %get3A_1 : vector<8000x128xf32> to vector<1000x8x128xf32>
    %get3A_2 = arith.constant 0 : index
    %get3A_3 = arith.constant 0 : index
    %get3A_4 = vector.load %arg2[%get3A_2, %get3A_3] : memref<1000x128xf32, #tpu.memory_space<vmem>>, vector<1000x128xf32>
    %broadcast_in_dim3A = vector.shape_cast %get3A_4 : vector<1000x128xf32> to vector<1000x1x128xf32>
    %add3A = vector.broadcast %broadcast_in_dim3A : vector<1000x1x128xf32> to vector<1000x8x128xf32>
    %add3A_5 = arith.addf %reshape3A, %add3A : vector<1000x8x128xf32>
    %reshape3A_6 = vector.shape_cast %add3A_5 : vector<1000x8x128xf32> to vector<8000x128xf32>
    %get3A_7 = arith.constant 0 : index
    %get3A_8 = arith.constant 0 : index
    %get3A_9 = arith.constant 0 : index
    %get3A_10 = vector.load %arg3[%get3A_7, %get3A_8, %get3A_9] : memref<1x1x8000xf32, #tpu.memory_space<vmem>>, vector<1x1x8000xf32>
    %get3A_11 = vector.shape_cast %get3A_10 : vector<1x1x8000xf32> to vector<8000xf32>
    %broadcast_in_dim3A_12 = vector.shape_cast %get3A_11 : vector<8000xf32> to vector<8000x1xf32>
    %get3A_13 = arith.constant 0 : index
    %get3A_14 = arith.constant 0 : index
    %get3A_15 = vector.load %arg4[%get3A_13, %get3A_14] : memref<1x128xf32, #tpu.memory_space<vmem>>, vector<1x128xf32>
    %mul3A = vector.broadcast %broadcast_in_dim3A_12 : vector<8000x1xf32> to vector<8000x128xf32>
    %mul3A_16 = vector.broadcast %get3A_15 : vector<1x128xf32> to vector<8000x128xf32>
    %mul3A_17 = arith.mulf %mul3A, %mul3A_16 : vector<8000x128xf32>
    %add3A_18 = arith.addf %reshape3A_6, %mul3A_17 : vector<8000x128xf32>
    %gt3A = arith.constant 0.000000e+00 : f32
    %gt3A_19 = vector.broadcast %gt3A : f32 to vector<8000x128xf32>
    %gt3A_20 = arith.cmpf ogt, %add3A_18, %gt3A_19 : vector<8000x128xf32>
    %min3A = arith.constant 0.000000e+00 : f32
    %min3A_21 = vector.broadcast %min3A : f32 to vector<8000x128xf32>
    %min3A_22 = arith.minimumf %add3A_18, %min3A_21 : vector<8000x128xf32>
    %exp3A = math.exp %min3A_22 : vector<8000x128xf32>
    %sub3A = arith.constant 1.000000e+00 : f32
    %sub3A_23 = vector.broadcast %sub3A : f32 to vector<8000x128xf32>
    %sub3A_24 = arith.subf %exp3A, %sub3A_23 : vector<8000x128xf32>
    %select_n3A = arith.select %gt3A_20, %add3A_18, %sub3A_24 : vector<8000x128xi1>, vector<8000x128xf32>
    %get3A_25 = arith.constant 0 : index
    %get3A_26 = arith.constant 0 : index
    %get3A_27 = vector.load %arg5[%get3A_25, %get3A_26] : memref<128x1xf32, #tpu.memory_space<vmem>>, vector<128x1xf32>
    %dot_general3A = arith.constant dense<0.000000e+00> : vector<8000x1xf32>
    %dot_general3A_28 = tpu.matmul %select_n3A, %get3A_27, %dot_general3A {dimension_numbers = #tpu.dot_dimension_numbers<[1], [0], [0], [1], [0, 0, 1, 1], [], []>, transpose_lhs_hint = false} : vector<8000x128xf32>, vector<128x1xf32>, vector<8000x1xf32> -> vector<8000x1xf32>
    %get3A_29 = arith.constant 0 : index
    %get3A_30 = arith.constant 0 : index
    %get3A_31 = vector.load %arg6[%get3A_29, %get3A_30] : memref<1x1xf32, #tpu.memory_space<vmem>>, vector<1x1xf32>
    %get3A_32 = vector.extract %get3A_31[0, 0] : f32 from vector<1x1xf32>
    %add3A_33 = vector.broadcast %get3A_32 : f32 to vector<8000x1xf32>
    %add3A_34 = arith.addf %dot_general3A_28, %add3A_33 : vector<8000x1xf32>
    %logistic3A = arith.negf %add3A_34 : vector<8000x1xf32>
    %logistic3A_35 = math.exp %logistic3A : vector<8000x1xf32>
    %logistic3A_36 = arith.constant 1.000000e+00 : f32
    %logistic3A_37 = vector.broadcast %logistic3A_36 : f32 to vector<8000x1xf32>
    %logistic3A_38 = arith.addf %logistic3A_37, %logistic3A_35 : vector<8000x1xf32>
    %logistic3A_39 = arith.divf %logistic3A_37, %logistic3A_38 : vector<8000x1xf32>
    %squeeze3A = vector.shape_cast %logistic3A_39 : vector<8000x1xf32> to vector<8000xf32>
    %swap3A = arith.constant 0 : index
    %swap3A_40 = arith.constant 0 : index
    %swap3A_41 = arith.constant 0 : index
    %swap3A_42 = vector.load %arg7[%swap3A, %swap3A_40, %swap3A_41] : memref<1x1x8000xf32, #tpu.memory_space<vmem>>, vector<1x1x8000xf32>
    %swap3A_43 = vector.shape_cast %swap3A_42 : vector<1x1x8000xf32> to vector<8000xf32>
    %swap3A_44 = vector.shape_cast %squeeze3A : vector<8000xf32> to vector<1x1x8000xf32>
    tpu.vector_store %arg7[%swap3A, %swap3A_40, %swap3A_41], %swap3A_44 {strides = array<i32>} : memref<1x1x8000xf32, #tpu.memory_space<vmem>>, vector<1x1x8000xf32>,
    return
  }
  func.func @transform_0(%arg0: i32) -> (i32, i32) {
    %c0_i32 = arith.constant 0 : i32
    %c0_i32_0 = arith.constant 0 : i32
    return %arg0, %c0_i32 : i32, i32
  }
  func.func @transform_1(%arg0: i32) -> (i32, i32) {
    %c0_i32 = arith.constant 0 : i32
    %c0_i32_0 = arith.constant 0 : i32
    return %arg0, %c0_i32 : i32, i32
  }
  func.func @transform_2(%arg0: i32) -> (i32, i32, i32) {
    %c0_i32 = arith.constant 0 : i32
    %c0_i32_0 = arith.constant 0 : i32
    %c0_i32_1 = arith.constant 0 : i32
    return %arg0, %c0_i32, %c0_i32_0 : i32, i32, i32
  }
  func.func @transform_3(%arg0: i32) -> (i32, i32) {
    %c0_i32 = arith.constant 0 : i32
    %c0_i32_0 = arith.constant 0 : i32
    %c0_i32_1 = arith.constant 0 : i32
    return %c0_i32, %c0_i32_0 : i32, i32
  }
  func.func @transform_4(%arg0: i32) -> (i32, i32) {
    %c0_i32 = arith.constant 0 : i32
    %c0_i32_0 = arith.constant 0 : i32
    %c0_i32_1 = arith.constant 0 : i32
    return %c0_i32, %c0_i32_0 : i32, i32
  }
  func.func @transform_5(%arg0: i32) -> (i32, i32) {
    %c0_i32 = arith.constant 0 : i32
    %c0_i32_0 = arith.constant 0 : i32
    %c0_i32_1 = arith.constant 0 : i32
    return %c0_i32, %c0_i32_0 : i32, i32
  }
  func.func @transform_6(%arg0: i32) -> (i32, i32, i32) {
    %c0_i32 = arith.constant 0 : i32
    %c0_i32_0 = arith.constant 0 : i32
    %c0_i32_1 = arith.constant 0 : i32
    return %arg0, %c0_i32, %c0_i32_0 : i32, i32, i32
  }
}

</mosaic_0001>

<sc_bundles>
// kernel: gather_offload_async_start
scs
__scs_entry_jumppad:
0x0: {  	(pc) =	sbr.rel $0x88, $3  }
0x1: {  	(tag) =	ssettag $0x0;
	lr =	simm.s32 $0x1  }
0x2: {  	[smem:$0x3F97] =	sst lr;
	_ =	strace $0xD0000000  }
0x3: {  	_ = 	snop  }
0x4: {  	_ = 	snop  }
0x5: {  	_ = 	snop  }
0x6: {  	_ = 	snop  }
0x7: {  	_ = 	snop  }
__scs_overlays_trampoline_lowered:
0x8: {  	[smem:$0x3FA6] =	sst s0  }
0x9: {  	[smem:$0x3FA7] =	sst s1  }
0xa: {  	[smem:$0x3FA8] =	sst s2  }
0xb: {  	[smem:$0x3FA9] =	sst s3  }
0xc: {  	[smem:$0x3FAA] =	sst s4  }
0xd: {  	[smem:$0x3FAB] =	sst s5  }
0xe: {  	[smem:$0x3FAC] =	sst s6  }
0xf: {  	[smem:$0x3FAD] =	sst s7  }
0x10: {  	[smem:$0x3FAE] =	sst s8  }
0x11: {  	[smem:$0x3FAF] =	sst s9;
	s0 =	simm.s32 @!p0 $0x0  }
0x12: {  	s1 =	sld [smem:$0x3F95];
	s0 =	simm.s32 @p0 $0x1  }
0x13: {  	[smem:$0x3FB0] =	sst s0;
	s0 =	simm.s32 @!p1 $0x0  }
0x14: {  	s2 =	sld [smem:$0x3F94];
	s0 =	simm.s32 @p1 $0x1  }
0x15: {  	[smem:$0x3FB1] =	sst s0;
	s0 =	simm.s32 @!p2 $0x0  }
0x16: {  	s3 =	sld [smem:$0x3FDB];
	s0 =	simm.s32 @p2 $0x1  }
0x17: {  	s4 =	simm.s32 $0x1BF5;
	[smem:$0x3FB3] =	sst s0  }
0x18: {  	s0 =	sld [smem:$0x3F96];
	_ =	swait.ge [sflag:s4], $0x0  }
0x19: {  	s7 =	sld [smem:$0x3F97]  }
0x1a: {  	s8 =	sadd.s32 $0xFFFFE003, lr  }
0x1b: {  	s9 =	sadd.s32 $0xFFFFFEF7, lr;
	s5 =	simm.s32 $0xFFFFFFFF;
	p2 =	slt.u32 s8, $0xFFFFF086  }
0x1c: {  	p1 =	slt.u32 s9, $0xF7A;
	s5 =	simm.s32 @!p2 $0x0  }
0x1d: {  	s5 =	simm.s32 @p1 $0x1;
	p0 =	seq.s32 s7, s2  }
0x1e: {  	s7 =	smul.u32 @!p0 $0xF7A, s2;
	p2 =	seq.s32 @!p0 s5, $0x0  }
0x1f: {  	s9 =	smul.u32 $0xF7A, s1;
	s8 =	simm.s32 @!p0 $0x1BF5;
	p2 =	por !p2, p0  }
0x20: {  	[sflag:s8] =	ssyncset.s32 @!p0 $0xFFFFF086;
	s6 =	sadd.s32 @!p0 s3, s7;
	s7 =	simm.s32 @!p0 $0x108  }
0x21: {  	s3 =	sadd.s32 s3, s9;
	s6 =	sadd.s32 @!p0 $0x88, s6;
	s7 =	simm.s32 @p2 $0x1082  }
0x22: {  	[simem:s7], [sflag:s8] =	dma.local @!p0 [hbm:s6], $0xF7A  }
0x23: {  	s9 =	sor.u32 $0xD0000000, s2;
	s6 =	simm.s32 $0x108;
	_ =	swait.ge @!p0 [sflag:s8], $0x0  }
0x24: {  	s3 =	sadd.s32 $0x88, s3;
	s6 =	simm.s32 @!p1 $0x1082;
	[sflag:s4] =	ssyncset.s32 $0xFFFFF086  }
0x25: {  	[simem:s6], [sflag:s4] =	dma.local [hbm:s3], $0xF7A  }
0x26: {  	[smem:$0x3F97] =	sst s1;
	(tag) =	ssettag s2;
	_ =	strace s9  }
0x27: {  	s1 =	sld [smem:$0x3FA7]  }
0x28: {  	s2 =	sld [smem:$0x3FA8]  }
0x29: {  	s4 =	sld [smem:$0x3FAA]  }
0x2a: {  	p0 =	seq.s32 s5, $0x0;
	s5 =	sld [smem:$0x3FAB]  }
0x2b: {  	s6 =	sld [smem:$0x3FAC]  }
0x2c: {  	s7 =	sld [smem:$0x3FAD]  }
0x2d: {  	s3 =	simm.s32 $0x108;
	s8 =	sld [smem:$0x3FAE]  }
0x2e: {  	s3 =	simm.s32 @!p0 $0x1082;
	s9 =	sld [smem:$0x3FAF]  }
0x2f: {  	lr =	sadd.s32 s0, s3;
	s0 =	sld [smem:$0x3FA6]  }
0x30: {  	s3 =	sld [smem:$0x3FA9]  }
0x31: {  	[smem:$0x3FB2] =	sst s10  }
0x32: {  	s10 =	sld [smem:$0x3FB0];
	_ =	sdelay $0x3  }
0x33: {  	p0 =	seq.s32 s10, $0x1;
	s10 =	sld [smem:$0x3FB2];
	_ =	sdelay $0x3  }
0x34: {  	[smem:$0x3FB2] =	sst s10  }
0x35: {  	s10 =	sld [smem:$0x3FB1];
	_ =	sdelay $0x3  }
0x36: {  	p1 =	seq.s32 s10, $0x1;
	s10 =	sld [smem:$0x3FB2];
	_ =	sdelay $0x3  }
0x37: {  	[smem:$0x3FB2] =	sst s10  }
0x38: {  	s10 =	sld [smem:$0x3FB3]  }
0x39: {  	_ = 	snop;
	(pc) =	sbr.ind lr, $3  }
0x3a: {  	_ = 	snop  }
0x3b: {  	_ = 	snop  }
0x3c: {  	p2 =	seq.s32 s10, $0x1;
	s10 =	sld [smem:$0x3FB2]  }
0x3d: {  	_ =	shalt  }
0x3e: {  	_ =	shalt  }
0x3f: {  	_ =	shalt  }
0x40: {  	_ =	shalt  }
0x41: {  	_ =	shalt  }
0x42: {  	_ =	shalt  }
0x43: {  	_ =	shalt  }
0x44: {  	_ =	shalt  }
0x45: {  	_ =	shalt  }
0x46: {  	_ =	shalt  }
0x47: {  	_ =	shalt  }
0x48: {  	_ =	shalt  }
0x49: {  	_ =	shalt  }
0x4a: {  	_ =	shalt  }
0x4b: {  	_ =	shalt  }
0x4c: {  	_ =	shalt  }
0x4d: {  	_ =	shalt  }
0x4e: {  	_ =	shalt  }
0x4f: {  	_ =	shalt  }
0x50: {  	_ =	shalt  }
0x51: {  	_ =	shalt  }
0x52: {  	_ =	shalt  }
0x53: {  	_ =	shalt  }
0x54: {  	_ =	shalt  }
0x55: {  	_ =	shalt  }
0x56: {  	_ =	shalt  }
0x57: {  	_ =	shalt  }
0x58: {  	_ =	shalt  }
0x59: {  	_ =	shalt  }
0x5a: {  	_ =	shalt  }
0x5b: {  	_ =	shalt  }
0x5c: {  	_ =	shalt  }
0x5d: {  	_ =	shalt  }
0x5e: {  	_ =	shalt  }
0x5f: {  	_ =	shalt  }
0x60: {  	_ =	shalt  }
0x61: {  	_ =	shalt  }
0x62: {  	_ =	shalt  }
0x63: {  	_ =	shalt  }
0x64: {  	_ =	shalt  }
0x65: {  	_ =	shalt  }
0x66: {  	_ =	shalt  }
0x67: {  	_ =	shalt  }
0x68: {  	_ =	shalt  }
0x69: {  	_ =	shalt  }
0x6a: {  	_ =	shalt  }
0x6b: {  	_ =	shalt  }
0x6c: {  	_ =	shalt  }
0x6d: {  	_ =	shalt  }
0x6e: {  	_ =	shalt  }
0x6f: {  	_ =	shalt  }
0x70: {  	_ =	shalt  }
0x71: {  	_ =	shalt  }
0x72: {  	_ =	shalt  }
0x73: {  	_ =	shalt  }
0x74: {  	_ =	shalt  }
0x75: {  	_ =	shalt  }
0x76: {  	_ =	shalt  }
0x77: {  	_ =	shalt  }
0x78: {  	_ =	shalt  }
0x79: {  	_ =	shalt  }
0x7a: {  	_ =	shalt  }
0x7b: {  	_ =	shalt  }
0x7c: {  	_ =	shalt  }
0x7d: {  	_ =	shalt  }
0x7e: {  	_ =	shalt  }
0x7f: {  	_ =	shalt  }
0x80: {  	_ =	shalt  }
0x81: {  	_ =	shalt  }
0x82: {  	_ =	shalt  }
0x83: {  	_ =	shalt  }
0x84: {  	_ =	shalt  }
0x85: {  	_ =	shalt  }
0x86: {  	_ =	shalt  }
0x87: {  	_ =	shalt  }
.Lfunc_end0:
.L_simem_size_0:
called_computation_lowered:
.L_overlay_start_0:
0x88: {  	s2 =	sld [smem:$0x3FD9]  }
0x89: {  	s3 =	sld [smem:$0x3FFE];
	_ =	sdelay $0x1  }
0x8a: {  	s1 =	srdreg.scid  }
0x8b: {  	s0 =	sand.u32 $0x1, s1  }
0x8c: {  	s14 =	sshll.u32 s0, $0xA;
	s2 =	sadd.s32 s3, s2  }
0x8d: {  	s2 =	sadd.s32 s2, s14  }
0x8e: {  	[smem:$0x3FBE] =	sst s2  }
0x8f: {  	_ = 	snop  }
0x90: {  	s2 =	sld [smem:$0x3FD0];
	_ =	sdelay $0x2  }
0x91: {  	s15 =	simm.s32 $0xA;
	s4 =	simm.s32 $0x10  }
0x92: {  	[smem:s4], [sflag:s15] =	dma.local [hbm:s2], $0x1  }
0x93: {  	_ =	swait.eq [sflag:s15], $0x1  }
0x94: {  	[sflag:s15] =	ssyncset.done $0x0  }
0x95: {  	[sflag:s15] =	ssyncadd.s32 $0xFFFFFFFF  }
0x96: {  	s16 =	sld [smem:$0x11];
	(tm) =	ssettm $0x1  }
0x97: {  	s17 =	sld [smem:$0x3FFB];
	_ =	sdelay $0x3  }
0x98: {  	_ =	strace s17  }
0x99: {  	s3 =	sld [smem:$0x3FFC];
	_ =	sdelay $0x3  }
0x9a: {  	_ =	strace s3  }
0x9b: {  	s3 =	sld [smem:$0x3FFD];
	_ =	sdelay $0x3  }
0x9c: {  	_ =	strace s3  }
0x9d: {  	_ =	strace $0x8FFFFFFF  }
0x9e: {  	s18 =	sld [smem:$0x3FDB];
	_ =	sdelay $0x1  }
0x9f: {  	s19 =	simm.s32 $_scs_section_size  }
0xa0: {  	s5 =	simm.s32 $_size__tile_overlayer_lowered;
	s6 =	simm.s32 $_tile_overlayer_lowered  }
0xa1: {  	s22 =	simm.s32 $0x1BFF;
	s21 =	sshll.u32 s6, $0x1;
	s3 =	sadd.s32 s19, s18  }
0xa2: {  	s7 =	simm.s32 $0x0;
	s20 =	sshll.u32 s5, $0x1;
	s5 =	sadd.s32 s21, s3  }
0xa3: {  	[timem:s7], [sflag:s22] =	dma.local [hbm:s5], s20  }
0xa4: {  	_ =	swait.ge [sflag:s22], s20  }
0xa5: {  	s4 =	ssub.s32 $0x0, s20;
	[sflag:s22] =	ssyncset.done $0x0  }
0xa6: {  	[sflag:s22] =	ssyncadd.s32 s4;
	_ =	sdelay $0x1  }
0xa7: {  	s23 =	simm.s32 $0x1B8B  }
0xa8: {  	_ =	swait.ge [sflag:s23], $0x1  }
0xa9: {  	[sflag:s23] =	ssyncset.done $0x0  }
0xaa: {  	s25 =	simm.s32 $0x1B8E;
	s24 =	sld [smem:$0x3FFE];
	[sflag:s23] =	ssyncadd.s32 $0xFFFFFFFF  }
0xab: {  	s26 =	simm.s32 $execute0_lowered;
	[smem:$0x3FD2] =	sst s25  }
0xac: {  	s5 =	sshll.u32 s26, $0x1;
	_ =	strace $0x80000046;
	[dreg:$0x1] =	wrdreg $0xFFFFFFFF  }
0xad: {  	s28 =	simm.s32 $_size_execute0_lowered;
	s3 =	sadd.s32 s3, s5;
	[dreg:$0x0] =	wrdreg $0x0  }
0xae: {  	s5 =	sshll.u32 s28, $0x1;
	[dreg:$0x2] =	wrdreg s3  }
0xaf: {  	[dreg:$0x3] =	wrdreg s5  }
0xb0: {  	[dreg:$0x4] =	wrdreg $0xC0  }
0xb1: {  	_ =	task [dreg:s7], $0x5FFFF  }
0xb2: {  	[dreg:$0x1] =	wrdreg $0xFFFFFFFF  }
0xb3: {  	[dreg:$0x0] =	wrdreg $0x60  }
0xb4: {  	[dreg:$0x2] =	wrdreg s24  }
0xb5: {  	[dreg:$0x3] =	wrdreg s16  }
0xb6: {  	[dreg:$0x4] =	wrdreg $0x9  }
0xb7: {  	_ =	task.clear_ibuf [dreg:s7], $0x5FFFF;
	_ =	strace $0x90000046  }
0xb8: {  	s29 =	simm.s32 $0x9;
	_ =	strace $0x80000048  }
0xb9: {  	_ =	swait.ge [sflag:s29], $0x1  }
0xba: {  	[sflag:s29] =	ssyncadd.s32 $0xFFFFFFFF  }
0xbb: {  	_ =	strace $0x90000048  }
0xbc: {  	_ =	sfence  }
0xbd: {  	s30 =	sld [smem:$0x0];
	_ =	sdelay $0x2  }
0xbe: {  	s31 =	sshll.u32 s1, $0xD;
	s1 =	sshrl.u32 s1, $0x2  }
0xbf: {  	s3 =	sand.u32 $0x4000, s31;
	s1 =	sadd.s32 s1, s30  }
0xc0: {  	s0 =	sor.u32 s3, s0;
	s1 =	sshll.u32 s1, $0x11  }
0xc1: {  	s0 =	sor.u32 s1, s0  }
0xc2: {  	s0 =	sadd.s32 $0x8F2B, s0  }
0xc3: {  	[sflag:s0] =	ssyncadd.remote.s32 $0x1  }
0xc4: {  	_ =	sfence.sel $0xFFFF  }
0xc5: {  	[dreg:$0x0] =	wrdreg $0xFFFFFFFF;
	(pc) =	sbr.abs _section_cstart, $3  }
0xc6: {  	[dreg:$0x1] =	wrdreg $0xFFFFFFFF  }
0xc7: {  	_ =	task.clear_ibuf [dreg:s7], $0x2FFFF;
	_ =	strace $0x9FFFFFFF  }
0xc8: {  	(tm) =	ssettm $0x7FFFFFFF  }
0xc9: {  	_ =	shalt  }
tec
execute0_lowered:
.L_overlay_start_1:
0x0: {  	(tag) =	ssettag $0x1  }
0x1: {  	s0 =	srdreg.scid  }
0x2: {  	s1 =	sshll.u32 s0, $0x4  }
0x3: {  	s0 =	stileid.u32;
	s1 =	sand.u32 $0x10, s1  }
0x4: {  	s2 =	sor.u32 s0, s1  }
0x5: {  	s1 =	smin.u32 s2, $0x12  }
0x6: {  	s1 =	sadd.s32 s2, s1  }
0x7: {  	p0 =	slt.u32 s2, $0x12;
	s2 =	simm.s32 $0x280;
	s1 =	smul.u32 $0x140, s1  }
0x8: {  	s2 =	simm.s32 @!p0 $0x140  }
0x9: {  	s2 =	sadd.s32 s2, s1  }
0xa: {  	s3 =	smin.u32 s2, $0x3E80  }
0xb: {  	s7 =	ssub.s32 s3, s1  }
0xc: {  	p0 =	sgt.s32 s7, $0x0  }
0xd: {  	s7 =	simm.s32 @!p0 $0x0  }
0xe: {  	s9 =	rddreg [dreg:$0x0];
	s31 =	smul.u32 $0xCCCD, s7  }
0xf: {  	s4 =	rddreg [dreg:$0x1];
	s6 =	simm.s32 $0x1  }
0x10: {  	s11 =	simm.s32 $0x3;
	s13 =	simm.s32 $0x0;
	s8 =	sshrl.u32 s31, $0x18  }
0x11: {  	s12 =	simm.s32 $0x0;
	s5 =	sadd.s32 $0x3F000, s9;
	s10 =	smul.u32 $0x140, s8  }
.Ltmp0:
0x12: {  	s9 =	sadd.s32 $0x7E000, s9;
	s2 =	rddreg [dreg:$0x2];
	(pc) =	sbr.rel .LBB2_1-.Ltmp0, $4  }
0x13: {  	_ =	strace $0x80000047;
	p0 =	sne.s32 s7, s10;
	s10 =	simm.s32 $0x1  }
0x14: {  	[sflag:s6] =	ssyncpa.u1 $0x0;
	s7 =	simm.s32 $0x2;
	s10 =	simm.s32 @!p0 $0x0  }
0x15: {  	[sflag:s7] =	ssyncpa.u1 $0x0;
	p0 =	por $0x0, $0x0;
	s8 =	sadd.s32 s8, s10  }
0x16: {  	v0 =	vimm.s32 $0x0;
	vm0 =	vmmov $0xff;
	vm1 =	vcmask $0x3F20;
	[sflag:s11] =	ssyncpa.u1 $0x0;
	s11 =	smov.u32 s1;
	s10 =	sadd.s32 $0x1, s8  }
.LBB2_6:
0x17: {  	[hbm:s17] =	stream.linear.scatter [tilespmem:s14], [sflag:$0x3], $0x400, $0x38;
	[tilespmem:$0x14280] =	vst v63  }
.LBB2_7:
0x18: {  	s13 =	sadd.s32 $0x140, s11  }
0x19: {  	s15 =	smov.u32 s1;
	p2 =	slt.s32 s13, s3  }
0x1a: {  	s15 =	smov.u32 @p2 s13;
	p2 =	sne.s32 s12, s10  }
.Ltmp1:
0x1b: {  	p1 =	slt.u32 s12, $0x2;
	(pc) =	sbr.rel @!p2 .LBB2_8-.Ltmp1, $4  }
0x1c: {  	s14 =	simm.s32 @!p1 $0x3  }
0x1d: {  	s16 =	sadd.s32 $0x1, s12;
	_ =	swait.ge @!p1 [sflag:s14], $0xA000  }
0x1e: {  	p0 =	por !p0, !p0;
	s13 =	smov.u32 s11;
	[sflag:s14] =	ssyncset.done @!p1 $0x0  }
0x1f: {  	s12 =	smov.u32 s16;
	s11 =	smov.u32 s15;
	[sflag:s14] =	ssyncadd.s32 @!p1 $0xFFFF6000  }
.LBB2_1:
0x20: {  	p1 =	sge.u32 s12, s8  }
0x21: {  	s14 =	sxor.u32 @!p1 $0xFFFFFFFF, s12  }
0x22: {  	s14 =	sand.u32 @!p1 $0x1, s14  }
0x23: {  	s14 =	smul.u32 @!p1 $0x500, s14  }
0x24: {  	s31 =	sadd.s32 $0xFFFFFFFF, s12;
	s15 =	sshrl.u32 @!p1 s11, $0x3  }
0x25: {  	s16 =	sand.u32 @!p1 $0x7, s11;
	s15 =	sadd.s32 @!p1 s4, s15;
	s14 =	sshrl.u32 @!p1 s14, $0x2  }
0x26: {  	[tilespmem:s14], [sflag:$0x2] =	stream.linear.gather @!p1 [hbm4b:s15+s16], $0x140, $0x38;
	[tilespmem:$0x14280] =	vst v63  }
0x27: {  	p1 =	sge.u32 s31, s8  }
.Ltmp2:
0x28: {  	_ = 	snop;
	(pc) =	sbr.rel @p1 .LBB2_7-.Ltmp2, $1  }
0x29: {  	_ =	sdelay $0x3  }
0x2a: {  	s14 =	simm.s32 $0x1  }
0x2b: {  	s14 =	simm.s32 @!p0 $0x0  }
0x2c: {  	s15 =	smul.u32 $0x500, s14  }
0x2d: {  	_ =	swait.ge [sflag:s7], $0x140  }
0x2e: {  	[sflag:s7] =	ssyncset.done $0x0;
	s16 =	sshrl.u32 s15, $0x2  }
0x2f: {  	[sflag:s7] =	ssyncadd.s32 $0xFFFFFEC0;
	s15 =	sadd.s32 $0x0, s16  }
0x30: {  	v1 =	vld.msk [tilespmem:s15+$0x0 ss:$0x1], $0xffff;
	_ =	sdelay $0x4  }
0x31: {  	v2 =	vand.u32 $0x1, v1;
	v3 =	vshll.u32 v1, $0x6  }
0x32: {  	vm2 =	veq.s32 v1, $0x80000000;
	vm3 =	veq.s32 v2, $0x1;
	v1 =	vand.u32 $0xFFF80, v3  }
0x33: {  	v2 =	vsel vm3, $0xFA000, v0;
	v1 =	vsel vm2, $0xFFFFFF80, v1  }
0x34: {  	v2 =	vsel vm2, $0xFFF06000, v2;
	v3 =	vand.u32 $0xFFFFFC00, v1  }
0x35: {  	v1 =	vand.u32 $0x380, v1;
	v2 =	vadd.s32 v2, v3  }
0x36: {  	v1 =	vor.u32 v1, v2  }
0x37: {  	v1 =	vshrl.u32 v1, $0x3  }
0x38: {  	s14 =	smul.u32 $0x28000, s14;
	_ =	sdelay $0x1  }
0x39: {  	s14 =	sshrl.u32 s14, $0x2  }
0x3a: {  	s14 =	sor.u32 $0x280, s14  }
0x3b: {  	[tilespmem:s14], [sflag:$0x1] =	stream.indirect_vreg.gather [hbm:s5], $0x80, v1, vm0, $0x38;
	[tilespmem:$0x14280] =	vst v63  }
0x3c: {  	s17 =	sadd.s32 $0x10, s16;
	s15 =	sadd.s32 $0x400, s14  }
0x3d: {  	[tilespmem:s15], [sflag:$0x1] =	stream.indirect_vreg.gather [hbm:s5], $0x80, v1, vm1, $0x38;
	[tilespmem:$0x14280] =	vst v63  }
0x3e: {  	s18 =	simm.s32 $0x80;
	v1 =	vld.msk [tilespmem:s17+$0x0 ss:$0x1], $0xffff;
	s17 =	smov.u32 s14  }
.LBB2_3:
0x3f: {  	p1 =	sne.s32 s18, $0x4C0;
	_ =	sdelay $0x4  }
0x40: {  	v2 =	vand.u32 $0x1, v1;
	v3 =	vshll.u32 v1, $0x6  }
0x41: {  	vm2 =	veq.s32 v1, $0x80000000;
	vm3 =	veq.s32 v2, $0x1;
	v1 =	vand.u32 $0xFFF80, v3  }
0x42: {  	v2 =	vsel vm3, $0xFA000, v0;
	v1 =	vsel vm2, $0xFFFFFF80, v1  }
0x43: {  	v2 =	vsel vm2, $0xFFF06000, v2;
	v3 =	vand.u32 $0xFFFFFC00, v1  }
0x44: {  	v1 =	vand.u32 $0x380, v1;
	v2 =	vadd.s32 v2, v3  }
0x45: {  	v1 =	vor.u32 v1, v2  }
0x46: {  	v1 =	vshrl.u32 v1, $0x3;
	_ =	sdelay $0x3  }
.Ltmp3:
0x47: {  	s19 =	sshra.s32 s18, $0x2;
	s17 =	sadd.s32 $0x800, s17;
	(pc) =	sbr.rel @p1 .LBB2_3-.Ltmp3, $4  }
0x48: {  	[tilespmem:s17], [sflag:$0x1] =	stream.indirect_vreg.gather [hbm:s5], $0x80, v1, vm0, $0x38;
	[tilespmem:$0x14280] =	vst v63  }
0x49: {  	s19 =	sadd.s32 s19, s16;
	s20 =	sadd.s32 $0x400, s17  }
0x4a: {  	[tilespmem:s20], [sflag:$0x1] =	stream.indirect_vreg.gather [hbm:s5], $0x80, v1, vm1, $0x38;
	[tilespmem:$0x14280] =	vst v63  }
0x4b: {  	s18 =	sadd.s32 $0x40, s18;
	v1 =	vld.msk [tilespmem:s19+$0x0 ss:$0x1], $0xffff  }
0x4c: {  	_ =	sdelay $0x3  }
0x4d: {  	v2 =	vand.u32 $0x1, v1;
	v3 =	vshll.u32 v1, $0x6  }
0x4e: {  	vm2 =	veq.s32 v1, $0x80000000;
	vm3 =	veq.s32 v2, $0x1;
	v1 =	vand.u32 $0xFFF80, v3  }
0x4f: {  	v2 =	vsel vm3, $0xFA000, v0;
	v1 =	vsel vm2, $0xFFFFFF80, v1  }
0x50: {  	v2 =	vsel vm2, $0xFFF06000, v2;
	v3 =	vand.u32 $0xFFFFFC00, v1  }
0x51: {  	v1 =	vand.u32 $0x380, v1;
	v2 =	vadd.s32 v2, v3  }
0x52: {  	v1 =	vor.u32 v1, v2  }
0x53: {  	v1 =	vshrl.u32 v1, $0x3;
	_ =	sdelay $0x3  }
0x54: {  	s16 =	sadd.s32 $0x800, s17  }
0x55: {  	[tilespmem:s16], [sflag:$0x1] =	stream.indirect_vreg.gather [hbm:s5], $0x80, v1, vm0, $0x38;
	[tilespmem:$0x14280] =	vst v63  }
0x56: {  	s16 =	sadd.s32 $0x400, s16  }
0x57: {  	[tilespmem:s16], [sflag:$0x1] =	stream.indirect_vreg.gather [hbm:s5], $0x80, v1, vm1, $0x38;
	[tilespmem:$0x14280] =	vst v63  }
0x58: {  	s13 =	sshll.u32 s13, $0x4;
	_ =	swait.ge [sflag:s6], $0xA000  }
0x59: {  	s13 =	sadd.s32 s13, s9;
	[sflag:s6] =	ssyncset.done $0x0  }
0x5a: {  	s17 =	sadd.s32 $0x0, s13;
	s16 =	simm.s32 $0x80;
	[sflag:s6] =	ssyncadd.s32 $0xFFFF6000  }
.LBB2_5:
0x5b: {  	[hbm:s17] =	stream.linear.scatter [tilespmem:s14], [sflag:$0x3], $0x400, $0x38;
	[tilespmem:$0x14280] =	vst v63  }
0x5c: {  	s17 =	smov.u32 s16;
	s14 =	smov.u32 s15;
	p1 =	sne.s32 s16, $0x1380  }
.Ltmp4:
0x5d: {  	s16 =	sadd.s32 $0x80, s16;
	(pc) =	sbr.rel @p1 .LBB2_5-.Ltmp4, $2  }
0x5e: {  	_ =	sdelay $0x2  }
0x5f: {  	s15 =	sadd.s32 $0x400, s15;
	s17 =	sadd.s32 s17, s13  }
.Ltmp5:
0x60: {  	_ = 	snop;
	(pc) =	sbr.rel .LBB2_6-.Ltmp5, $1  }
0x61: {  	_ =	sdelay $0x3  }
.LBB2_8:
0x62: {  	_ =	sfence.sel $0x180000  }
0x63: {  	s1 =	simm.s32 $0x2;
	[bflag:$0x0] =	sbarrier.arrive $0xFFFF  }
0x64: {  	s30 =	simm.s32 $0x3;
	[sflag:s1] =	ssyncpa.u1 $0x1  }
0x65: {  	s31 =	simm.s32 $0x1;
	[sflag:s30] =	ssyncpa.u1 $0x1  }
0x66: {  	[sflag:s31] =	ssyncpa.u1 $0x1  }
0x67: {  	p0 =	sne.s32 s0, $0x0;
	_ =	strace $0x90000047  }
0x68: {  	s0 =	sadd.s32 @!p0 $0x100000, s2;
	[bflag:$0x2] =	sbarrier.arrive $0xFFFF  }
0x69: {  	[sflag:s0] =	ssyncadd.tile.s32 @!p0 $0x1;
	_ =	shalt  }
.Lfunc_end2:
_tile_overlayer_lowered:
.L_overlay_start_2:
0x6a: {  	(tag) =	ssettag $0x2  }
0x6b: {  	s0 =	rddreg [dreg:$0x0];
	s2 =	stileid.u32  }
0x6c: {  	s1 =	rddreg [dreg:$0x1];
	p0 =	sne.s32 s2, $0x0  }
0x6d: {  	s3 =	rddreg [dreg:$0x2];
	[bflag:$0x3] =	sbarrier.arrive $0xFFFF;
	s2 =	simm.s32 @!p0 $0x1C01  }
0x6e: {  	[timem:s3], [sflag:s2] =	dma.local @!p0 [hbm:s0], s1  }
0x6f: {  	s0 =	simm.s32 @!p0 $0x1  }
0x70: {  	_ =	swait.ge @!p0 [sflag:s0], s1  }
0x71: {  	s1 =	ssub.s32 @!p0 $0x0, s1;
	[sflag:s0] =	ssyncset.done @!p0 $0x0  }
0x72: {  	[sflag:s0] =	ssyncadd.s32 @!p0 s1  }
0x73: {  	[bflag:$0x3] =	sbarrier.arrive $0xFFFF  }
0x74: {  	_ =	shalt  }

// kernel: kernel.6.cloned.1.call-start
scs
__scs_entry_jumppad:
0x0: {  	(pc) =	sbr.rel $0x88, $3  }
0x1: {  	(tag) =	ssettag $0x0;
	lr =	simm.s32 $0x1  }
0x2: {  	[smem:$0x3F97] =	sst lr;
	_ =	strace $0xD0000000  }
0x3: {  	_ = 	snop  }
0x4: {  	_ = 	snop  }
0x5: {  	_ = 	snop  }
0x6: {  	_ = 	snop  }
0x7: {  	_ = 	snop  }
__scs_overlays_trampoline_lowered:
0x8: {  	[smem:$0x3FA6] =	sst s0  }
0x9: {  	[smem:$0x3FA7] =	sst s1  }
0xa: {  	[smem:$0x3FA8] =	sst s2  }
0xb: {  	[smem:$0x3FA9] =	sst s3  }
0xc: {  	[smem:$0x3FAA] =	sst s4  }
0xd: {  	[smem:$0x3FAB] =	sst s5  }
0xe: {  	[smem:$0x3FAC] =	sst s6  }
0xf: {  	[smem:$0x3FAD] =	sst s7  }
0x10: {  	[smem:$0x3FAE] =	sst s8  }
0x11: {  	[smem:$0x3FAF] =	sst s9;
	s0 =	simm.s32 @!p0 $0x0  }
0x12: {  	s1 =	sld [smem:$0x3F95];
	s0 =	simm.s32 @p0 $0x1  }
0x13: {  	[smem:$0x3FB0] =	sst s0;
	s0 =	simm.s32 @!p1 $0x0  }
0x14: {  	s2 =	sld [smem:$0x3F94];
	s0 =	simm.s32 @p1 $0x1  }
0x15: {  	[smem:$0x3FB1] =	sst s0;
	s0 =	simm.s32 @!p2 $0x0  }
0x16: {  	s3 =	sld [smem:$0x3FDB];
	s0 =	simm.s32 @p2 $0x1  }
0x17: {  	s4 =	simm.s32 $0x1BF5;
	[smem:$0x3FB3] =	sst s0  }
0x18: {  	s0 =	sld [smem:$0x3F96];
	_ =	swait.ge [sflag:s4], $0x0  }
0x19: {  	s7 =	sld [smem:$0x3F97]  }
0x1a: {  	s8 =	sadd.s32 $0xFFFFE003, lr  }
0x1b: {  	s9 =	sadd.s32 $0xFFFFFEF7, lr;
	s5 =	simm.s32 $0xFFFFFFFF;
	p2 =	slt.u32 s8, $0xFFFFF086  }
0x1c: {  	p1 =	slt.u32 s9, $0xF7A;
	s5 =	simm.s32 @!p2 $0x0  }
0x1d: {  	s5 =	simm.s32 @p1 $0x1;
	p0 =	seq.s32 s7, s2  }
0x1e: {  	s7 =	smul.u32 @!p0 $0xF7A, s2;
	p2 =	seq.s32 @!p0 s5, $0x0  }
0x1f: {  	s9 =	smul.u32 $0xF7A, s1;
	s8 =	simm.s32 @!p0 $0x1BF5;
	p2 =	por !p2, p0  }
0x20: {  	[sflag:s8] =	ssyncset.s32 @!p0 $0xFFFFF086;
	s6 =	sadd.s32 @!p0 s3, s7;
	s7 =	simm.s32 @!p0 $0x108  }
0x21: {  	s3 =	sadd.s32 s3, s9;
	s6 =	sadd.s32 @!p0 $0x88, s6;
	s7 =	simm.s32 @p2 $0x1082  }
0x22: {  	[simem:s7], [sflag:s8] =	dma.local @!p0 [hbm:s6], $0xF7A  }
0x23: {  	s9 =	sor.u32 $0xD0000000, s2;
	s6 =	simm.s32 $0x108;
	_ =	swait.ge @!p0 [sflag:s8], $0x0  }
0x24: {  	s3 =	sadd.s32 $0x88, s3;
	s6 =	simm.s32 @!p1 $0x1082;
	[sflag:s4] =	ssyncset.s32 $0xFFFFF086  }
0x25: {  	[simem:s6], [sflag:s4] =	dma.local [hbm:s3], $0xF7A  }
0x26: {  	[smem:$0x3F97] =	sst s1;
	(tag) =	ssettag s2;
	_ =	strace s9  }
0x27: {  	s1 =	sld [smem:$0x3FA7]  }
0x28: {  	s2 =	sld [smem:$0x3FA8]  }
0x29: {  	s4 =	sld [smem:$0x3FAA]  }
0x2a: {  	p0 =	seq.s32 s5, $0x0;
	s5 =	sld [smem:$0x3FAB]  }
0x2b: {  	s6 =	sld [smem:$0x3FAC]  }
0x2c: {  	s7 =	sld [smem:$0x3FAD]  }
0x2d: {  	s3 =	simm.s32 $0x108;
	s8 =	sld [smem:$0x3FAE]  }
0x2e: {  	s3 =	simm.s32 @!p0 $0x1082;
	s9 =	sld [smem:$0x3FAF]  }
0x2f: {  	lr =	sadd.s32 s0, s3;
	s0 =	sld [smem:$0x3FA6]  }
0x30: {  	s3 =	sld [smem:$0x3FA9]  }
0x31: {  	[smem:$0x3FB2] =	sst s10  }
0x32: {  	s10 =	sld [smem:$0x3FB0];
	_ =	sdelay $0x3  }
0x33: {  	p0 =	seq.s32 s10, $0x1;
	s10 =	sld [smem:$0x3FB2];
	_ =	sdelay $0x3  }
0x34: {  	[smem:$0x3FB2] =	sst s10  }
0x35: {  	s10 =	sld [smem:$0x3FB1];
	_ =	sdelay $0x3  }
0x36: {  	p1 =	seq.s32 s10, $0x1;
	s10 =	sld [smem:$0x3FB2];
	_ =	sdelay $0x3  }
0x37: {  	[smem:$0x3FB2] =	sst s10  }
0x38: {  	s10 =	sld [smem:$0x3FB3]  }
0x39: {  	_ = 	snop;
	(pc) =	sbr.ind lr, $3  }
0x3a: {  	_ = 	snop  }
0x3b: {  	_ = 	snop  }
0x3c: {  	p2 =	seq.s32 s10, $0x1;
	s10 =	sld [smem:$0x3FB2]  }
0x3d: {  	_ =	shalt  }
0x3e: {  	_ =	shalt  }
0x3f: {  	_ =	shalt  }
0x40: {  	_ =	shalt  }
0x41: {  	_ =	shalt  }
0x42: {  	_ =	shalt  }
0x43: {  	_ =	shalt  }
0x44: {  	_ =	shalt  }
0x45: {  	_ =	shalt  }
0x46: {  	_ =	shalt  }
0x47: {  	_ =	shalt  }
0x48: {  	_ =	shalt  }
0x49: {  	_ =	shalt  }
0x4a: {  	_ =	shalt  }
0x4b: {  	_ =	shalt  }
0x4c: {  	_ =	shalt  }
0x4d: {  	_ =	shalt  }
0x4e: {  	_ =	shalt  }
0x4f: {  	_ =	shalt  }
0x50: {  	_ =	shalt  }
0x51: {  	_ =	shalt  }
0x52: {  	_ =	shalt  }
0x53: {  	_ =	shalt  }
0x54: {  	_ =	shalt  }
0x55: {  	_ =	shalt  }
0x56: {  	_ =	shalt  }
0x57: {  	_ =	shalt  }
0x58: {  	_ =	shalt  }
0x59: {  	_ =	shalt  }
0x5a: {  	_ =	shalt  }
0x5b: {  	_ =	shalt  }
0x5c: {  	_ =	shalt  }
0x5d: {  	_ =	shalt  }
0x5e: {  	_ =	shalt  }
0x5f: {  	_ =	shalt  }
0x60: {  	_ =	shalt  }
0x61: {  	_ =	shalt  }
0x62: {  	_ =	shalt  }
0x63: {  	_ =	shalt  }
0x64: {  	_ =	shalt  }
0x65: {  	_ =	shalt  }
0x66: {  	_ =	shalt  }
0x67: {  	_ =	shalt  }
0x68: {  	_ =	shalt  }
0x69: {  	_ =	shalt  }
0x6a: {  	_ =	shalt  }
0x6b: {  	_ =	shalt  }
0x6c: {  	_ =	shalt  }
0x6d: {  	_ =	shalt  }
0x6e: {  	_ =	shalt  }
0x6f: {  	_ =	shalt  }
0x70: {  	_ =	shalt  }
0x71: {  	_ =	shalt  }
0x72: {  	_ =	shalt  }
0x73: {  	_ =	shalt  }
0x74: {  	_ =	shalt  }
0x75: {  	_ =	shalt  }
0x76: {  	_ =	shalt  }
0x77: {  	_ =	shalt  }
0x78: {  	_ =	shalt  }
0x79: {  	_ =	shalt  }
0x7a: {  	_ =	shalt  }
0x7b: {  	_ =	shalt  }
0x7c: {  	_ =	shalt  }
0x7d: {  	_ =	shalt  }
0x7e: {  	_ =	shalt  }
0x7f: {  	_ =	shalt  }
0x80: {  	_ =	shalt  }
0x81: {  	_ =	shalt  }
0x82: {  	_ =	shalt  }
0x83: {  	_ =	shalt  }
0x84: {  	_ =	shalt  }
0x85: {  	_ =	shalt  }
0x86: {  	_ =	shalt  }
0x87: {  	_ =	shalt  }
.Lfunc_end0:
.L_simem_size_0:
called_computation.1_lowered:
.L_overlay_start_0:
0x88: {  	s2 =	sld [smem:$0x3FD9]  }
0x89: {  	s3 =	sld [smem:$0x3FFE];
	_ =	sdelay $0x1  }
0x8a: {  	s1 =	srdreg.scid  }
0x8b: {  	s0 =	sand.u32 $0x1, s1  }
0x8c: {  	s14 =	sshll.u32 s0, $0xA;
	s2 =	sadd.s32 s3, s2  }
0x8d: {  	s2 =	sadd.s32 s2, s14  }
0x8e: {  	[smem:$0x3FBE] =	sst s2  }
0x8f: {  	_ = 	snop  }
0x90: {  	s2 =	sld [smem:$0x3FD0];
	_ =	sdelay $0x2  }
0x91: {  	s15 =	simm.s32 $0xA;
	s4 =	simm.s32 $0x10  }
0x92: {  	[smem:s4], [sflag:s15] =	dma.local [hbm:s2], $0x1  }
0x93: {  	_ =	swait.eq [sflag:s15], $0x1  }
0x94: {  	[sflag:s15] =	ssyncset.done $0x0  }
0x95: {  	s16 =	sld [smem:$0x10];
	[sflag:s15] =	ssyncadd.s32 $0xFFFFFFFF  }
0x96: {  	s17 =	sld [smem:$0x11];
	(tm) =	ssettm $0x1  }
0x97: {  	s18 =	sld [smem:$0x3FFB];
	_ =	sdelay $0x3  }
0x98: {  	_ =	strace s18  }
0x99: {  	s4 =	sld [smem:$0x3FFC];
	_ =	sdelay $0x3  }
0x9a: {  	_ =	strace s4  }
0x9b: {  	s4 =	sld [smem:$0x3FFD];
	_ =	sdelay $0x3  }
0x9c: {  	_ =	strace s4  }
0x9d: {  	_ =	strace $0x8FFFFFFF  }
0x9e: {  	s19 =	sld [smem:$0x3FDB];
	_ =	sdelay $0x1  }
0x9f: {  	s5 =	simm.s32 $_scs_section_size  }
0xa0: {  	s6 =	simm.s32 $_size__tile_overlayer_lowered;
	s7 =	simm.s32 $_tile_overlayer_lowered  }
0xa1: {  	s22 =	simm.s32 $0x1BFF;
	s21 =	sshll.u32 s7, $0x1;
	s4 =	sadd.s32 s5, s19  }
0xa2: {  	s8 =	simm.s32 $0x0;
	s20 =	sshll.u32 s6, $0x1;
	s6 =	sadd.s32 s21, s4  }
0xa3: {  	[timem:s8], [sflag:s22] =	dma.local [hbm:s6], s20  }
0xa4: {  	_ =	swait.ge [sflag:s22], s20  }
0xa5: {  	s5 =	ssub.s32 $0x0, s20;
	[sflag:s22] =	ssyncset.done $0x0  }
0xa6: {  	[sflag:s22] =	ssyncadd.s32 s5;
	_ =	sdelay $0x1  }
0xa7: {  	s23 =	simm.s32 $0x1B8B  }
0xa8: {  	_ =	swait.ge [sflag:s23], $0x1  }
0xa9: {  	[sflag:s23] =	ssyncset.done $0x0  }
0xaa: {  	s25 =	simm.s32 $0x1B8E;
	s24 =	sld [smem:$0x3FFE];
	[sflag:s23] =	ssyncadd.s32 $0xFFFFFFFF  }
0xab: {  	s26 =	simm.s32 $execute0_lowered;
	[smem:$0x3FD2] =	sst s25  }
0xac: {  	s6 =	sshll.u32 s26, $0x1;
	_ =	strace $0x80000049;
	[dreg:$0x1] =	wrdreg $0xFFFFFFFF  }
0xad: {  	s28 =	simm.s32 $_size_execute0_lowered;
	s4 =	sadd.s32 s4, s6;
	[dreg:$0x0] =	wrdreg $0x0  }
0xae: {  	s6 =	sshll.u32 s28, $0x1;
	[dreg:$0x2] =	wrdreg s4  }
0xaf: {  	[dreg:$0x3] =	wrdreg s6  }
0xb0: {  	[dreg:$0x4] =	wrdreg $0xC0  }
0xb1: {  	_ =	task [dreg:s8], $0x5FFFF  }
0xb2: {  	[dreg:$0x1] =	wrdreg $0xFFFFFFFF  }
0xb3: {  	[dreg:$0x0] =	wrdreg $0x60  }
0xb4: {  	[dreg:$0x2] =	wrdreg s17  }
0xb5: {  	[dreg:$0x3] =	wrdreg s24  }
0xb6: {  	[dreg:$0x4] =	wrdreg s16  }
0xb7: {  	[dreg:$0x5] =	wrdreg $0x9  }
0xb8: {  	_ =	task.clear_ibuf [dreg:s8], $0x6FFFF;
	_ =	strace $0x90000049  }
0xb9: {  	s29 =	simm.s32 $0x9;
	_ =	strace $0x8000004B  }
0xba: {  	_ =	swait.ge [sflag:s29], $0x1  }
0xbb: {  	[sflag:s29] =	ssyncadd.s32 $0xFFFFFFFF  }
0xbc: {  	_ =	strace $0x9000004B  }
0xbd: {  	_ =	sfence  }
0xbe: {  	s30 =	sld [smem:$0x0];
	_ =	sdelay $0x2  }
0xbf: {  	s31 =	sshll.u32 s1, $0xD;
	s1 =	sshrl.u32 s1, $0x2  }
0xc0: {  	s3 =	sand.u32 $0x4000, s31;
	s1 =	sadd.s32 s1, s30  }
0xc1: {  	s0 =	sor.u32 s3, s0;
	s1 =	sshll.u32 s1, $0x11  }
0xc2: {  	s0 =	sor.u32 s1, s0  }
0xc3: {  	s0 =	sadd.s32 $0x8F2B, s0  }
0xc4: {  	[sflag:s0] =	ssyncadd.remote.s32 $0x1  }
0xc5: {  	_ =	sfence.sel $0xFFFF  }
0xc6: {  	[dreg:$0x0] =	wrdreg $0xFFFFFFFF;
	(pc) =	sbr.abs _section_cstart, $3  }
0xc7: {  	[dreg:$0x1] =	wrdreg $0xFFFFFFFF  }
0xc8: {  	_ =	task.clear_ibuf [dreg:s8], $0x2FFFF;
	_ =	strace $0x9FFFFFFF  }
0xc9: {  	(tm) =	ssettm $0x7FFFFFFF  }
tec
execute0_lowered:
.L_overlay_start_1:
0x0: {  	(tag) =	ssettag $0x1  }
0x1: {  	s6 =	rddreg [dreg:$0x0]  }
0x2: {  	s1 =	rddreg [dreg:$0x1]  }
0x3: {  	s2 =	rddreg [dreg:$0x2];
	s7 =	stileid.u32;
	s3 =	simm.s32 $0x0;
	v0 =	vimm.s32 $0xDAD;
	vm0 =	vcmask $0x300  }
0x4: {  	s4 =	srdreg.scid;
	s13 =	simm.s32 $0xFA0;
	s14 =	simm.s32 $0x1F40;
	vm14 =	vcmask $0x704;
	v0 =	vsel vm0, $0x0, v0  }
0x5: {  	s15 =	simm.s32 $0x6D60;
	s16 =	simm.s32 $0x7D00;
	s17 =	simm.s32 $0x4E20;
	vm15 =	vcmask $0xB08;
	v0 =	vsel vm14, $0x1F4, v0  }
0x6: {  	s18 =	simm.s32 $0x7D;
	s28 =	simm.s32 $0x7F00;
	s29 =	simm.s32 $0x1;
	vm4 =	vcmask $0xF0C;
	v0 =	vsel vm15, $0x3E8, v0  }
0x7: {  	s31 =	simm.s32 $0xA700;
	s19 =	simm.s32 $0xCF00;
	s22 =	simm.s32 $0xF700;
	vm5 =	vcmask $0x1310;
	v0 =	vsel vm4, $0x5DC, v0  }
0x8: {  	vm6 =	vcmask $0x1714;
	s20 =	simm.s32 $0x0;
	s0 =	sshrl.u32 s7, $0x3;
	s5 =	sand.u32 $0x1, s4;
	v0 =	vsel vm5, $0x7D0, v0  }
0x9: {  	vm7 =	vcmask $0x1B18;
	s24 =	sshll.u32 s7, $0x1;
	[smem:$0x7FF] =	sst s3;
	s4 =	sadd.s32 $0x800, s1;
	v0 =	vsel vm6, $0x9C4, v0  }
0xa: {  	vm8 =	vcmask $0x1F1C;
	s0 =	smul.u32 $0x1F40, s0;
	s7 =	sor.u32 s5, s24;
	_ =	strace $0x8000004A;
	v0 =	vsel vm7, $0xBB8, v0  }
0xb: {  	vm9 =	vcmask $0x2320;
	s12 =	ssub.s32 $0x2, s5;
	s5 =	sadd.s32 $0xC1000, s1;
	s24 =	simm.s32 $0x2;
	v0 =	vsel vm8, $0xDAC, v0  }
0xc: {  	vm10 =	vcmask $0x2724;
	vm11 =	vcmask $0x2B28;
	s8 =	smul.u32 $0x1F4, s7;
	s10 =	sshll.u32 s7, $0x6;
	s26 =	sshrl.u32 s12, $0x1;
	v0 =	vsel vm9, $0x1, v0  }
0xd: {  	v7 =	vlaneseq.u32;
	vm12 =	vcmask $0x2F2C;
	s7 =	sand.u32 $0xF, s7;
	s25 =	sshrl.u32 s0, $0x3;
	s10 =	sadd.s32 s10, s1;
	v0 =	vsel vm10, $0x1F5, v0  }
0xe: {  	vm13 =	vcmask $0x3330;
	v6 =	vand.u32 $0x7, v7;
	s12 =	ssub.s32 s12, s26;
	s30 =	smul.u32 $0x1F4, s7;
	s26 =	simm.s32 $0x3E80;
	v1 =	vsel vm11, $0x3E9, v0  }
0xf: {  	vm14 =	vcmask $0x3734;
	s9 =	sadd.s32 s25, s1;
	s11 =	sadd.s32 s8, s1;
	s6 =	sadd.s32 s6, s8;
	v0 =	vshrl.u32 v7, $0x3;
	v2 =	vsel vm12, $0x5DD, v1  }
0x10: {  	vm15 =	vcmask $0x3B38;
	s10 =	sadd.s32 $0xC0800, s10;
	s25 =	simm.s32 $0x50;
	s1 =	simm.s32 $0x3;
	v1 =	vmul.u32 $0xFFFF0000, v0;
	v2 =	vsel vm13, $0x7D1, v2  }
0x11: {  	s7 =	sadd.s32 $0x3F000, s11;
	s8 =	sadd.s32 $0x7D800, s9;
	s9 =	sadd.s32 $0xBC800, s11;
	v7 =	vor.u32 $0x8, v7;
	v5 =	vmul.u32 $0x10000, v0;
	v4 =	vsel vm14, $0x9C5, v2  }
0x12: {  	s11 =	smax.u32 s12, $0x1;
	s12 =	simm.s32 $0x4;
	v2 =	vmov s30;
	v3 =	vor.u32 s0, v1;
	s0 =	simm.s32 $0x7CB0;
	v4 =	vsel vm15, $0xBB9, v4  }
.LBB2_1:
0x13: {  	[tilespmem:s3], [sflag:$0x4] =	stream.linear.gather [hbm4b:s6+s3], $0xFA0, $0x38;
	[tilespmem:$0x11F00] =	vst v63  }
0x14: {  	_ =	swait.ge [sflag:s12], $0xFA0  }
0x15: {  	[sflag:s12] =	ssyncset.done $0x0  }
0x16: {  	[sflag:s12] =	ssyncadd.s32 $0xFFFFF060  }
0x17: {  	[tilespmem:s13], [sflag:$0x4] =	stream.linear.gather [hbm4b:s7+s3], $0xFA0, $0x38;
	[tilespmem:$0x11F00] =	vst v63  }
0x18: {  	_ =	swait.ge [sflag:s12], $0xFA0  }
0x19: {  	[sflag:s12] =	ssyncset.done $0x0  }
0x1a: {  	[sflag:s12] =	ssyncadd.s32 $0xFFFFF060  }
0x1b: {  	[tilespmem:s14], [sflag:$0x4] =	stream.linear.gather [hbm4b:s8+s3], $0x1F40, $0x38;
	[tilespmem:$0x11F00] =	vst v63  }
0x1c: {  	_ =	swait.ge [sflag:s12], $0x1F40  }
0x1d: {  	[sflag:s12] =	ssyncset.done $0x0  }
0x1e: {  	[sflag:s12] =	ssyncadd.s32 $0xFFFFE0C0  }
0x1f: {  	[tilespmem:s15], [sflag:$0x4] =	stream.linear.gather [hbm4b:s9+s3], $0xFA0, $0x38;
	[tilespmem:$0x11F00] =	vst v63  }
0x20: {  	_ =	swait.ge [sflag:s12], $0xFA0  }
0x21: {  	[sflag:s12] =	ssyncset.done $0x0  }
0x22: {  	v8 =	vadd.s32 s3, v4;
	[sflag:s12] =	ssyncadd.s32 $0xFFFFF060  }
0x23: {  	[tilespmem:s16], [sflag:$0x4] =	stream.linear.gather [hbm4b:s10+s3], $0x200, $0x38;
	[tilespmem:$0x11F00] =	vst v63  }
0x24: {  	_ =	swait.ge [sflag:s12], $0x200  }
0x25: {  	[sflag:s12] =	ssyncset.done $0x0  }
0x26: {  	[sflag:s12] =	ssyncadd.s32 $0xFFFFFE00  }
0x27: {  	v9 =	vld.idx.msk [tilespmem:v8+s3+$0x0], $0xffff;
	_ =	sdelay $0x4  }
0x28: {  	v9 =	vadd.s32 v2, v9;
	_ =	sdelay $0x4  }
0x29: {  	v9 =	vld.idx.msk [tilespmem:v9+s14+$0x0], $0xffff;
	_ =	sdelay $0x1  }
0x2a: {  	v8 =	vld.idx.msk [tilespmem:v8+s13+$0x0], $0xffff;
	_ =	sdelay $0x2  }
0x2b: {  	v9 =	vadd.s32 v5, v9  }
0x2c: {  	v9 =	vxor.u32 $0x80000000, v9  }
0x2d: {  	(xrf1) =	vsort.ascd.msk.u32 $0xffff, v9, v8;
	_ =	sdelay $0xc  }
0x2e: {  	v9 =	vor.u32 s3, v0  }
0x2f: {  	v9 =	vshll.u32 v9, $0x4;
	v10, v8, _ =	vpop (xrf1)  }
0x30: {  	v12 =	vxor.u32 $0x80000000, v10;
	v10 =	vor.u32 v6, v9  }
0x31: {  	s21 =	simm.s32 $0x2;
	v11 =	vor.u32 v7, v9  }
0x32: {  	v9 =	vadd.s32 s21, v4  }
0x33: {  	v13 =	vadd.s32 v3, v12  }
0x34: {  	s30 =	simm.s32 $0x4;
	s23 =	simm.s32 $0x3E80;
	v12 =	vadd.s32 v1, v12;
	[tilespmem:s26+$0x0] =	vst v13  }
.LBB2_2:
0x35: {  	p0 =	sne.s32 s30, $0x1F2;
	[tilespmem:v10+s17+$0x0] =	vst.idx.msk $0xffff, v12  }
0x36: {  	[tilespmem:v11+s17+$0x0] =	vst.idx.msk $0xffff, v8  }
0x37: {  	v8 =	vld.idx.msk [tilespmem:v9+s3+$0x0], $0xffff  }
0x38: {  	v9 =	vld.idx.msk [tilespmem:v9+s13+$0x0], $0xffff;
	_ =	sdelay $0x4  }
0x39: {  	v8 =	vadd.s32 v2, v8;
	_ =	sdelay $0x4  }
0x3a: {  	v8 =	vld.idx.msk [tilespmem:v8+s14+$0x0], $0xffff;
	_ =	sdelay $0x5  }
0x3b: {  	v8 =	vadd.s32 v5, v8  }
0x3c: {  	v8 =	vxor.u32 $0x80000000, v8  }
0x3d: {  	(xrf1) =	vsort.ascd.msk.u32 $0xffff, v8, v9;
	_ =	sdelay $0xa  }
0x3e: {  	v13 =	vor.u32 s21, v0;
	s21 =	smov.u32 s30  }
0x3f: {  	v9 =	vshll.u32 v13, $0x4  }
.Ltmp0:
0x40: {  	v10 =	vor.u32 v6, v9;
	(pc) =	sbr.rel @p0 .LBB2_2-.Ltmp0, $4  }
0x41: {  	v11 =	vor.u32 v7, v9;
	v12, v8, _ =	vpop (xrf1)  }
0x42: {  	v9 =	vadd.s32 s30, v4;
	v13 =	vxor.u32 $0x80000000, v12  }
0x43: {  	s23 =	sadd.s32 $0x10, s23;
	v12 =	vadd.s32 v1, v13;
	v13 =	vadd.s32 v3, v13  }
0x44: {  	s30 =	sadd.s32 $0x2, s30;
	[tilespmem:s23+$0x0] =	vst v13  }
0x45: {  	_ =	sdelay $0x3  }
0x46: {  	[tilespmem:v10+s17+$0x0] =	vst.idx.msk $0xffff, v12  }
0x47: {  	[tilespmem:v11+s17+$0x0] =	vst.idx.msk $0xffff, v8  }
0x48: {  	v8 =	vld.idx.msk [tilespmem:v9+s3+$0x0], $0xffff;
	_ =	sdelay $0x4  }
0x49: {  	v8 =	vadd.s32 v2, v8;
	_ =	sdelay $0x4  }
0x4a: {  	v8 =	vld.idx.msk [tilespmem:v8+s14+$0x0], $0xffff;
	_ =	sdelay $0x1  }
0x4b: {  	v59 =	vld.idx.msk [tilespmem:v9+s13+$0x0], $0xffff;
	_ =	sdelay $0x2  }
0x4c: {  	v8 =	vadd.s32 v5, v8  }
0x4d: {  	v8 =	vxor.u32 $0x80000000, v8  }
0x4e: {  	(xrf1) =	vsort.ascd.msk.u32 $0xffff, v8, v59;
	_ =	sdelay $0xa  }
0x4f: {  	v8 =	vor.u32 s21, v0  }
0x50: {  	v8 =	vshll.u32 v8, $0x4  }
0x51: {  	v60 =	vor.u32 v6, v8  }
0x52: {  	v8 =	vor.u32 v7, v8;
	v61, v62, _ =	vpop (xrf1)  }
0x53: {  	v10 =	vxor.u32 $0x80000000, v61  }
0x54: {  	s30 =	sadd.s32 $0x10, s23;
	v63 =	vadd.s32 v3, v10  }
0x55: {  	v10 =	vadd.s32 v1, v10;
	[tilespmem:s30+$0x0] =	vst v63  }
0x56: {  	[tilespmem:v60+s17+$0x0] =	vst.idx.msk $0xffff, v10  }
0x57: {  	[tilespmem:v8+s17+$0x0] =	vst.idx.msk $0xffff, v62  }
0x58: {  	[hbm4b:s2+s18] =	stream.indirect.scatter [tilespmem:s17], [sflag:$0x3], $0x10, s16, s18, $0xb8;
	[tilespmem:$0x11F00] =	vst v63  }
0x59: {  	s23 =	simm.s32 $0x7D80;
	s30 =	simm.s32 $0x55F0  }
0x5a: {  	[hbm4b:s2+s18] =	stream.indirect.scatter [tilespmem:s30], [sflag:$0x3], $0x10, s23, s18, $0xb8;
	[tilespmem:$0x11F00] =	vst v63  }
0x5b: {  	s23 =	simm.s32 $0x7E00;
	s30 =	simm.s32 $0x5DC0  }
0x5c: {  	[hbm4b:s2+s18] =	stream.indirect.scatter [tilespmem:s30], [sflag:$0x3], $0x10, s23, s18, $0xb8;
	[tilespmem:$0x11F00] =	vst v63  }
0x5d: {  	s23 =	simm.s32 $0x7E80;
	s30 =	simm.s32 $0x6590  }
0x5e: {  	[hbm4b:s2+s18] =	stream.indirect.scatter [tilespmem:s30], [sflag:$0x3], $0x10, s23, s18, $0xb8;
	[tilespmem:$0x11F00] =	vst v63  }
0x5f: {  	_ = 	snop  }
0x60: {  	[tilespmem:s28], [sflag:$0x1] =	stream.indirect.gather [hbm4b:s4+s25], $0x80, s26, s25, $0xb8;
	[tilespmem:$0x11F00] =	vst v63  }
0x61: {  	_ =	swait.ge [sflag:s29], $0x2800  }
0x62: {  	[sflag:s29] =	ssyncset.done $0x0  }
0x63: {  	[sflag:s29] =	ssyncadd.s32 $0xFFFFD800  }
0x64: {  	[hbm4b:s5+s25] =	stream.indirect.scatter [tilespmem:s28], [sflag:$0x2], $0x80, s15, s25, $0xb8;
	[tilespmem:$0x11F00] =	vst v63  }
0x65: {  	s30 =	simm.s32 $0x3ED0  }
0x66: {  	[tilespmem:s31], [sflag:$0x1] =	stream.indirect.gather [hbm4b:s4+s25], $0x80, s30, s25, $0xb8;
	[tilespmem:$0x11F00] =	vst v63  }
0x67: {  	_ =	swait.ge [sflag:s29], $0x2800  }
0x68: {  	[sflag:s29] =	ssyncset.done $0x0  }
0x69: {  	s23 =	simm.s32 $0x6DB0;
	[sflag:s29] =	ssyncadd.s32 $0xFFFFD800  }
0x6a: {  	[hbm4b:s5+s25] =	stream.indirect.scatter [tilespmem:s31], [sflag:$0x2], $0x80, s23, s25, $0xb8;
	[tilespmem:$0x11F00] =	vst v63  }
0x6b: {  	s30 =	simm.s32 $0x3F20  }
0x6c: {  	[tilespmem:s19], [sflag:$0x1] =	stream.indirect.gather [hbm4b:s4+s25], $0x80, s30, s25, $0xb8;
	[tilespmem:$0x11F00] =	vst v63  }
0x6d: {  	_ =	swait.ge [sflag:s29], $0x2800  }
0x6e: {  	[sflag:s29] =	ssyncset.done $0x0  }
0x6f: {  	s23 =	simm.s32 $0x6E00;
	[sflag:s29] =	ssyncadd.s32 $0xFFFFD800  }
0x70: {  	[hbm4b:s5+s25] =	stream.indirect.scatter [tilespmem:s19], [sflag:$0x2], $0x80, s23, s25, $0xb8;
	[tilespmem:$0x11F00] =	vst v63  }
0x71: {  	s30 =	simm.s32 $0x3F70  }
0x72: {  	[tilespmem:s22], [sflag:$0x1] =	stream.indirect.gather [hbm4b:s4+s25], $0x80, s30, s25, $0xb8;
	[tilespmem:$0x11F00] =	vst v63  }
0x73: {  	_ =	swait.ge [sflag:s29], $0x2800  }
0x74: {  	[sflag:s29] =	ssyncset.done $0x0  }
0x75: {  	s23 =	simm.s32 $0x6E50;
	[sflag:s29] =	ssyncadd.s32 $0xFFFFD800  }
0x76: {  	[hbm4b:s5+s25] =	stream.indirect.scatter [tilespmem:s22], [sflag:$0x2], $0x80, s23, s25, $0xb8;
	[tilespmem:$0x11F00] =	vst v63  }
0x77: {  	_ =	swait.ge [sflag:s24], $0x2800  }
0x78: {  	[sflag:s24] =	ssyncset.done $0x0  }
0x79: {  	s30 =	simm.s32 $0x3FC0;
	[sflag:s24] =	ssyncadd.s32 $0xFFFFD800  }
0x7a: {  	[tilespmem:s28], [sflag:$0x1] =	stream.indirect.gather [hbm4b:s4+s25], $0x80, s30, s25, $0xb8;
	[tilespmem:$0x11F00] =	vst v63  }
0x7b: {  	_ =	swait.ge [sflag:s29], $0x2800  }
0x7c: {  	[sflag:s29] =	ssyncset.done $0x0  }
0x7d: {  	s23 =	simm.s32 $0x6EA0;
	[sflag:s29] =	ssyncadd.s32 $0xFFFFD800  }
0x7e: {  	[hbm4b:s5+s25] =	stream.indirect.scatter [tilespmem:s28], [sflag:$0x2], $0x80, s23, s25, $0xb8;
	[tilespmem:$0x11F00] =	vst v63  }
0x7f: {  	_ =	swait.ge [sflag:s24], $0x2800  }
0x80: {  	[sflag:s24] =	ssyncset.done $0x0  }
0x81: {  	s30 =	simm.s32 $0x4010;
	[sflag:s24] =	ssyncadd.s32 $0xFFFFD800  }
0x82: {  	[tilespmem:s31], [sflag:$0x1] =	stream.indirect.gather [hbm4b:s4+s25], $0x80, s30, s25, $0xb8;
	[tilespmem:$0x11F00] =	vst v63  }
0x83: {  	_ =	swait.ge [sflag:s29], $0x2800  }
0x84: {  	[sflag:s29] =	ssyncset.done $0x0  }
0x85: {  	s23 =	simm.s32 $0x6EF0;
	[sflag:s29] =	ssyncadd.s32 $0xFFFFD800  }
0x86: {  	[hbm4b:s5+s25] =	stream.indirect.scatter [tilespmem:s31], [sflag:$0x2], $0x80, s23, s25, $0xb8;
	[tilespmem:$0x11F00] =	vst v63  }
0x87: {  	_ =	swait.ge [sflag:s24], $0x2800  }
0x88: {  	[sflag:s24] =	ssyncset.done $0x0  }
0x89: {  	s30 =	simm.s32 $0x4060;
	[sflag:s24] =	ssyncadd.s32 $0xFFFFD800  }
0x8a: {  	[tilespmem:s19], [sflag:$0x1] =	stream.indirect.gather [hbm4b:s4+s25], $0x80, s30, s25, $0xb8;
	[tilespmem:$0x11F00] =	vst v63  }
0x8b: {  	_ =	swait.ge [sflag:s29], $0x2800  }
0x8c: {  	[sflag:s29] =	ssyncset.done $0x0  }
0x8d: {  	s23 =	simm.s32 $0x6F40;
	[sflag:s29] =	ssyncadd.s32 $0xFFFFD800  }
0x8e: {  	[hbm4b:s5+s25] =	stream.indirect.scatter [tilespmem:s19], [sflag:$0x2], $0x80, s23, s25, $0xb8;
	[tilespmem:$0x11F00] =	vst v63  }
0x8f: {  	_ =	swait.ge [sflag:s24], $0x2800  }
0x90: {  	[sflag:s24] =	ssyncset.done $0x0  }
0x91: {  	s30 =	simm.s32 $0x40B0;
	[sflag:s24] =	ssyncadd.s32 $0xFFFFD800  }
0x92: {  	[tilespmem:s22], [sflag:$0x1] =	stream.indirect.gather [hbm4b:s4+s25], $0x80, s30, s25, $0xb8;
	[tilespmem:$0x11F00] =	vst v63  }
0x93: {  	_ =	swait.ge [sflag:s29], $0x2800  }
0x94: {  	[sflag:s29] =	ssyncset.done $0x0  }
0x95: {  	s23 =	simm.s32 $0x6F90;
	[sflag:s29] =	ssyncadd.s32 $0xFFFFD800  }
0x96: {  	[hbm4b:s5+s25] =	stream.indirect.scatter [tilespmem:s22], [sflag:$0x2], $0x80, s23, s25, $0xb8;
	[tilespmem:$0x11F00] =	vst v63  }
0x97: {  	_ =	swait.ge [sflag:s24], $0x2800  }
0x98: {  	[sflag:s24] =	ssyncset.done $0x0  }
0x99: {  	s30 =	simm.s32 $0x4100;
	[sflag:s24] =	ssyncadd.s32 $0xFFFFD800  }
0x9a: {  	[tilespmem:s28], [sflag:$0x1] =	stream.indirect.gather [hbm4b:s4+s25], $0x80, s30, s25, $0xb8;
	[tilespmem:$0x11F00] =	vst v63  }
0x9b: {  	_ =	swait.ge [sflag:s29], $0x2800  }
0x9c: {  	[sflag:s29] =	ssyncset.done $0x0  }
0x9d: {  	s23 =	simm.s32 $0x6FE0;
	[sflag:s29] =	ssyncadd.s32 $0xFFFFD800  }
0x9e: {  	[hbm4b:s5+s25] =	stream.indirect.scatter [tilespmem:s28], [sflag:$0x2], $0x80, s23, s25, $0xb8;
	[tilespmem:$0x11F00] =	vst v63  }
0x9f: {  	_ =	swait.ge [sflag:s24], $0x2800  }
0xa0: {  	[sflag:s24] =	ssyncset.done $0x0  }
0xa1: {  	s30 =	simm.s32 $0x4150;
	[sflag:s24] =	ssyncadd.s32 $0xFFFFD800  }
0xa2: {  	[tilespmem:s31], [sflag:$0x1] =	stream.indirect.gather [hbm4b:s4+s25], $0x80, s30, s25, $0xb8;
	[tilespmem:$0x11F00] =	vst v63  }
0xa3: {  	_ =	swait.ge [sflag:s29], $0x2800  }
0xa4: {  	[sflag:s29] =	ssyncset.done $0x0  }
0xa5: {  	s23 =	simm.s32 $0x7030;
	[sflag:s29] =	ssyncadd.s32 $0xFFFFD800  }
0xa6: {  	[hbm4b:s5+s25] =	stream.indirect.scatter [tilespmem:s31], [sflag:$0x2], $0x80, s23, s25, $0xb8;
	[tilespmem:$0x11F00] =	vst v63  }
0xa7: {  	_ =	swait.ge [sflag:s24], $0x2800  }
0xa8: {  	[sflag:s24] =	ssyncset.done $0x0  }
0xa9: {  	s30 =	simm.s32 $0x41A0;
	[sflag:s24] =	ssyncadd.s32 $0xFFFFD800  }
0xaa: {  	[tilespmem:s19], [sflag:$0x1] =	stream.indirect.gather [hbm4b:s4+s25], $0x80, s30, s25, $0xb8;
	[tilespmem:$0x11F00] =	vst v63  }
0xab: {  	_ =	swait.ge [sflag:s29], $0x2800  }
0xac: {  	[sflag:s29] =	ssyncset.done $0x0  }
0xad: {  	s23 =	simm.s32 $0x7080;
	[sflag:s29] =	ssyncadd.s32 $0xFFFFD800  }
0xae: {  	[hbm4b:s5+s25] =	stream.indirect.scatter [tilespmem:s19], [sflag:$0x2], $0x80, s23, s25, $0xb8;
	[tilespmem:$0x11F00] =	vst v63  }
0xaf: {  	_ =	swait.ge [sflag:s24], $0x2800  }
0xb0: {  	[sflag:s24] =	ssyncset.done $0x0  }
0xb1: {  	s30 =	simm.s32 $0x41F0;
	[sflag:s24] =	ssyncadd.s32 $0xFFFFD800  }
0xb2: {  	[tilespmem:s22], [sflag:$0x1] =	stream.indirect.gather [hbm4b:s4+s25], $0x80, s30, s25, $0xb8;
	[tilespmem:$0x11F00] =	vst v63  }
0xb3: {  	_ =	swait.ge [sflag:s29], $0x2800  }
0xb4: {  	[sflag:s29] =	ssyncset.done $0x0  }
0xb5: {  	s23 =	simm.s32 $0x70D0;
	[sflag:s29] =	ssyncadd.s32 $0xFFFFD800  }
0xb6: {  	[hbm4b:s5+s25] =	stream.indirect.scatter [tilespmem:s22], [sflag:$0x2], $0x80, s23, s25, $0xb8;
	[tilespmem:$0x11F00] =	vst v63  }
0xb7: {  	_ =	swait.ge [sflag:s24], $0x2800  }
0xb8: {  	[sflag:s24] =	ssyncset.done $0x0  }
0xb9: {  	s30 =	simm.s32 $0x4240;
	[sflag:s24] =	ssyncadd.s32 $0xFFFFD800  }
0xba: {  	[tilespmem:s28], [sflag:$0x1] =	stream.indirect.gather [hbm4b:s4+s25], $0x80, s30, s25, $0xb8;
	[tilespmem:$0x11F00] =	vst v63  }
0xbb: {  	_ =	swait.ge [sflag:s29], $0x2800  }
0xbc: {  	[sflag:s29] =	ssyncset.done $0x0  }
0xbd: {  	s23 =	simm.s32 $0x7120;
	[sflag:s29] =	ssyncadd.s32 $0xFFFFD800  }
0xbe: {  	[hbm4b:s5+s25] =	stream.indirect.scatter [tilespmem:s28], [sflag:$0x2], $0x80, s23, s25, $0xb8;
	[tilespmem:$0x11F00] =	vst v63  }
0xbf: {  	_ =	swait.ge [sflag:s24], $0x2800  }
0xc0: {  	[sflag:s24] =	ssyncset.done $0x0  }
0xc1: {  	s30 =	simm.s32 $0x4290;
	[sflag:s24] =	ssyncadd.s32 $0xFFFFD800  }
0xc2: {  	[tilespmem:s31], [sflag:$0x1] =	stream.indirect.gather [hbm4b:s4+s25], $0x80, s30, s25, $0xb8;
	[tilespmem:$0x11F00] =	vst v63  }
0xc3: {  	_ =	swait.ge [sflag:s29], $0x2800  }
0xc4: {  	[sflag:s29] =	ssyncset.done $0x0  }
0xc5: {  	s23 =	simm.s32 $0x7170;
	[sflag:s29] =	ssyncadd.s32 $0xFFFFD800  }
0xc6: {  	[hbm4b:s5+s25] =	stream.indirect.scatter [tilespmem:s31], [sflag:$0x2], $0x80, s23, s25, $0xb8;
	[tilespmem:$0x11F00] =	vst v63  }
0xc7: {  	_ =	swait.ge [sflag:s24], $0x2800  }
0xc8: {  	[sflag:s24] =	ssyncset.done $0x0  }
0xc9: {  	s30 =	simm.s32 $0x42E0;
	[sflag:s24] =	ssyncadd.s32 $0xFFFFD800  }
0xca: {  	[tilespmem:s19], [sflag:$0x1] =	stream.indirect.gather [hbm4b:s4+s25], $0x80, s30, s25, $0xb8;
	[tilespmem:$0x11F00] =	vst v63  }
0xcb: {  	_ =	swait.ge [sflag:s29], $0x2800  }
0xcc: {  	[sflag:s29] =	ssyncset.done $0x0  }
0xcd: {  	s23 =	simm.s32 $0x71C0;
	[sflag:s29] =	ssyncadd.s32 $0xFFFFD800  }
0xce: {  	[hbm4b:s5+s25] =	stream.indirect.scatter [tilespmem:s19], [sflag:$0x2], $0x80, s23, s25, $0xb8;
	[tilespmem:$0x11F00] =	vst v63  }
0xcf: {  	_ =	swait.ge [sflag:s24], $0x2800  }
0xd0: {  	[sflag:s24] =	ssyncset.done $0x0  }
0xd1: {  	s30 =	simm.s32 $0x4330;
	[sflag:s24] =	ssyncadd.s32 $0xFFFFD800  }
0xd2: {  	[tilespmem:s22], [sflag:$0x1] =	stream.indirect.gather [hbm4b:s4+s25], $0x80, s30, s25, $0xb8;
	[tilespmem:$0x11F00] =	vst v63  }
0xd3: {  	_ =	swait.ge [sflag:s29], $0x2800  }
0xd4: {  	[sflag:s29] =	ssyncset.done $0x0  }
0xd5: {  	s23 =	simm.s32 $0x7210;
	[sflag:s29] =	ssyncadd.s32 $0xFFFFD800  }
0xd6: {  	[hbm4b:s5+s25] =	stream.indirect.scatter [tilespmem:s22], [sflag:$0x2], $0x80, s23, s25, $0xb8;
	[tilespmem:$0x11F00] =	vst v63  }
0xd7: {  	_ =	swait.ge [sflag:s24], $0x2800  }
0xd8: {  	[sflag:s24] =	ssyncset.done $0x0  }
0xd9: {  	s30 =	simm.s32 $0x4380;
	[sflag:s24] =	ssyncadd.s32 $0xFFFFD800  }
0xda: {  	[tilespmem:s28], [sflag:$0x1] =	stream.indirect.gather [hbm4b:s4+s25], $0x80, s30, s25, $0xb8;
	[tilespmem:$0x11F00] =	vst v63  }
0xdb: {  	_ =	swait.ge [sflag:s29], $0x2800  }
0xdc: {  	[sflag:s29] =	ssyncset.done $0x0  }
0xdd: {  	s23 =	simm.s32 $0x7260;
	[sflag:s29] =	ssyncadd.s32 $0xFFFFD800  }
0xde: {  	[hbm4b:s5+s25] =	stream.indirect.scatter [tilespmem:s28], [sflag:$0x2], $0x80, s23, s25, $0xb8;
	[tilespmem:$0x11F00] =	vst v63  }
0xdf: {  	_ =	swait.ge [sflag:s24], $0x2800  }
0xe0: {  	[sflag:s24] =	ssyncset.done $0x0  }
0xe1: {  	s30 =	simm.s32 $0x43D0;
	[sflag:s24] =	ssyncadd.s32 $0xFFFFD800  }
0xe2: {  	[tilespmem:s31], [sflag:$0x1] =	stream.indirect.gather [hbm4b:s4+s25], $0x80, s30, s25, $0xb8;
	[tilespmem:$0x11F00] =	vst v63  }
0xe3: {  	_ =	swait.ge [sflag:s29], $0x2800  }
0xe4: {  	[sflag:s29] =	ssyncset.done $0x0  }
0xe5: {  	s23 =	simm.s32 $0x72B0;
	[sflag:s29] =	ssyncadd.s32 $0xFFFFD800  }
0xe6: {  	[hbm4b:s5+s25] =	stream.indirect.scatter [tilespmem:s31], [sflag:$0x2], $0x80, s23, s25, $0xb8;
	[tilespmem:$0x11F00] =	vst v63  }
0xe7: {  	_ =	swait.ge [sflag:s24], $0x2800  }
0xe8: {  	[sflag:s24] =	ssyncset.done $0x0  }
0xe9: {  	s30 =	simm.s32 $0x4420;
	[sflag:s24] =	ssyncadd.s32 $0xFFFFD800  }
0xea: {  	[tilespmem:s19], [sflag:$0x1] =	stream.indirect.gather [hbm4b:s4+s25], $0x80, s30, s25, $0xb8;
	[tilespmem:$0x11F00] =	vst v63  }
0xeb: {  	_ =	swait.ge [sflag:s29], $0x2800  }
0xec: {  	[sflag:s29] =	ssyncset.done $0x0  }
0xed: {  	s23 =	simm.s32 $0x7300;
	[sflag:s29] =	ssyncadd.s32 $0xFFFFD800  }
0xee: {  	[hbm4b:s5+s25] =	stream.indirect.scatter [tilespmem:s19], [sflag:$0x2], $0x80, s23, s25, $0xb8;
	[tilespmem:$0x11F00] =	vst v63  }
0xef: {  	_ =	swait.ge [sflag:s24], $0x2800  }
0xf0: {  	[sflag:s24] =	ssyncset.done $0x0  }
0xf1: {  	s30 =	simm.s32 $0x4470;
	[sflag:s24] =	ssyncadd.s32 $0xFFFFD800  }
0xf2: {  	[tilespmem:s22], [sflag:$0x1] =	stream.indirect.gather [hbm4b:s4+s25], $0x80, s30, s25, $0xb8;
	[tilespmem:$0x11F00] =	vst v63  }
0xf3: {  	_ =	swait.ge [sflag:s29], $0x2800  }
0xf4: {  	[sflag:s29] =	ssyncset.done $0x0  }
0xf5: {  	s23 =	simm.s32 $0x7350;
	[sflag:s29] =	ssyncadd.s32 $0xFFFFD800  }
0xf6: {  	[hbm4b:s5+s25] =	stream.indirect.scatter [tilespmem:s22], [sflag:$0x2], $0x80, s23, s25, $0xb8;
	[tilespmem:$0x11F00] =	vst v63  }
0xf7: {  	_ =	swait.ge [sflag:s24], $0x2800  }
0xf8: {  	[sflag:s24] =	ssyncset.done $0x0  }
0xf9: {  	s30 =	simm.s32 $0x44C0;
	[sflag:s24] =	ssyncadd.s32 $0xFFFFD800  }
0xfa: {  	[tilespmem:s28], [sflag:$0x1] =	stream.indirect.gather [hbm4b:s4+s25], $0x80, s30, s25, $0xb8;
	[tilespmem:$0x11F00] =	vst v63  }
0xfb: {  	_ =	swait.ge [sflag:s29], $0x2800  }
0xfc: {  	[sflag:s29] =	ssyncset.done $0x0  }
0xfd: {  	s23 =	simm.s32 $0x73A0;
	[sflag:s29] =	ssyncadd.s32 $0xFFFFD800  }
0xfe: {  	[hbm4b:s5+s25] =	stream.indirect.scatter [tilespmem:s28], [sflag:$0x2], $0x80, s23, s25, $0xb8;
	[tilespmem:$0x11F00] =	vst v63  }
0xff: {  	_ =	swait.ge [sflag:s24], $0x2800  }
0x100: {  	[sflag:s24] =	ssyncset.done $0x0  }
0x101: {  	s30 =	simm.s32 $0x4510;
	[sflag:s24] =	ssyncadd.s32 $0xFFFFD800  }
0x102: {  	[tilespmem:s31], [sflag:$0x1] =	stream.indirect.gather [hbm4b:s4+s25], $0x80, s30, s25, $0xb8;
	[tilespmem:$0x11F00] =	vst v63  }
0x103: {  	_ =	swait.ge [sflag:s29], $0x2800  }
0x104: {  	[sflag:s29] =	ssyncset.done $0x0  }
0x105: {  	s23 =	simm.s32 $0x73F0;
	[sflag:s29] =	ssyncadd.s32 $0xFFFFD800  }
0x106: {  	[hbm4b:s5+s25] =	stream.indirect.scatter [tilespmem:s31], [sflag:$0x2], $0x80, s23, s25, $0xb8;
	[tilespmem:$0x11F00] =	vst v63  }
0x107: {  	_ =	swait.ge [sflag:s24], $0x2800  }
0x108: {  	[sflag:s24] =	ssyncset.done $0x0  }
0x109: {  	s30 =	simm.s32 $0x4560;
	[sflag:s24] =	ssyncadd.s32 $0xFFFFD800  }
0x10a: {  	[tilespmem:s19], [sflag:$0x1] =	stream.indirect.gather [hbm4b:s4+s25], $0x80, s30, s25, $0xb8;
	[tilespmem:$0x11F00] =	vst v63  }
0x10b: {  	_ =	swait.ge [sflag:s29], $0x2800  }
0x10c: {  	[sflag:s29] =	ssyncset.done $0x0  }
0x10d: {  	s23 =	simm.s32 $0x7440;
	[sflag:s29] =	ssyncadd.s32 $0xFFFFD800  }
0x10e: {  	[hbm4b:s5+s25] =	stream.indirect.scatter [tilespmem:s19], [sflag:$0x2], $0x80, s23, s25, $0xb8;
	[tilespmem:$0x11F00] =	vst v63  }
0x10f: {  	_ =	swait.ge [sflag:s24], $0x2800  }
0x110: {  	[sflag:s24] =	ssyncset.done $0x0  }
0x111: {  	s30 =	simm.s32 $0x45B0;
	[sflag:s24] =	ssyncadd.s32 $0xFFFFD800  }
0x112: {  	[tilespmem:s22], [sflag:$0x1] =	stream.indirect.gather [hbm4b:s4+s25], $0x80, s30, s25, $0xb8;
	[tilespmem:$0x11F00] =	vst v63  }
0x113: {  	_ =	swait.ge [sflag:s29], $0x2800  }
0x114: {  	[sflag:s29] =	ssyncset.done $0x0  }
0x115: {  	s23 =	simm.s32 $0x7490;
	[sflag:s29] =	ssyncadd.s32 $0xFFFFD800  }
0x116: {  	[hbm4b:s5+s25] =	stream.indirect.scatter [tilespmem:s22], [sflag:$0x2], $0x80, s23, s25, $0xb8;
	[tilespmem:$0x11F00] =	vst v63  }
0x117: {  	_ =	swait.ge [sflag:s24], $0x2800  }
0x118: {  	[sflag:s24] =	ssyncset.done $0x0  }
0x119: {  	s30 =	simm.s32 $0x4600;
	[sflag:s24] =	ssyncadd.s32 $0xFFFFD800  }
0x11a: {  	[tilespmem:s28], [sflag:$0x1] =	stream.indirect.gather [hbm4b:s4+s25], $0x80, s30, s25, $0xb8;
	[tilespmem:$0x11F00] =	vst v63  }
0x11b: {  	_ =	swait.ge [sflag:s29], $0x2800  }
0x11c: {  	[sflag:s29] =	ssyncset.done $0x0  }
0x11d: {  	s23 =	simm.s32 $0x74E0;
	[sflag:s29] =	ssyncadd.s32 $0xFFFFD800  }
0x11e: {  	[hbm4b:s5+s25] =	stream.indirect.scatter [tilespmem:s28], [sflag:$0x2], $0x80, s23, s25, $0xb8;
	[tilespmem:$0x11F00] =	vst v63  }
0x11f: {  	_ =	swait.ge [sflag:s24], $0x2800  }
0x120: {  	[sflag:s24] =	ssyncset.done $0x0  }
0x121: {  	s30 =	simm.s32 $0x4650;
	[sflag:s24] =	ssyncadd.s32 $0xFFFFD800  }
0x122: {  	[tilespmem:s31], [sflag:$0x1] =	stream.indirect.gather [hbm4b:s4+s25], $0x80, s30, s25, $0xb8;
	[tilespmem:$0x11F00] =	vst v63  }
0x123: {  	_ =	swait.ge [sflag:s29], $0x2800  }
0x124: {  	[sflag:s29] =	ssyncset.done $0x0  }
0x125: {  	s23 =	simm.s32 $0x7530;
	[sflag:s29] =	ssyncadd.s32 $0xFFFFD800  }
0x126: {  	[hbm4b:s5+s25] =	stream.indirect.scatter [tilespmem:s31], [sflag:$0x2], $0x80, s23, s25, $0xb8;
	[tilespmem:$0x11F00] =	vst v63  }
0x127: {  	_ =	swait.ge [sflag:s24], $0x2800  }
0x128: {  	[sflag:s24] =	ssyncset.done $0x0  }
0x129: {  	s30 =	simm.s32 $0x46A0;
	[sflag:s24] =	ssyncadd.s32 $0xFFFFD800  }
0x12a: {  	[tilespmem:s19], [sflag:$0x1] =	stream.indirect.gather [hbm4b:s4+s25], $0x80, s30, s25, $0xb8;
	[tilespmem:$0x11F00] =	vst v63  }
0x12b: {  	_ =	swait.ge [sflag:s29], $0x2800  }
0x12c: {  	[sflag:s29] =	ssyncset.done $0x0  }
0x12d: {  	s23 =	simm.s32 $0x7580;
	[sflag:s29] =	ssyncadd.s32 $0xFFFFD800  }
0x12e: {  	[hbm4b:s5+s25] =	stream.indirect.scatter [tilespmem:s19], [sflag:$0x2], $0x80, s23, s25, $0xb8;
	[tilespmem:$0x11F00] =	vst v63  }
0x12f: {  	_ =	swait.ge [sflag:s24], $0x2800  }
0x130: {  	[sflag:s24] =	ssyncset.done $0x0  }
0x131: {  	s30 =	simm.s32 $0x46F0;
	[sflag:s24] =	ssyncadd.s32 $0xFFFFD800  }
0x132: {  	[tilespmem:s22], [sflag:$0x1] =	stream.indirect.gather [hbm4b:s4+s25], $0x80, s30, s25, $0xb8;
	[tilespmem:$0x11F00] =	vst v63  }
0x133: {  	_ =	swait.ge [sflag:s29], $0x2800  }
0x134: {  	[sflag:s29] =	ssyncset.done $0x0  }
0x135: {  	s23 =	simm.s32 $0x75D0;
	[sflag:s29] =	ssyncadd.s32 $0xFFFFD800  }
0x136: {  	[hbm4b:s5+s25] =	stream.indirect.scatter [tilespmem:s22], [sflag:$0x2], $0x80, s23, s25, $0xb8;
	[tilespmem:$0x11F00] =	vst v63  }
0x137: {  	_ =	swait.ge [sflag:s24], $0x2800  }
0x138: {  	[sflag:s24] =	ssyncset.done $0x0  }
0x139: {  	s30 =	simm.s32 $0x4740;
	[sflag:s24] =	ssyncadd.s32 $0xFFFFD800  }
0x13a: {  	[tilespmem:s28], [sflag:$0x1] =	stream.indirect.gather [hbm4b:s4+s25], $0x80, s30, s25, $0xb8;
	[tilespmem:$0x11F00] =	vst v63  }
0x13b: {  	_ =	swait.ge [sflag:s29], $0x2800  }
0x13c: {  	[sflag:s29] =	ssyncset.done $0x0  }
0x13d: {  	s23 =	simm.s32 $0x7620;
	[sflag:s29] =	ssyncadd.s32 $0xFFFFD800  }
0x13e: {  	[hbm4b:s5+s25] =	stream.indirect.scatter [tilespmem:s28], [sflag:$0x2], $0x80, s23, s25, $0xb8;
	[tilespmem:$0x11F00] =	vst v63  }
0x13f: {  	_ =	swait.ge [sflag:s24], $0x2800  }
0x140: {  	[sflag:s24] =	ssyncset.done $0x0  }
0x141: {  	s30 =	simm.s32 $0x4790;
	[sflag:s24] =	ssyncadd.s32 $0xFFFFD800  }
0x142: {  	[tilespmem:s31], [sflag:$0x1] =	stream.indirect.gather [hbm4b:s4+s25], $0x80, s30, s25, $0xb8;
	[tilespmem:$0x11F00] =	vst v63  }
0x143: {  	_ =	swait.ge [sflag:s29], $0x2800  }
0x144: {  	[sflag:s29] =	ssyncset.done $0x0  }
0x145: {  	s23 =	simm.s32 $0x7670;
	[sflag:s29] =	ssyncadd.s32 $0xFFFFD800  }
0x146: {  	[hbm4b:s5+s25] =	stream.indirect.scatter [tilespmem:s31], [sflag:$0x2], $0x80, s23, s25, $0xb8;
	[tilespmem:$0x11F00] =	vst v63  }
0x147: {  	_ =	swait.ge [sflag:s24], $0x2800  }
0x148: {  	[sflag:s24] =	ssyncset.done $0x0  }
0x149: {  	s30 =	simm.s32 $0x47E0;
	[sflag:s24] =	ssyncadd.s32 $0xFFFFD800  }
0x14a: {  	[tilespmem:s19], [sflag:$0x1] =	stream.indirect.gather [hbm4b:s4+s25], $0x80, s30, s25, $0xb8;
	[tilespmem:$0x11F00] =	vst v63  }
0x14b: {  	_ =	swait.ge [sflag:s29], $0x2800  }
0x14c: {  	[sflag:s29] =	ssyncset.done $0x0  }
0x14d: {  	s23 =	simm.s32 $0x76C0;
	[sflag:s29] =	ssyncadd.s32 $0xFFFFD800  }
0x14e: {  	[hbm4b:s5+s25] =	stream.indirect.scatter [tilespmem:s19], [sflag:$0x2], $0x80, s23, s25, $0xb8;
	[tilespmem:$0x11F00] =	vst v63  }
0x14f: {  	_ =	swait.ge [sflag:s24], $0x2800  }
0x150: {  	[sflag:s24] =	ssyncset.done $0x0  }
0x151: {  	s30 =	simm.s32 $0x4830;
	[sflag:s24] =	ssyncadd.s32 $0xFFFFD800  }
0x152: {  	[tilespmem:s22], [sflag:$0x1] =	stream.indirect.gather [hbm4b:s4+s25], $0x80, s30, s25, $0xb8;
	[tilespmem:$0x11F00] =	vst v63  }
0x153: {  	_ =	swait.ge [sflag:s29], $0x2800  }
0x154: {  	[sflag:s29] =	ssyncset.done $0x0  }
0x155: {  	s23 =	simm.s32 $0x7710;
	[sflag:s29] =	ssyncadd.s32 $0xFFFFD800  }
0x156: {  	[hbm4b:s5+s25] =	stream.indirect.scatter [tilespmem:s22], [sflag:$0x2], $0x80, s23, s25, $0xb8;
	[tilespmem:$0x11F00] =	vst v63  }
0x157: {  	_ =	swait.ge [sflag:s24], $0x2800  }
0x158: {  	[sflag:s24] =	ssyncset.done $0x0  }
0x159: {  	s30 =	simm.s32 $0x4880;
	[sflag:s24] =	ssyncadd.s32 $0xFFFFD800  }
0x15a: {  	[tilespmem:s28], [sflag:$0x1] =	stream.indirect.gather [hbm4b:s4+s25], $0x80, s30, s25, $0xb8;
	[tilespmem:$0x11F00] =	vst v63  }
0x15b: {  	_ =	swait.ge [sflag:s29], $0x2800  }
0x15c: {  	[sflag:s29] =	ssyncset.done $0x0  }
0x15d: {  	s23 =	simm.s32 $0x7760;
	[sflag:s29] =	ssyncadd.s32 $0xFFFFD800  }
0x15e: {  	[hbm4b:s5+s25] =	stream.indirect.scatter [tilespmem:s28], [sflag:$0x2], $0x80, s23, s25, $0xb8;
	[tilespmem:$0x11F00] =	vst v63  }
0x15f: {  	_ =	swait.ge [sflag:s24], $0x2800  }
0x160: {  	[sflag:s24] =	ssyncset.done $0x0  }
0x161: {  	s30 =	simm.s32 $0x48D0;
	[sflag:s24] =	ssyncadd.s32 $0xFFFFD800  }
0x162: {  	[tilespmem:s31], [sflag:$0x1] =	stream.indirect.gather [hbm4b:s4+s25], $0x80, s30, s25, $0xb8;
	[tilespmem:$0x11F00] =	vst v63  }
0x163: {  	_ =	swait.ge [sflag:s29], $0x2800  }
0x164: {  	[sflag:s29] =	ssyncset.done $0x0  }
0x165: {  	s23 =	simm.s32 $0x77B0;
	[sflag:s29] =	ssyncadd.s32 $0xFFFFD800  }
0x166: {  	[hbm4b:s5+s25] =	stream.indirect.scatter [tilespmem:s31], [sflag:$0x2], $0x80, s23, s25, $0xb8;
	[tilespmem:$0x11F00] =	vst v63  }
0x167: {  	_ =	swait.ge [sflag:s24], $0x2800  }
0x168: {  	[sflag:s24] =	ssyncset.done $0x0  }
0x169: {  	s30 =	simm.s32 $0x4920;
	[sflag:s24] =	ssyncadd.s32 $0xFFFFD800  }
0x16a: {  	[tilespmem:s19], [sflag:$0x1] =	stream.indirect.gather [hbm4b:s4+s25], $0x80, s30, s25, $0xb8;
	[tilespmem:$0x11F00] =	vst v63  }
0x16b: {  	_ =	swait.ge [sflag:s29], $0x2800  }
0x16c: {  	[sflag:s29] =	ssyncset.done $0x0  }
0x16d: {  	s23 =	simm.s32 $0x7800;
	[sflag:s29] =	ssyncadd.s32 $0xFFFFD800  }
0x16e: {  	[hbm4b:s5+s25] =	stream.indirect.scatter [tilespmem:s19], [sflag:$0x2], $0x80, s23, s25, $0xb8;
	[tilespmem:$0x11F00] =	vst v63  }
0x16f: {  	_ =	swait.ge [sflag:s24], $0x2800  }
0x170: {  	[sflag:s24] =	ssyncset.done $0x0  }
0x171: {  	s30 =	simm.s32 $0x4970;
	[sflag:s24] =	ssyncadd.s32 $0xFFFFD800  }
0x172: {  	[tilespmem:s22], [sflag:$0x1] =	stream.indirect.gather [hbm4b:s4+s25], $0x80, s30, s25, $0xb8;
	[tilespmem:$0x11F00] =	vst v63  }
0x173: {  	_ =	swait.ge [sflag:s29], $0x2800  }
0x174: {  	[sflag:s29] =	ssyncset.done $0x0  }
0x175: {  	s23 =	simm.s32 $0x7850;
	[sflag:s29] =	ssyncadd.s32 $0xFFFFD800  }
0x176: {  	[hbm4b:s5+s25] =	stream.indirect.scatter [tilespmem:s22], [sflag:$0x2], $0x80, s23, s25, $0xb8;
	[tilespmem:$0x11F00] =	vst v63  }
0x177: {  	_ =	swait.ge [sflag:s24], $0x2800  }
0x178: {  	[sflag:s24] =	ssyncset.done $0x0  }
0x179: {  	s30 =	simm.s32 $0x49C0;
	[sflag:s24] =	ssyncadd.s32 $0xFFFFD800  }
0x17a: {  	[tilespmem:s28], [sflag:$0x1] =	stream.indirect.gather [hbm4b:s4+s25], $0x80, s30, s25, $0xb8;
	[tilespmem:$0x11F00] =	vst v63  }
0x17b: {  	_ =	swait.ge [sflag:s29], $0x2800  }
0x17c: {  	[sflag:s29] =	ssyncset.done $0x0  }
0x17d: {  	s23 =	simm.s32 $0x78A0;
	[sflag:s29] =	ssyncadd.s32 $0xFFFFD800  }
0x17e: {  	[hbm4b:s5+s25] =	stream.indirect.scatter [tilespmem:s28], [sflag:$0x2], $0x80, s23, s25, $0xb8;
	[tilespmem:$0x11F00] =	vst v63  }
0x17f: {  	_ =	swait.ge [sflag:s24], $0x2800  }
0x180: {  	[sflag:s24] =	ssyncset.done $0x0  }
0x181: {  	s30 =	simm.s32 $0x4A10;
	[sflag:s24] =	ssyncadd.s32 $0xFFFFD800  }
0x182: {  	[tilespmem:s31], [sflag:$0x1] =	stream.indirect.gather [hbm4b:s4+s25], $0x80, s30, s25, $0xb8;
	[tilespmem:$0x11F00] =	vst v63  }
0x183: {  	_ =	swait.ge [sflag:s29], $0x2800  }
0x184: {  	[sflag:s29] =	ssyncset.done $0x0  }
0x185: {  	s23 =	simm.s32 $0x78F0;
	[sflag:s29] =	ssyncadd.s32 $0xFFFFD800  }
0x186: {  	[hbm4b:s5+s25] =	stream.indirect.scatter [tilespmem:s31], [sflag:$0x2], $0x80, s23, s25, $0xb8;
	[tilespmem:$0x11F00] =	vst v63  }
0x187: {  	_ =	swait.ge [sflag:s24], $0x2800  }
0x188: {  	[sflag:s24] =	ssyncset.done $0x0  }
0x189: {  	s30 =	simm.s32 $0x4A60;
	[sflag:s24] =	ssyncadd.s32 $0xFFFFD800  }
0x18a: {  	[tilespmem:s19], [sflag:$0x1] =	stream.indirect.gather [hbm4b:s4+s25], $0x80, s30, s25, $0xb8;
	[tilespmem:$0x11F00] =	vst v63  }
0x18b: {  	_ =	swait.ge [sflag:s29], $0x2800  }
0x18c: {  	[sflag:s29] =	ssyncset.done $0x0  }
0x18d: {  	s23 =	simm.s32 $0x7940;
	[sflag:s29] =	ssyncadd.s32 $0xFFFFD800  }
0x18e: {  	[hbm4b:s5+s25] =	stream.indirect.scatter [tilespmem:s19], [sflag:$0x2], $0x80, s23, s25, $0xb8;
	[tilespmem:$0x11F00] =	vst v63  }
0x18f: {  	_ =	swait.ge [sflag:s24], $0x2800  }
0x190: {  	[sflag:s24] =	ssyncset.done $0x0  }
0x191: {  	s30 =	simm.s32 $0x4AB0;
	[sflag:s24] =	ssyncadd.s32 $0xFFFFD800  }
0x192: {  	[tilespmem:s22], [sflag:$0x1] =	stream.indirect.gather [hbm4b:s4+s25], $0x80, s30, s25, $0xb8;
	[tilespmem:$0x11F00] =	vst v63  }
0x193: {  	_ =	swait.ge [sflag:s29], $0x2800  }
0x194: {  	[sflag:s29] =	ssyncset.done $0x0  }
0x195: {  	s23 =	simm.s32 $0x7990;
	[sflag:s29] =	ssyncadd.s32 $0xFFFFD800  }
0x196: {  	[hbm4b:s5+s25] =	stream.indirect.scatter [tilespmem:s22], [sflag:$0x2], $0x80, s23, s25, $0xb8;
	[tilespmem:$0x11F00] =	vst v63  }
0x197: {  	_ =	swait.ge [sflag:s24], $0x2800  }
0x198: {  	[sflag:s24] =	ssyncset.done $0x0  }
0x199: {  	s30 =	simm.s32 $0x4B00;
	[sflag:s24] =	ssyncadd.s32 $0xFFFFD800  }
0x19a: {  	[tilespmem:s28], [sflag:$0x1] =	stream.indirect.gather [hbm4b:s4+s25], $0x80, s30, s25, $0xb8;
	[tilespmem:$0x11F00] =	vst v63  }
0x19b: {  	_ =	swait.ge [sflag:s29], $0x2800  }
0x19c: {  	[sflag:s29] =	ssyncset.done $0x0  }
0x19d: {  	s23 =	simm.s32 $0x79E0;
	[sflag:s29] =	ssyncadd.s32 $0xFFFFD800  }
0x19e: {  	[hbm4b:s5+s25] =	stream.indirect.scatter [tilespmem:s28], [sflag:$0x2], $0x80, s23, s25, $0xb8;
	[tilespmem:$0x11F00] =	vst v63  }
0x19f: {  	_ =	swait.ge [sflag:s24], $0x2800  }
0x1a0: {  	[sflag:s24] =	ssyncset.done $0x0  }
0x1a1: {  	s30 =	simm.s32 $0x4B50;
	[sflag:s24] =	ssyncadd.s32 $0xFFFFD800  }
0x1a2: {  	[tilespmem:s31], [sflag:$0x1] =	stream.indirect.gather [hbm4b:s4+s25], $0x80, s30, s25, $0xb8;
	[tilespmem:$0x11F00] =	vst v63  }
0x1a3: {  	_ =	swait.ge [sflag:s29], $0x2800  }
0x1a4: {  	[sflag:s29] =	ssyncset.done $0x0  }
0x1a5: {  	s23 =	simm.s32 $0x7A30;
	[sflag:s29] =	ssyncadd.s32 $0xFFFFD800  }
0x1a6: {  	[hbm4b:s5+s25] =	stream.indirect.scatter [tilespmem:s31], [sflag:$0x2], $0x80, s23, s25, $0xb8;
	[tilespmem:$0x11F00] =	vst v63  }
0x1a7: {  	_ =	swait.ge [sflag:s24], $0x2800  }
0x1a8: {  	[sflag:s24] =	ssyncset.done $0x0  }
0x1a9: {  	s30 =	simm.s32 $0x4BA0;
	[sflag:s24] =	ssyncadd.s32 $0xFFFFD800  }
0x1aa: {  	[tilespmem:s19], [sflag:$0x1] =	stream.indirect.gather [hbm4b:s4+s25], $0x80, s30, s25, $0xb8;
	[tilespmem:$0x11F00] =	vst v63  }
0x1ab: {  	_ =	swait.ge [sflag:s29], $0x2800  }
0x1ac: {  	[sflag:s29] =	ssyncset.done $0x0  }
0x1ad: {  	s23 =	simm.s32 $0x7A80;
	[sflag:s29] =	ssyncadd.s32 $0xFFFFD800  }
0x1ae: {  	[hbm4b:s5+s25] =	stream.indirect.scatter [tilespmem:s19], [sflag:$0x2], $0x80, s23, s25, $0xb8;
	[tilespmem:$0x11F00] =	vst v63  }
0x1af: {  	_ =	swait.ge [sflag:s24], $0x2800  }
0x1b0: {  	[sflag:s24] =	ssyncset.done $0x0  }
0x1b1: {  	s30 =	simm.s32 $0x4BF0;
	[sflag:s24] =	ssyncadd.s32 $0xFFFFD800  }
0x1b2: {  	[tilespmem:s22], [sflag:$0x1] =	stream.indirect.gather [hbm4b:s4+s25], $0x80, s30, s25, $0xb8;
	[tilespmem:$0x11F00] =	vst v63  }
0x1b3: {  	_ =	swait.ge [sflag:s29], $0x2800  }
0x1b4: {  	[sflag:s29] =	ssyncset.done $0x0  }
0x1b5: {  	s23 =	simm.s32 $0x7AD0;
	[sflag:s29] =	ssyncadd.s32 $0xFFFFD800  }
0x1b6: {  	[hbm4b:s5+s25] =	stream.indirect.scatter [tilespmem:s22], [sflag:$0x2], $0x80, s23, s25, $0xb8;
	[tilespmem:$0x11F00] =	vst v63  }
0x1b7: {  	_ =	swait.ge [sflag:s24], $0x2800  }
0x1b8: {  	[sflag:s24] =	ssyncset.done $0x0  }
0x1b9: {  	s30 =	simm.s32 $0x4C40;
	[sflag:s24] =	ssyncadd.s32 $0xFFFFD800  }
0x1ba: {  	[tilespmem:s28], [sflag:$0x1] =	stream.indirect.gather [hbm4b:s4+s25], $0x80, s30, s25, $0xb8;
	[tilespmem:$0x11F00] =	vst v63  }
0x1bb: {  	_ =	swait.ge [sflag:s29], $0x2800  }
0x1bc: {  	[sflag:s29] =	ssyncset.done $0x0  }
0x1bd: {  	s23 =	simm.s32 $0x7B20;
	[sflag:s29] =	ssyncadd.s32 $0xFFFFD800  }
0x1be: {  	[hbm4b:s5+s25] =	stream.indirect.scatter [tilespmem:s28], [sflag:$0x2], $0x80, s23, s25, $0xb8;
	[tilespmem:$0x11F00] =	vst v63  }
0x1bf: {  	_ =	swait.ge [sflag:s24], $0x2800  }
0x1c0: {  	[sflag:s24] =	ssyncset.done $0x0  }
0x1c1: {  	s30 =	simm.s32 $0x4C90;
	[sflag:s24] =	ssyncadd.s32 $0xFFFFD800  }
0x1c2: {  	[tilespmem:s31], [sflag:$0x1] =	stream.indirect.gather [hbm4b:s4+s25], $0x80, s30, s25, $0xb8;
	[tilespmem:$0x11F00] =	vst v63  }
0x1c3: {  	_ =	swait.ge [sflag:s29], $0x2800  }
0x1c4: {  	[sflag:s29] =	ssyncset.done $0x0  }
0x1c5: {  	s23 =	simm.s32 $0x7B70;
	[sflag:s29] =	ssyncadd.s32 $0xFFFFD800  }
0x1c6: {  	[hbm4b:s5+s25] =	stream.indirect.scatter [tilespmem:s31], [sflag:$0x2], $0x80, s23, s25, $0xb8;
	[tilespmem:$0x11F00] =	vst v63  }
0x1c7: {  	_ =	swait.ge [sflag:s24], $0x2800  }
0x1c8: {  	[sflag:s24] =	ssyncset.done $0x0  }
0x1c9: {  	s30 =	simm.s32 $0x4CE0;
	[sflag:s24] =	ssyncadd.s32 $0xFFFFD800  }
0x1ca: {  	[tilespmem:s19], [sflag:$0x1] =	stream.indirect.gather [hbm4b:s4+s25], $0x80, s30, s25, $0xb8;
	[tilespmem:$0x11F00] =	vst v63  }
0x1cb: {  	_ =	swait.ge [sflag:s29], $0x2800  }
0x1cc: {  	[sflag:s29] =	ssyncset.done $0x0  }
0x1cd: {  	s23 =	simm.s32 $0x7BC0;
	[sflag:s29] =	ssyncadd.s32 $0xFFFFD800  }
0x1ce: {  	[hbm4b:s5+s25] =	stream.indirect.scatter [tilespmem:s19], [sflag:$0x2], $0x80, s23, s25, $0xb8;
	[tilespmem:$0x11F00] =	vst v63  }
0x1cf: {  	_ =	swait.ge [sflag:s24], $0x2800  }
0x1d0: {  	[sflag:s24] =	ssyncset.done $0x0  }
0x1d1: {  	s30 =	simm.s32 $0x4D30;
	[sflag:s24] =	ssyncadd.s32 $0xFFFFD800  }
0x1d2: {  	[tilespmem:s22], [sflag:$0x1] =	stream.indirect.gather [hbm4b:s4+s25], $0x80, s30, s25, $0xb8;
	[tilespmem:$0x11F00] =	vst v63  }
0x1d3: {  	_ =	swait.ge [sflag:s29], $0x2800  }
0x1d4: {  	[sflag:s29] =	ssyncset.done $0x0  }
0x1d5: {  	s23 =	simm.s32 $0x7C10;
	[sflag:s29] =	ssyncadd.s32 $0xFFFFD800  }
0x1d6: {  	[hbm4b:s5+s25] =	stream.indirect.scatter [tilespmem:s22], [sflag:$0x2], $0x80, s23, s25, $0xb8;
	[tilespmem:$0x11F00] =	vst v63  }
0x1d7: {  	_ =	swait.ge [sflag:s24], $0x2800  }
0x1d8: {  	[sflag:s24] =	ssyncset.done $0x0  }
0x1d9: {  	s30 =	simm.s32 $0x4D80;
	[sflag:s24] =	ssyncadd.s32 $0xFFFFD800  }
0x1da: {  	[tilespmem:s28], [sflag:$0x1] =	stream.indirect.gather [hbm4b:s4+s25], $0x80, s30, s25, $0xb8;
	[tilespmem:$0x11F00] =	vst v63  }
0x1db: {  	_ =	swait.ge [sflag:s29], $0x2800  }
0x1dc: {  	[sflag:s29] =	ssyncset.done $0x0  }
0x1dd: {  	s23 =	simm.s32 $0x7C60;
	[sflag:s29] =	ssyncadd.s32 $0xFFFFD800  }
0x1de: {  	[hbm4b:s5+s25] =	stream.indirect.scatter [tilespmem:s28], [sflag:$0x2], $0x80, s23, s25, $0xb8;
	[tilespmem:$0x11F00] =	vst v63  }
0x1df: {  	_ =	swait.ge [sflag:s24], $0x2800  }
0x1e0: {  	[sflag:s24] =	ssyncset.done $0x0  }
0x1e1: {  	s30 =	simm.s32 $0x4DD0;
	[sflag:s24] =	ssyncadd.s32 $0xFFFFD800  }
0x1e2: {  	[tilespmem:s31], [sflag:$0x1] =	stream.indirect.gather [hbm4b:s4+s25], $0x80, s30, s25, $0xb8;
	[tilespmem:$0x11F00] =	vst v63  }
0x1e3: {  	_ =	swait.ge [sflag:s29], $0x2800  }
0x1e4: {  	[sflag:s29] =	ssyncset.done $0x0  }
0x1e5: {  	[sflag:s29] =	ssyncadd.s32 $0xFFFFD800  }
0x1e6: {  	[hbm4b:s5+s25] =	stream.indirect.scatter [tilespmem:s31], [sflag:$0x2], $0x80, s0, s25, $0xb8;
	[tilespmem:$0x11F00] =	vst v63  }
0x1e7: {  	_ =	swait.ge [sflag:s1], $0x7D0  }
0x1e8: {  	[sflag:s1] =	ssyncset.done $0x0  }
0x1e9: {  	[sflag:s1] =	ssyncadd.s32 $0xFFFFF830  }
0x1ea: {  	_ =	swait.ge [sflag:s1], $0x7D0  }
0x1eb: {  	[sflag:s1] =	ssyncset.done $0x0  }
0x1ec: {  	[sflag:s1] =	ssyncadd.s32 $0xFFFFF830  }
0x1ed: {  	_ =	swait.ge [sflag:s1], $0x7D0  }
0x1ee: {  	[sflag:s1] =	ssyncset.done $0x0  }
0x1ef: {  	[sflag:s1] =	ssyncadd.s32 $0xFFFFF830  }
0x1f0: {  	_ =	swait.ge [sflag:s1], $0x7D0  }
0x1f1: {  	[sflag:s1] =	ssyncset.done $0x0  }
0x1f2: {  	[sflag:s1] =	ssyncadd.s32 $0xFFFFF830  }
0x1f3: {  	_ =	swait.ge [sflag:s24], $0x2800  }
0x1f4: {  	[sflag:s24] =	ssyncset.done $0x0  }
0x1f5: {  	[sflag:s24] =	ssyncadd.s32 $0xFFFFD800  }
0x1f6: {  	_ =	swait.ge [sflag:s24], $0x2800  }
0x1f7: {  	[sflag:s24] =	ssyncset.done $0x0  }
0x1f8: {  	s20 =	sadd.s32 $0x1, s20;
	[sflag:s24] =	ssyncadd.s32 $0xFFFFD800  }
0x1f9: {  	p0 =	sne.s32 s20, s11;
	_ =	swait.ge [sflag:s24], $0x2800  }
.Ltmp1:
0x1fa: {  	[sflag:s24] =	ssyncset.done $0x0;
	(pc) =	sbr.rel @p0 .LBB2_1-.Ltmp1, $4  }
0x1fb: {  	[sflag:s24] =	ssyncadd.s32 $0xFFFFD800  }
0x1fc: {  	_ =	swait.ge [sflag:s24], $0x2800  }
0x1fd: {  	[sflag:s24] =	ssyncset.done $0x0  }
0x1fe: {  	[sflag:s24] =	ssyncadd.s32 $0xFFFFD800  }
0x1ff: {  	_ =	sfence.sel $0x180000  }
0x200: {  	[bflag:$0x0] =	sbarrier.arrive $0xFFFF  }
0x201: {  	_ =	strace $0x9000004A  }
0x202: {  	s0 =	stileid.u32;
	[bflag:$0x2] =	sbarrier.arrive $0xFFFF  }
0x203: {  	p0 =	sne.s32 s0, $0x0;
	s0 =	rddreg [dreg:$0x3]  }
0x204: {  	s0 =	sadd.s32 @!p0 $0x100000, s0  }
0x205: {  	[sflag:s0] =	ssyncadd.tile.s32 @!p0 $0x1;
	_ =	shalt  }
.Lfunc_end2:
_tile_overlayer_lowered:
.L_overlay_start_2:
0x206: {  	(tag) =	ssettag $0x2  }
0x207: {  	s0 =	rddreg [dreg:$0x0];
	s2 =	stileid.u32  }
0x208: {  	s1 =	rddreg [dreg:$0x1];
	p0 =	sne.s32 s2, $0x0  }
0x209: {  	s3 =	rddreg [dreg:$0x2];
	[bflag:$0x3] =	sbarrier.arrive $0xFFFF;
	s2 =	simm.s32 @!p0 $0x1C04  }
0x20a: {  	[timem:s3], [sflag:s2] =	dma.local @!p0 [hbm:s0], s1  }
0x20b: {  	s0 =	simm.s32 @!p0 $0x4  }
0x20c: {  	_ =	swait.ge @!p0 [sflag:s0], s1  }
0x20d: {  	s1 =	ssub.s32 @!p0 $0x0, s1;
	[sflag:s0] =	ssyncset.done @!p0 $0x0  }
0x20e: {  	[sflag:s0] =	ssyncadd.s32 @!p0 s1  }
0x20f: {  	[bflag:$0x3] =	sbarrier.arrive $0xFFFF  }
0x210: {  	_ =	shalt  }

</sc_bundles>
